<compile_context>
chip_gen: v7x
topology: tpu7x:2x2x1
jax: 0.10.2.dev20260603
libtpu: 0.0.44.dev20260713+nightly
codegen_flags: <defaults>
</compile_context>

<pallas_src>
import functools

import jax
import jax.numpy as jnp
from jax import lax
from jax.experimental import pallas as pl
from jax.experimental.pallas import tpu as pltpu
from jax.experimental.pallas import tpu_sc as plsc

N = 10000
E = 320000
D = 128
Z = 16

NC = 2
NS = 16
NW = NC * NS
EPW = E // NW
CHUNK = 40
NCHUNK = EPW // CHUNK
NB = 5
CHUNKW = 80
NCHUNKW = EPW // CHUNKW
NPAD = 10240
RPT = NPAD // NS
ZROWS = 128

ROW_BLK = 2000
GRID = N // ROW_BLK


def _make_edge_pass(feat, chunk, nchunk):
  mesh = plsc.VectorSubcoreMesh(core_axis_name="c", subcore_axis_name="s")

  @functools.partial(
      pl.kernel,
      mesh=mesh,
      out_type=jax.ShapeDtypeStruct((NC, NPAD, feat), jnp.float32),
      compiler_params=pltpu.CompilerParams(use_tc_tiling_on_sc=False),
      scratch_types=[
          pltpu.VMEM((EPW,), jnp.int32),
          pltpu.VMEM((EPW,), jnp.int32),
          pltpu.VMEM((NB, chunk, feat), jnp.float32),
          pltpu.VMEM_SHARED((NPAD, feat), jnp.float32),
      ] + [pltpu.SemaphoreType.DMA] * NB,
  )
  def k(adj_hbm, ht_hbm, out_hbm, sbuf, dbuf, rows, acc, *gsems):
    c = lax.axis_index("c")
    s = lax.axis_index("s")
    wid = s * NC + c

    pltpu.sync_copy(adj_hbm.at[0, pl.ds(wid * EPW, EPW)], sbuf)
    pltpu.sync_copy(adj_hbm.at[1, pl.ds(wid * EPW, EPW)], dbuf)

    def zrow(i, carry):
      for q in range(feat // 16):
        rows[0, i, pl.ds(q * 16, 16)] = jnp.zeros((16,), jnp.float32)
      return carry

    lax.fori_loop(0, chunk, zrow, 0)
    for t in range(RPT // chunk if RPT % chunk == 0 else 0):
      pltpu.sync_copy(rows.at[0], acc.at[pl.ds(s * RPT + t * chunk, chunk)])
    if RPT % chunk:
      nz = RPT // 16
      def zcopy(t, carry):
        pltpu.sync_copy(rows.at[0, pl.ds(0, 16)],
                        acc.at[pl.ds(s * RPT + t * 16, 16)])
        return carry
      lax.fori_loop(0, nz, zcopy, 0)
    plsc.subcore_barrier()

    def sidx(j):
      return sbuf.at[pl.ds(j * chunk, chunk)]

    def didx(j):
      return dbuf.at[pl.ds(j * chunk, chunk)]

    for b in range(NB):
      pltpu.async_copy(ht_hbm.at[sidx(b)], rows.at[b], gsems[b])

    def outer(g, carry):
      jb = g * NB
      for b in range(NB):
        j = jb + b
        pltpu.make_async_copy(ht_hbm.at[sidx(j)], rows.at[b],
                              gsems[b]).wait()
        pltpu.sync_copy(rows.at[b], acc.at[didx(j)], add=True)

        @pl.when(j + NB < nchunk)
        def _():
          pltpu.async_copy(ht_hbm.at[sidx(j + NB)], rows.at[b], gsems[b])

      return carry

    lax.fori_loop(0, nchunk // NB, outer, 0)
    plsc.subcore_barrier()
    pltpu.sync_copy(acc.at[pl.ds(s * RPT, RPT)],
                    out_hbm.at[c, pl.ds(s * RPT, RPT)])

  return k


def _make_deg_pass():
  mesh = plsc.VectorSubcoreMesh(core_axis_name="c", subcore_axis_name="s")

  @functools.partial(
      pl.kernel,
      mesh=mesh,
      out_type=jax.ShapeDtypeStruct((NC, NPAD, Z), jnp.float32),
      compiler_params=pltpu.CompilerParams(use_tc_tiling_on_sc=False),
      scratch_types=[
          pltpu.VMEM((EPW,), jnp.int32),
          pltpu.VMEM((CHUNKW, Z), jnp.float32),
          pltpu.VMEM((ZROWS, Z), jnp.float32),
          pltpu.VMEM_SHARED((NPAD, Z), jnp.float32),
          pltpu.SemaphoreType.DMA,
      ],
  )
  def k(adj_hbm, out_hbm, dbuf, ones, zbuf, acc, ssem):
    c = lax.axis_index("c")
    s = lax.axis_index("s")
    wid = s * NC + c

    pltpu.sync_copy(adj_hbm.at[1, pl.ds(wid * EPW, EPW)], dbuf)

    def fill(i, carry):
      zbuf[i, pl.ds(0, 16)] = jnp.zeros((16,), jnp.float32)
      return carry

    lax.fori_loop(0, ZROWS, fill, 0)

    def fill1(i, carry):
      ones[i, pl.ds(0, 16)] = jnp.ones((16,), jnp.float32)
      return carry

    lax.fori_loop(0, CHUNKW, fill1, 0)
    for t in range(RPT // ZROWS):
      pltpu.sync_copy(zbuf, acc.at[pl.ds(s * RPT + t * ZROWS, ZROWS)])
    plsc.subcore_barrier()

    def outer(g, carry):
      jb = g * NB
      for b in range(NB):
        pltpu.async_copy(ones, acc.at[dbuf.at[pl.ds((jb + b) * CHUNKW,
                                                    CHUNKW)]],
                         ssem, add=True)
      for b in range(NB):
        pltpu.make_async_copy(ones, acc.at[dbuf.at[pl.ds((jb + b) * CHUNKW,
                                                         CHUNKW)]],
                              ssem).wait()
      return carry

    lax.fori_loop(0, NCHUNKW // NB, outer, 0)
    plsc.subcore_barrier()
    pltpu.sync_copy(acc.at[pl.ds(s * RPT, RPT)],
                    out_hbm.at[c, pl.ds(s * RPT, RPT)])

  return k


def _make_edge_pass_spmem(feat, chunk, nchunk):
  mesh = plsc.VectorSubcoreMesh(core_axis_name="c", subcore_axis_name="s")
  nrows = N // NS

  @functools.partial(
      pl.kernel,
      mesh=mesh,
      out_type=jax.ShapeDtypeStruct((NC, NPAD, feat), jnp.float32),
      compiler_params=pltpu.CompilerParams(use_tc_tiling_on_sc=False),
      scratch_types=[
          pltpu.VMEM((EPW,), jnp.int32),
          pltpu.VMEM((EPW,), jnp.int32),
          pltpu.VMEM((NB, chunk, feat), jnp.float32),
          pltpu.VMEM_SHARED((N, feat), jnp.float32),
          pltpu.VMEM_SHARED((NPAD, feat), jnp.float32),
      ] + [pltpu.SemaphoreType.DMA] * NB,
  )
  def k(adj_hbm, ht_hbm, out_hbm, sbuf, dbuf, rows, tab, acc,
        *gsems):
    c = lax.axis_index("c")
    s = lax.axis_index("s")
    wid = s * NC + c

    pltpu.sync_copy(adj_hbm.at[0, pl.ds(wid * EPW, EPW)], sbuf)
    pltpu.sync_copy(adj_hbm.at[1, pl.ds(wid * EPW, EPW)], dbuf)
    pltpu.sync_copy(ht_hbm.at[pl.ds(s * nrows, nrows)],
                    tab.at[pl.ds(s * nrows, nrows)])

    def zrow(i, carry):
      for q in range(feat // 16):
        rows[0, i, pl.ds(q * 16, 16)] = jnp.zeros((16,), jnp.float32)
      return carry

    lax.fori_loop(0, chunk, zrow, 0)
    for t in range(RPT // chunk if RPT % chunk == 0 else 0):
      pltpu.sync_copy(rows.at[0], acc.at[pl.ds(s * RPT + t * chunk, chunk)])
    if RPT % chunk:
      nz = RPT // 16

      def zcopy(t, carry):
        pltpu.sync_copy(rows.at[0, pl.ds(0, 16)],
                        acc.at[pl.ds(s * RPT + t * 16, 16)])
        return carry

      lax.fori_loop(0, nz, zcopy, 0)
    plsc.subcore_barrier()

    def sidx(j):
      return sbuf.at[pl.ds(j * chunk, chunk)]

    def didx(j):
      return dbuf.at[pl.ds(j * chunk, chunk)]

    for b in range(NB):
      pltpu.async_copy(tab.at[sidx(b)], rows.at[b], gsems[b])

    def outer(g, carry):
      jb = g * NB
      for b in range(NB):
        j = jb + b
        pltpu.make_async_copy(tab.at[sidx(j)], rows.at[b],
                              gsems[b]).wait()
        pltpu.sync_copy(rows.at[b], acc.at[didx(j)], add=True)

        @pl.when(j + NB < nchunk)
        def _():
          pltpu.async_copy(tab.at[sidx(j + NB)], rows.at[b], gsems[b])

      return carry

    lax.fori_loop(0, nchunk // NB, outer, 0)
    plsc.subcore_barrier()
    pltpu.sync_copy(acc.at[pl.ds(s * RPT, RPT)],
                    out_hbm.at[c, pl.ds(s * RPT, RPT)])

  return k


_edge_pass_d = _make_edge_pass(D, CHUNK, NCHUNK)
_edge_pass_z = _make_edge_pass_spmem(Z, CHUNKW, NCHUNKW)
_deg_pass = _make_deg_pass()


def _dinv_from(dega, degb):
  deg = dega[0, :, 0] + degb[0, :, 0] + 1.0
  return lax.rsqrt(jnp.maximum(deg, 1e-12))


def _mlp_body(x, w1, b1, w2, b2, w0, dega, degb, out):
  dinv = _dinv_from(dega[...], degb[...])
  h = jax.nn.sigmoid(jnp.dot(x[...], w1[...],
                             preferred_element_type=jnp.float32) + b1[...])
  h = jax.nn.sigmoid(jnp.dot(h, w2[...],
                             preferred_element_type=jnp.float32) + b2[...])
  out[...] = dinv[:, None] * jnp.dot(h, w0[...],
                                     preferred_element_type=jnp.float32)


def _combine_body(spa, spb, ht, b, w, dega, degb, out):
  dinv = _dinv_from(dega[...], degb[...])
  o = dinv[:, None] * (spa[0] + spb[0] + ht[...]) + b[...]
  out[...] = dinv[:, None] * jnp.dot(o, w[...],
                                     preferred_element_type=jnp.float32)


def _final_body(spa, spb, ht, b, dega, degb, out):
  dinv = _dinv_from(dega[...], degb[...])
  out[...] = dinv[:, None] * (spa[0] + spb[0] + ht[...]) + b[...]


def _row_spec(feat):
  return pl.BlockSpec((ROW_BLK, feat), lambda i: (i, 0))


def _slab_specs(feat):
  return (pl.BlockSpec((1, ROW_BLK, feat), lambda i: (0, i, 0)),
          pl.BlockSpec((1, ROW_BLK, feat), lambda i: (1, i, 0)))


def _full_spec(shape):
  return pl.BlockSpec(shape, lambda i: tuple(0 for _ in shape))


def _tc_mlp(X, w1, b1, w2, b2, w0, degp):
  dega, degb = _slab_specs(Z)
  return pl.pallas_call(
      _mlp_body,
      grid=(GRID,),
      in_specs=[
          _row_spec(D), _full_spec((D, D)), _full_spec((D,)),
          _full_spec((D, D)), _full_spec((D,)), _full_spec((D, D)),
          dega, degb,
      ],
      out_specs=_row_spec(D),
      out_shape=jax.ShapeDtypeStruct((N, D), jnp.float32),
  )(X, w1, b1, w2, b2, w0, degp, degp)


def _tc_combine(sp, ht, b, w, w_out, degp):
  spa, spb = _slab_specs(D)
  dega, degb = _slab_specs(Z)
  return pl.pallas_call(
      _combine_body,
      grid=(GRID,),
      in_specs=[
          spa, spb, _row_spec(D), _full_spec((D,)),
          _full_spec((D, w_out)), dega, degb,
      ],
      out_specs=_row_spec(w_out),
      out_shape=jax.ShapeDtypeStruct((N, w_out), jnp.float32),
  )(sp, sp, ht, b, w, degp, degp)


def _tc_final(sp, ht, b, degp):
  spa, spb = _slab_specs(Z)
  dega, degb = _slab_specs(Z)
  return pl.pallas_call(
      _final_body,
      grid=(GRID,),
      in_specs=[spa, spb, _row_spec(Z), _full_spec((Z,)), dega, degb],
      out_specs=_row_spec(Z),
      out_shape=jax.ShapeDtypeStruct((N, Z), jnp.float32),
  )(sp, sp, ht, b, degp, degp)


def kernel(adj, X, fc1_W, fc1_b, fc2_W, fc2_b, gcn0_W, gcn0_b, gcn1_W,
           gcn1_b, assign_W, assign_b):
  adj32 = adj.astype(jnp.int32)

  degp = _deg_pass(adj32)
  ht0 = _tc_mlp(X, fc1_W, fc1_b, fc2_W, fc2_b, gcn0_W, degp)
  sp0 = _edge_pass_d(adj32, ht0)
  ht1 = _tc_combine(sp0, ht0, gcn0_b, gcn1_W, D, degp)
  sp1 = _edge_pass_d(adj32, ht1)
  ht2 = _tc_combine(sp1, ht1, gcn1_b, assign_W, Z, degp)
  sp2 = _edge_pass_z(adj32, ht2)
  return _tc_final(sp2, ht2, assign_b, degp)

# --- scband reference (transcript-rebuilt; emitter-appended) ---
"""Pipeline reference for scband-graph-cluster-25305947308740 (READ-ONLY COPY).

The authoritative reference and input builder live on the scoring server;
editing this copy changes nothing except your own understanding.
"""

import jax, jax.numpy as jnp
import numpy as np

N = 10000
E = 320000
D_IN = 128
D_H = 128
Z = 16


def setup_inputs(seed: int = 0) -> dict:
    key = jax.random.key(seed)
    ks = jax.random.split(key, 14)
    inp = {}
    inp['adj'] = jax.random.randint(ks[0], (2, E), 0, N)
    inp['X'] = jax.random.normal(ks[1], (N, D_IN), dtype=jnp.float32)
    # fc1: input_dim -> 128
    inp['fc1_W'] = jax.random.normal(ks[2], (D_IN, 128), dtype=jnp.float32) * (1.0 / np.sqrt(D_IN))
    inp['fc1_b'] = jnp.zeros((128,), dtype=jnp.float32)
    # fc2: 128 -> hidden_dim
    inp['fc2_W'] = jax.random.normal(ks[3], (128, D_H), dtype=jnp.float32) * (1.0 / np.sqrt(128))
    inp['fc2_b'] = jnp.zeros((D_H,), dtype=jnp.float32)
    # two GCN layers: hidden_dim -> hidden_dim
    inp['gcn0_W'] = jax.random.normal(ks[4], (D_H, D_H), dtype=jnp.float32) * (1.0 / np.sqrt(D_H))
    inp['gcn0_b'] = jnp.zeros((D_H,), dtype=jnp.float32)
    inp['gcn1_W'] = jax.random.normal(ks[5], (D_H, D_H), dtype=jnp.float32) * (1.0 / np.sqrt(D_H))
    inp['gcn1_b'] = jnp.zeros((D_H,), dtype=jnp.float32)
    # assignment GCN: hidden_dim -> z_dim
    inp['assign_W'] = jax.random.normal(ks[6], (D_H, Z), dtype=jnp.float32) * (1.0 / np.sqrt(D_H))
    inp['assign_b'] = jnp.zeros((Z,), dtype=jnp.float32)
    return inp


def _gcn_conv(x, edge_index, W, b):
    # torch_geometric GCNConv semantics: add self-loops, symmetric normalization,
    # out = D^{-1/2} (A+I) D^{-1/2} (x @ W) + b
    src = edge_index[0]
    dst = edge_index[1]
    loop = jnp.arange(N, dtype=src.dtype)
    src = jnp.concatenate([src, loop], axis=0)
    dst = jnp.concatenate([dst, loop], axis=0)
    h = x @ W
    ones = jnp.ones(src.shape[0], dtype=h.dtype)
    deg = jax.ops.segment_sum(ones, dst, num_segments=N)
    dinv = jax.lax.rsqrt(jnp.maximum(deg, 1e-12))
    norm = dinv[src] * dinv[dst]
    msgs = h[src] * norm[:, None]
    out = jax.ops.segment_sum(msgs, dst, num_segments=N)
    return out + b


def reference(adj, X, fc1_W, fc1_b, fc2_W, fc2_b, gcn0_W, gcn0_b, gcn1_W, gcn1_b, assign_W, assign_b):
    hidden = jax.nn.sigmoid(X @ fc1_W + fc1_b)
    hidden = jax.nn.sigmoid(hidden @ fc2_W + fc2_b)
    hidden = _gcn_conv(hidden, adj, gcn0_W, gcn0_b)
    hidden = _gcn_conv(hidden, adj, gcn1_W, gcn1_b)
    assign = _gcn_conv(hidden, adj, assign_W, assign_b)
    return assign

if __name__ == "__main__":
    import jax
    _d = setup_inputs()
    print(jax.jit(kernel)(*tuple(_d.values())))

</pallas_src>

<mosaic_0001>
#map = affine_map<(d0, d1) -> (0, 0)>
#map1 = affine_map<(d0, d1) -> (0, 0, 0)>
module attributes {stable_mosaic.version = 14 : i64} {
  func.func @k(%arg0: i32, %arg1: i32, %arg2: memref<2x320000xi32, #tpu.memory_space<hbm>>, %arg3: memref<2x10240x16xf32, #tpu.memory_space<hbm>>, %arg4: memref<10000xi32, #tpu.memory_space<vmem>>, %arg5: memref<80x16xf32, #tpu.memory_space<vmem>>, %arg6: memref<128x16xf32, #tpu.memory_space<vmem>>, %arg7: memref<10240x16xf32, #tpu.memory_space<vmem_shared>>, %arg8: memref<!tpu.dma_semaphore, #tpu.memory_space<semaphore_mem>>) attributes {dimension_semantics = [#tpu.dimension_semantics<core_parallel>, #tpu.dimension_semantics<subcore_parallel>], iteration_bounds = array<i64: 2, 16>, scalar_prefetch = 0 : i64, scratch_operands = 5 : i64, tpu.core_type = #tpu.core_type<sc_vector_subcore>, window_params = [{transform_indices = #map}, {transform_indices = #map1}]} {
    %mul3A = arith.constant 2 : i32
    %mul3A_0 = arith.muli %arg1, %mul3A : i32
    %add3A = arith.addi %mul3A_0, %arg0 : i32
    %mul3A_1 = arith.constant 10000 : i32
    %mul3A_2 = arith.muli %add3A, %mul3A_1 : i32
    %run_scoped3A = arith.constant 1 : i32
    "tpu.region"() ({
      %run_scoped3A_45 = tpu.sem_alloc : memref<!tpu.dma_semaphore, #tpu.memory_space<semaphore_mem>>
      %dma_start3A = tpu.memref_slice %arg2[%run_scoped3A, %mul3A_2] : memref<2x320000xi32, #tpu.memory_space<hbm>> -> memref<1x10000xi32, #tpu.memory_space<hbm>>
      %dma_start3A_46 = tpu.memref_squeeze %dma_start3A : memref<1x10000xi32, #tpu.memory_space<hbm>> -> memref<10000xi32, #tpu.memory_space<hbm>>
      %dma_start3A_47 = tpu.memref_slice %arg2[%run_scoped3A, %mul3A_2] : memref<2x320000xi32, #tpu.memory_space<hbm>> -> memref<1x10000xi32, #tpu.memory_space<hbm>>
      %dma_start3A_48 = tpu.memref_squeeze %dma_start3A_47 : memref<1x10000xi32, #tpu.memory_space<hbm>> -> memref<10000xi32, #tpu.memory_space<hbm>>
      tpu.enqueue_dma source(%dma_start3A_48 : memref<10000xi32, #tpu.memory_space<hbm>>) target(%arg4 : memref<10000xi32, #tpu.memory_space<vmem>>) target_semaphore(%run_scoped3A_45 : memref<!tpu.dma_semaphore, #tpu.memory_space<semaphore_mem>>)
      %dma_wait3A = tpu.memref_slice %arg2[%run_scoped3A, %mul3A_2] : memref<2x320000xi32, #tpu.memory_space<hbm>> -> memref<1x10000xi32, #tpu.memory_space<hbm>>
      %dma_wait3A_49 = tpu.memref_squeeze %dma_wait3A : memref<1x10000xi32, #tpu.memory_space<hbm>> -> memref<10000xi32, #tpu.memory_space<hbm>>
      %dma_wait3A_50 = tpu.memref_slice %arg2[%run_scoped3A, %mul3A_2] : memref<2x320000xi32, #tpu.memory_space<hbm>> -> memref<1x10000xi32, #tpu.memory_space<hbm>>
      %dma_wait3A_51 = tpu.memref_squeeze %dma_wait3A_50 : memref<1x10000xi32, #tpu.memory_space<hbm>> -> memref<10000xi32, #tpu.memory_space<hbm>>
      tpu.wait_dma2 semaphore(%run_scoped3A_45 : memref<!tpu.dma_semaphore, #tpu.memory_space<semaphore_mem>>) src(%dma_wait3A_51 : memref<10000xi32, #tpu.memory_space<hbm>>) dst(%arg4 : memref<10000xi32, #tpu.memory_space<vmem>>)
      tpu.yield
    }) : () -> ()
    %scan3A = arith.constant 0 : i32
    %scan3A_3 = arith.constant 0 : i32
    %scan3A_4 = arith.constant 128 : i32
    %scan3A_5 = arith.addi %scan3A_3, %scan3A_4 : i32
    %scan3A_6 = arith.constant 1 : i32
    scf.for %scan3A_45 = %scan3A_3 to %scan3A_5 step %scan3A_6  : i32 {
      %broadcast_in_dim3A = arith.constant 0.000000e+00 : f32
      %broadcast_in_dim3A_46 = vector.broadcast %broadcast_in_dim3A : f32 to vector<16xf32>
      %swap3A = arith.index_cast %scan3A_45 : i32 to index
      %swap3A_47 = arith.constant 0 : index
      %swap3A_48 = tpu.vector_load %arg6[%swap3A, %swap3A_47] {strides = array<i32>} : memref<128x16xf32, #tpu.memory_space<vmem>>, vector<1x16xf32>,
      %swap3A_49 = vector.shape_cast %swap3A_48 : vector<1x16xf32> to vector<16xf32>
      %swap3A_50 = vector.shape_cast %broadcast_in_dim3A_46 : vector<16xf32> to vector<1x16xf32>
      tpu.vector_store %arg6[%swap3A, %swap3A_47], %swap3A_50 {strides = array<i32>} : memref<128x16xf32, #tpu.memory_space<vmem>>, vector<1x16xf32>,
    }
    %scan3A_7 = arith.constant 128 : i32
    %scan3A_8 = arith.constant 0 : i32
    %scan3A_9 = arith.constant 0 : i32
    %scan3A_10 = arith.constant 80 : i32
    %scan3A_11 = arith.addi %scan3A_9, %scan3A_10 : i32
    %scan3A_12 = arith.constant 1 : i32
    scf.for %scan3A_45 = %scan3A_9 to %scan3A_11 step %scan3A_12  : i32 {
      %broadcast_in_dim3A = arith.constant 1.000000e+00 : f32
      %broadcast_in_dim3A_46 = vector.broadcast %broadcast_in_dim3A : f32 to vector<16xf32>
      %swap3A = arith.index_cast %scan3A_45 : i32 to index
      %swap3A_47 = arith.constant 0 : index
      %swap3A_48 = tpu.vector_load %arg5[%swap3A, %swap3A_47] {strides = array<i32>} : memref<80x16xf32, #tpu.memory_space<vmem>>, vector<1x16xf32>,
      %swap3A_49 = vector.shape_cast %swap3A_48 : vector<1x16xf32> to vector<16xf32>
      %swap3A_50 = vector.shape_cast %broadcast_in_dim3A_46 : vector<16xf32> to vector<1x16xf32>
      tpu.vector_store %arg5[%swap3A, %swap3A_47], %swap3A_50 {strides = array<i32>} : memref<80x16xf32, #tpu.memory_space<vmem>>, vector<1x16xf32>,
    }
    %scan3A_13 = arith.constant 80 : i32
    %mul3A_14 = arith.constant 640 : i32
    %mul3A_15 = arith.muli %arg1, %mul3A_14 : i32
    %add3A_16 = arith.constant 0 : i32
    %add3A_17 = arith.addi %mul3A_15, %add3A_16 : i32
    "tpu.region"() ({
      %run_scoped3A_45 = tpu.sem_alloc : memref<!tpu.dma_semaphore, #tpu.memory_space<semaphore_mem>>
      %dma_start3A = arith.constant 0 : i32
      %dma_start3A_46 = tpu.memref_slice %arg7[%add3A_17, %dma_start3A] : memref<10240x16xf32, #tpu.memory_space<vmem_shared>> -> memref<128x16xf32, #tpu.memory_space<vmem_shared>>
      %dma_start3A_47 = arith.constant 0 : i32
      %dma_start3A_48 = tpu.memref_slice %arg7[%add3A_17, %dma_start3A_47] : memref<10240x16xf32, #tpu.memory_space<vmem_shared>> -> memref<128x16xf32, #tpu.memory_space<vmem_shared>>
      tpu.enqueue_dma source(%arg6 : memref<128x16xf32, #tpu.memory_space<vmem>>) target(%dma_start3A_48 : memref<128x16xf32, #tpu.memory_space<vmem_shared>>) target_semaphore(%run_scoped3A_45 : memref<!tpu.dma_semaphore, #tpu.memory_space<semaphore_mem>>)
      %dma_wait3A = arith.constant 0 : i32
      %dma_wait3A_49 = tpu.memref_slice %arg7[%add3A_17, %dma_wait3A] : memref<10240x16xf32, #tpu.memory_space<vmem_shared>> -> memref<128x16xf32, #tpu.memory_space<vmem_shared>>
      %dma_wait3A_50 = arith.constant 0 : i32
      %dma_wait3A_51 = tpu.memref_slice %arg7[%add3A_17, %dma_wait3A_50] : memref<10240x16xf32, #tpu.memory_space<vmem_shared>> -> memref<128x16xf32, #tpu.memory_space<vmem_shared>>
      tpu.wait_dma2 semaphore(%run_scoped3A_45 : memref<!tpu.dma_semaphore, #tpu.memory_space<semaphore_mem>>) src(%arg6 : memref<128x16xf32, #tpu.memory_space<vmem>>) dst(%dma_wait3A_51 : memref<128x16xf32, #tpu.memory_space<vmem_shared>>)
      tpu.yield
    }) : () -> ()
    %mul3A_18 = arith.constant 640 : i32
    %mul3A_19 = arith.muli %arg1, %mul3A_18 : i32
    %add3A_20 = arith.constant 128 : i32
    %add3A_21 = arith.addi %mul3A_19, %add3A_20 : i32
    "tpu.region"() ({
      %run_scoped3A_45 = tpu.sem_alloc : memref<!tpu.dma_semaphore, #tpu.memory_space<semaphore_mem>>
      %dma_start3A = arith.constant 0 : i32
      %dma_start3A_46 = tpu.memref_slice %arg7[%add3A_21, %dma_start3A] : memref<10240x16xf32, #tpu.memory_space<vmem_shared>> -> memref<128x16xf32, #tpu.memory_space<vmem_shared>>
      %dma_start3A_47 = arith.constant 0 : i32
      %dma_start3A_48 = tpu.memref_slice %arg7[%add3A_21, %dma_start3A_47] : memref<10240x16xf32, #tpu.memory_space<vmem_shared>> -> memref<128x16xf32, #tpu.memory_space<vmem_shared>>
      tpu.enqueue_dma source(%arg6 : memref<128x16xf32, #tpu.memory_space<vmem>>) target(%dma_start3A_48 : memref<128x16xf32, #tpu.memory_space<vmem_shared>>) target_semaphore(%run_scoped3A_45 : memref<!tpu.dma_semaphore, #tpu.memory_space<semaphore_mem>>)
      %dma_wait3A = arith.constant 0 : i32
      %dma_wait3A_49 = tpu.memref_slice %arg7[%add3A_21, %dma_wait3A] : memref<10240x16xf32, #tpu.memory_space<vmem_shared>> -> memref<128x16xf32, #tpu.memory_space<vmem_shared>>
      %dma_wait3A_50 = arith.constant 0 : i32
      %dma_wait3A_51 = tpu.memref_slice %arg7[%add3A_21, %dma_wait3A_50] : memref<10240x16xf32, #tpu.memory_space<vmem_shared>> -> memref<128x16xf32, #tpu.memory_space<vmem_shared>>
      tpu.wait_dma2 semaphore(%run_scoped3A_45 : memref<!tpu.dma_semaphore, #tpu.memory_space<semaphore_mem>>) src(%arg6 : memref<128x16xf32, #tpu.memory_space<vmem>>) dst(%dma_wait3A_51 : memref<128x16xf32, #tpu.memory_space<vmem_shared>>)
      tpu.yield
    }) : () -> ()
    %mul3A_22 = arith.constant 640 : i32
    %mul3A_23 = arith.muli %arg1, %mul3A_22 : i32
    %add3A_24 = arith.constant 256 : i32
    %add3A_25 = arith.addi %mul3A_23, %add3A_24 : i32
    "tpu.region"() ({
      %run_scoped3A_45 = tpu.sem_alloc : memref<!tpu.dma_semaphore, #tpu.memory_space<semaphore_mem>>
      %dma_start3A = arith.constant 0 : i32
      %dma_start3A_46 = tpu.memref_slice %arg7[%add3A_25, %dma_start3A] : memref<10240x16xf32, #tpu.memory_space<vmem_shared>> -> memref<128x16xf32, #tpu.memory_space<vmem_shared>>
      %dma_start3A_47 = arith.constant 0 : i32
      %dma_start3A_48 = tpu.memref_slice %arg7[%add3A_25, %dma_start3A_47] : memref<10240x16xf32, #tpu.memory_space<vmem_shared>> -> memref<128x16xf32, #tpu.memory_space<vmem_shared>>
      tpu.enqueue_dma source(%arg6 : memref<128x16xf32, #tpu.memory_space<vmem>>) target(%dma_start3A_48 : memref<128x16xf32, #tpu.memory_space<vmem_shared>>) target_semaphore(%run_scoped3A_45 : memref<!tpu.dma_semaphore, #tpu.memory_space<semaphore_mem>>)
      %dma_wait3A = arith.constant 0 : i32
      %dma_wait3A_49 = tpu.memref_slice %arg7[%add3A_25, %dma_wait3A] : memref<10240x16xf32, #tpu.memory_space<vmem_shared>> -> memref<128x16xf32, #tpu.memory_space<vmem_shared>>
      %dma_wait3A_50 = arith.constant 0 : i32
      %dma_wait3A_51 = tpu.memref_slice %arg7[%add3A_25, %dma_wait3A_50] : memref<10240x16xf32, #tpu.memory_space<vmem_shared>> -> memref<128x16xf32, #tpu.memory_space<vmem_shared>>
      tpu.wait_dma2 semaphore(%run_scoped3A_45 : memref<!tpu.dma_semaphore, #tpu.memory_space<semaphore_mem>>) src(%arg6 : memref<128x16xf32, #tpu.memory_space<vmem>>) dst(%dma_wait3A_51 : memref<128x16xf32, #tpu.memory_space<vmem_shared>>)
      tpu.yield
    }) : () -> ()
    %mul3A_26 = arith.constant 640 : i32
    %mul3A_27 = arith.muli %arg1, %mul3A_26 : i32
    %add3A_28 = arith.constant 384 : i32
    %add3A_29 = arith.addi %mul3A_27, %add3A_28 : i32
    "tpu.region"() ({
      %run_scoped3A_45 = tpu.sem_alloc : memref<!tpu.dma_semaphore, #tpu.memory_space<semaphore_mem>>
      %dma_start3A = arith.constant 0 : i32
      %dma_start3A_46 = tpu.memref_slice %arg7[%add3A_29, %dma_start3A] : memref<10240x16xf32, #tpu.memory_space<vmem_shared>> -> memref<128x16xf32, #tpu.memory_space<vmem_shared>>
      %dma_start3A_47 = arith.constant 0 : i32
      %dma_start3A_48 = tpu.memref_slice %arg7[%add3A_29, %dma_start3A_47] : memref<10240x16xf32, #tpu.memory_space<vmem_shared>> -> memref<128x16xf32, #tpu.memory_space<vmem_shared>>
      tpu.enqueue_dma source(%arg6 : memref<128x16xf32, #tpu.memory_space<vmem>>) target(%dma_start3A_48 : memref<128x16xf32, #tpu.memory_space<vmem_shared>>) target_semaphore(%run_scoped3A_45 : memref<!tpu.dma_semaphore, #tpu.memory_space<semaphore_mem>>)
      %dma_wait3A = arith.constant 0 : i32
      %dma_wait3A_49 = tpu.memref_slice %arg7[%add3A_29, %dma_wait3A] : memref<10240x16xf32, #tpu.memory_space<vmem_shared>> -> memref<128x16xf32, #tpu.memory_space<vmem_shared>>
      %dma_wait3A_50 = arith.constant 0 : i32
      %dma_wait3A_51 = tpu.memref_slice %arg7[%add3A_29, %dma_wait3A_50] : memref<10240x16xf32, #tpu.memory_space<vmem_shared>> -> memref<128x16xf32, #tpu.memory_space<vmem_shared>>
      tpu.wait_dma2 semaphore(%run_scoped3A_45 : memref<!tpu.dma_semaphore, #tpu.memory_space<semaphore_mem>>) src(%arg6 : memref<128x16xf32, #tpu.memory_space<vmem>>) dst(%dma_wait3A_51 : memref<128x16xf32, #tpu.memory_space<vmem_shared>>)
      tpu.yield
    }) : () -> ()
    %mul3A_30 = arith.constant 640 : i32
    %mul3A_31 = arith.muli %arg1, %mul3A_30 : i32
    %add3A_32 = arith.constant 512 : i32
    %add3A_33 = arith.addi %mul3A_31, %add3A_32 : i32
    "tpu.region"() ({
      %run_scoped3A_45 = tpu.sem_alloc : memref<!tpu.dma_semaphore, #tpu.memory_space<semaphore_mem>>
      %dma_start3A = arith.constant 0 : i32
      %dma_start3A_46 = tpu.memref_slice %arg7[%add3A_33, %dma_start3A] : memref<10240x16xf32, #tpu.memory_space<vmem_shared>> -> memref<128x16xf32, #tpu.memory_space<vmem_shared>>
      %dma_start3A_47 = arith.constant 0 : i32
      %dma_start3A_48 = tpu.memref_slice %arg7[%add3A_33, %dma_start3A_47] : memref<10240x16xf32, #tpu.memory_space<vmem_shared>> -> memref<128x16xf32, #tpu.memory_space<vmem_shared>>
      tpu.enqueue_dma source(%arg6 : memref<128x16xf32, #tpu.memory_space<vmem>>) target(%dma_start3A_48 : memref<128x16xf32, #tpu.memory_space<vmem_shared>>) target_semaphore(%run_scoped3A_45 : memref<!tpu.dma_semaphore, #tpu.memory_space<semaphore_mem>>)
      %dma_wait3A = arith.constant 0 : i32
      %dma_wait3A_49 = tpu.memref_slice %arg7[%add3A_33, %dma_wait3A] : memref<10240x16xf32, #tpu.memory_space<vmem_shared>> -> memref<128x16xf32, #tpu.memory_space<vmem_shared>>
      %dma_wait3A_50 = arith.constant 0 : i32
      %dma_wait3A_51 = tpu.memref_slice %arg7[%add3A_33, %dma_wait3A_50] : memref<10240x16xf32, #tpu.memory_space<vmem_shared>> -> memref<128x16xf32, #tpu.memory_space<vmem_shared>>
      tpu.wait_dma2 semaphore(%run_scoped3A_45 : memref<!tpu.dma_semaphore, #tpu.memory_space<semaphore_mem>>) src(%arg6 : memref<128x16xf32, #tpu.memory_space<vmem>>) dst(%dma_wait3A_51 : memref<128x16xf32, #tpu.memory_space<vmem_shared>>)
      tpu.yield
    }) : () -> ()
    %barrier3A = arith.constant 0 : index
    tpu.barrier barrier_id(%barrier3A)
    %scan3A_34 = arith.constant 0 : i32
    %scan3A_35 = arith.constant 0 : i32
    %scan3A_36 = arith.constant 25 : i32
    %scan3A_37 = arith.addi %scan3A_35, %scan3A_36 : i32
    %scan3A_38 = arith.constant 1 : i32
    scf.for %scan3A_45 = %scan3A_35 to %scan3A_37 step %scan3A_38  : i32 {
      %mul3A_46 = arith.constant 5 : i32
      %mul3A_47 = arith.muli %scan3A_45, %mul3A_46 : i32
      %add3A_48 = arith.constant 0 : i32
      %add3A_49 = arith.addi %mul3A_47, %add3A_48 : i32
      %mul3A_50 = arith.constant 80 : i32
      %mul3A_51 = arith.muli %add3A_49, %mul3A_50 : i32
      %dma_start3A = tpu.memref_slice %arg4[%mul3A_51] : memref<10000xi32, #tpu.memory_space<vmem>> -> memref<80xi32, #tpu.memory_space<vmem>>
      %dma_start3A_52 = arith.constant 0 : i32
      %dma_start3A_53 = arith.constant 0 : i32
      %dma_start3A_54 = tpu.memref_slice %arg7[%dma_start3A_52, %dma_start3A_53] : memref<10240x16xf32, #tpu.memory_space<vmem_shared>> -> memref<10240x16xf32, #tpu.memory_space<vmem_shared>>
      tpu.enqueue_indirect_dma source(%arg5 : memref<80x16xf32, #tpu.memory_space<vmem>>) target(%dma_start3A_54 : memref<10240x16xf32, #tpu.memory_space<vmem_shared>>) offsets(%dma_start3A : memref<80xi32, #tpu.memory_space<vmem>>) semaphore(%arg8 : memref<!tpu.dma_semaphore, #tpu.memory_space<semaphore_mem>>) {add = true}
      %add3A_55 = arith.constant 1 : i32
      %add3A_56 = arith.addi %mul3A_47, %add3A_55 : i32
      %mul3A_57 = arith.constant 80 : i32
      %mul3A_58 = arith.muli %add3A_56, %mul3A_57 : i32
      %dma_start3A_59 = tpu.memref_slice %arg4[%mul3A_58] : memref<10000xi32, #tpu.memory_space<vmem>> -> memref<80xi32, #tpu.memory_space<vmem>>
      %dma_start3A_60 = arith.constant 0 : i32
      %dma_start3A_61 = arith.constant 0 : i32
      %dma_start3A_62 = tpu.memref_slice %arg7[%dma_start3A_60, %dma_start3A_61] : memref<10240x16xf32, #tpu.memory_space<vmem_shared>> -> memref<10240x16xf32, #tpu.memory_space<vmem_shared>>
      tpu.enqueue_indirect_dma source(%arg5 : memref<80x16xf32, #tpu.memory_space<vmem>>) target(%dma_start3A_62 : memref<10240x16xf32, #tpu.memory_space<vmem_shared>>) offsets(%dma_start3A_59 : memref<80xi32, #tpu.memory_space<vmem>>) semaphore(%arg8 : memref<!tpu.dma_semaphore, #tpu.memory_space<semaphore_mem>>) {add = true}
      %add3A_63 = arith.constant 2 : i32
      %add3A_64 = arith.addi %mul3A_47, %add3A_63 : i32
      %mul3A_65 = arith.constant 80 : i32
      %mul3A_66 = arith.muli %add3A_64, %mul3A_65 : i32
      %dma_start3A_67 = tpu.memref_slice %arg4[%mul3A_66] : memref<10000xi32, #tpu.memory_space<vmem>> -> memref<80xi32, #tpu.memory_space<vmem>>
      %dma_start3A_68 = arith.constant 0 : i32
      %dma_start3A_69 = arith.constant 0 : i32
      %dma_start3A_70 = tpu.memref_slice %arg7[%dma_start3A_68, %dma_start3A_69] : memref<10240x16xf32, #tpu.memory_space<vmem_shared>> -> memref<10240x16xf32, #tpu.memory_space<vmem_shared>>
      tpu.enqueue_indirect_dma source(%arg5 : memref<80x16xf32, #tpu.memory_space<vmem>>) target(%dma_start3A_70 : memref<10240x16xf32, #tpu.memory_space<vmem_shared>>) offsets(%dma_start3A_67 : memref<80xi32, #tpu.memory_space<vmem>>) semaphore(%arg8 : memref<!tpu.dma_semaphore, #tpu.memory_space<semaphore_mem>>) {add = true}
      %add3A_71 = arith.constant 3 : i32
      %add3A_72 = arith.addi %mul3A_47, %add3A_71 : i32
      %mul3A_73 = arith.constant 80 : i32
      %mul3A_74 = arith.muli %add3A_72, %mul3A_73 : i32
      %dma_start3A_75 = tpu.memref_slice %arg4[%mul3A_74] : memref<10000xi32, #tpu.memory_space<vmem>> -> memref<80xi32, #tpu.memory_space<vmem>>
      %dma_start3A_76 = arith.constant 0 : i32
      %dma_start3A_77 = arith.constant 0 : i32
      %dma_start3A_78 = tpu.memref_slice %arg7[%dma_start3A_76, %dma_start3A_77] : memref<10240x16xf32, #tpu.memory_space<vmem_shared>> -> memref<10240x16xf32, #tpu.memory_space<vmem_shared>>
      tpu.enqueue_indirect_dma source(%arg5 : memref<80x16xf32, #tpu.memory_space<vmem>>) target(%dma_start3A_78 : memref<10240x16xf32, #tpu.memory_space<vmem_shared>>) offsets(%dma_start3A_75 : memref<80xi32, #tpu.memory_space<vmem>>) semaphore(%arg8 : memref<!tpu.dma_semaphore, #tpu.memory_space<semaphore_mem>>) {add = true}
      %add3A_79 = arith.constant 4 : i32
      %add3A_80 = arith.addi %mul3A_47, %add3A_79 : i32
      %mul3A_81 = arith.constant 80 : i32
      %mul3A_82 = arith.muli %add3A_80, %mul3A_81 : i32
      %dma_start3A_83 = tpu.memref_slice %arg4[%mul3A_82] : memref<10000xi32, #tpu.memory_space<vmem>> -> memref<80xi32, #tpu.memory_space<vmem>>
      %dma_start3A_84 = arith.constant 0 : i32
      %dma_start3A_85 = arith.constant 0 : i32
      %dma_start3A_86 = tpu.memref_slice %arg7[%dma_start3A_84, %dma_start3A_85] : memref<10240x16xf32, #tpu.memory_space<vmem_shared>> -> memref<10240x16xf32, #tpu.memory_space<vmem_shared>>
      tpu.enqueue_indirect_dma source(%arg5 : memref<80x16xf32, #tpu.memory_space<vmem>>) target(%dma_start3A_86 : memref<10240x16xf32, #tpu.memory_space<vmem_shared>>) offsets(%dma_start3A_83 : memref<80xi32, #tpu.memory_space<vmem>>) semaphore(%arg8 : memref<!tpu.dma_semaphore, #tpu.memory_space<semaphore_mem>>) {add = true}
      %add3A_87 = arith.constant 0 : i32
      %add3A_88 = arith.addi %mul3A_47, %add3A_87 : i32
      %mul3A_89 = arith.constant 80 : i32
      %mul3A_90 = arith.muli %add3A_88, %mul3A_89 : i32
      %dma_wait3A = tpu.memref_slice %arg4[%mul3A_90] : memref<10000xi32, #tpu.memory_space<vmem>> -> memref<80xi32, #tpu.memory_space<vmem>>
      %dma_wait3A_91 = arith.constant 0 : i32
      %dma_wait3A_92 = arith.constant 0 : i32
      %dma_wait3A_93 = tpu.memref_slice %arg7[%dma_wait3A_91, %dma_wait3A_92] : memref<10240x16xf32, #tpu.memory_space<vmem_shared>> -> memref<10240x16xf32, #tpu.memory_space<vmem_shared>>
      tpu.wait_indirect_dma semaphore(%arg8 : memref<!tpu.dma_semaphore, #tpu.memory_space<semaphore_mem>>) src(%arg5 : memref<80x16xf32, #tpu.memory_space<vmem>>) dst(%dma_wait3A_93 : memref<10240x16xf32, #tpu.memory_space<vmem_shared>>)
      %add3A_94 = arith.constant 1 : i32
      %add3A_95 = arith.addi %mul3A_47, %add3A_94 : i32
      %mul3A_96 = arith.constant 80 : i32
      %mul3A_97 = arith.muli %add3A_95, %mul3A_96 : i32
      %dma_wait3A_98 = tpu.memref_slice %arg4[%mul3A_97] : memref<10000xi32, #tpu.memory_space<vmem>> -> memref<80xi32, #tpu.memory_space<vmem>>
      %dma_wait3A_99 = arith.constant 0 : i32
      %dma_wait3A_100 = arith.constant 0 : i32
      %dma_wait3A_101 = tpu.memref_slice %arg7[%dma_wait3A_99, %dma_wait3A_100] : memref<10240x16xf32, #tpu.memory_space<vmem_shared>> -> memref<10240x16xf32, #tpu.memory_space<vmem_shared>>
      tpu.wait_indirect_dma semaphore(%arg8 : memref<!tpu.dma_semaphore, #tpu.memory_space<semaphore_mem>>) src(%arg5 : memref<80x16xf32, #tpu.memory_space<vmem>>) dst(%dma_wait3A_101 : memref<10240x16xf32, #tpu.memory_space<vmem_shared>>)
      %add3A_102 = arith.constant 2 : i32
      %add3A_103 = arith.addi %mul3A_47, %add3A_102 : i32
      %mul3A_104 = arith.constant 80 : i32
      %mul3A_105 = arith.muli %add3A_103, %mul3A_104 : i32
      %dma_wait3A_106 = tpu.memref_slice %arg4[%mul3A_105] : memref<10000xi32, #tpu.memory_space<vmem>> -> memref<80xi32, #tpu.memory_space<vmem>>
      %dma_wait3A_107 = arith.constant 0 : i32
      %dma_wait3A_108 = arith.constant 0 : i32
      %dma_wait3A_109 = tpu.memref_slice %arg7[%dma_wait3A_107, %dma_wait3A_108] : memref<10240x16xf32, #tpu.memory_space<vmem_shared>> -> memref<10240x16xf32, #tpu.memory_space<vmem_shared>>
      tpu.wait_indirect_dma semaphore(%arg8 : memref<!tpu.dma_semaphore, #tpu.memory_space<semaphore_mem>>) src(%arg5 : memref<80x16xf32, #tpu.memory_space<vmem>>) dst(%dma_wait3A_109 : memref<10240x16xf32, #tpu.memory_space<vmem_shared>>)
      %add3A_110 = arith.constant 3 : i32
      %add3A_111 = arith.addi %mul3A_47, %add3A_110 : i32
      %mul3A_112 = arith.constant 80 : i32
      %mul3A_113 = arith.muli %add3A_111, %mul3A_112 : i32
      %dma_wait3A_114 = tpu.memref_slice %arg4[%mul3A_113] : memref<10000xi32, #tpu.memory_space<vmem>> -> memref<80xi32, #tpu.memory_space<vmem>>
      %dma_wait3A_115 = arith.constant 0 : i32
      %dma_wait3A_116 = arith.constant 0 : i32
      %dma_wait3A_117 = tpu.memref_slice %arg7[%dma_wait3A_115, %dma_wait3A_116] : memref<10240x16xf32, #tpu.memory_space<vmem_shared>> -> memref<10240x16xf32, #tpu.memory_space<vmem_shared>>
      tpu.wait_indirect_dma semaphore(%arg8 : memref<!tpu.dma_semaphore, #tpu.memory_space<semaphore_mem>>) src(%arg5 : memref<80x16xf32, #tpu.memory_space<vmem>>) dst(%dma_wait3A_117 : memref<10240x16xf32, #tpu.memory_space<vmem_shared>>)
      %add3A_118 = arith.constant 4 : i32
      %add3A_119 = arith.addi %mul3A_47, %add3A_118 : i32
      %mul3A_120 = arith.constant 80 : i32
      %mul3A_121 = arith.muli %add3A_119, %mul3A_120 : i32
      %dma_wait3A_122 = tpu.memref_slice %arg4[%mul3A_121] : memref<10000xi32, #tpu.memory_space<vmem>> -> memref<80xi32, #tpu.memory_space<vmem>>
      %dma_wait3A_123 = arith.constant 0 : i32
      %dma_wait3A_124 = arith.constant 0 : i32
      %dma_wait3A_125 = tpu.memref_slice %arg7[%dma_wait3A_123, %dma_wait3A_124] : memref<10240x16xf32, #tpu.memory_space<vmem_shared>> -> memref<10240x16xf32, #tpu.memory_space<vmem_shared>>
      tpu.wait_indirect_dma semaphore(%arg8 : memref<!tpu.dma_semaphore, #tpu.memory_space<semaphore_mem>>) src(%arg5 : memref<80x16xf32, #tpu.memory_space<vmem>>) dst(%dma_wait3A_125 : memref<10240x16xf32, #tpu.memory_space<vmem_shared>>)
    }
    %scan3A_39 = arith.constant 25 : i32
    %barrier3A_40 = arith.constant 0 : index
    tpu.barrier barrier_id(%barrier3A_40)
    %mul3A_41 = arith.constant 640 : i32
    %mul3A_42 = arith.muli %arg1, %mul3A_41 : i32
    %mul3A_43 = arith.constant 640 : i32
    %mul3A_44 = arith.muli %arg1, %mul3A_43 : i32
    "tpu.region"() ({
      %run_scoped3A_45 = tpu.sem_alloc : memref<!tpu.dma_semaphore, #tpu.memory_space<semaphore_mem>>
      %dma_start3A = arith.constant 0 : i32
      %dma_start3A_46 = tpu.memref_slice %arg3[%arg0, %mul3A_44, %dma_start3A] : memref<2x10240x16xf32, #tpu.memory_space<hbm>> -> memref<1x640x16xf32, #tpu.memory_space<hbm>>
      %dma_start3A_47 = tpu.memref_squeeze %dma_start3A_46 : memref<1x640x16xf32, #tpu.memory_space<hbm>> -> memref<640x16xf32, #tpu.memory_space<hbm>>
      %dma_start3A_48 = arith.constant 0 : i32
      %dma_start3A_49 = tpu.memref_slice %arg7[%mul3A_42, %dma_start3A_48] : memref<10240x16xf32, #tpu.memory_space<vmem_shared>> -> memref<640x16xf32, #tpu.memory_space<vmem_shared>>
      tpu.enqueue_dma source(%dma_start3A_49 : memref<640x16xf32, #tpu.memory_space<vmem_shared>>) target(%dma_start3A_47 : memref<640x16xf32, #tpu.memory_space<hbm>>) target_semaphore(%run_scoped3A_45 : memref<!tpu.dma_semaphore, #tpu.memory_space<semaphore_mem>>)
      %dma_wait3A = arith.constant 0 : i32
      %dma_wait3A_50 = tpu.memref_slice %arg3[%arg0, %mul3A_44, %dma_wait3A] : memref<2x10240x16xf32, #tpu.memory_space<hbm>> -> memref<1x640x16xf32, #tpu.memory_space<hbm>>
      %dma_wait3A_51 = tpu.memref_squeeze %dma_wait3A_50 : memref<1x640x16xf32, #tpu.memory_space<hbm>> -> memref<640x16xf32, #tpu.memory_space<hbm>>
      %dma_wait3A_52 = arith.constant 0 : i32
      %dma_wait3A_53 = tpu.memref_slice %arg7[%mul3A_42, %dma_wait3A_52] : memref<10240x16xf32, #tpu.memory_space<vmem_shared>> -> memref<640x16xf32, #tpu.memory_space<vmem_shared>>
      tpu.wait_dma2 semaphore(%run_scoped3A_45 : memref<!tpu.dma_semaphore, #tpu.memory_space<semaphore_mem>>) src(%dma_wait3A_53 : memref<640x16xf32, #tpu.memory_space<vmem_shared>>) dst(%dma_wait3A_51 : memref<640x16xf32, #tpu.memory_space<hbm>>)
      tpu.yield
    }) : () -> ()
    return
  }
}

#map = affine_map<(d0, d1) -> (0, 0)>
#map1 = affine_map<(d0, d1) -> (0, 0, 0)>
module attributes {stable_mosaic.version = 14 : i64} {
  func.func @k(%arg0: i32, %arg1: i32, %arg2: memref<2x320000xi32, #tpu.memory_space<hbm>>, %arg3: memref<10000x128xf32, #tpu.memory_space<hbm>>, %arg4: memref<2x10240x128xf32, #tpu.memory_space<hbm>>, %arg5: memref<10000xi32, #tpu.memory_space<vmem>>, %arg6: memref<10000xi32, #tpu.memory_space<vmem>>, %arg7: memref<5x40x128xf32, #tpu.memory_space<vmem>>, %arg8: memref<10240x128xf32, #tpu.memory_space<vmem_shared>>, %arg9: memref<!tpu.dma_semaphore, #tpu.memory_space<semaphore_mem>>, %arg10: memref<!tpu.dma_semaphore, #tpu.memory_space<semaphore_mem>>, %arg11: memref<!tpu.dma_semaphore, #tpu.memory_space<semaphore_mem>>, %arg12: memref<!tpu.dma_semaphore, #tpu.memory_space<semaphore_mem>>, %arg13: memref<!tpu.dma_semaphore, #tpu.memory_space<semaphore_mem>>) attributes {dimension_semantics = [#tpu.dimension_semantics<core_parallel>, #tpu.dimension_semantics<subcore_parallel>], iteration_bounds = array<i64: 2, 16>, scalar_prefetch = 0 : i64, scratch_operands = 9 : i64, tpu.core_type = #tpu.core_type<sc_vector_subcore>, window_params = [{transform_indices = #map}, {transform_indices = #map}, {transform_indices = #map1}]} {
    %mul3A = arith.constant 2 : i32
    %mul3A_0 = arith.muli %arg1, %mul3A : i32
    %add3A = arith.addi %mul3A_0, %arg0 : i32
    %mul3A_1 = arith.constant 10000 : i32
    %mul3A_2 = arith.muli %add3A, %mul3A_1 : i32
    %run_scoped3A = arith.constant 0 : i32
    "tpu.region"() ({
      %run_scoped3A_151 = tpu.sem_alloc : memref<!tpu.dma_semaphore, #tpu.memory_space<semaphore_mem>>
      %dma_start3A_152 = tpu.memref_slice %arg2[%run_scoped3A, %mul3A_2] : memref<2x320000xi32, #tpu.memory_space<hbm>> -> memref<1x10000xi32, #tpu.memory_space<hbm>>
      %dma_start3A_153 = tpu.memref_squeeze %dma_start3A_152 : memref<1x10000xi32, #tpu.memory_space<hbm>> -> memref<10000xi32, #tpu.memory_space<hbm>>
      %dma_start3A_154 = tpu.memref_slice %arg2[%run_scoped3A, %mul3A_2] : memref<2x320000xi32, #tpu.memory_space<hbm>> -> memref<1x10000xi32, #tpu.memory_space<hbm>>
      %dma_start3A_155 = tpu.memref_squeeze %dma_start3A_154 : memref<1x10000xi32, #tpu.memory_space<hbm>> -> memref<10000xi32, #tpu.memory_space<hbm>>
      tpu.enqueue_dma source(%dma_start3A_155 : memref<10000xi32, #tpu.memory_space<hbm>>) target(%arg5 : memref<10000xi32, #tpu.memory_space<vmem>>) target_semaphore(%run_scoped3A_151 : memref<!tpu.dma_semaphore, #tpu.memory_space<semaphore_mem>>)
      %dma_wait3A = tpu.memref_slice %arg2[%run_scoped3A, %mul3A_2] : memref<2x320000xi32, #tpu.memory_space<hbm>> -> memref<1x10000xi32, #tpu.memory_space<hbm>>
      %dma_wait3A_156 = tpu.memref_squeeze %dma_wait3A : memref<1x10000xi32, #tpu.memory_space<hbm>> -> memref<10000xi32, #tpu.memory_space<hbm>>
      %dma_wait3A_157 = tpu.memref_slice %arg2[%run_scoped3A, %mul3A_2] : memref<2x320000xi32, #tpu.memory_space<hbm>> -> memref<1x10000xi32, #tpu.memory_space<hbm>>
      %dma_wait3A_158 = tpu.memref_squeeze %dma_wait3A_157 : memref<1x10000xi32, #tpu.memory_space<hbm>> -> memref<10000xi32, #tpu.memory_space<hbm>>
      tpu.wait_dma2 semaphore(%run_scoped3A_151 : memref<!tpu.dma_semaphore, #tpu.memory_space<semaphore_mem>>) src(%dma_wait3A_158 : memref<10000xi32, #tpu.memory_space<hbm>>) dst(%arg5 : memref<10000xi32, #tpu.memory_space<vmem>>)
      tpu.yield
    }) : () -> ()
    %mul3A_3 = arith.constant 10000 : i32
    %mul3A_4 = arith.muli %add3A, %mul3A_3 : i32
    %run_scoped3A_5 = arith.constant 1 : i32
    "tpu.region"() ({
      %run_scoped3A_151 = tpu.sem_alloc : memref<!tpu.dma_semaphore, #tpu.memory_space<semaphore_mem>>
      %dma_start3A_152 = tpu.memref_slice %arg2[%run_scoped3A_5, %mul3A_4] : memref<2x320000xi32, #tpu.memory_space<hbm>> -> memref<1x10000xi32, #tpu.memory_space<hbm>>
      %dma_start3A_153 = tpu.memref_squeeze %dma_start3A_152 : memref<1x10000xi32, #tpu.memory_space<hbm>> -> memref<10000xi32, #tpu.memory_space<hbm>>
      %dma_start3A_154 = tpu.memref_slice %arg2[%run_scoped3A_5, %mul3A_4] : memref<2x320000xi32, #tpu.memory_space<hbm>> -> memref<1x10000xi32, #tpu.memory_space<hbm>>
      %dma_start3A_155 = tpu.memref_squeeze %dma_start3A_154 : memref<1x10000xi32, #tpu.memory_space<hbm>> -> memref<10000xi32, #tpu.memory_space<hbm>>
      tpu.enqueue_dma source(%dma_start3A_155 : memref<10000xi32, #tpu.memory_space<hbm>>) target(%arg6 : memref<10000xi32, #tpu.memory_space<vmem>>) target_semaphore(%run_scoped3A_151 : memref<!tpu.dma_semaphore, #tpu.memory_space<semaphore_mem>>)
      %dma_wait3A = tpu.memref_slice %arg2[%run_scoped3A_5, %mul3A_4] : memref<2x320000xi32, #tpu.memory_space<hbm>> -> memref<1x10000xi32, #tpu.memory_space<hbm>>
      %dma_wait3A_156 = tpu.memref_squeeze %dma_wait3A : memref<1x10000xi32, #tpu.memory_space<hbm>> -> memref<10000xi32, #tpu.memory_space<hbm>>
      %dma_wait3A_157 = tpu.memref_slice %arg2[%run_scoped3A_5, %mul3A_4] : memref<2x320000xi32, #tpu.memory_space<hbm>> -> memref<1x10000xi32, #tpu.memory_space<hbm>>
      %dma_wait3A_158 = tpu.memref_squeeze %dma_wait3A_157 : memref<1x10000xi32, #tpu.memory_space<hbm>> -> memref<10000xi32, #tpu.memory_space<hbm>>
      tpu.wait_dma2 semaphore(%run_scoped3A_151 : memref<!tpu.dma_semaphore, #tpu.memory_space<semaphore_mem>>) src(%dma_wait3A_158 : memref<10000xi32, #tpu.memory_space<hbm>>) dst(%arg6 : memref<10000xi32, #tpu.memory_space<vmem>>)
      tpu.yield
    }) : () -> ()
    %scan3A = arith.constant 0 : i32
    %scan3A_6 = arith.constant 0 : i32
    %scan3A_7 = arith.constant 40 : i32
    %scan3A_8 = arith.addi %scan3A_6, %scan3A_7 : i32
    %scan3A_9 = arith.constant 1 : i32
    scf.for %scan3A_151 = %scan3A_6 to %scan3A_8 step %scan3A_9  : i32 {
      %broadcast_in_dim3A = arith.constant 0.000000e+00 : f32
      %broadcast_in_dim3A_152 = vector.broadcast %broadcast_in_dim3A : f32 to vector<16xf32>
      %swap3A = arith.constant 0 : i32
      %swap3A_153 = arith.index_cast %swap3A : i32 to index
      %swap3A_154 = arith.index_cast %scan3A_151 : i32 to index
      %swap3A_155 = arith.constant 0 : index
      %swap3A_156 = tpu.vector_load %arg7[%swap3A_153, %swap3A_154, %swap3A_155] {strides = array<i32>} : memref<5x40x128xf32, #tpu.memory_space<vmem>>, vector<1x1x16xf32>,
      %swap3A_157 = vector.shape_cast %swap3A_156 : vector<1x1x16xf32> to vector<16xf32>
      %swap3A_158 = vector.shape_cast %broadcast_in_dim3A_152 : vector<16xf32> to vector<1x1x16xf32>
      tpu.vector_store %arg7[%swap3A_153, %swap3A_154, %swap3A_155], %swap3A_158 {strides = array<i32>} : memref<5x40x128xf32, #tpu.memory_space<vmem>>, vector<1x1x16xf32>,
      %broadcast_in_dim3A_159 = arith.constant 0.000000e+00 : f32
      %broadcast_in_dim3A_160 = vector.broadcast %broadcast_in_dim3A_159 : f32 to vector<16xf32>
      %swap3A_161 = arith.constant 0 : i32
      %swap3A_162 = arith.index_cast %swap3A_161 : i32 to index
      %swap3A_163 = arith.index_cast %scan3A_151 : i32 to index
      %swap3A_164 = arith.constant 16 : index
      %swap3A_165 = tpu.vector_load %arg7[%swap3A_162, %swap3A_163, %swap3A_164] {strides = array<i32>} : memref<5x40x128xf32, #tpu.memory_space<vmem>>, vector<1x1x16xf32>,
      %swap3A_166 = vector.shape_cast %swap3A_165 : vector<1x1x16xf32> to vector<16xf32>
      %swap3A_167 = vector.shape_cast %broadcast_in_dim3A_160 : vector<16xf32> to vector<1x1x16xf32>
      tpu.vector_store %arg7[%swap3A_162, %swap3A_163, %swap3A_164], %swap3A_167 {strides = array<i32>} : memref<5x40x128xf32, #tpu.memory_space<vmem>>, vector<1x1x16xf32>,
      %broadcast_in_dim3A_168 = arith.constant 0.000000e+00 : f32
      %broadcast_in_dim3A_169 = vector.broadcast %broadcast_in_dim3A_168 : f32 to vector<16xf32>
      %swap3A_170 = arith.constant 0 : i32
      %swap3A_171 = arith.index_cast %swap3A_170 : i32 to index
      %swap3A_172 = arith.index_cast %scan3A_151 : i32 to index
      %swap3A_173 = arith.constant 32 : index
      %swap3A_174 = tpu.vector_load %arg7[%swap3A_171, %swap3A_172, %swap3A_173] {strides = array<i32>} : memref<5x40x128xf32, #tpu.memory_space<vmem>>, vector<1x1x16xf32>,
      %swap3A_175 = vector.shape_cast %swap3A_174 : vector<1x1x16xf32> to vector<16xf32>
      %swap3A_176 = vector.shape_cast %broadcast_in_dim3A_169 : vector<16xf32> to vector<1x1x16xf32>
      tpu.vector_store %arg7[%swap3A_171, %swap3A_172, %swap3A_173], %swap3A_176 {strides = array<i32>} : memref<5x40x128xf32, #tpu.memory_space<vmem>>, vector<1x1x16xf32>,
      %broadcast_in_dim3A_177 = arith.constant 0.000000e+00 : f32
      %broadcast_in_dim3A_178 = vector.broadcast %broadcast_in_dim3A_177 : f32 to vector<16xf32>
      %swap3A_179 = arith.constant 0 : i32
      %swap3A_180 = arith.index_cast %swap3A_179 : i32 to index
      %swap3A_181 = arith.index_cast %scan3A_151 : i32 to index
      %swap3A_182 = arith.constant 48 : index
      %swap3A_183 = tpu.vector_load %arg7[%swap3A_180, %swap3A_181, %swap3A_182] {strides = array<i32>} : memref<5x40x128xf32, #tpu.memory_space<vmem>>, vector<1x1x16xf32>,
      %swap3A_184 = vector.shape_cast %swap3A_183 : vector<1x1x16xf32> to vector<16xf32>
      %swap3A_185 = vector.shape_cast %broadcast_in_dim3A_178 : vector<16xf32> to vector<1x1x16xf32>
      tpu.vector_store %arg7[%swap3A_180, %swap3A_181, %swap3A_182], %swap3A_185 {strides = array<i32>} : memref<5x40x128xf32, #tpu.memory_space<vmem>>, vector<1x1x16xf32>,
      %broadcast_in_dim3A_186 = arith.constant 0.000000e+00 : f32
      %broadcast_in_dim3A_187 = vector.broadcast %broadcast_in_dim3A_186 : f32 to vector<16xf32>
      %swap3A_188 = arith.constant 0 : i32
      %swap3A_189 = arith.index_cast %swap3A_188 : i32 to index
      %swap3A_190 = arith.index_cast %scan3A_151 : i32 to index
      %swap3A_191 = arith.constant 64 : index
      %swap3A_192 = tpu.vector_load %arg7[%swap3A_189, %swap3A_190, %swap3A_191] {strides = array<i32>} : memref<5x40x128xf32, #tpu.memory_space<vmem>>, vector<1x1x16xf32>,
      %swap3A_193 = vector.shape_cast %swap3A_192 : vector<1x1x16xf32> to vector<16xf32>
      %swap3A_194 = vector.shape_cast %broadcast_in_dim3A_187 : vector<16xf32> to vector<1x1x16xf32>
      tpu.vector_store %arg7[%swap3A_189, %swap3A_190, %swap3A_191], %swap3A_194 {strides = array<i32>} : memref<5x40x128xf32, #tpu.memory_space<vmem>>, vector<1x1x16xf32>,
      %broadcast_in_dim3A_195 = arith.constant 0.000000e+00 : f32
      %broadcast_in_dim3A_196 = vector.broadcast %broadcast_in_dim3A_195 : f32 to vector<16xf32>
      %swap3A_197 = arith.constant 0 : i32
      %swap3A_198 = arith.index_cast %swap3A_197 : i32 to index
      %swap3A_199 = arith.index_cast %scan3A_151 : i32 to index
      %swap3A_200 = arith.constant 80 : index
      %swap3A_201 = tpu.vector_load %arg7[%swap3A_198, %swap3A_199, %swap3A_200] {strides = array<i32>} : memref<5x40x128xf32, #tpu.memory_space<vmem>>, vector<1x1x16xf32>,
      %swap3A_202 = vector.shape_cast %swap3A_201 : vector<1x1x16xf32> to vector<16xf32>
      %swap3A_203 = vector.shape_cast %broadcast_in_dim3A_196 : vector<16xf32> to vector<1x1x16xf32>
      tpu.vector_store %arg7[%swap3A_198, %swap3A_199, %swap3A_200], %swap3A_203 {strides = array<i32>} : memref<5x40x128xf32, #tpu.memory_space<vmem>>, vector<1x1x16xf32>,
      %broadcast_in_dim3A_204 = arith.constant 0.000000e+00 : f32
      %broadcast_in_dim3A_205 = vector.broadcast %broadcast_in_dim3A_204 : f32 to vector<16xf32>
      %swap3A_206 = arith.constant 0 : i32
      %swap3A_207 = arith.index_cast %swap3A_206 : i32 to index
      %swap3A_208 = arith.index_cast %scan3A_151 : i32 to index
      %swap3A_209 = arith.constant 96 : index
      %swap3A_210 = tpu.vector_load %arg7[%swap3A_207, %swap3A_208, %swap3A_209] {strides = array<i32>} : memref<5x40x128xf32, #tpu.memory_space<vmem>>, vector<1x1x16xf32>,
      %swap3A_211 = vector.shape_cast %swap3A_210 : vector<1x1x16xf32> to vector<16xf32>
      %swap3A_212 = vector.shape_cast %broadcast_in_dim3A_205 : vector<16xf32> to vector<1x1x16xf32>
      tpu.vector_store %arg7[%swap3A_207, %swap3A_208, %swap3A_209], %swap3A_212 {strides = array<i32>} : memref<5x40x128xf32, #tpu.memory_space<vmem>>, vector<1x1x16xf32>,
      %broadcast_in_dim3A_213 = arith.constant 0.000000e+00 : f32
      %broadcast_in_dim3A_214 = vector.broadcast %broadcast_in_dim3A_213 : f32 to vector<16xf32>
      %swap3A_215 = arith.constant 0 : i32
      %swap3A_216 = arith.index_cast %swap3A_215 : i32 to index
      %swap3A_217 = arith.index_cast %scan3A_151 : i32 to index
      %swap3A_218 = arith.constant 112 : index
      %swap3A_219 = tpu.vector_load %arg7[%swap3A_216, %swap3A_217, %swap3A_218] {strides = array<i32>} : memref<5x40x128xf32, #tpu.memory_space<vmem>>, vector<1x1x16xf32>,
      %swap3A_220 = vector.shape_cast %swap3A_219 : vector<1x1x16xf32> to vector<16xf32>
      %swap3A_221 = vector.shape_cast %broadcast_in_dim3A_214 : vector<16xf32> to vector<1x1x16xf32>
      tpu.vector_store %arg7[%swap3A_216, %swap3A_217, %swap3A_218], %swap3A_221 {strides = array<i32>} : memref<5x40x128xf32, #tpu.memory_space<vmem>>, vector<1x1x16xf32>,
    }
    %scan3A_10 = arith.constant 40 : i32
    %mul3A_11 = arith.constant 640 : i32
    %mul3A_12 = arith.muli %arg1, %mul3A_11 : i32
    %add3A_13 = arith.constant 0 : i32
    %add3A_14 = arith.addi %mul3A_12, %add3A_13 : i32
    %run_scoped3A_15 = arith.constant 0 : i32
    "tpu.region"() ({
      %run_scoped3A_151 = tpu.sem_alloc : memref<!tpu.dma_semaphore, #tpu.memory_space<semaphore_mem>>
      %dma_start3A_152 = arith.constant 0 : i32
      %dma_start3A_153 = arith.constant 0 : i32
      %dma_start3A_154 = tpu.memref_slice %arg7[%run_scoped3A_15, %dma_start3A_152, %dma_start3A_153] : memref<5x40x128xf32, #tpu.memory_space<vmem>> -> memref<1x40x128xf32, #tpu.memory_space<vmem>>
      %dma_start3A_155 = tpu.memref_squeeze %dma_start3A_154 : memref<1x40x128xf32, #tpu.memory_space<vmem>> -> memref<40x128xf32, #tpu.memory_space<vmem>>
      %dma_start3A_156 = arith.constant 0 : i32
      %dma_start3A_157 = tpu.memref_slice %arg8[%add3A_14, %dma_start3A_156] : memref<10240x128xf32, #tpu.memory_space<vmem_shared>> -> memref<40x128xf32, #tpu.memory_space<vmem_shared>>
      %dma_start3A_158 = arith.constant 0 : i32
      %dma_start3A_159 = tpu.memref_slice %arg8[%add3A_14, %dma_start3A_158] : memref<10240x128xf32, #tpu.memory_space<vmem_shared>> -> memref<40x128xf32, #tpu.memory_space<vmem_shared>>
      %dma_start3A_160 = arith.constant 0 : i32
      %dma_start3A_161 = arith.constant 0 : i32
      %dma_start3A_162 = tpu.memref_slice %arg7[%run_scoped3A_15, %dma_start3A_160, %dma_start3A_161] : memref<5x40x128xf32, #tpu.memory_space<vmem>> -> memref<1x40x128xf32, #tpu.memory_space<vmem>>
      %dma_start3A_163 = tpu.memref_squeeze %dma_start3A_162 : memref<1x40x128xf32, #tpu.memory_space<vmem>> -> memref<40x128xf32, #tpu.memory_space<vmem>>
      tpu.enqueue_dma source(%dma_start3A_163 : memref<40x128xf32, #tpu.memory_space<vmem>>) target(%dma_start3A_159 : memref<40x128xf32, #tpu.memory_space<vmem_shared>>) target_semaphore(%run_scoped3A_151 : memref<!tpu.dma_semaphore, #tpu.memory_space<semaphore_mem>>)
      %dma_wait3A = arith.constant 0 : i32
      %dma_wait3A_164 = arith.constant 0 : i32
      %dma_wait3A_165 = tpu.memref_slice %arg7[%run_scoped3A_15, %dma_wait3A, %dma_wait3A_164] : memref<5x40x128xf32, #tpu.memory_space<vmem>> -> memref<1x40x128xf32, #tpu.memory_space<vmem>>
      %dma_wait3A_166 = tpu.memref_squeeze %dma_wait3A_165 : memref<1x40x128xf32, #tpu.memory_space<vmem>> -> memref<40x128xf32, #tpu.memory_space<vmem>>
      %dma_wait3A_167 = arith.constant 0 : i32
      %dma_wait3A_168 = tpu.memref_slice %arg8[%add3A_14, %dma_wait3A_167] : memref<10240x128xf32, #tpu.memory_space<vmem_shared>> -> memref<40x128xf32, #tpu.memory_space<vmem_shared>>
      %dma_wait3A_169 = arith.constant 0 : i32
      %dma_wait3A_170 = tpu.memref_slice %arg8[%add3A_14, %dma_wait3A_169] : memref<10240x128xf32, #tpu.memory_space<vmem_shared>> -> memref<40x128xf32, #tpu.memory_space<vmem_shared>>
      %dma_wait3A_171 = arith.constant 0 : i32
      %dma_wait3A_172 = arith.constant 0 : i32
      %dma_wait3A_173 = tpu.memref_slice %arg7[%run_scoped3A_15, %dma_wait3A_171, %dma_wait3A_172] : memref<5x40x128xf32, #tpu.memory_space<vmem>> -> memref<1x40x128xf32, #tpu.memory_space<vmem>>
      %dma_wait3A_174 = tpu.memref_squeeze %dma_wait3A_173 : memref<1x40x128xf32, #tpu.memory_space<vmem>> -> memref<40x128xf32, #tpu.memory_space<vmem>>
      tpu.wait_dma2 semaphore(%run_scoped3A_151 : memref<!tpu.dma_semaphore, #tpu.memory_space<semaphore_mem>>) src(%dma_wait3A_174 : memref<40x128xf32, #tpu.memory_space<vmem>>) dst(%dma_wait3A_170 : memref<40x128xf32, #tpu.memory_space<vmem_shared>>)
      tpu.yield
    }) : () -> ()
    %mul3A_16 = arith.constant 640 : i32
    %mul3A_17 = arith.muli %arg1, %mul3A_16 : i32
    %add3A_18 = arith.constant 40 : i32
    %add3A_19 = arith.addi %mul3A_17, %add3A_18 : i32
    %run_scoped3A_20 = arith.constant 0 : i32
    "tpu.region"() ({
      %run_scoped3A_151 = tpu.sem_alloc : memref<!tpu.dma_semaphore, #tpu.memory_space<semaphore_mem>>
      %dma_start3A_152 = arith.constant 0 : i32
      %dma_start3A_153 = arith.constant 0 : i32
      %dma_start3A_154 = tpu.memref_slice %arg7[%run_scoped3A_20, %dma_start3A_152, %dma_start3A_153] : memref<5x40x128xf32, #tpu.memory_space<vmem>> -> memref<1x40x128xf32, #tpu.memory_space<vmem>>
      %dma_start3A_155 = tpu.memref_squeeze %dma_start3A_154 : memref<1x40x128xf32, #tpu.memory_space<vmem>> -> memref<40x128xf32, #tpu.memory_space<vmem>>
      %dma_start3A_156 = arith.constant 0 : i32
      %dma_start3A_157 = tpu.memref_slice %arg8[%add3A_19, %dma_start3A_156] : memref<10240x128xf32, #tpu.memory_space<vmem_shared>> -> memref<40x128xf32, #tpu.memory_space<vmem_shared>>
      %dma_start3A_158 = arith.constant 0 : i32
      %dma_start3A_159 = tpu.memref_slice %arg8[%add3A_19, %dma_start3A_158] : memref<10240x128xf32, #tpu.memory_space<vmem_shared>> -> memref<40x128xf32, #tpu.memory_space<vmem_shared>>
      %dma_start3A_160 = arith.constant 0 : i32
      %dma_start3A_161 = arith.constant 0 : i32
      %dma_start3A_162 = tpu.memref_slice %arg7[%run_scoped3A_20, %dma_start3A_160, %dma_start3A_161] : memref<5x40x128xf32, #tpu.memory_space<vmem>> -> memref<1x40x128xf32, #tpu.memory_space<vmem>>
      %dma_start3A_163 = tpu.memref_squeeze %dma_start3A_162 : memref<1x40x128xf32, #tpu.memory_space<vmem>> -> memref<40x128xf32, #tpu.memory_space<vmem>>
      tpu.enqueue_dma source(%dma_start3A_163 : memref<40x128xf32, #tpu.memory_space<vmem>>) target(%dma_start3A_159 : memref<40x128xf32, #tpu.memory_space<vmem_shared>>) target_semaphore(%run_scoped3A_151 : memref<!tpu.dma_semaphore, #tpu.memory_space<semaphore_mem>>)
      %dma_wait3A = arith.constant 0 : i32
      %dma_wait3A_164 = arith.constant 0 : i32
      %dma_wait3A_165 = tpu.memref_slice %arg7[%run_scoped3A_20, %dma_wait3A, %dma_wait3A_164] : memref<5x40x128xf32, #tpu.memory_space<vmem>> -> memref<1x40x128xf32, #tpu.memory_space<vmem>>
      %dma_wait3A_166 = tpu.memref_squeeze %dma_wait3A_165 : memref<1x40x128xf32, #tpu.memory_space<vmem>> -> memref<40x128xf32, #tpu.memory_space<vmem>>
      %dma_wait3A_167 = arith.constant 0 : i32
      %dma_wait3A_168 = tpu.memref_slice %arg8[%add3A_19, %dma_wait3A_167] : memref<10240x128xf32, #tpu.memory_space<vmem_shared>> -> memref<40x128xf32, #tpu.memory_space<vmem_shared>>
      %dma_wait3A_169 = arith.constant 0 : i32
      %dma_wait3A_170 = tpu.memref_slice %arg8[%add3A_19, %dma_wait3A_169] : memref<10240x128xf32, #tpu.memory_space<vmem_shared>> -> memref<40x128xf32, #tpu.memory_space<vmem_shared>>
      %dma_wait3A_171 = arith.constant 0 : i32
      %dma_wait3A_172 = arith.constant 0 : i32
      %dma_wait3A_173 = tpu.memref_slice %arg7[%run_scoped3A_20, %dma_wait3A_171, %dma_wait3A_172] : memref<5x40x128xf32, #tpu.memory_space<vmem>> -> memref<1x40x128xf32, #tpu.memory_space<vmem>>
      %dma_wait3A_174 = tpu.memref_squeeze %dma_wait3A_173 : memref<1x40x128xf32, #tpu.memory_space<vmem>> -> memref<40x128xf32, #tpu.memory_space<vmem>>
      tpu.wait_dma2 semaphore(%run_scoped3A_151 : memref<!tpu.dma_semaphore, #tpu.memory_space<semaphore_mem>>) src(%dma_wait3A_174 : memref<40x128xf32, #tpu.memory_space<vmem>>) dst(%dma_wait3A_170 : memref<40x128xf32, #tpu.memory_space<vmem_shared>>)
      tpu.yield
    }) : () -> ()
    %mul3A_21 = arith.constant 640 : i32
    %mul3A_22 = arith.muli %arg1, %mul3A_21 : i32
    %add3A_23 = arith.constant 80 : i32
    %add3A_24 = arith.addi %mul3A_22, %add3A_23 : i32
    %run_scoped3A_25 = arith.constant 0 : i32
    "tpu.region"() ({
      %run_scoped3A_151 = tpu.sem_alloc : memref<!tpu.dma_semaphore, #tpu.memory_space<semaphore_mem>>
      %dma_start3A_152 = arith.constant 0 : i32
      %dma_start3A_153 = arith.constant 0 : i32
      %dma_start3A_154 = tpu.memref_slice %arg7[%run_scoped3A_25, %dma_start3A_152, %dma_start3A_153] : memref<5x40x128xf32, #tpu.memory_space<vmem>> -> memref<1x40x128xf32, #tpu.memory_space<vmem>>
      %dma_start3A_155 = tpu.memref_squeeze %dma_start3A_154 : memref<1x40x128xf32, #tpu.memory_space<vmem>> -> memref<40x128xf32, #tpu.memory_space<vmem>>
      %dma_start3A_156 = arith.constant 0 : i32
      %dma_start3A_157 = tpu.memref_slice %arg8[%add3A_24, %dma_start3A_156] : memref<10240x128xf32, #tpu.memory_space<vmem_shared>> -> memref<40x128xf32, #tpu.memory_space<vmem_shared>>
      %dma_start3A_158 = arith.constant 0 : i32
      %dma_start3A_159 = tpu.memref_slice %arg8[%add3A_24, %dma_start3A_158] : memref<10240x128xf32, #tpu.memory_space<vmem_shared>> -> memref<40x128xf32, #tpu.memory_space<vmem_shared>>
      %dma_start3A_160 = arith.constant 0 : i32
      %dma_start3A_161 = arith.constant 0 : i32
      %dma_start3A_162 = tpu.memref_slice %arg7[%run_scoped3A_25, %dma_start3A_160, %dma_start3A_161] : memref<5x40x128xf32, #tpu.memory_space<vmem>> -> memref<1x40x128xf32, #tpu.memory_space<vmem>>
      %dma_start3A_163 = tpu.memref_squeeze %dma_start3A_162 : memref<1x40x128xf32, #tpu.memory_space<vmem>> -> memref<40x128xf32, #tpu.memory_space<vmem>>
      tpu.enqueue_dma source(%dma_start3A_163 : memref<40x128xf32, #tpu.memory_space<vmem>>) target(%dma_start3A_159 : memref<40x128xf32, #tpu.memory_space<vmem_shared>>) target_semaphore(%run_scoped3A_151 : memref<!tpu.dma_semaphore, #tpu.memory_space<semaphore_mem>>)
      %dma_wait3A = arith.constant 0 : i32
      %dma_wait3A_164 = arith.constant 0 : i32
      %dma_wait3A_165 = tpu.memref_slice %arg7[%run_scoped3A_25, %dma_wait3A, %dma_wait3A_164] : memref<5x40x128xf32, #tpu.memory_space<vmem>> -> memref<1x40x128xf32, #tpu.memory_space<vmem>>
      %dma_wait3A_166 = tpu.memref_squeeze %dma_wait3A_165 : memref<1x40x128xf32, #tpu.memory_space<vmem>> -> memref<40x128xf32, #tpu.memory_space<vmem>>
      %dma_wait3A_167 = arith.constant 0 : i32
      %dma_wait3A_168 = tpu.memref_slice %arg8[%add3A_24, %dma_wait3A_167] : memref<10240x128xf32, #tpu.memory_space<vmem_shared>> -> memref<40x128xf32, #tpu.memory_space<vmem_shared>>
      %dma_wait3A_169 = arith.constant 0 : i32
      %dma_wait3A_170 = tpu.memref_slice %arg8[%add3A_24, %dma_wait3A_169] : memref<10240x128xf32, #tpu.memory_space<vmem_shared>> -> memref<40x128xf32, #tpu.memory_space<vmem_shared>>
      %dma_wait3A_171 = arith.constant 0 : i32
      %dma_wait3A_172 = arith.constant 0 : i32
      %dma_wait3A_173 = tpu.memref_slice %arg7[%run_scoped3A_25, %dma_wait3A_171, %dma_wait3A_172] : memref<5x40x128xf32, #tpu.memory_space<vmem>> -> memref<1x40x128xf32, #tpu.memory_space<vmem>>
      %dma_wait3A_174 = tpu.memref_squeeze %dma_wait3A_173 : memref<1x40x128xf32, #tpu.memory_space<vmem>> -> memref<40x128xf32, #tpu.memory_space<vmem>>
      tpu.wait_dma2 semaphore(%run_scoped3A_151 : memref<!tpu.dma_semaphore, #tpu.memory_space<semaphore_mem>>) src(%dma_wait3A_174 : memref<40x128xf32, #tpu.memory_space<vmem>>) dst(%dma_wait3A_170 : memref<40x128xf32, #tpu.memory_space<vmem_shared>>)
      tpu.yield
    }) : () -> ()
    %mul3A_26 = arith.constant 640 : i32
    %mul3A_27 = arith.muli %arg1, %mul3A_26 : i32
    %add3A_28 = arith.constant 120 : i32
    %add3A_29 = arith.addi %mul3A_27, %add3A_28 : i32
    %run_scoped3A_30 = arith.constant 0 : i32
    "tpu.region"() ({
      %run_scoped3A_151 = tpu.sem_alloc : memref<!tpu.dma_semaphore, #tpu.memory_space<semaphore_mem>>
      %dma_start3A_152 = arith.constant 0 : i32
      %dma_start3A_153 = arith.constant 0 : i32
      %dma_start3A_154 = tpu.memref_slice %arg7[%run_scoped3A_30, %dma_start3A_152, %dma_start3A_153] : memref<5x40x128xf32, #tpu.memory_space<vmem>> -> memref<1x40x128xf32, #tpu.memory_space<vmem>>
      %dma_start3A_155 = tpu.memref_squeeze %dma_start3A_154 : memref<1x40x128xf32, #tpu.memory_space<vmem>> -> memref<40x128xf32, #tpu.memory_space<vmem>>
      %dma_start3A_156 = arith.constant 0 : i32
      %dma_start3A_157 = tpu.memref_slice %arg8[%add3A_29, %dma_start3A_156] : memref<10240x128xf32, #tpu.memory_space<vmem_shared>> -> memref<40x128xf32, #tpu.memory_space<vmem_shared>>
      %dma_start3A_158 = arith.constant 0 : i32
      %dma_start3A_159 = tpu.memref_slice %arg8[%add3A_29, %dma_start3A_158] : memref<10240x128xf32, #tpu.memory_space<vmem_shared>> -> memref<40x128xf32, #tpu.memory_space<vmem_shared>>
      %dma_start3A_160 = arith.constant 0 : i32
      %dma_start3A_161 = arith.constant 0 : i32
      %dma_start3A_162 = tpu.memref_slice %arg7[%run_scoped3A_30, %dma_start3A_160, %dma_start3A_161] : memref<5x40x128xf32, #tpu.memory_space<vmem>> -> memref<1x40x128xf32, #tpu.memory_space<vmem>>
      %dma_start3A_163 = tpu.memref_squeeze %dma_start3A_162 : memref<1x40x128xf32, #tpu.memory_space<vmem>> -> memref<40x128xf32, #tpu.memory_space<vmem>>
      tpu.enqueue_dma source(%dma_start3A_163 : memref<40x128xf32, #tpu.memory_space<vmem>>) target(%dma_start3A_159 : memref<40x128xf32, #tpu.memory_space<vmem_shared>>) target_semaphore(%run_scoped3A_151 : memref<!tpu.dma_semaphore, #tpu.memory_space<semaphore_mem>>)
      %dma_wait3A = arith.constant 0 : i32
      %dma_wait3A_164 = arith.constant 0 : i32
      %dma_wait3A_165 = tpu.memref_slice %arg7[%run_scoped3A_30, %dma_wait3A, %dma_wait3A_164] : memref<5x40x128xf32, #tpu.memory_space<vmem>> -> memref<1x40x128xf32, #tpu.memory_space<vmem>>
      %dma_wait3A_166 = tpu.memref_squeeze %dma_wait3A_165 : memref<1x40x128xf32, #tpu.memory_space<vmem>> -> memref<40x128xf32, #tpu.memory_space<vmem>>
      %dma_wait3A_167 = arith.constant 0 : i32
      %dma_wait3A_168 = tpu.memref_slice %arg8[%add3A_29, %dma_wait3A_167] : memref<10240x128xf32, #tpu.memory_space<vmem_shared>> -> memref<40x128xf32, #tpu.memory_space<vmem_shared>>
      %dma_wait3A_169 = arith.constant 0 : i32
      %dma_wait3A_170 = tpu.memref_slice %arg8[%add3A_29, %dma_wait3A_169] : memref<10240x128xf32, #tpu.memory_space<vmem_shared>> -> memref<40x128xf32, #tpu.memory_space<vmem_shared>>
      %dma_wait3A_171 = arith.constant 0 : i32
      %dma_wait3A_172 = arith.constant 0 : i32
      %dma_wait3A_173 = tpu.memref_slice %arg7[%run_scoped3A_30, %dma_wait3A_171, %dma_wait3A_172] : memref<5x40x128xf32, #tpu.memory_space<vmem>> -> memref<1x40x128xf32, #tpu.memory_space<vmem>>
      %dma_wait3A_174 = tpu.memref_squeeze %dma_wait3A_173 : memref<1x40x128xf32, #tpu.memory_space<vmem>> -> memref<40x128xf32, #tpu.memory_space<vmem>>
      tpu.wait_dma2 semaphore(%run_scoped3A_151 : memref<!tpu.dma_semaphore, #tpu.memory_space<semaphore_mem>>) src(%dma_wait3A_174 : memref<40x128xf32, #tpu.memory_space<vmem>>) dst(%dma_wait3A_170 : memref<40x128xf32, #tpu.memory_space<vmem_shared>>)
      tpu.yield
    }) : () -> ()
    %mul3A_31 = arith.constant 640 : i32
    %mul3A_32 = arith.muli %arg1, %mul3A_31 : i32
    %add3A_33 = arith.constant 160 : i32
    %add3A_34 = arith.addi %mul3A_32, %add3A_33 : i32
    %run_scoped3A_35 = arith.constant 0 : i32
    "tpu.region"() ({
      %run_scoped3A_151 = tpu.sem_alloc : memref<!tpu.dma_semaphore, #tpu.memory_space<semaphore_mem>>
      %dma_start3A_152 = arith.constant 0 : i32
      %dma_start3A_153 = arith.constant 0 : i32
      %dma_start3A_154 = tpu.memref_slice %arg7[%run_scoped3A_35, %dma_start3A_152, %dma_start3A_153] : memref<5x40x128xf32, #tpu.memory_space<vmem>> -> memref<1x40x128xf32, #tpu.memory_space<vmem>>
      %dma_start3A_155 = tpu.memref_squeeze %dma_start3A_154 : memref<1x40x128xf32, #tpu.memory_space<vmem>> -> memref<40x128xf32, #tpu.memory_space<vmem>>
      %dma_start3A_156 = arith.constant 0 : i32
      %dma_start3A_157 = tpu.memref_slice %arg8[%add3A_34, %dma_start3A_156] : memref<10240x128xf32, #tpu.memory_space<vmem_shared>> -> memref<40x128xf32, #tpu.memory_space<vmem_shared>>
      %dma_start3A_158 = arith.constant 0 : i32
      %dma_start3A_159 = tpu.memref_slice %arg8[%add3A_34, %dma_start3A_158] : memref<10240x128xf32, #tpu.memory_space<vmem_shared>> -> memref<40x128xf32, #tpu.memory_space<vmem_shared>>
      %dma_start3A_160 = arith.constant 0 : i32
      %dma_start3A_161 = arith.constant 0 : i32
      %dma_start3A_162 = tpu.memref_slice %arg7[%run_scoped3A_35, %dma_start3A_160, %dma_start3A_161] : memref<5x40x128xf32, #tpu.memory_space<vmem>> -> memref<1x40x128xf32, #tpu.memory_space<vmem>>
      %dma_start3A_163 = tpu.memref_squeeze %dma_start3A_162 : memref<1x40x128xf32, #tpu.memory_space<vmem>> -> memref<40x128xf32, #tpu.memory_space<vmem>>
      tpu.enqueue_dma source(%dma_start3A_163 : memref<40x128xf32, #tpu.memory_space<vmem>>) target(%dma_start3A_159 : memref<40x128xf32, #tpu.memory_space<vmem_shared>>) target_semaphore(%run_scoped3A_151 : memref<!tpu.dma_semaphore, #tpu.memory_space<semaphore_mem>>)
      %dma_wait3A = arith.constant 0 : i32
      %dma_wait3A_164 = arith.constant 0 : i32
      %dma_wait3A_165 = tpu.memref_slice %arg7[%run_scoped3A_35, %dma_wait3A, %dma_wait3A_164] : memref<5x40x128xf32, #tpu.memory_space<vmem>> -> memref<1x40x128xf32, #tpu.memory_space<vmem>>
      %dma_wait3A_166 = tpu.memref_squeeze %dma_wait3A_165 : memref<1x40x128xf32, #tpu.memory_space<vmem>> -> memref<40x128xf32, #tpu.memory_space<vmem>>
      %dma_wait3A_167 = arith.constant 0 : i32
      %dma_wait3A_168 = tpu.memref_slice %arg8[%add3A_34, %dma_wait3A_167] : memref<10240x128xf32, #tpu.memory_space<vmem_shared>> -> memref<40x128xf32, #tpu.memory_space<vmem_shared>>
      %dma_wait3A_169 = arith.constant 0 : i32
      %dma_wait3A_170 = tpu.memref_slice %arg8[%add3A_34, %dma_wait3A_169] : memref<10240x128xf32, #tpu.memory_space<vmem_shared>> -> memref<40x128xf32, #tpu.memory_space<vmem_shared>>
      %dma_wait3A_171 = arith.constant 0 : i32
      %dma_wait3A_172 = arith.constant 0 : i32
      %dma_wait3A_173 = tpu.memref_slice %arg7[%run_scoped3A_35, %dma_wait3A_171, %dma_wait3A_172] : memref<5x40x128xf32, #tpu.memory_space<vmem>> -> memref<1x40x128xf32, #tpu.memory_space<vmem>>
      %dma_wait3A_174 = tpu.memref_squeeze %dma_wait3A_173 : memref<1x40x128xf32, #tpu.memory_space<vmem>> -> memref<40x128xf32, #tpu.memory_space<vmem>>
      tpu.wait_dma2 semaphore(%run_scoped3A_151 : memref<!tpu.dma_semaphore, #tpu.memory_space<semaphore_mem>>) src(%dma_wait3A_174 : memref<40x128xf32, #tpu.memory_space<vmem>>) dst(%dma_wait3A_170 : memref<40x128xf32, #tpu.memory_space<vmem_shared>>)
      tpu.yield
    }) : () -> ()
    %mul3A_36 = arith.constant 640 : i32
    %mul3A_37 = arith.muli %arg1, %mul3A_36 : i32
    %add3A_38 = arith.constant 200 : i32
    %add3A_39 = arith.addi %mul3A_37, %add3A_38 : i32
    %run_scoped3A_40 = arith.constant 0 : i32
    "tpu.region"() ({
      %run_scoped3A_151 = tpu.sem_alloc : memref<!tpu.dma_semaphore, #tpu.memory_space<semaphore_mem>>
      %dma_start3A_152 = arith.constant 0 : i32
      %dma_start3A_153 = arith.constant 0 : i32
      %dma_start3A_154 = tpu.memref_slice %arg7[%run_scoped3A_40, %dma_start3A_152, %dma_start3A_153] : memref<5x40x128xf32, #tpu.memory_space<vmem>> -> memref<1x40x128xf32, #tpu.memory_space<vmem>>
      %dma_start3A_155 = tpu.memref_squeeze %dma_start3A_154 : memref<1x40x128xf32, #tpu.memory_space<vmem>> -> memref<40x128xf32, #tpu.memory_space<vmem>>
      %dma_start3A_156 = arith.constant 0 : i32
      %dma_start3A_157 = tpu.memref_slice %arg8[%add3A_39, %dma_start3A_156] : memref<10240x128xf32, #tpu.memory_space<vmem_shared>> -> memref<40x128xf32, #tpu.memory_space<vmem_shared>>
      %dma_start3A_158 = arith.constant 0 : i32
      %dma_start3A_159 = tpu.memref_slice %arg8[%add3A_39, %dma_start3A_158] : memref<10240x128xf32, #tpu.memory_space<vmem_shared>> -> memref<40x128xf32, #tpu.memory_space<vmem_shared>>
      %dma_start3A_160 = arith.constant 0 : i32
      %dma_start3A_161 = arith.constant 0 : i32
      %dma_start3A_162 = tpu.memref_slice %arg7[%run_scoped3A_40, %dma_start3A_160, %dma_start3A_161] : memref<5x40x128xf32, #tpu.memory_space<vmem>> -> memref<1x40x128xf32, #tpu.memory_space<vmem>>
      %dma_start3A_163 = tpu.memref_squeeze %dma_start3A_162 : memref<1x40x128xf32, #tpu.memory_space<vmem>> -> memref<40x128xf32, #tpu.memory_space<vmem>>
      tpu.enqueue_dma source(%dma_start3A_163 : memref<40x128xf32, #tpu.memory_space<vmem>>) target(%dma_start3A_159 : memref<40x128xf32, #tpu.memory_space<vmem_shared>>) target_semaphore(%run_scoped3A_151 : memref<!tpu.dma_semaphore, #tpu.memory_space<semaphore_mem>>)
      %dma_wait3A = arith.constant 0 : i32
      %dma_wait3A_164 = arith.constant 0 : i32
      %dma_wait3A_165 = tpu.memref_slice %arg7[%run_scoped3A_40, %dma_wait3A, %dma_wait3A_164] : memref<5x40x128xf32, #tpu.memory_space<vmem>> -> memref<1x40x128xf32, #tpu.memory_space<vmem>>
      %dma_wait3A_166 = tpu.memref_squeeze %dma_wait3A_165 : memref<1x40x128xf32, #tpu.memory_space<vmem>> -> memref<40x128xf32, #tpu.memory_space<vmem>>
      %dma_wait3A_167 = arith.constant 0 : i32
      %dma_wait3A_168 = tpu.memref_slice %arg8[%add3A_39, %dma_wait3A_167] : memref<10240x128xf32, #tpu.memory_space<vmem_shared>> -> memref<40x128xf32, #tpu.memory_space<vmem_shared>>
      %dma_wait3A_169 = arith.constant 0 : i32
      %dma_wait3A_170 = tpu.memref_slice %arg8[%add3A_39, %dma_wait3A_169] : memref<10240x128xf32, #tpu.memory_space<vmem_shared>> -> memref<40x128xf32, #tpu.memory_space<vmem_shared>>
      %dma_wait3A_171 = arith.constant 0 : i32
      %dma_wait3A_172 = arith.constant 0 : i32
      %dma_wait3A_173 = tpu.memref_slice %arg7[%run_scoped3A_40, %dma_wait3A_171, %dma_wait3A_172] : memref<5x40x128xf32, #tpu.memory_space<vmem>> -> memref<1x40x128xf32, #tpu.memory_space<vmem>>
      %dma_wait3A_174 = tpu.memref_squeeze %dma_wait3A_173 : memref<1x40x128xf32, #tpu.memory_space<vmem>> -> memref<40x128xf32, #tpu.memory_space<vmem>>
      tpu.wait_dma2 semaphore(%run_scoped3A_151 : memref<!tpu.dma_semaphore, #tpu.memory_space<semaphore_mem>>) src(%dma_wait3A_174 : memref<40x128xf32, #tpu.memory_space<vmem>>) dst(%dma_wait3A_170 : memref<40x128xf32, #tpu.memory_space<vmem_shared>>)
      tpu.yield
    }) : () -> ()
    %mul3A_41 = arith.constant 640 : i32
    %mul3A_42 = arith.muli %arg1, %mul3A_41 : i32
    %add3A_43 = arith.constant 240 : i32
    %add3A_44 = arith.addi %mul3A_42, %add3A_43 : i32
    %run_scoped3A_45 = arith.constant 0 : i32
    "tpu.region"() ({
      %run_scoped3A_151 = tpu.sem_alloc : memref<!tpu.dma_semaphore, #tpu.memory_space<semaphore_mem>>
      %dma_start3A_152 = arith.constant 0 : i32
      %dma_start3A_153 = arith.constant 0 : i32
      %dma_start3A_154 = tpu.memref_slice %arg7[%run_scoped3A_45, %dma_start3A_152, %dma_start3A_153] : memref<5x40x128xf32, #tpu.memory_space<vmem>> -> memref<1x40x128xf32, #tpu.memory_space<vmem>>
      %dma_start3A_155 = tpu.memref_squeeze %dma_start3A_154 : memref<1x40x128xf32, #tpu.memory_space<vmem>> -> memref<40x128xf32, #tpu.memory_space<vmem>>
      %dma_start3A_156 = arith.constant 0 : i32
      %dma_start3A_157 = tpu.memref_slice %arg8[%add3A_44, %dma_start3A_156] : memref<10240x128xf32, #tpu.memory_space<vmem_shared>> -> memref<40x128xf32, #tpu.memory_space<vmem_shared>>
      %dma_start3A_158 = arith.constant 0 : i32
      %dma_start3A_159 = tpu.memref_slice %arg8[%add3A_44, %dma_start3A_158] : memref<10240x128xf32, #tpu.memory_space<vmem_shared>> -> memref<40x128xf32, #tpu.memory_space<vmem_shared>>
      %dma_start3A_160 = arith.constant 0 : i32
      %dma_start3A_161 = arith.constant 0 : i32
      %dma_start3A_162 = tpu.memref_slice %arg7[%run_scoped3A_45, %dma_start3A_160, %dma_start3A_161] : memref<5x40x128xf32, #tpu.memory_space<vmem>> -> memref<1x40x128xf32, #tpu.memory_space<vmem>>
      %dma_start3A_163 = tpu.memref_squeeze %dma_start3A_162 : memref<1x40x128xf32, #tpu.memory_space<vmem>> -> memref<40x128xf32, #tpu.memory_space<vmem>>
      tpu.enqueue_dma source(%dma_start3A_163 : memref<40x128xf32, #tpu.memory_space<vmem>>) target(%dma_start3A_159 : memref<40x128xf32, #tpu.memory_space<vmem_shared>>) target_semaphore(%run_scoped3A_151 : memref<!tpu.dma_semaphore, #tpu.memory_space<semaphore_mem>>)
      %dma_wait3A = arith.constant 0 : i32
      %dma_wait3A_164 = arith.constant 0 : i32
      %dma_wait3A_165 = tpu.memref_slice %arg7[%run_scoped3A_45, %dma_wait3A, %dma_wait3A_164] : memref<5x40x128xf32, #tpu.memory_space<vmem>> -> memref<1x40x128xf32, #tpu.memory_space<vmem>>
      %dma_wait3A_166 = tpu.memref_squeeze %dma_wait3A_165 : memref<1x40x128xf32, #tpu.memory_space<vmem>> -> memref<40x128xf32, #tpu.memory_space<vmem>>
      %dma_wait3A_167 = arith.constant 0 : i32
      %dma_wait3A_168 = tpu.memref_slice %arg8[%add3A_44, %dma_wait3A_167] : memref<10240x128xf32, #tpu.memory_space<vmem_shared>> -> memref<40x128xf32, #tpu.memory_space<vmem_shared>>
      %dma_wait3A_169 = arith.constant 0 : i32
      %dma_wait3A_170 = tpu.memref_slice %arg8[%add3A_44, %dma_wait3A_169] : memref<10240x128xf32, #tpu.memory_space<vmem_shared>> -> memref<40x128xf32, #tpu.memory_space<vmem_shared>>
      %dma_wait3A_171 = arith.constant 0 : i32
      %dma_wait3A_172 = arith.constant 0 : i32
      %dma_wait3A_173 = tpu.memref_slice %arg7[%run_scoped3A_45, %dma_wait3A_171, %dma_wait3A_172] : memref<5x40x128xf32, #tpu.memory_space<vmem>> -> memref<1x40x128xf32, #tpu.memory_space<vmem>>
      %dma_wait3A_174 = tpu.memref_squeeze %dma_wait3A_173 : memref<1x40x128xf32, #tpu.memory_space<vmem>> -> memref<40x128xf32, #tpu.memory_space<vmem>>
      tpu.wait_dma2 semaphore(%run_scoped3A_151 : memref<!tpu.dma_semaphore, #tpu.memory_space<semaphore_mem>>) src(%dma_wait3A_174 : memref<40x128xf32, #tpu.memory_space<vmem>>) dst(%dma_wait3A_170 : memref<40x128xf32, #tpu.memory_space<vmem_shared>>)
      tpu.yield
    }) : () -> ()
    %mul3A_46 = arith.constant 640 : i32
    %mul3A_47 = arith.muli %arg1, %mul3A_46 : i32
    %add3A_48 = arith.constant 280 : i32
    %add3A_49 = arith.addi %mul3A_47, %add3A_48 : i32
    %run_scoped3A_50 = arith.constant 0 : i32
    "tpu.region"() ({
      %run_scoped3A_151 = tpu.sem_alloc : memref<!tpu.dma_semaphore, #tpu.memory_space<semaphore_mem>>
      %dma_start3A_152 = arith.constant 0 : i32
      %dma_start3A_153 = arith.constant 0 : i32
      %dma_start3A_154 = tpu.memref_slice %arg7[%run_scoped3A_50, %dma_start3A_152, %dma_start3A_153] : memref<5x40x128xf32, #tpu.memory_space<vmem>> -> memref<1x40x128xf32, #tpu.memory_space<vmem>>
      %dma_start3A_155 = tpu.memref_squeeze %dma_start3A_154 : memref<1x40x128xf32, #tpu.memory_space<vmem>> -> memref<40x128xf32, #tpu.memory_space<vmem>>
      %dma_start3A_156 = arith.constant 0 : i32
      %dma_start3A_157 = tpu.memref_slice %arg8[%add3A_49, %dma_start3A_156] : memref<10240x128xf32, #tpu.memory_space<vmem_shared>> -> memref<40x128xf32, #tpu.memory_space<vmem_shared>>
      %dma_start3A_158 = arith.constant 0 : i32
      %dma_start3A_159 = tpu.memref_slice %arg8[%add3A_49, %dma_start3A_158] : memref<10240x128xf32, #tpu.memory_space<vmem_shared>> -> memref<40x128xf32, #tpu.memory_space<vmem_shared>>
      %dma_start3A_160 = arith.constant 0 : i32
      %dma_start3A_161 = arith.constant 0 : i32
      %dma_start3A_162 = tpu.memref_slice %arg7[%run_scoped3A_50, %dma_start3A_160, %dma_start3A_161] : memref<5x40x128xf32, #tpu.memory_space<vmem>> -> memref<1x40x128xf32, #tpu.memory_space<vmem>>
      %dma_start3A_163 = tpu.memref_squeeze %dma_start3A_162 : memref<1x40x128xf32, #tpu.memory_space<vmem>> -> memref<40x128xf32, #tpu.memory_space<vmem>>
      tpu.enqueue_dma source(%dma_start3A_163 : memref<40x128xf32, #tpu.memory_space<vmem>>) target(%dma_start3A_159 : memref<40x128xf32, #tpu.memory_space<vmem_shared>>) target_semaphore(%run_scoped3A_151 : memref<!tpu.dma_semaphore, #tpu.memory_space<semaphore_mem>>)
      %dma_wait3A = arith.constant 0 : i32
      %dma_wait3A_164 = arith.constant 0 : i32
      %dma_wait3A_165 = tpu.memref_slice %arg7[%run_scoped3A_50, %dma_wait3A, %dma_wait3A_164] : memref<5x40x128xf32, #tpu.memory_space<vmem>> -> memref<1x40x128xf32, #tpu.memory_space<vmem>>
      %dma_wait3A_166 = tpu.memref_squeeze %dma_wait3A_165 : memref<1x40x128xf32, #tpu.memory_space<vmem>> -> memref<40x128xf32, #tpu.memory_space<vmem>>
      %dma_wait3A_167 = arith.constant 0 : i32
      %dma_wait3A_168 = tpu.memref_slice %arg8[%add3A_49, %dma_wait3A_167] : memref<10240x128xf32, #tpu.memory_space<vmem_shared>> -> memref<40x128xf32, #tpu.memory_space<vmem_shared>>
      %dma_wait3A_169 = arith.constant 0 : i32
      %dma_wait3A_170 = tpu.memref_slice %arg8[%add3A_49, %dma_wait3A_169] : memref<10240x128xf32, #tpu.memory_space<vmem_shared>> -> memref<40x128xf32, #tpu.memory_space<vmem_shared>>
      %dma_wait3A_171 = arith.constant 0 : i32
      %dma_wait3A_172 = arith.constant 0 : i32
      %dma_wait3A_173 = tpu.memref_slice %arg7[%run_scoped3A_50, %dma_wait3A_171, %dma_wait3A_172] : memref<5x40x128xf32, #tpu.memory_space<vmem>> -> memref<1x40x128xf32, #tpu.memory_space<vmem>>
      %dma_wait3A_174 = tpu.memref_squeeze %dma_wait3A_173 : memref<1x40x128xf32, #tpu.memory_space<vmem>> -> memref<40x128xf32, #tpu.memory_space<vmem>>
      tpu.wait_dma2 semaphore(%run_scoped3A_151 : memref<!tpu.dma_semaphore, #tpu.memory_space<semaphore_mem>>) src(%dma_wait3A_174 : memref<40x128xf32, #tpu.memory_space<vmem>>) dst(%dma_wait3A_170 : memref<40x128xf32, #tpu.memory_space<vmem_shared>>)
      tpu.yield
    }) : () -> ()
    %mul3A_51 = arith.constant 640 : i32
    %mul3A_52 = arith.muli %arg1, %mul3A_51 : i32
    %add3A_53 = arith.constant 320 : i32
    %add3A_54 = arith.addi %mul3A_52, %add3A_53 : i32
    %run_scoped3A_55 = arith.constant 0 : i32
    "tpu.region"() ({
      %run_scoped3A_151 = tpu.sem_alloc : memref<!tpu.dma_semaphore, #tpu.memory_space<semaphore_mem>>
      %dma_start3A_152 = arith.constant 0 : i32
      %dma_start3A_153 = arith.constant 0 : i32
      %dma_start3A_154 = tpu.memref_slice %arg7[%run_scoped3A_55, %dma_start3A_152, %dma_start3A_153] : memref<5x40x128xf32, #tpu.memory_space<vmem>> -> memref<1x40x128xf32, #tpu.memory_space<vmem>>
      %dma_start3A_155 = tpu.memref_squeeze %dma_start3A_154 : memref<1x40x128xf32, #tpu.memory_space<vmem>> -> memref<40x128xf32, #tpu.memory_space<vmem>>
      %dma_start3A_156 = arith.constant 0 : i32
      %dma_start3A_157 = tpu.memref_slice %arg8[%add3A_54, %dma_start3A_156] : memref<10240x128xf32, #tpu.memory_space<vmem_shared>> -> memref<40x128xf32, #tpu.memory_space<vmem_shared>>
      %dma_start3A_158 = arith.constant 0 : i32
      %dma_start3A_159 = tpu.memref_slice %arg8[%add3A_54, %dma_start3A_158] : memref<10240x128xf32, #tpu.memory_space<vmem_shared>> -> memref<40x128xf32, #tpu.memory_space<vmem_shared>>
      %dma_start3A_160 = arith.constant 0 : i32
      %dma_start3A_161 = arith.constant 0 : i32
      %dma_start3A_162 = tpu.memref_slice %arg7[%run_scoped3A_55, %dma_start3A_160, %dma_start3A_161] : memref<5x40x128xf32, #tpu.memory_space<vmem>> -> memref<1x40x128xf32, #tpu.memory_space<vmem>>
      %dma_start3A_163 = tpu.memref_squeeze %dma_start3A_162 : memref<1x40x128xf32, #tpu.memory_space<vmem>> -> memref<40x128xf32, #tpu.memory_space<vmem>>
      tpu.enqueue_dma source(%dma_start3A_163 : memref<40x128xf32, #tpu.memory_space<vmem>>) target(%dma_start3A_159 : memref<40x128xf32, #tpu.memory_space<vmem_shared>>) target_semaphore(%run_scoped3A_151 : memref<!tpu.dma_semaphore, #tpu.memory_space<semaphore_mem>>)
      %dma_wait3A = arith.constant 0 : i32
      %dma_wait3A_164 = arith.constant 0 : i32
      %dma_wait3A_165 = tpu.memref_slice %arg7[%run_scoped3A_55, %dma_wait3A, %dma_wait3A_164] : memref<5x40x128xf32, #tpu.memory_space<vmem>> -> memref<1x40x128xf32, #tpu.memory_space<vmem>>
      %dma_wait3A_166 = tpu.memref_squeeze %dma_wait3A_165 : memref<1x40x128xf32, #tpu.memory_space<vmem>> -> memref<40x128xf32, #tpu.memory_space<vmem>>
      %dma_wait3A_167 = arith.constant 0 : i32
      %dma_wait3A_168 = tpu.memref_slice %arg8[%add3A_54, %dma_wait3A_167] : memref<10240x128xf32, #tpu.memory_space<vmem_shared>> -> memref<40x128xf32, #tpu.memory_space<vmem_shared>>
      %dma_wait3A_169 = arith.constant 0 : i32
      %dma_wait3A_170 = tpu.memref_slice %arg8[%add3A_54, %dma_wait3A_169] : memref<10240x128xf32, #tpu.memory_space<vmem_shared>> -> memref<40x128xf32, #tpu.memory_space<vmem_shared>>
      %dma_wait3A_171 = arith.constant 0 : i32
      %dma_wait3A_172 = arith.constant 0 : i32
      %dma_wait3A_173 = tpu.memref_slice %arg7[%run_scoped3A_55, %dma_wait3A_171, %dma_wait3A_172] : memref<5x40x128xf32, #tpu.memory_space<vmem>> -> memref<1x40x128xf32, #tpu.memory_space<vmem>>
      %dma_wait3A_174 = tpu.memref_squeeze %dma_wait3A_173 : memref<1x40x128xf32, #tpu.memory_space<vmem>> -> memref<40x128xf32, #tpu.memory_space<vmem>>
      tpu.wait_dma2 semaphore(%run_scoped3A_151 : memref<!tpu.dma_semaphore, #tpu.memory_space<semaphore_mem>>) src(%dma_wait3A_174 : memref<40x128xf32, #tpu.memory_space<vmem>>) dst(%dma_wait3A_170 : memref<40x128xf32, #tpu.memory_space<vmem_shared>>)
      tpu.yield
    }) : () -> ()
    %mul3A_56 = arith.constant 640 : i32
    %mul3A_57 = arith.muli %arg1, %mul3A_56 : i32
    %add3A_58 = arith.constant 360 : i32
    %add3A_59 = arith.addi %mul3A_57, %add3A_58 : i32
    %run_scoped3A_60 = arith.constant 0 : i32
    "tpu.region"() ({
      %run_scoped3A_151 = tpu.sem_alloc : memref<!tpu.dma_semaphore, #tpu.memory_space<semaphore_mem>>
      %dma_start3A_152 = arith.constant 0 : i32
      %dma_start3A_153 = arith.constant 0 : i32
      %dma_start3A_154 = tpu.memref_slice %arg7[%run_scoped3A_60, %dma_start3A_152, %dma_start3A_153] : memref<5x40x128xf32, #tpu.memory_space<vmem>> -> memref<1x40x128xf32, #tpu.memory_space<vmem>>
      %dma_start3A_155 = tpu.memref_squeeze %dma_start3A_154 : memref<1x40x128xf32, #tpu.memory_space<vmem>> -> memref<40x128xf32, #tpu.memory_space<vmem>>
      %dma_start3A_156 = arith.constant 0 : i32
      %dma_start3A_157 = tpu.memref_slice %arg8[%add3A_59, %dma_start3A_156] : memref<10240x128xf32, #tpu.memory_space<vmem_shared>> -> memref<40x128xf32, #tpu.memory_space<vmem_shared>>
      %dma_start3A_158 = arith.constant 0 : i32
      %dma_start3A_159 = tpu.memref_slice %arg8[%add3A_59, %dma_start3A_158] : memref<10240x128xf32, #tpu.memory_space<vmem_shared>> -> memref<40x128xf32, #tpu.memory_space<vmem_shared>>
      %dma_start3A_160 = arith.constant 0 : i32
      %dma_start3A_161 = arith.constant 0 : i32
      %dma_start3A_162 = tpu.memref_slice %arg7[%run_scoped3A_60, %dma_start3A_160, %dma_start3A_161] : memref<5x40x128xf32, #tpu.memory_space<vmem>> -> memref<1x40x128xf32, #tpu.memory_space<vmem>>
      %dma_start3A_163 = tpu.memref_squeeze %dma_start3A_162 : memref<1x40x128xf32, #tpu.memory_space<vmem>> -> memref<40x128xf32, #tpu.memory_space<vmem>>
      tpu.enqueue_dma source(%dma_start3A_163 : memref<40x128xf32, #tpu.memory_space<vmem>>) target(%dma_start3A_159 : memref<40x128xf32, #tpu.memory_space<vmem_shared>>) target_semaphore(%run_scoped3A_151 : memref<!tpu.dma_semaphore, #tpu.memory_space<semaphore_mem>>)
      %dma_wait3A = arith.constant 0 : i32
      %dma_wait3A_164 = arith.constant 0 : i32
      %dma_wait3A_165 = tpu.memref_slice %arg7[%run_scoped3A_60, %dma_wait3A, %dma_wait3A_164] : memref<5x40x128xf32, #tpu.memory_space<vmem>> -> memref<1x40x128xf32, #tpu.memory_space<vmem>>
      %dma_wait3A_166 = tpu.memref_squeeze %dma_wait3A_165 : memref<1x40x128xf32, #tpu.memory_space<vmem>> -> memref<40x128xf32, #tpu.memory_space<vmem>>
      %dma_wait3A_167 = arith.constant 0 : i32
      %dma_wait3A_168 = tpu.memref_slice %arg8[%add3A_59, %dma_wait3A_167] : memref<10240x128xf32, #tpu.memory_space<vmem_shared>> -> memref<40x128xf32, #tpu.memory_space<vmem_shared>>
      %dma_wait3A_169 = arith.constant 0 : i32
      %dma_wait3A_170 = tpu.memref_slice %arg8[%add3A_59, %dma_wait3A_169] : memref<10240x128xf32, #tpu.memory_space<vmem_shared>> -> memref<40x128xf32, #tpu.memory_space<vmem_shared>>
      %dma_wait3A_171 = arith.constant 0 : i32
      %dma_wait3A_172 = arith.constant 0 : i32
      %dma_wait3A_173 = tpu.memref_slice %arg7[%run_scoped3A_60, %dma_wait3A_171, %dma_wait3A_172] : memref<5x40x128xf32, #tpu.memory_space<vmem>> -> memref<1x40x128xf32, #tpu.memory_space<vmem>>
      %dma_wait3A_174 = tpu.memref_squeeze %dma_wait3A_173 : memref<1x40x128xf32, #tpu.memory_space<vmem>> -> memref<40x128xf32, #tpu.memory_space<vmem>>
      tpu.wait_dma2 semaphore(%run_scoped3A_151 : memref<!tpu.dma_semaphore, #tpu.memory_space<semaphore_mem>>) src(%dma_wait3A_174 : memref<40x128xf32, #tpu.memory_space<vmem>>) dst(%dma_wait3A_170 : memref<40x128xf32, #tpu.memory_space<vmem_shared>>)
      tpu.yield
    }) : () -> ()
    %mul3A_61 = arith.constant 640 : i32
    %mul3A_62 = arith.muli %arg1, %mul3A_61 : i32
    %add3A_63 = arith.constant 400 : i32
    %add3A_64 = arith.addi %mul3A_62, %add3A_63 : i32
    %run_scoped3A_65 = arith.constant 0 : i32
    "tpu.region"() ({
      %run_scoped3A_151 = tpu.sem_alloc : memref<!tpu.dma_semaphore, #tpu.memory_space<semaphore_mem>>
      %dma_start3A_152 = arith.constant 0 : i32
      %dma_start3A_153 = arith.constant 0 : i32
      %dma_start3A_154 = tpu.memref_slice %arg7[%run_scoped3A_65, %dma_start3A_152, %dma_start3A_153] : memref<5x40x128xf32, #tpu.memory_space<vmem>> -> memref<1x40x128xf32, #tpu.memory_space<vmem>>
      %dma_start3A_155 = tpu.memref_squeeze %dma_start3A_154 : memref<1x40x128xf32, #tpu.memory_space<vmem>> -> memref<40x128xf32, #tpu.memory_space<vmem>>
      %dma_start3A_156 = arith.constant 0 : i32
      %dma_start3A_157 = tpu.memref_slice %arg8[%add3A_64, %dma_start3A_156] : memref<10240x128xf32, #tpu.memory_space<vmem_shared>> -> memref<40x128xf32, #tpu.memory_space<vmem_shared>>
      %dma_start3A_158 = arith.constant 0 : i32
      %dma_start3A_159 = tpu.memref_slice %arg8[%add3A_64, %dma_start3A_158] : memref<10240x128xf32, #tpu.memory_space<vmem_shared>> -> memref<40x128xf32, #tpu.memory_space<vmem_shared>>
      %dma_start3A_160 = arith.constant 0 : i32
      %dma_start3A_161 = arith.constant 0 : i32
      %dma_start3A_162 = tpu.memref_slice %arg7[%run_scoped3A_65, %dma_start3A_160, %dma_start3A_161] : memref<5x40x128xf32, #tpu.memory_space<vmem>> -> memref<1x40x128xf32, #tpu.memory_space<vmem>>
      %dma_start3A_163 = tpu.memref_squeeze %dma_start3A_162 : memref<1x40x128xf32, #tpu.memory_space<vmem>> -> memref<40x128xf32, #tpu.memory_space<vmem>>
      tpu.enqueue_dma source(%dma_start3A_163 : memref<40x128xf32, #tpu.memory_space<vmem>>) target(%dma_start3A_159 : memref<40x128xf32, #tpu.memory_space<vmem_shared>>) target_semaphore(%run_scoped3A_151 : memref<!tpu.dma_semaphore, #tpu.memory_space<semaphore_mem>>)
      %dma_wait3A = arith.constant 0 : i32
      %dma_wait3A_164 = arith.constant 0 : i32
      %dma_wait3A_165 = tpu.memref_slice %arg7[%run_scoped3A_65, %dma_wait3A, %dma_wait3A_164] : memref<5x40x128xf32, #tpu.memory_space<vmem>> -> memref<1x40x128xf32, #tpu.memory_space<vmem>>
      %dma_wait3A_166 = tpu.memref_squeeze %dma_wait3A_165 : memref<1x40x128xf32, #tpu.memory_space<vmem>> -> memref<40x128xf32, #tpu.memory_space<vmem>>
      %dma_wait3A_167 = arith.constant 0 : i32
      %dma_wait3A_168 = tpu.memref_slice %arg8[%add3A_64, %dma_wait3A_167] : memref<10240x128xf32, #tpu.memory_space<vmem_shared>> -> memref<40x128xf32, #tpu.memory_space<vmem_shared>>
      %dma_wait3A_169 = arith.constant 0 : i32
      %dma_wait3A_170 = tpu.memref_slice %arg8[%add3A_64, %dma_wait3A_169] : memref<10240x128xf32, #tpu.memory_space<vmem_shared>> -> memref<40x128xf32, #tpu.memory_space<vmem_shared>>
      %dma_wait3A_171 = arith.constant 0 : i32
      %dma_wait3A_172 = arith.constant 0 : i32
      %dma_wait3A_173 = tpu.memref_slice %arg7[%run_scoped3A_65, %dma_wait3A_171, %dma_wait3A_172] : memref<5x40x128xf32, #tpu.memory_space<vmem>> -> memref<1x40x128xf32, #tpu.memory_space<vmem>>
      %dma_wait3A_174 = tpu.memref_squeeze %dma_wait3A_173 : memref<1x40x128xf32, #tpu.memory_space<vmem>> -> memref<40x128xf32, #tpu.memory_space<vmem>>
      tpu.wait_dma2 semaphore(%run_scoped3A_151 : memref<!tpu.dma_semaphore, #tpu.memory_space<semaphore_mem>>) src(%dma_wait3A_174 : memref<40x128xf32, #tpu.memory_space<vmem>>) dst(%dma_wait3A_170 : memref<40x128xf32, #tpu.memory_space<vmem_shared>>)
      tpu.yield
    }) : () -> ()
    %mul3A_66 = arith.constant 640 : i32
    %mul3A_67 = arith.muli %arg1, %mul3A_66 : i32
    %add3A_68 = arith.constant 440 : i32
    %add3A_69 = arith.addi %mul3A_67, %add3A_68 : i32
    %run_scoped3A_70 = arith.constant 0 : i32
    "tpu.region"() ({
      %run_scoped3A_151 = tpu.sem_alloc : memref<!tpu.dma_semaphore, #tpu.memory_space<semaphore_mem>>
      %dma_start3A_152 = arith.constant 0 : i32
      %dma_start3A_153 = arith.constant 0 : i32
      %dma_start3A_154 = tpu.memref_slice %arg7[%run_scoped3A_70, %dma_start3A_152, %dma_start3A_153] : memref<5x40x128xf32, #tpu.memory_space<vmem>> -> memref<1x40x128xf32, #tpu.memory_space<vmem>>
      %dma_start3A_155 = tpu.memref_squeeze %dma_start3A_154 : memref<1x40x128xf32, #tpu.memory_space<vmem>> -> memref<40x128xf32, #tpu.memory_space<vmem>>
      %dma_start3A_156 = arith.constant 0 : i32
      %dma_start3A_157 = tpu.memref_slice %arg8[%add3A_69, %dma_start3A_156] : memref<10240x128xf32, #tpu.memory_space<vmem_shared>> -> memref<40x128xf32, #tpu.memory_space<vmem_shared>>
      %dma_start3A_158 = arith.constant 0 : i32
      %dma_start3A_159 = tpu.memref_slice %arg8[%add3A_69, %dma_start3A_158] : memref<10240x128xf32, #tpu.memory_space<vmem_shared>> -> memref<40x128xf32, #tpu.memory_space<vmem_shared>>
      %dma_start3A_160 = arith.constant 0 : i32
      %dma_start3A_161 = arith.constant 0 : i32
      %dma_start3A_162 = tpu.memref_slice %arg7[%run_scoped3A_70, %dma_start3A_160, %dma_start3A_161] : memref<5x40x128xf32, #tpu.memory_space<vmem>> -> memref<1x40x128xf32, #tpu.memory_space<vmem>>
      %dma_start3A_163 = tpu.memref_squeeze %dma_start3A_162 : memref<1x40x128xf32, #tpu.memory_space<vmem>> -> memref<40x128xf32, #tpu.memory_space<vmem>>
      tpu.enqueue_dma source(%dma_start3A_163 : memref<40x128xf32, #tpu.memory_space<vmem>>) target(%dma_start3A_159 : memref<40x128xf32, #tpu.memory_space<vmem_shared>>) target_semaphore(%run_scoped3A_151 : memref<!tpu.dma_semaphore, #tpu.memory_space<semaphore_mem>>)
      %dma_wait3A = arith.constant 0 : i32
      %dma_wait3A_164 = arith.constant 0 : i32
      %dma_wait3A_165 = tpu.memref_slice %arg7[%run_scoped3A_70, %dma_wait3A, %dma_wait3A_164] : memref<5x40x128xf32, #tpu.memory_space<vmem>> -> memref<1x40x128xf32, #tpu.memory_space<vmem>>
      %dma_wait3A_166 = tpu.memref_squeeze %dma_wait3A_165 : memref<1x40x128xf32, #tpu.memory_space<vmem>> -> memref<40x128xf32, #tpu.memory_space<vmem>>
      %dma_wait3A_167 = arith.constant 0 : i32
      %dma_wait3A_168 = tpu.memref_slice %arg8[%add3A_69, %dma_wait3A_167] : memref<10240x128xf32, #tpu.memory_space<vmem_shared>> -> memref<40x128xf32, #tpu.memory_space<vmem_shared>>
      %dma_wait3A_169 = arith.constant 0 : i32
      %dma_wait3A_170 = tpu.memref_slice %arg8[%add3A_69, %dma_wait3A_169] : memref<10240x128xf32, #tpu.memory_space<vmem_shared>> -> memref<40x128xf32, #tpu.memory_space<vmem_shared>>
      %dma_wait3A_171 = arith.constant 0 : i32
      %dma_wait3A_172 = arith.constant 0 : i32
      %dma_wait3A_173 = tpu.memref_slice %arg7[%run_scoped3A_70, %dma_wait3A_171, %dma_wait3A_172] : memref<5x40x128xf32, #tpu.memory_space<vmem>> -> memref<1x40x128xf32, #tpu.memory_space<vmem>>
      %dma_wait3A_174 = tpu.memref_squeeze %dma_wait3A_173 : memref<1x40x128xf32, #tpu.memory_space<vmem>> -> memref<40x128xf32, #tpu.memory_space<vmem>>
      tpu.wait_dma2 semaphore(%run_scoped3A_151 : memref<!tpu.dma_semaphore, #tpu.memory_space<semaphore_mem>>) src(%dma_wait3A_174 : memref<40x128xf32, #tpu.memory_space<vmem>>) dst(%dma_wait3A_170 : memref<40x128xf32, #tpu.memory_space<vmem_shared>>)
      tpu.yield
    }) : () -> ()
    %mul3A_71 = arith.constant 640 : i32
    %mul3A_72 = arith.muli %arg1, %mul3A_71 : i32
    %add3A_73 = arith.constant 480 : i32
    %add3A_74 = arith.addi %mul3A_72, %add3A_73 : i32
    %run_scoped3A_75 = arith.constant 0 : i32
    "tpu.region"() ({
      %run_scoped3A_151 = tpu.sem_alloc : memref<!tpu.dma_semaphore, #tpu.memory_space<semaphore_mem>>
      %dma_start3A_152 = arith.constant 0 : i32
      %dma_start3A_153 = arith.constant 0 : i32
      %dma_start3A_154 = tpu.memref_slice %arg7[%run_scoped3A_75, %dma_start3A_152, %dma_start3A_153] : memref<5x40x128xf32, #tpu.memory_space<vmem>> -> memref<1x40x128xf32, #tpu.memory_space<vmem>>
      %dma_start3A_155 = tpu.memref_squeeze %dma_start3A_154 : memref<1x40x128xf32, #tpu.memory_space<vmem>> -> memref<40x128xf32, #tpu.memory_space<vmem>>
      %dma_start3A_156 = arith.constant 0 : i32
      %dma_start3A_157 = tpu.memref_slice %arg8[%add3A_74, %dma_start3A_156] : memref<10240x128xf32, #tpu.memory_space<vmem_shared>> -> memref<40x128xf32, #tpu.memory_space<vmem_shared>>
      %dma_start3A_158 = arith.constant 0 : i32
      %dma_start3A_159 = tpu.memref_slice %arg8[%add3A_74, %dma_start3A_158] : memref<10240x128xf32, #tpu.memory_space<vmem_shared>> -> memref<40x128xf32, #tpu.memory_space<vmem_shared>>
      %dma_start3A_160 = arith.constant 0 : i32
      %dma_start3A_161 = arith.constant 0 : i32
      %dma_start3A_162 = tpu.memref_slice %arg7[%run_scoped3A_75, %dma_start3A_160, %dma_start3A_161] : memref<5x40x128xf32, #tpu.memory_space<vmem>> -> memref<1x40x128xf32, #tpu.memory_space<vmem>>
      %dma_start3A_163 = tpu.memref_squeeze %dma_start3A_162 : memref<1x40x128xf32, #tpu.memory_space<vmem>> -> memref<40x128xf32, #tpu.memory_space<vmem>>
      tpu.enqueue_dma source(%dma_start3A_163 : memref<40x128xf32, #tpu.memory_space<vmem>>) target(%dma_start3A_159 : memref<40x128xf32, #tpu.memory_space<vmem_shared>>) target_semaphore(%run_scoped3A_151 : memref<!tpu.dma_semaphore, #tpu.memory_space<semaphore_mem>>)
      %dma_wait3A = arith.constant 0 : i32
      %dma_wait3A_164 = arith.constant 0 : i32
      %dma_wait3A_165 = tpu.memref_slice %arg7[%run_scoped3A_75, %dma_wait3A, %dma_wait3A_164] : memref<5x40x128xf32, #tpu.memory_space<vmem>> -> memref<1x40x128xf32, #tpu.memory_space<vmem>>
      %dma_wait3A_166 = tpu.memref_squeeze %dma_wait3A_165 : memref<1x40x128xf32, #tpu.memory_space<vmem>> -> memref<40x128xf32, #tpu.memory_space<vmem>>
      %dma_wait3A_167 = arith.constant 0 : i32
      %dma_wait3A_168 = tpu.memref_slice %arg8[%add3A_74, %dma_wait3A_167] : memref<10240x128xf32, #tpu.memory_space<vmem_shared>> -> memref<40x128xf32, #tpu.memory_space<vmem_shared>>
      %dma_wait3A_169 = arith.constant 0 : i32
      %dma_wait3A_170 = tpu.memref_slice %arg8[%add3A_74, %dma_wait3A_169] : memref<10240x128xf32, #tpu.memory_space<vmem_shared>> -> memref<40x128xf32, #tpu.memory_space<vmem_shared>>
      %dma_wait3A_171 = arith.constant 0 : i32
      %dma_wait3A_172 = arith.constant 0 : i32
      %dma_wait3A_173 = tpu.memref_slice %arg7[%run_scoped3A_75, %dma_wait3A_171, %dma_wait3A_172] : memref<5x40x128xf32, #tpu.memory_space<vmem>> -> memref<1x40x128xf32, #tpu.memory_space<vmem>>
      %dma_wait3A_174 = tpu.memref_squeeze %dma_wait3A_173 : memref<1x40x128xf32, #tpu.memory_space<vmem>> -> memref<40x128xf32, #tpu.memory_space<vmem>>
      tpu.wait_dma2 semaphore(%run_scoped3A_151 : memref<!tpu.dma_semaphore, #tpu.memory_space<semaphore_mem>>) src(%dma_wait3A_174 : memref<40x128xf32, #tpu.memory_space<vmem>>) dst(%dma_wait3A_170 : memref<40x128xf32, #tpu.memory_space<vmem_shared>>)
      tpu.yield
    }) : () -> ()
    %mul3A_76 = arith.constant 640 : i32
    %mul3A_77 = arith.muli %arg1, %mul3A_76 : i32
    %add3A_78 = arith.constant 520 : i32
    %add3A_79 = arith.addi %mul3A_77, %add3A_78 : i32
    %run_scoped3A_80 = arith.constant 0 : i32
    "tpu.region"() ({
      %run_scoped3A_151 = tpu.sem_alloc : memref<!tpu.dma_semaphore, #tpu.memory_space<semaphore_mem>>
      %dma_start3A_152 = arith.constant 0 : i32
      %dma_start3A_153 = arith.constant 0 : i32
      %dma_start3A_154 = tpu.memref_slice %arg7[%run_scoped3A_80, %dma_start3A_152, %dma_start3A_153] : memref<5x40x128xf32, #tpu.memory_space<vmem>> -> memref<1x40x128xf32, #tpu.memory_space<vmem>>
      %dma_start3A_155 = tpu.memref_squeeze %dma_start3A_154 : memref<1x40x128xf32, #tpu.memory_space<vmem>> -> memref<40x128xf32, #tpu.memory_space<vmem>>
      %dma_start3A_156 = arith.constant 0 : i32
      %dma_start3A_157 = tpu.memref_slice %arg8[%add3A_79, %dma_start3A_156] : memref<10240x128xf32, #tpu.memory_space<vmem_shared>> -> memref<40x128xf32, #tpu.memory_space<vmem_shared>>
      %dma_start3A_158 = arith.constant 0 : i32
      %dma_start3A_159 = tpu.memref_slice %arg8[%add3A_79, %dma_start3A_158] : memref<10240x128xf32, #tpu.memory_space<vmem_shared>> -> memref<40x128xf32, #tpu.memory_space<vmem_shared>>
      %dma_start3A_160 = arith.constant 0 : i32
      %dma_start3A_161 = arith.constant 0 : i32
      %dma_start3A_162 = tpu.memref_slice %arg7[%run_scoped3A_80, %dma_start3A_160, %dma_start3A_161] : memref<5x40x128xf32, #tpu.memory_space<vmem>> -> memref<1x40x128xf32, #tpu.memory_space<vmem>>
      %dma_start3A_163 = tpu.memref_squeeze %dma_start3A_162 : memref<1x40x128xf32, #tpu.memory_space<vmem>> -> memref<40x128xf32, #tpu.memory_space<vmem>>
      tpu.enqueue_dma source(%dma_start3A_163 : memref<40x128xf32, #tpu.memory_space<vmem>>) target(%dma_start3A_159 : memref<40x128xf32, #tpu.memory_space<vmem_shared>>) target_semaphore(%run_scoped3A_151 : memref<!tpu.dma_semaphore, #tpu.memory_space<semaphore_mem>>)
      %dma_wait3A = arith.constant 0 : i32
      %dma_wait3A_164 = arith.constant 0 : i32
      %dma_wait3A_165 = tpu.memref_slice %arg7[%run_scoped3A_80, %dma_wait3A, %dma_wait3A_164] : memref<5x40x128xf32, #tpu.memory_space<vmem>> -> memref<1x40x128xf32, #tpu.memory_space<vmem>>
      %dma_wait3A_166 = tpu.memref_squeeze %dma_wait3A_165 : memref<1x40x128xf32, #tpu.memory_space<vmem>> -> memref<40x128xf32, #tpu.memory_space<vmem>>
      %dma_wait3A_167 = arith.constant 0 : i32
      %dma_wait3A_168 = tpu.memref_slice %arg8[%add3A_79, %dma_wait3A_167] : memref<10240x128xf32, #tpu.memory_space<vmem_shared>> -> memref<40x128xf32, #tpu.memory_space<vmem_shared>>
      %dma_wait3A_169 = arith.constant 0 : i32
      %dma_wait3A_170 = tpu.memref_slice %arg8[%add3A_79, %dma_wait3A_169] : memref<10240x128xf32, #tpu.memory_space<vmem_shared>> -> memref<40x128xf32, #tpu.memory_space<vmem_shared>>
      %dma_wait3A_171 = arith.constant 0 : i32
      %dma_wait3A_172 = arith.constant 0 : i32
      %dma_wait3A_173 = tpu.memref_slice %arg7[%run_scoped3A_80, %dma_wait3A_171, %dma_wait3A_172] : memref<5x40x128xf32, #tpu.memory_space<vmem>> -> memref<1x40x128xf32, #tpu.memory_space<vmem>>
      %dma_wait3A_174 = tpu.memref_squeeze %dma_wait3A_173 : memref<1x40x128xf32, #tpu.memory_space<vmem>> -> memref<40x128xf32, #tpu.memory_space<vmem>>
      tpu.wait_dma2 semaphore(%run_scoped3A_151 : memref<!tpu.dma_semaphore, #tpu.memory_space<semaphore_mem>>) src(%dma_wait3A_174 : memref<40x128xf32, #tpu.memory_space<vmem>>) dst(%dma_wait3A_170 : memref<40x128xf32, #tpu.memory_space<vmem_shared>>)
      tpu.yield
    }) : () -> ()
    %mul3A_81 = arith.constant 640 : i32
    %mul3A_82 = arith.muli %arg1, %mul3A_81 : i32
    %add3A_83 = arith.constant 560 : i32
    %add3A_84 = arith.addi %mul3A_82, %add3A_83 : i32
    %run_scoped3A_85 = arith.constant 0 : i32
    "tpu.region"() ({
      %run_scoped3A_151 = tpu.sem_alloc : memref<!tpu.dma_semaphore, #tpu.memory_space<semaphore_mem>>
      %dma_start3A_152 = arith.constant 0 : i32
      %dma_start3A_153 = arith.constant 0 : i32
      %dma_start3A_154 = tpu.memref_slice %arg7[%run_scoped3A_85, %dma_start3A_152, %dma_start3A_153] : memref<5x40x128xf32, #tpu.memory_space<vmem>> -> memref<1x40x128xf32, #tpu.memory_space<vmem>>
      %dma_start3A_155 = tpu.memref_squeeze %dma_start3A_154 : memref<1x40x128xf32, #tpu.memory_space<vmem>> -> memref<40x128xf32, #tpu.memory_space<vmem>>
      %dma_start3A_156 = arith.constant 0 : i32
      %dma_start3A_157 = tpu.memref_slice %arg8[%add3A_84, %dma_start3A_156] : memref<10240x128xf32, #tpu.memory_space<vmem_shared>> -> memref<40x128xf32, #tpu.memory_space<vmem_shared>>
      %dma_start3A_158 = arith.constant 0 : i32
      %dma_start3A_159 = tpu.memref_slice %arg8[%add3A_84, %dma_start3A_158] : memref<10240x128xf32, #tpu.memory_space<vmem_shared>> -> memref<40x128xf32, #tpu.memory_space<vmem_shared>>
      %dma_start3A_160 = arith.constant 0 : i32
      %dma_start3A_161 = arith.constant 0 : i32
      %dma_start3A_162 = tpu.memref_slice %arg7[%run_scoped3A_85, %dma_start3A_160, %dma_start3A_161] : memref<5x40x128xf32, #tpu.memory_space<vmem>> -> memref<1x40x128xf32, #tpu.memory_space<vmem>>
      %dma_start3A_163 = tpu.memref_squeeze %dma_start3A_162 : memref<1x40x128xf32, #tpu.memory_space<vmem>> -> memref<40x128xf32, #tpu.memory_space<vmem>>
      tpu.enqueue_dma source(%dma_start3A_163 : memref<40x128xf32, #tpu.memory_space<vmem>>) target(%dma_start3A_159 : memref<40x128xf32, #tpu.memory_space<vmem_shared>>) target_semaphore(%run_scoped3A_151 : memref<!tpu.dma_semaphore, #tpu.memory_space<semaphore_mem>>)
      %dma_wait3A = arith.constant 0 : i32
      %dma_wait3A_164 = arith.constant 0 : i32
      %dma_wait3A_165 = tpu.memref_slice %arg7[%run_scoped3A_85, %dma_wait3A, %dma_wait3A_164] : memref<5x40x128xf32, #tpu.memory_space<vmem>> -> memref<1x40x128xf32, #tpu.memory_space<vmem>>
      %dma_wait3A_166 = tpu.memref_squeeze %dma_wait3A_165 : memref<1x40x128xf32, #tpu.memory_space<vmem>> -> memref<40x128xf32, #tpu.memory_space<vmem>>
      %dma_wait3A_167 = arith.constant 0 : i32
      %dma_wait3A_168 = tpu.memref_slice %arg8[%add3A_84, %dma_wait3A_167] : memref<10240x128xf32, #tpu.memory_space<vmem_shared>> -> memref<40x128xf32, #tpu.memory_space<vmem_shared>>
      %dma_wait3A_169 = arith.constant 0 : i32
      %dma_wait3A_170 = tpu.memref_slice %arg8[%add3A_84, %dma_wait3A_169] : memref<10240x128xf32, #tpu.memory_space<vmem_shared>> -> memref<40x128xf32, #tpu.memory_space<vmem_shared>>
      %dma_wait3A_171 = arith.constant 0 : i32
      %dma_wait3A_172 = arith.constant 0 : i32
      %dma_wait3A_173 = tpu.memref_slice %arg7[%run_scoped3A_85, %dma_wait3A_171, %dma_wait3A_172] : memref<5x40x128xf32, #tpu.memory_space<vmem>> -> memref<1x40x128xf32, #tpu.memory_space<vmem>>
      %dma_wait3A_174 = tpu.memref_squeeze %dma_wait3A_173 : memref<1x40x128xf32, #tpu.memory_space<vmem>> -> memref<40x128xf32, #tpu.memory_space<vmem>>
      tpu.wait_dma2 semaphore(%run_scoped3A_151 : memref<!tpu.dma_semaphore, #tpu.memory_space<semaphore_mem>>) src(%dma_wait3A_174 : memref<40x128xf32, #tpu.memory_space<vmem>>) dst(%dma_wait3A_170 : memref<40x128xf32, #tpu.memory_space<vmem_shared>>)
      tpu.yield
    }) : () -> ()
    %mul3A_86 = arith.constant 640 : i32
    %mul3A_87 = arith.muli %arg1, %mul3A_86 : i32
    %add3A_88 = arith.constant 600 : i32
    %add3A_89 = arith.addi %mul3A_87, %add3A_88 : i32
    %run_scoped3A_90 = arith.constant 0 : i32
    "tpu.region"() ({
      %run_scoped3A_151 = tpu.sem_alloc : memref<!tpu.dma_semaphore, #tpu.memory_space<semaphore_mem>>
      %dma_start3A_152 = arith.constant 0 : i32
      %dma_start3A_153 = arith.constant 0 : i32
      %dma_start3A_154 = tpu.memref_slice %arg7[%run_scoped3A_90, %dma_start3A_152, %dma_start3A_153] : memref<5x40x128xf32, #tpu.memory_space<vmem>> -> memref<1x40x128xf32, #tpu.memory_space<vmem>>
      %dma_start3A_155 = tpu.memref_squeeze %dma_start3A_154 : memref<1x40x128xf32, #tpu.memory_space<vmem>> -> memref<40x128xf32, #tpu.memory_space<vmem>>
      %dma_start3A_156 = arith.constant 0 : i32
      %dma_start3A_157 = tpu.memref_slice %arg8[%add3A_89, %dma_start3A_156] : memref<10240x128xf32, #tpu.memory_space<vmem_shared>> -> memref<40x128xf32, #tpu.memory_space<vmem_shared>>
      %dma_start3A_158 = arith.constant 0 : i32
      %dma_start3A_159 = tpu.memref_slice %arg8[%add3A_89, %dma_start3A_158] : memref<10240x128xf32, #tpu.memory_space<vmem_shared>> -> memref<40x128xf32, #tpu.memory_space<vmem_shared>>
      %dma_start3A_160 = arith.constant 0 : i32
      %dma_start3A_161 = arith.constant 0 : i32
      %dma_start3A_162 = tpu.memref_slice %arg7[%run_scoped3A_90, %dma_start3A_160, %dma_start3A_161] : memref<5x40x128xf32, #tpu.memory_space<vmem>> -> memref<1x40x128xf32, #tpu.memory_space<vmem>>
      %dma_start3A_163 = tpu.memref_squeeze %dma_start3A_162 : memref<1x40x128xf32, #tpu.memory_space<vmem>> -> memref<40x128xf32, #tpu.memory_space<vmem>>
      tpu.enqueue_dma source(%dma_start3A_163 : memref<40x128xf32, #tpu.memory_space<vmem>>) target(%dma_start3A_159 : memref<40x128xf32, #tpu.memory_space<vmem_shared>>) target_semaphore(%run_scoped3A_151 : memref<!tpu.dma_semaphore, #tpu.memory_space<semaphore_mem>>)
      %dma_wait3A = arith.constant 0 : i32
      %dma_wait3A_164 = arith.constant 0 : i32
      %dma_wait3A_165 = tpu.memref_slice %arg7[%run_scoped3A_90, %dma_wait3A, %dma_wait3A_164] : memref<5x40x128xf32, #tpu.memory_space<vmem>> -> memref<1x40x128xf32, #tpu.memory_space<vmem>>
      %dma_wait3A_166 = tpu.memref_squeeze %dma_wait3A_165 : memref<1x40x128xf32, #tpu.memory_space<vmem>> -> memref<40x128xf32, #tpu.memory_space<vmem>>
      %dma_wait3A_167 = arith.constant 0 : i32
      %dma_wait3A_168 = tpu.memref_slice %arg8[%add3A_89, %dma_wait3A_167] : memref<10240x128xf32, #tpu.memory_space<vmem_shared>> -> memref<40x128xf32, #tpu.memory_space<vmem_shared>>
      %dma_wait3A_169 = arith.constant 0 : i32
      %dma_wait3A_170 = tpu.memref_slice %arg8[%add3A_89, %dma_wait3A_169] : memref<10240x128xf32, #tpu.memory_space<vmem_shared>> -> memref<40x128xf32, #tpu.memory_space<vmem_shared>>
      %dma_wait3A_171 = arith.constant 0 : i32
      %dma_wait3A_172 = arith.constant 0 : i32
      %dma_wait3A_173 = tpu.memref_slice %arg7[%run_scoped3A_90, %dma_wait3A_171, %dma_wait3A_172] : memref<5x40x128xf32, #tpu.memory_space<vmem>> -> memref<1x40x128xf32, #tpu.memory_space<vmem>>
      %dma_wait3A_174 = tpu.memref_squeeze %dma_wait3A_173 : memref<1x40x128xf32, #tpu.memory_space<vmem>> -> memref<40x128xf32, #tpu.memory_space<vmem>>
      tpu.wait_dma2 semaphore(%run_scoped3A_151 : memref<!tpu.dma_semaphore, #tpu.memory_space<semaphore_mem>>) src(%dma_wait3A_174 : memref<40x128xf32, #tpu.memory_space<vmem>>) dst(%dma_wait3A_170 : memref<40x128xf32, #tpu.memory_space<vmem_shared>>)
      tpu.yield
    }) : () -> ()
    %barrier3A = arith.constant 0 : index
    tpu.barrier barrier_id(%barrier3A)
    %dma_start3A = arith.constant 0 : i32
    %dma_start3A_91 = arith.constant 0 : i32
    %dma_start3A_92 = arith.constant 0 : i32
    %dma_start3A_93 = tpu.memref_slice %arg7[%dma_start3A, %dma_start3A_91, %dma_start3A_92] : memref<5x40x128xf32, #tpu.memory_space<vmem>> -> memref<1x40x128xf32, #tpu.memory_space<vmem>>
    %dma_start3A_94 = tpu.memref_squeeze %dma_start3A_93 : memref<1x40x128xf32, #tpu.memory_space<vmem>> -> memref<40x128xf32, #tpu.memory_space<vmem>>
    %dma_start3A_95 = arith.constant 0 : i32
    %dma_start3A_96 = tpu.memref_slice %arg5[%dma_start3A_95] : memref<10000xi32, #tpu.memory_space<vmem>> -> memref<40xi32, #tpu.memory_space<vmem>>
    %dma_start3A_97 = arith.constant 0 : i32
    %dma_start3A_98 = arith.constant 0 : i32
    %dma_start3A_99 = tpu.memref_slice %arg3[%dma_start3A_97, %dma_start3A_98] : memref<10000x128xf32, #tpu.memory_space<hbm>> -> memref<10000x128xf32, #tpu.memory_space<hbm>>
    tpu.enqueue_indirect_dma source(%dma_start3A_99 : memref<10000x128xf32, #tpu.memory_space<hbm>>) target(%dma_start3A_94 : memref<40x128xf32, #tpu.memory_space<vmem>>) offsets(%dma_start3A_96 : memref<40xi32, #tpu.memory_space<vmem>>) semaphore(%arg9 : memref<!tpu.dma_semaphore, #tpu.memory_space<semaphore_mem>>)
    %dma_start3A_100 = arith.constant 1 : i32
    %dma_start3A_101 = arith.constant 0 : i32
    %dma_start3A_102 = arith.constant 0 : i32
    %dma_start3A_103 = tpu.memref_slice %arg7[%dma_start3A_100, %dma_start3A_101, %dma_start3A_102] : memref<5x40x128xf32, #tpu.memory_space<vmem>> -> memref<1x40x128xf32, #tpu.memory_space<vmem>>
    %dma_start3A_104 = tpu.memref_squeeze %dma_start3A_103 : memref<1x40x128xf32, #tpu.memory_space<vmem>> -> memref<40x128xf32, #tpu.memory_space<vmem>>
    %dma_start3A_105 = arith.constant 40 : i32
    %dma_start3A_106 = tpu.memref_slice %arg5[%dma_start3A_105] : memref<10000xi32, #tpu.memory_space<vmem>> -> memref<40xi32, #tpu.memory_space<vmem>>
    %dma_start3A_107 = arith.constant 0 : i32
    %dma_start3A_108 = arith.constant 0 : i32
    %dma_start3A_109 = tpu.memref_slice %arg3[%dma_start3A_107, %dma_start3A_108] : memref<10000x128xf32, #tpu.memory_space<hbm>> -> memref<10000x128xf32, #tpu.memory_space<hbm>>
    tpu.enqueue_indirect_dma source(%dma_start3A_109 : memref<10000x128xf32, #tpu.memory_space<hbm>>) target(%dma_start3A_104 : memref<40x128xf32, #tpu.memory_space<vmem>>) offsets(%dma_start3A_106 : memref<40xi32, #tpu.memory_space<vmem>>) semaphore(%arg10 : memref<!tpu.dma_semaphore, #tpu.memory_space<semaphore_mem>>)
    %dma_start3A_110 = arith.constant 2 : i32
    %dma_start3A_111 = arith.constant 0 : i32
    %dma_start3A_112 = arith.constant 0 : i32
    %dma_start3A_113 = tpu.memref_slice %arg7[%dma_start3A_110, %dma_start3A_111, %dma_start3A_112] : memref<5x40x128xf32, #tpu.memory_space<vmem>> -> memref<1x40x128xf32, #tpu.memory_space<vmem>>
    %dma_start3A_114 = tpu.memref_squeeze %dma_start3A_113 : memref<1x40x128xf32, #tpu.memory_space<vmem>> -> memref<40x128xf32, #tpu.memory_space<vmem>>
    %dma_start3A_115 = arith.constant 80 : i32
    %dma_start3A_116 = tpu.memref_slice %arg5[%dma_start3A_115] : memref<10000xi32, #tpu.memory_space<vmem>> -> memref<40xi32, #tpu.memory_space<vmem>>
    %dma_start3A_117 = arith.constant 0 : i32
    %dma_start3A_118 = arith.constant 0 : i32
    %dma_start3A_119 = tpu.memref_slice %arg3[%dma_start3A_117, %dma_start3A_118] : memref<10000x128xf32, #tpu.memory_space<hbm>> -> memref<10000x128xf32, #tpu.memory_space<hbm>>
    tpu.enqueue_indirect_dma source(%dma_start3A_119 : memref<10000x128xf32, #tpu.memory_space<hbm>>) target(%dma_start3A_114 : memref<40x128xf32, #tpu.memory_space<vmem>>) offsets(%dma_start3A_116 : memref<40xi32, #tpu.memory_space<vmem>>) semaphore(%arg11 : memref<!tpu.dma_semaphore, #tpu.memory_space<semaphore_mem>>)
    %dma_start3A_120 = arith.constant 3 : i32
    %dma_start3A_121 = arith.constant 0 : i32
    %dma_start3A_122 = arith.constant 0 : i32
    %dma_start3A_123 = tpu.memref_slice %arg7[%dma_start3A_120, %dma_start3A_121, %dma_start3A_122] : memref<5x40x128xf32, #tpu.memory_space<vmem>> -> memref<1x40x128xf32, #tpu.memory_space<vmem>>
    %dma_start3A_124 = tpu.memref_squeeze %dma_start3A_123 : memref<1x40x128xf32, #tpu.memory_space<vmem>> -> memref<40x128xf32, #tpu.memory_space<vmem>>
    %dma_start3A_125 = arith.constant 120 : i32
    %dma_start3A_126 = tpu.memref_slice %arg5[%dma_start3A_125] : memref<10000xi32, #tpu.memory_space<vmem>> -> memref<40xi32, #tpu.memory_space<vmem>>
    %dma_start3A_127 = arith.constant 0 : i32
    %dma_start3A_128 = arith.constant 0 : i32
    %dma_start3A_129 = tpu.memref_slice %arg3[%dma_start3A_127, %dma_start3A_128] : memref<10000x128xf32, #tpu.memory_space<hbm>> -> memref<10000x128xf32, #tpu.memory_space<hbm>>
    tpu.enqueue_indirect_dma source(%dma_start3A_129 : memref<10000x128xf32, #tpu.memory_space<hbm>>) target(%dma_start3A_124 : memref<40x128xf32, #tpu.memory_space<vmem>>) offsets(%dma_start3A_126 : memref<40xi32, #tpu.memory_space<vmem>>) semaphore(%arg12 : memref<!tpu.dma_semaphore, #tpu.memory_space<semaphore_mem>>)
    %dma_start3A_130 = arith.constant 4 : i32
    %dma_start3A_131 = arith.constant 0 : i32
    %dma_start3A_132 = arith.constant 0 : i32
    %dma_start3A_133 = tpu.memref_slice %arg7[%dma_start3A_130, %dma_start3A_131, %dma_start3A_132] : memref<5x40x128xf32, #tpu.memory_space<vmem>> -> memref<1x40x128xf32, #tpu.memory_space<vmem>>
    %dma_start3A_134 = tpu.memref_squeeze %dma_start3A_133 : memref<1x40x128xf32, #tpu.memory_space<vmem>> -> memref<40x128xf32, #tpu.memory_space<vmem>>
    %dma_start3A_135 = arith.constant 160 : i32
    %dma_start3A_136 = tpu.memref_slice %arg5[%dma_start3A_135] : memref<10000xi32, #tpu.memory_space<vmem>> -> memref<40xi32, #tpu.memory_space<vmem>>
    %dma_start3A_137 = arith.constant 0 : i32
    %dma_start3A_138 = arith.constant 0 : i32
    %dma_start3A_139 = tpu.memref_slice %arg3[%dma_start3A_137, %dma_start3A_138] : memref<10000x128xf32, #tpu.memory_space<hbm>> -> memref<10000x128xf32, #tpu.memory_space<hbm>>
    tpu.enqueue_indirect_dma source(%dma_start3A_139 : memref<10000x128xf32, #tpu.memory_space<hbm>>) target(%dma_start3A_134 : memref<40x128xf32, #tpu.memory_space<vmem>>) offsets(%dma_start3A_136 : memref<40xi32, #tpu.memory_space<vmem>>) semaphore(%arg13 : memref<!tpu.dma_semaphore, #tpu.memory_space<semaphore_mem>>)
    %scan3A_140 = arith.constant 0 : i32
    %scan3A_141 = arith.constant 0 : i32
    %scan3A_142 = arith.constant 50 : i32
    %scan3A_143 = arith.addi %scan3A_141, %scan3A_142 : i32
    %scan3A_144 = arith.constant 1 : i32
    scf.for %scan3A_151 = %scan3A_141 to %scan3A_143 step %scan3A_144  : i32 {
      %mul3A_152 = arith.constant 5 : i32
      %mul3A_153 = arith.muli %scan3A_151, %mul3A_152 : i32
      %add3A_154 = arith.constant 0 : i32
      %add3A_155 = arith.addi %mul3A_153, %add3A_154 : i32
      %mul3A_156 = arith.constant 40 : i32
      %mul3A_157 = arith.muli %add3A_155, %mul3A_156 : i32
      %dma_wait3A = arith.constant 0 : i32
      %dma_wait3A_158 = arith.constant 0 : i32
      %dma_wait3A_159 = arith.constant 0 : i32
      %dma_wait3A_160 = tpu.memref_slice %arg7[%dma_wait3A, %dma_wait3A_158, %dma_wait3A_159] : memref<5x40x128xf32, #tpu.memory_space<vmem>> -> memref<1x40x128xf32, #tpu.memory_space<vmem>>
      %dma_wait3A_161 = tpu.memref_squeeze %dma_wait3A_160 : memref<1x40x128xf32, #tpu.memory_space<vmem>> -> memref<40x128xf32, #tpu.memory_space<vmem>>
      %dma_wait3A_162 = tpu.memref_slice %arg5[%mul3A_157] : memref<10000xi32, #tpu.memory_space<vmem>> -> memref<40xi32, #tpu.memory_space<vmem>>
      %dma_wait3A_163 = arith.constant 0 : i32
      %dma_wait3A_164 = arith.constant 0 : i32
      %dma_wait3A_165 = tpu.memref_slice %arg3[%dma_wait3A_163, %dma_wait3A_164] : memref<10000x128xf32, #tpu.memory_space<hbm>> -> memref<10000x128xf32, #tpu.memory_space<hbm>>
      tpu.wait_indirect_dma semaphore(%arg9 : memref<!tpu.dma_semaphore, #tpu.memory_space<semaphore_mem>>) src(%dma_wait3A_165 : memref<10000x128xf32, #tpu.memory_space<hbm>>) dst(%dma_wait3A_161 : memref<40x128xf32, #tpu.memory_space<vmem>>)
      %mul3A_166 = arith.constant 40 : i32
      %mul3A_167 = arith.muli %add3A_155, %mul3A_166 : i32
      %run_scoped3A_168 = arith.constant 0 : i32
      "tpu.region"() ({
        %run_scoped3A_265 = tpu.sem_alloc : memref<!tpu.dma_semaphore, #tpu.memory_space<semaphore_mem>>
        %dma_start3A_266 = arith.constant 0 : i32
        %dma_start3A_267 = arith.constant 0 : i32
        %dma_start3A_268 = tpu.memref_slice %arg7[%run_scoped3A_168, %dma_start3A_266, %dma_start3A_267] : memref<5x40x128xf32, #tpu.memory_space<vmem>> -> memref<1x40x128xf32, #tpu.memory_space<vmem>>
        %dma_start3A_269 = tpu.memref_squeeze %dma_start3A_268 : memref<1x40x128xf32, #tpu.memory_space<vmem>> -> memref<40x128xf32, #tpu.memory_space<vmem>>
        %dma_start3A_270 = tpu.memref_slice %arg6[%mul3A_167] : memref<10000xi32, #tpu.memory_space<vmem>> -> memref<40xi32, #tpu.memory_space<vmem>>
        %dma_start3A_271 = arith.constant 0 : i32
        %dma_start3A_272 = arith.constant 0 : i32
        %dma_start3A_273 = tpu.memref_slice %arg8[%dma_start3A_271, %dma_start3A_272] : memref<10240x128xf32, #tpu.memory_space<vmem_shared>> -> memref<10240x128xf32, #tpu.memory_space<vmem_shared>>
        tpu.enqueue_indirect_dma source(%dma_start3A_269 : memref<40x128xf32, #tpu.memory_space<vmem>>) target(%dma_start3A_273 : memref<10240x128xf32, #tpu.memory_space<vmem_shared>>) offsets(%dma_start3A_270 : memref<40xi32, #tpu.memory_space<vmem>>) semaphore(%run_scoped3A_265 : memref<!tpu.dma_semaphore, #tpu.memory_space<semaphore_mem>>) {add = true}
        %dma_wait3A_274 = arith.constant 0 : i32
        %dma_wait3A_275 = arith.constant 0 : i32
        %dma_wait3A_276 = tpu.memref_slice %arg7[%run_scoped3A_168, %dma_wait3A_274, %dma_wait3A_275] : memref<5x40x128xf32, #tpu.memory_space<vmem>> -> memref<1x40x128xf32, #tpu.memory_space<vmem>>
        %dma_wait3A_277 = tpu.memref_squeeze %dma_wait3A_276 : memref<1x40x128xf32, #tpu.memory_space<vmem>> -> memref<40x128xf32, #tpu.memory_space<vmem>>
        %dma_wait3A_278 = tpu.memref_slice %arg6[%mul3A_167] : memref<10000xi32, #tpu.memory_space<vmem>> -> memref<40xi32, #tpu.memory_space<vmem>>
        %dma_wait3A_279 = arith.constant 0 : i32
        %dma_wait3A_280 = arith.constant 0 : i32
        %dma_wait3A_281 = tpu.memref_slice %arg8[%dma_wait3A_279, %dma_wait3A_280] : memref<10240x128xf32, #tpu.memory_space<vmem_shared>> -> memref<10240x128xf32, #tpu.memory_space<vmem_shared>>
        tpu.wait_indirect_dma semaphore(%run_scoped3A_265 : memref<!tpu.dma_semaphore, #tpu.memory_space<semaphore_mem>>) src(%dma_wait3A_277 : memref<40x128xf32, #tpu.memory_space<vmem>>) dst(%dma_wait3A_281 : memref<10240x128xf32, #tpu.memory_space<vmem_shared>>)
        tpu.yield
      }) : () -> ()
      %add3A_169 = arith.constant 5 : i32
      %add3A_170 = arith.addi %add3A_155, %add3A_169 : i32
      %lt3A = arith.constant 250 : i32
      %lt3A_171 = arith.cmpi slt, %add3A_170, %lt3A : i32
      %convert_element_type3A = arith.extui %lt3A_171 : i1 to i32
      %cond3A = arith.constant 0 : i32
      %cond3A_172 = arith.cmpi ne, %convert_element_type3A, %cond3A : i32
      scf.if %cond3A_172 {
        %add3A_265 = arith.constant 5 : i32
        %add3A_266 = arith.addi %add3A_155, %add3A_265 : i32
        %mul3A_267 = arith.constant 40 : i32
        %mul3A_268 = arith.muli %add3A_266, %mul3A_267 : i32
        %dma_start3A_269 = arith.constant 0 : i32
        %dma_start3A_270 = arith.constant 0 : i32
        %dma_start3A_271 = arith.constant 0 : i32
        %dma_start3A_272 = tpu.memref_slice %arg7[%dma_start3A_269, %dma_start3A_270, %dma_start3A_271] : memref<5x40x128xf32, #tpu.memory_space<vmem>> -> memref<1x40x128xf32, #tpu.memory_space<vmem>>
        %dma_start3A_273 = tpu.memref_squeeze %dma_start3A_272 : memref<1x40x128xf32, #tpu.memory_space<vmem>> -> memref<40x128xf32, #tpu.memory_space<vmem>>
        %dma_start3A_274 = tpu.memref_slice %arg5[%mul3A_268] : memref<10000xi32, #tpu.memory_space<vmem>> -> memref<40xi32, #tpu.memory_space<vmem>>
        %dma_start3A_275 = arith.constant 0 : i32
        %dma_start3A_276 = arith.constant 0 : i32
        %dma_start3A_277 = tpu.memref_slice %arg3[%dma_start3A_275, %dma_start3A_276] : memref<10000x128xf32, #tpu.memory_space<hbm>> -> memref<10000x128xf32, #tpu.memory_space<hbm>>
        tpu.enqueue_indirect_dma source(%dma_start3A_277 : memref<10000x128xf32, #tpu.memory_space<hbm>>) target(%dma_start3A_273 : memref<40x128xf32, #tpu.memory_space<vmem>>) offsets(%dma_start3A_274 : memref<40xi32, #tpu.memory_space<vmem>>) semaphore(%arg9 : memref<!tpu.dma_semaphore, #tpu.memory_space<semaphore_mem>>)
      } else {
      }
      %add3A_173 = arith.constant 1 : i32
      %add3A_174 = arith.addi %mul3A_153, %add3A_173 : i32
      %mul3A_175 = arith.constant 40 : i32
      %mul3A_176 = arith.muli %add3A_174, %mul3A_175 : i32
      %dma_wait3A_177 = arith.constant 1 : i32
      %dma_wait3A_178 = arith.constant 0 : i32
      %dma_wait3A_179 = arith.constant 0 : i32
      %dma_wait3A_180 = tpu.memref_slice %arg7[%dma_wait3A_177, %dma_wait3A_178, %dma_wait3A_179] : memref<5x40x128xf32, #tpu.memory_space<vmem>> -> memref<1x40x128xf32, #tpu.memory_space<vmem>>
      %dma_wait3A_181 = tpu.memref_squeeze %dma_wait3A_180 : memref<1x40x128xf32, #tpu.memory_space<vmem>> -> memref<40x128xf32, #tpu.memory_space<vmem>>
      %dma_wait3A_182 = tpu.memref_slice %arg5[%mul3A_176] : memref<10000xi32, #tpu.memory_space<vmem>> -> memref<40xi32, #tpu.memory_space<vmem>>
      %dma_wait3A_183 = arith.constant 0 : i32
      %dma_wait3A_184 = arith.constant 0 : i32
      %dma_wait3A_185 = tpu.memref_slice %arg3[%dma_wait3A_183, %dma_wait3A_184] : memref<10000x128xf32, #tpu.memory_space<hbm>> -> memref<10000x128xf32, #tpu.memory_space<hbm>>
      tpu.wait_indirect_dma semaphore(%arg10 : memref<!tpu.dma_semaphore, #tpu.memory_space<semaphore_mem>>) src(%dma_wait3A_185 : memref<10000x128xf32, #tpu.memory_space<hbm>>) dst(%dma_wait3A_181 : memref<40x128xf32, #tpu.memory_space<vmem>>)
      %mul3A_186 = arith.constant 40 : i32
      %mul3A_187 = arith.muli %add3A_174, %mul3A_186 : i32
      %run_scoped3A_188 = arith.constant 1 : i32
      "tpu.region"() ({
        %run_scoped3A_265 = tpu.sem_alloc : memref<!tpu.dma_semaphore, #tpu.memory_space<semaphore_mem>>
        %dma_start3A_266 = arith.constant 0 : i32
        %dma_start3A_267 = arith.constant 0 : i32
        %dma_start3A_268 = tpu.memref_slice %arg7[%run_scoped3A_188, %dma_start3A_266, %dma_start3A_267] : memref<5x40x128xf32, #tpu.memory_space<vmem>> -> memref<1x40x128xf32, #tpu.memory_space<vmem>>
        %dma_start3A_269 = tpu.memref_squeeze %dma_start3A_268 : memref<1x40x128xf32, #tpu.memory_space<vmem>> -> memref<40x128xf32, #tpu.memory_space<vmem>>
        %dma_start3A_270 = tpu.memref_slice %arg6[%mul3A_187] : memref<10000xi32, #tpu.memory_space<vmem>> -> memref<40xi32, #tpu.memory_space<vmem>>
        %dma_start3A_271 = arith.constant 0 : i32
        %dma_start3A_272 = arith.constant 0 : i32
        %dma_start3A_273 = tpu.memref_slice %arg8[%dma_start3A_271, %dma_start3A_272] : memref<10240x128xf32, #tpu.memory_space<vmem_shared>> -> memref<10240x128xf32, #tpu.memory_space<vmem_shared>>
        tpu.enqueue_indirect_dma source(%dma_start3A_269 : memref<40x128xf32, #tpu.memory_space<vmem>>) target(%dma_start3A_273 : memref<10240x128xf32, #tpu.memory_space<vmem_shared>>) offsets(%dma_start3A_270 : memref<40xi32, #tpu.memory_space<vmem>>) semaphore(%run_scoped3A_265 : memref<!tpu.dma_semaphore, #tpu.memory_space<semaphore_mem>>) {add = true}
        %dma_wait3A_274 = arith.constant 0 : i32
        %dma_wait3A_275 = arith.constant 0 : i32
        %dma_wait3A_276 = tpu.memref_slice %arg7[%run_scoped3A_188, %dma_wait3A_274, %dma_wait3A_275] : memref<5x40x128xf32, #tpu.memory_space<vmem>> -> memref<1x40x128xf32, #tpu.memory_space<vmem>>
        %dma_wait3A_277 = tpu.memref_squeeze %dma_wait3A_276 : memref<1x40x128xf32, #tpu.memory_space<vmem>> -> memref<40x128xf32, #tpu.memory_space<vmem>>
        %dma_wait3A_278 = tpu.memref_slice %arg6[%mul3A_187] : memref<10000xi32, #tpu.memory_space<vmem>> -> memref<40xi32, #tpu.memory_space<vmem>>
        %dma_wait3A_279 = arith.constant 0 : i32
        %dma_wait3A_280 = arith.constant 0 : i32
        %dma_wait3A_281 = tpu.memref_slice %arg8[%dma_wait3A_279, %dma_wait3A_280] : memref<10240x128xf32, #tpu.memory_space<vmem_shared>> -> memref<10240x128xf32, #tpu.memory_space<vmem_shared>>
        tpu.wait_indirect_dma semaphore(%run_scoped3A_265 : memref<!tpu.dma_semaphore, #tpu.memory_space<semaphore_mem>>) src(%dma_wait3A_277 : memref<40x128xf32, #tpu.memory_space<vmem>>) dst(%dma_wait3A_281 : memref<10240x128xf32, #tpu.memory_space<vmem_shared>>)
        tpu.yield
      }) : () -> ()
      %add3A_189 = arith.constant 5 : i32
      %add3A_190 = arith.addi %add3A_174, %add3A_189 : i32
      %lt3A_191 = arith.constant 250 : i32
      %lt3A_192 = arith.cmpi slt, %add3A_190, %lt3A_191 : i32
      %convert_element_type3A_193 = arith.extui %lt3A_192 : i1 to i32
      %cond3A_194 = arith.constant 0 : i32
      %cond3A_195 = arith.cmpi ne, %convert_element_type3A_193, %cond3A_194 : i32
      scf.if %cond3A_195 {
        %add3A_265 = arith.constant 5 : i32
        %add3A_266 = arith.addi %add3A_174, %add3A_265 : i32
        %mul3A_267 = arith.constant 40 : i32
        %mul3A_268 = arith.muli %add3A_266, %mul3A_267 : i32
        %dma_start3A_269 = arith.constant 1 : i32
        %dma_start3A_270 = arith.constant 0 : i32
        %dma_start3A_271 = arith.constant 0 : i32
        %dma_start3A_272 = tpu.memref_slice %arg7[%dma_start3A_269, %dma_start3A_270, %dma_start3A_271] : memref<5x40x128xf32, #tpu.memory_space<vmem>> -> memref<1x40x128xf32, #tpu.memory_space<vmem>>
        %dma_start3A_273 = tpu.memref_squeeze %dma_start3A_272 : memref<1x40x128xf32, #tpu.memory_space<vmem>> -> memref<40x128xf32, #tpu.memory_space<vmem>>
        %dma_start3A_274 = tpu.memref_slice %arg5[%mul3A_268] : memref<10000xi32, #tpu.memory_space<vmem>> -> memref<40xi32, #tpu.memory_space<vmem>>
        %dma_start3A_275 = arith.constant 0 : i32
        %dma_start3A_276 = arith.constant 0 : i32
        %dma_start3A_277 = tpu.memref_slice %arg3[%dma_start3A_275, %dma_start3A_276] : memref<10000x128xf32, #tpu.memory_space<hbm>> -> memref<10000x128xf32, #tpu.memory_space<hbm>>
        tpu.enqueue_indirect_dma source(%dma_start3A_277 : memref<10000x128xf32, #tpu.memory_space<hbm>>) target(%dma_start3A_273 : memref<40x128xf32, #tpu.memory_space<vmem>>) offsets(%dma_start3A_274 : memref<40xi32, #tpu.memory_space<vmem>>) semaphore(%arg10 : memref<!tpu.dma_semaphore, #tpu.memory_space<semaphore_mem>>)
      } else {
      }
      %add3A_196 = arith.constant 2 : i32
      %add3A_197 = arith.addi %mul3A_153, %add3A_196 : i32
      %mul3A_198 = arith.constant 40 : i32
      %mul3A_199 = arith.muli %add3A_197, %mul3A_198 : i32
      %dma_wait3A_200 = arith.constant 2 : i32
      %dma_wait3A_201 = arith.constant 0 : i32
      %dma_wait3A_202 = arith.constant 0 : i32
      %dma_wait3A_203 = tpu.memref_slice %arg7[%dma_wait3A_200, %dma_wait3A_201, %dma_wait3A_202] : memref<5x40x128xf32, #tpu.memory_space<vmem>> -> memref<1x40x128xf32, #tpu.memory_space<vmem>>
      %dma_wait3A_204 = tpu.memref_squeeze %dma_wait3A_203 : memref<1x40x128xf32, #tpu.memory_space<vmem>> -> memref<40x128xf32, #tpu.memory_space<vmem>>
      %dma_wait3A_205 = tpu.memref_slice %arg5[%mul3A_199] : memref<10000xi32, #tpu.memory_space<vmem>> -> memref<40xi32, #tpu.memory_space<vmem>>
      %dma_wait3A_206 = arith.constant 0 : i32
      %dma_wait3A_207 = arith.constant 0 : i32
      %dma_wait3A_208 = tpu.memref_slice %arg3[%dma_wait3A_206, %dma_wait3A_207] : memref<10000x128xf32, #tpu.memory_space<hbm>> -> memref<10000x128xf32, #tpu.memory_space<hbm>>
      tpu.wait_indirect_dma semaphore(%arg11 : memref<!tpu.dma_semaphore, #tpu.memory_space<semaphore_mem>>) src(%dma_wait3A_208 : memref<10000x128xf32, #tpu.memory_space<hbm>>) dst(%dma_wait3A_204 : memref<40x128xf32, #tpu.memory_space<vmem>>)
      %mul3A_209 = arith.constant 40 : i32
      %mul3A_210 = arith.muli %add3A_197, %mul3A_209 : i32
      %run_scoped3A_211 = arith.constant 2 : i32
      "tpu.region"() ({
        %run_scoped3A_265 = tpu.sem_alloc : memref<!tpu.dma_semaphore, #tpu.memory_space<semaphore_mem>>
        %dma_start3A_266 = arith.constant 0 : i32
        %dma_start3A_267 = arith.constant 0 : i32
        %dma_start3A_268 = tpu.memref_slice %arg7[%run_scoped3A_211, %dma_start3A_266, %dma_start3A_267] : memref<5x40x128xf32, #tpu.memory_space<vmem>> -> memref<1x40x128xf32, #tpu.memory_space<vmem>>
        %dma_start3A_269 = tpu.memref_squeeze %dma_start3A_268 : memref<1x40x128xf32, #tpu.memory_space<vmem>> -> memref<40x128xf32, #tpu.memory_space<vmem>>
        %dma_start3A_270 = tpu.memref_slice %arg6[%mul3A_210] : memref<10000xi32, #tpu.memory_space<vmem>> -> memref<40xi32, #tpu.memory_space<vmem>>
        %dma_start3A_271 = arith.constant 0 : i32
        %dma_start3A_272 = arith.constant 0 : i32
        %dma_start3A_273 = tpu.memref_slice %arg8[%dma_start3A_271, %dma_start3A_272] : memref<10240x128xf32, #tpu.memory_space<vmem_shared>> -> memref<10240x128xf32, #tpu.memory_space<vmem_shared>>
        tpu.enqueue_indirect_dma source(%dma_start3A_269 : memref<40x128xf32, #tpu.memory_space<vmem>>) target(%dma_start3A_273 : memref<10240x128xf32, #tpu.memory_space<vmem_shared>>) offsets(%dma_start3A_270 : memref<40xi32, #tpu.memory_space<vmem>>) semaphore(%run_scoped3A_265 : memref<!tpu.dma_semaphore, #tpu.memory_space<semaphore_mem>>) {add = true}
        %dma_wait3A_274 = arith.constant 0 : i32
        %dma_wait3A_275 = arith.constant 0 : i32
        %dma_wait3A_276 = tpu.memref_slice %arg7[%run_scoped3A_211, %dma_wait3A_274, %dma_wait3A_275] : memref<5x40x128xf32, #tpu.memory_space<vmem>> -> memref<1x40x128xf32, #tpu.memory_space<vmem>>
        %dma_wait3A_277 = tpu.memref_squeeze %dma_wait3A_276 : memref<1x40x128xf32, #tpu.memory_space<vmem>> -> memref<40x128xf32, #tpu.memory_space<vmem>>
        %dma_wait3A_278 = tpu.memref_slice %arg6[%mul3A_210] : memref<10000xi32, #tpu.memory_space<vmem>> -> memref<40xi32, #tpu.memory_space<vmem>>
        %dma_wait3A_279 = arith.constant 0 : i32
        %dma_wait3A_280 = arith.constant 0 : i32
        %dma_wait3A_281 = tpu.memref_slice %arg8[%dma_wait3A_279, %dma_wait3A_280] : memref<10240x128xf32, #tpu.memory_space<vmem_shared>> -> memref<10240x128xf32, #tpu.memory_space<vmem_shared>>
        tpu.wait_indirect_dma semaphore(%run_scoped3A_265 : memref<!tpu.dma_semaphore, #tpu.memory_space<semaphore_mem>>) src(%dma_wait3A_277 : memref<40x128xf32, #tpu.memory_space<vmem>>) dst(%dma_wait3A_281 : memref<10240x128xf32, #tpu.memory_space<vmem_shared>>)
        tpu.yield
      }) : () -> ()
      %add3A_212 = arith.constant 5 : i32
      %add3A_213 = arith.addi %add3A_197, %add3A_212 : i32
      %lt3A_214 = arith.constant 250 : i32
      %lt3A_215 = arith.cmpi slt, %add3A_213, %lt3A_214 : i32
      %convert_element_type3A_216 = arith.extui %lt3A_215 : i1 to i32
      %cond3A_217 = arith.constant 0 : i32
      %cond3A_218 = arith.cmpi ne, %convert_element_type3A_216, %cond3A_217 : i32
      scf.if %cond3A_218 {
        %add3A_265 = arith.constant 5 : i32
        %add3A_266 = arith.addi %add3A_197, %add3A_265 : i32
        %mul3A_267 = arith.constant 40 : i32
        %mul3A_268 = arith.muli %add3A_266, %mul3A_267 : i32
        %dma_start3A_269 = arith.constant 2 : i32
        %dma_start3A_270 = arith.constant 0 : i32
        %dma_start3A_271 = arith.constant 0 : i32
        %dma_start3A_272 = tpu.memref_slice %arg7[%dma_start3A_269, %dma_start3A_270, %dma_start3A_271] : memref<5x40x128xf32, #tpu.memory_space<vmem>> -> memref<1x40x128xf32, #tpu.memory_space<vmem>>
        %dma_start3A_273 = tpu.memref_squeeze %dma_start3A_272 : memref<1x40x128xf32, #tpu.memory_space<vmem>> -> memref<40x128xf32, #tpu.memory_space<vmem>>
        %dma_start3A_274 = tpu.memref_slice %arg5[%mul3A_268] : memref<10000xi32, #tpu.memory_space<vmem>> -> memref<40xi32, #tpu.memory_space<vmem>>
        %dma_start3A_275 = arith.constant 0 : i32
        %dma_start3A_276 = arith.constant 0 : i32
        %dma_start3A_277 = tpu.memref_slice %arg3[%dma_start3A_275, %dma_start3A_276] : memref<10000x128xf32, #tpu.memory_space<hbm>> -> memref<10000x128xf32, #tpu.memory_space<hbm>>
        tpu.enqueue_indirect_dma source(%dma_start3A_277 : memref<10000x128xf32, #tpu.memory_space<hbm>>) target(%dma_start3A_273 : memref<40x128xf32, #tpu.memory_space<vmem>>) offsets(%dma_start3A_274 : memref<40xi32, #tpu.memory_space<vmem>>) semaphore(%arg11 : memref<!tpu.dma_semaphore, #tpu.memory_space<semaphore_mem>>)
      } else {
      }
      %add3A_219 = arith.constant 3 : i32
      %add3A_220 = arith.addi %mul3A_153, %add3A_219 : i32
      %mul3A_221 = arith.constant 40 : i32
      %mul3A_222 = arith.muli %add3A_220, %mul3A_221 : i32
      %dma_wait3A_223 = arith.constant 3 : i32
      %dma_wait3A_224 = arith.constant 0 : i32
      %dma_wait3A_225 = arith.constant 0 : i32
      %dma_wait3A_226 = tpu.memref_slice %arg7[%dma_wait3A_223, %dma_wait3A_224, %dma_wait3A_225] : memref<5x40x128xf32, #tpu.memory_space<vmem>> -> memref<1x40x128xf32, #tpu.memory_space<vmem>>
      %dma_wait3A_227 = tpu.memref_squeeze %dma_wait3A_226 : memref<1x40x128xf32, #tpu.memory_space<vmem>> -> memref<40x128xf32, #tpu.memory_space<vmem>>
      %dma_wait3A_228 = tpu.memref_slice %arg5[%mul3A_222] : memref<10000xi32, #tpu.memory_space<vmem>> -> memref<40xi32, #tpu.memory_space<vmem>>
      %dma_wait3A_229 = arith.constant 0 : i32
      %dma_wait3A_230 = arith.constant 0 : i32
      %dma_wait3A_231 = tpu.memref_slice %arg3[%dma_wait3A_229, %dma_wait3A_230] : memref<10000x128xf32, #tpu.memory_space<hbm>> -> memref<10000x128xf32, #tpu.memory_space<hbm>>
      tpu.wait_indirect_dma semaphore(%arg12 : memref<!tpu.dma_semaphore, #tpu.memory_space<semaphore_mem>>) src(%dma_wait3A_231 : memref<10000x128xf32, #tpu.memory_space<hbm>>) dst(%dma_wait3A_227 : memref<40x128xf32, #tpu.memory_space<vmem>>)
      %mul3A_232 = arith.constant 40 : i32
      %mul3A_233 = arith.muli %add3A_220, %mul3A_232 : i32
      %run_scoped3A_234 = arith.constant 3 : i32
      "tpu.region"() ({
        %run_scoped3A_265 = tpu.sem_alloc : memref<!tpu.dma_semaphore, #tpu.memory_space<semaphore_mem>>
        %dma_start3A_266 = arith.constant 0 : i32
        %dma_start3A_267 = arith.constant 0 : i32
        %dma_start3A_268 = tpu.memref_slice %arg7[%run_scoped3A_234, %dma_start3A_266, %dma_start3A_267] : memref<5x40x128xf32, #tpu.memory_space<vmem>> -> memref<1x40x128xf32, #tpu.memory_space<vmem>>
        %dma_start3A_269 = tpu.memref_squeeze %dma_start3A_268 : memref<1x40x128xf32, #tpu.memory_space<vmem>> -> memref<40x128xf32, #tpu.memory_space<vmem>>
        %dma_start3A_270 = tpu.memref_slice %arg6[%mul3A_233] : memref<10000xi32, #tpu.memory_space<vmem>> -> memref<40xi32, #tpu.memory_space<vmem>>
        %dma_start3A_271 = arith.constant 0 : i32
        %dma_start3A_272 = arith.constant 0 : i32
        %dma_start3A_273 = tpu.memref_slice %arg8[%dma_start3A_271, %dma_start3A_272] : memref<10240x128xf32, #tpu.memory_space<vmem_shared>> -> memref<10240x128xf32, #tpu.memory_space<vmem_shared>>
        tpu.enqueue_indirect_dma source(%dma_start3A_269 : memref<40x128xf32, #tpu.memory_space<vmem>>) target(%dma_start3A_273 : memref<10240x128xf32, #tpu.memory_space<vmem_shared>>) offsets(%dma_start3A_270 : memref<40xi32, #tpu.memory_space<vmem>>) semaphore(%run_scoped3A_265 : memref<!tpu.dma_semaphore, #tpu.memory_space<semaphore_mem>>) {add = true}
        %dma_wait3A_274 = arith.constant 0 : i32
        %dma_wait3A_275 = arith.constant 0 : i32
        %dma_wait3A_276 = tpu.memref_slice %arg7[%run_scoped3A_234, %dma_wait3A_274, %dma_wait3A_275] : memref<5x40x128xf32, #tpu.memory_space<vmem>> -> memref<1x40x128xf32, #tpu.memory_space<vmem>>
        %dma_wait3A_277 = tpu.memref_squeeze %dma_wait3A_276 : memref<1x40x128xf32, #tpu.memory_space<vmem>> -> memref<40x128xf32, #tpu.memory_space<vmem>>
        %dma_wait3A_278 = tpu.memref_slice %arg6[%mul3A_233] : memref<10000xi32, #tpu.memory_space<vmem>> -> memref<40xi32, #tpu.memory_space<vmem>>
        %dma_wait3A_279 = arith.constant 0 : i32
        %dma_wait3A_280 = arith.constant 0 : i32
        %dma_wait3A_281 = tpu.memref_slice %arg8[%dma_wait3A_279, %dma_wait3A_280] : memref<10240x128xf32, #tpu.memory_space<vmem_shared>> -> memref<10240x128xf32, #tpu.memory_space<vmem_shared>>
        tpu.wait_indirect_dma semaphore(%run_scoped3A_265 : memref<!tpu.dma_semaphore, #tpu.memory_space<semaphore_mem>>) src(%dma_wait3A_277 : memref<40x128xf32, #tpu.memory_space<vmem>>) dst(%dma_wait3A_281 : memref<10240x128xf32, #tpu.memory_space<vmem_shared>>)
        tpu.yield
      }) : () -> ()
      %add3A_235 = arith.constant 5 : i32
      %add3A_236 = arith.addi %add3A_220, %add3A_235 : i32
      %lt3A_237 = arith.constant 250 : i32
      %lt3A_238 = arith.cmpi slt, %add3A_236, %lt3A_237 : i32
      %convert_element_type3A_239 = arith.extui %lt3A_238 : i1 to i32
      %cond3A_240 = arith.constant 0 : i32
      %cond3A_241 = arith.cmpi ne, %convert_element_type3A_239, %cond3A_240 : i32
      scf.if %cond3A_241 {
        %add3A_265 = arith.constant 5 : i32
        %add3A_266 = arith.addi %add3A_220, %add3A_265 : i32
        %mul3A_267 = arith.constant 40 : i32
        %mul3A_268 = arith.muli %add3A_266, %mul3A_267 : i32
        %dma_start3A_269 = arith.constant 3 : i32
        %dma_start3A_270 = arith.constant 0 : i32
        %dma_start3A_271 = arith.constant 0 : i32
        %dma_start3A_272 = tpu.memref_slice %arg7[%dma_start3A_269, %dma_start3A_270, %dma_start3A_271] : memref<5x40x128xf32, #tpu.memory_space<vmem>> -> memref<1x40x128xf32, #tpu.memory_space<vmem>>
        %dma_start3A_273 = tpu.memref_squeeze %dma_start3A_272 : memref<1x40x128xf32, #tpu.memory_space<vmem>> -> memref<40x128xf32, #tpu.memory_space<vmem>>
        %dma_start3A_274 = tpu.memref_slice %arg5[%mul3A_268] : memref<10000xi32, #tpu.memory_space<vmem>> -> memref<40xi32, #tpu.memory_space<vmem>>
        %dma_start3A_275 = arith.constant 0 : i32
        %dma_start3A_276 = arith.constant 0 : i32
        %dma_start3A_277 = tpu.memref_slice %arg3[%dma_start3A_275, %dma_start3A_276] : memref<10000x128xf32, #tpu.memory_space<hbm>> -> memref<10000x128xf32, #tpu.memory_space<hbm>>
        tpu.enqueue_indirect_dma source(%dma_start3A_277 : memref<10000x128xf32, #tpu.memory_space<hbm>>) target(%dma_start3A_273 : memref<40x128xf32, #tpu.memory_space<vmem>>) offsets(%dma_start3A_274 : memref<40xi32, #tpu.memory_space<vmem>>) semaphore(%arg12 : memref<!tpu.dma_semaphore, #tpu.memory_space<semaphore_mem>>)
      } else {
      }
      %add3A_242 = arith.constant 4 : i32
      %add3A_243 = arith.addi %mul3A_153, %add3A_242 : i32
      %mul3A_244 = arith.constant 40 : i32
      %mul3A_245 = arith.muli %add3A_243, %mul3A_244 : i32
      %dma_wait3A_246 = arith.constant 4 : i32
      %dma_wait3A_247 = arith.constant 0 : i32
      %dma_wait3A_248 = arith.constant 0 : i32
      %dma_wait3A_249 = tpu.memref_slice %arg7[%dma_wait3A_246, %dma_wait3A_247, %dma_wait3A_248] : memref<5x40x128xf32, #tpu.memory_space<vmem>> -> memref<1x40x128xf32, #tpu.memory_space<vmem>>
      %dma_wait3A_250 = tpu.memref_squeeze %dma_wait3A_249 : memref<1x40x128xf32, #tpu.memory_space<vmem>> -> memref<40x128xf32, #tpu.memory_space<vmem>>
      %dma_wait3A_251 = tpu.memref_slice %arg5[%mul3A_245] : memref<10000xi32, #tpu.memory_space<vmem>> -> memref<40xi32, #tpu.memory_space<vmem>>
      %dma_wait3A_252 = arith.constant 0 : i32
      %dma_wait3A_253 = arith.constant 0 : i32
      %dma_wait3A_254 = tpu.memref_slice %arg3[%dma_wait3A_252, %dma_wait3A_253] : memref<10000x128xf32, #tpu.memory_space<hbm>> -> memref<10000x128xf32, #tpu.memory_space<hbm>>
      tpu.wait_indirect_dma semaphore(%arg13 : memref<!tpu.dma_semaphore, #tpu.memory_space<semaphore_mem>>) src(%dma_wait3A_254 : memref<10000x128xf32, #tpu.memory_space<hbm>>) dst(%dma_wait3A_250 : memref<40x128xf32, #tpu.memory_space<vmem>>)
      %mul3A_255 = arith.constant 40 : i32
      %mul3A_256 = arith.muli %add3A_243, %mul3A_255 : i32
      %run_scoped3A_257 = arith.constant 4 : i32
      "tpu.region"() ({
        %run_scoped3A_265 = tpu.sem_alloc : memref<!tpu.dma_semaphore, #tpu.memory_space<semaphore_mem>>
        %dma_start3A_266 = arith.constant 0 : i32
        %dma_start3A_267 = arith.constant 0 : i32
        %dma_start3A_268 = tpu.memref_slice %arg7[%run_scoped3A_257, %dma_start3A_266, %dma_start3A_267] : memref<5x40x128xf32, #tpu.memory_space<vmem>> -> memref<1x40x128xf32, #tpu.memory_space<vmem>>
        %dma_start3A_269 = tpu.memref_squeeze %dma_start3A_268 : memref<1x40x128xf32, #tpu.memory_space<vmem>> -> memref<40x128xf32, #tpu.memory_space<vmem>>
        %dma_start3A_270 = tpu.memref_slice %arg6[%mul3A_256] : memref<10000xi32, #tpu.memory_space<vmem>> -> memref<40xi32, #tpu.memory_space<vmem>>
        %dma_start3A_271 = arith.constant 0 : i32
        %dma_start3A_272 = arith.constant 0 : i32
        %dma_start3A_273 = tpu.memref_slice %arg8[%dma_start3A_271, %dma_start3A_272] : memref<10240x128xf32, #tpu.memory_space<vmem_shared>> -> memref<10240x128xf32, #tpu.memory_space<vmem_shared>>
        tpu.enqueue_indirect_dma source(%dma_start3A_269 : memref<40x128xf32, #tpu.memory_space<vmem>>) target(%dma_start3A_273 : memref<10240x128xf32, #tpu.memory_space<vmem_shared>>) offsets(%dma_start3A_270 : memref<40xi32, #tpu.memory_space<vmem>>) semaphore(%run_scoped3A_265 : memref<!tpu.dma_semaphore, #tpu.memory_space<semaphore_mem>>) {add = true}
        %dma_wait3A_274 = arith.constant 0 : i32
        %dma_wait3A_275 = arith.constant 0 : i32
        %dma_wait3A_276 = tpu.memref_slice %arg7[%run_scoped3A_257, %dma_wait3A_274, %dma_wait3A_275] : memref<5x40x128xf32, #tpu.memory_space<vmem>> -> memref<1x40x128xf32, #tpu.memory_space<vmem>>
        %dma_wait3A_277 = tpu.memref_squeeze %dma_wait3A_276 : memref<1x40x128xf32, #tpu.memory_space<vmem>> -> memref<40x128xf32, #tpu.memory_space<vmem>>
        %dma_wait3A_278 = tpu.memref_slice %arg6[%mul3A_256] : memref<10000xi32, #tpu.memory_space<vmem>> -> memref<40xi32, #tpu.memory_space<vmem>>
        %dma_wait3A_279 = arith.constant 0 : i32
        %dma_wait3A_280 = arith.constant 0 : i32
        %dma_wait3A_281 = tpu.memref_slice %arg8[%dma_wait3A_279, %dma_wait3A_280] : memref<10240x128xf32, #tpu.memory_space<vmem_shared>> -> memref<10240x128xf32, #tpu.memory_space<vmem_shared>>
        tpu.wait_indirect_dma semaphore(%run_scoped3A_265 : memref<!tpu.dma_semaphore, #tpu.memory_space<semaphore_mem>>) src(%dma_wait3A_277 : memref<40x128xf32, #tpu.memory_space<vmem>>) dst(%dma_wait3A_281 : memref<10240x128xf32, #tpu.memory_space<vmem_shared>>)
        tpu.yield
      }) : () -> ()
      %add3A_258 = arith.constant 5 : i32
      %add3A_259 = arith.addi %add3A_243, %add3A_258 : i32
      %lt3A_260 = arith.constant 250 : i32
      %lt3A_261 = arith.cmpi slt, %add3A_259, %lt3A_260 : i32
      %convert_element_type3A_262 = arith.extui %lt3A_261 : i1 to i32
      %cond3A_263 = arith.constant 0 : i32
      %cond3A_264 = arith.cmpi ne, %convert_element_type3A_262, %cond3A_263 : i32
      scf.if %cond3A_264 {
        %add3A_265 = arith.constant 5 : i32
        %add3A_266 = arith.addi %add3A_243, %add3A_265 : i32
        %mul3A_267 = arith.constant 40 : i32
        %mul3A_268 = arith.muli %add3A_266, %mul3A_267 : i32
        %dma_start3A_269 = arith.constant 4 : i32
        %dma_start3A_270 = arith.constant 0 : i32
        %dma_start3A_271 = arith.constant 0 : i32
        %dma_start3A_272 = tpu.memref_slice %arg7[%dma_start3A_269, %dma_start3A_270, %dma_start3A_271] : memref<5x40x128xf32, #tpu.memory_space<vmem>> -> memref<1x40x128xf32, #tpu.memory_space<vmem>>
        %dma_start3A_273 = tpu.memref_squeeze %dma_start3A_272 : memref<1x40x128xf32, #tpu.memory_space<vmem>> -> memref<40x128xf32, #tpu.memory_space<vmem>>
        %dma_start3A_274 = tpu.memref_slice %arg5[%mul3A_268] : memref<10000xi32, #tpu.memory_space<vmem>> -> memref<40xi32, #tpu.memory_space<vmem>>
        %dma_start3A_275 = arith.constant 0 : i32
        %dma_start3A_276 = arith.constant 0 : i32
        %dma_start3A_277 = tpu.memref_slice %arg3[%dma_start3A_275, %dma_start3A_276] : memref<10000x128xf32, #tpu.memory_space<hbm>> -> memref<10000x128xf32, #tpu.memory_space<hbm>>
        tpu.enqueue_indirect_dma source(%dma_start3A_277 : memref<10000x128xf32, #tpu.memory_space<hbm>>) target(%dma_start3A_273 : memref<40x128xf32, #tpu.memory_space<vmem>>) offsets(%dma_start3A_274 : memref<40xi32, #tpu.memory_space<vmem>>) semaphore(%arg13 : memref<!tpu.dma_semaphore, #tpu.memory_space<semaphore_mem>>)
      } else {
      }
    }
    %scan3A_145 = arith.constant 50 : i32
    %barrier3A_146 = arith.constant 0 : index
    tpu.barrier barrier_id(%barrier3A_146)
    %mul3A_147 = arith.constant 640 : i32
    %mul3A_148 = arith.muli %arg1, %mul3A_147 : i32
    %mul3A_149 = arith.constant 640 : i32
    %mul3A_150 = arith.muli %arg1, %mul3A_149 : i32
    "tpu.region"() ({
      %run_scoped3A_151 = tpu.sem_alloc : memref<!tpu.dma_semaphore, #tpu.memory_space<semaphore_mem>>
      %dma_start3A_152 = arith.constant 0 : i32
      %dma_start3A_153 = tpu.memref_slice %arg4[%arg0, %mul3A_150, %dma_start3A_152] : memref<2x10240x128xf32, #tpu.memory_space<hbm>> -> memref<1x640x128xf32, #tpu.memory_space<hbm>>
      %dma_start3A_154 = tpu.memref_squeeze %dma_start3A_153 : memref<1x640x128xf32, #tpu.memory_space<hbm>> -> memref<640x128xf32, #tpu.memory_space<hbm>>
      %dma_start3A_155 = arith.constant 0 : i32
      %dma_start3A_156 = tpu.memref_slice %arg8[%mul3A_148, %dma_start3A_155] : memref<10240x128xf32, #tpu.memory_space<vmem_shared>> -> memref<640x128xf32, #tpu.memory_space<vmem_shared>>
      tpu.enqueue_dma source(%dma_start3A_156 : memref<640x128xf32, #tpu.memory_space<vmem_shared>>) target(%dma_start3A_154 : memref<640x128xf32, #tpu.memory_space<hbm>>) target_semaphore(%run_scoped3A_151 : memref<!tpu.dma_semaphore, #tpu.memory_space<semaphore_mem>>)
      %dma_wait3A = arith.constant 0 : i32
      %dma_wait3A_157 = tpu.memref_slice %arg4[%arg0, %mul3A_150, %dma_wait3A] : memref<2x10240x128xf32, #tpu.memory_space<hbm>> -> memref<1x640x128xf32, #tpu.memory_space<hbm>>
      %dma_wait3A_158 = tpu.memref_squeeze %dma_wait3A_157 : memref<1x640x128xf32, #tpu.memory_space<hbm>> -> memref<640x128xf32, #tpu.memory_space<hbm>>
      %dma_wait3A_159 = arith.constant 0 : i32
      %dma_wait3A_160 = tpu.memref_slice %arg8[%mul3A_148, %dma_wait3A_159] : memref<10240x128xf32, #tpu.memory_space<vmem_shared>> -> memref<640x128xf32, #tpu.memory_space<vmem_shared>>
      tpu.wait_dma2 semaphore(%run_scoped3A_151 : memref<!tpu.dma_semaphore, #tpu.memory_space<semaphore_mem>>) src(%dma_wait3A_160 : memref<640x128xf32, #tpu.memory_space<vmem_shared>>) dst(%dma_wait3A_158 : memref<640x128xf32, #tpu.memory_space<hbm>>)
      tpu.yield
    }) : () -> ()
    return
  }
}

#map = affine_map<(d0, d1) -> (0, 0)>
#map1 = affine_map<(d0, d1) -> (0, 0, 0)>
module attributes {stable_mosaic.version = 14 : i64} {
  func.func @k(%arg0: i32, %arg1: i32, %arg2: memref<2x320000xi32, #tpu.memory_space<hbm>>, %arg3: memref<10000x128xf32, #tpu.memory_space<hbm>>, %arg4: memref<2x10240x128xf32, #tpu.memory_space<hbm>>, %arg5: memref<10000xi32, #tpu.memory_space<vmem>>, %arg6: memref<10000xi32, #tpu.memory_space<vmem>>, %arg7: memref<5x40x128xf32, #tpu.memory_space<vmem>>, %arg8: memref<10240x128xf32, #tpu.memory_space<vmem_shared>>, %arg9: memref<!tpu.dma_semaphore, #tpu.memory_space<semaphore_mem>>, %arg10: memref<!tpu.dma_semaphore, #tpu.memory_space<semaphore_mem>>, %arg11: memref<!tpu.dma_semaphore, #tpu.memory_space<semaphore_mem>>, %arg12: memref<!tpu.dma_semaphore, #tpu.memory_space<semaphore_mem>>, %arg13: memref<!tpu.dma_semaphore, #tpu.memory_space<semaphore_mem>>) attributes {dimension_semantics = [#tpu.dimension_semantics<core_parallel>, #tpu.dimension_semantics<subcore_parallel>], iteration_bounds = array<i64: 2, 16>, scalar_prefetch = 0 : i64, scratch_operands = 9 : i64, tpu.core_type = #tpu.core_type<sc_vector_subcore>, window_params = [{transform_indices = #map}, {transform_indices = #map}, {transform_indices = #map1}]} {
    %mul3A = arith.constant 2 : i32
    %mul3A_0 = arith.muli %arg1, %mul3A : i32
    %add3A = arith.addi %mul3A_0, %arg0 : i32
    %mul3A_1 = arith.constant 10000 : i32
    %mul3A_2 = arith.muli %add3A, %mul3A_1 : i32
    %run_scoped3A = arith.constant 0 : i32
    "tpu.region"() ({
      %run_scoped3A_151 = tpu.sem_alloc : memref<!tpu.dma_semaphore, #tpu.memory_space<semaphore_mem>>
      %dma_start3A_152 = tpu.memref_slice %arg2[%run_scoped3A, %mul3A_2] : memref<2x320000xi32, #tpu.memory_space<hbm>> -> memref<1x10000xi32, #tpu.memory_space<hbm>>
      %dma_start3A_153 = tpu.memref_squeeze %dma_start3A_152 : memref<1x10000xi32, #tpu.memory_space<hbm>> -> memref<10000xi32, #tpu.memory_space<hbm>>
      %dma_start3A_154 = tpu.memref_slice %arg2[%run_scoped3A, %mul3A_2] : memref<2x320000xi32, #tpu.memory_space<hbm>> -> memref<1x10000xi32, #tpu.memory_space<hbm>>
      %dma_start3A_155 = tpu.memref_squeeze %dma_start3A_154 : memref<1x10000xi32, #tpu.memory_space<hbm>> -> memref<10000xi32, #tpu.memory_space<hbm>>
      tpu.enqueue_dma source(%dma_start3A_155 : memref<10000xi32, #tpu.memory_space<hbm>>) target(%arg5 : memref<10000xi32, #tpu.memory_space<vmem>>) target_semaphore(%run_scoped3A_151 : memref<!tpu.dma_semaphore, #tpu.memory_space<semaphore_mem>>)
      %dma_wait3A = tpu.memref_slice %arg2[%run_scoped3A, %mul3A_2] : memref<2x320000xi32, #tpu.memory_space<hbm>> -> memref<1x10000xi32, #tpu.memory_space<hbm>>
      %dma_wait3A_156 = tpu.memref_squeeze %dma_wait3A : memref<1x10000xi32, #tpu.memory_space<hbm>> -> memref<10000xi32, #tpu.memory_space<hbm>>
      %dma_wait3A_157 = tpu.memref_slice %arg2[%run_scoped3A, %mul3A_2] : memref<2x320000xi32, #tpu.memory_space<hbm>> -> memref<1x10000xi32, #tpu.memory_space<hbm>>
      %dma_wait3A_158 = tpu.memref_squeeze %dma_wait3A_157 : memref<1x10000xi32, #tpu.memory_space<hbm>> -> memref<10000xi32, #tpu.memory_space<hbm>>
      tpu.wait_dma2 semaphore(%run_scoped3A_151 : memref<!tpu.dma_semaphore, #tpu.memory_space<semaphore_mem>>) src(%dma_wait3A_158 : memref<10000xi32, #tpu.memory_space<hbm>>) dst(%arg5 : memref<10000xi32, #tpu.memory_space<vmem>>)
      tpu.yield
    }) : () -> ()
    %mul3A_3 = arith.constant 10000 : i32
    %mul3A_4 = arith.muli %add3A, %mul3A_3 : i32
    %run_scoped3A_5 = arith.constant 1 : i32
    "tpu.region"() ({
      %run_scoped3A_151 = tpu.sem_alloc : memref<!tpu.dma_semaphore, #tpu.memory_space<semaphore_mem>>
      %dma_start3A_152 = tpu.memref_slice %arg2[%run_scoped3A_5, %mul3A_4] : memref<2x320000xi32, #tpu.memory_space<hbm>> -> memref<1x10000xi32, #tpu.memory_space<hbm>>
      %dma_start3A_153 = tpu.memref_squeeze %dma_start3A_152 : memref<1x10000xi32, #tpu.memory_space<hbm>> -> memref<10000xi32, #tpu.memory_space<hbm>>
      %dma_start3A_154 = tpu.memref_slice %arg2[%run_scoped3A_5, %mul3A_4] : memref<2x320000xi32, #tpu.memory_space<hbm>> -> memref<1x10000xi32, #tpu.memory_space<hbm>>
      %dma_start3A_155 = tpu.memref_squeeze %dma_start3A_154 : memref<1x10000xi32, #tpu.memory_space<hbm>> -> memref<10000xi32, #tpu.memory_space<hbm>>
      tpu.enqueue_dma source(%dma_start3A_155 : memref<10000xi32, #tpu.memory_space<hbm>>) target(%arg6 : memref<10000xi32, #tpu.memory_space<vmem>>) target_semaphore(%run_scoped3A_151 : memref<!tpu.dma_semaphore, #tpu.memory_space<semaphore_mem>>)
      %dma_wait3A = tpu.memref_slice %arg2[%run_scoped3A_5, %mul3A_4] : memref<2x320000xi32, #tpu.memory_space<hbm>> -> memref<1x10000xi32, #tpu.memory_space<hbm>>
      %dma_wait3A_156 = tpu.memref_squeeze %dma_wait3A : memref<1x10000xi32, #tpu.memory_space<hbm>> -> memref<10000xi32, #tpu.memory_space<hbm>>
      %dma_wait3A_157 = tpu.memref_slice %arg2[%run_scoped3A_5, %mul3A_4] : memref<2x320000xi32, #tpu.memory_space<hbm>> -> memref<1x10000xi32, #tpu.memory_space<hbm>>
      %dma_wait3A_158 = tpu.memref_squeeze %dma_wait3A_157 : memref<1x10000xi32, #tpu.memory_space<hbm>> -> memref<10000xi32, #tpu.memory_space<hbm>>
      tpu.wait_dma2 semaphore(%run_scoped3A_151 : memref<!tpu.dma_semaphore, #tpu.memory_space<semaphore_mem>>) src(%dma_wait3A_158 : memref<10000xi32, #tpu.memory_space<hbm>>) dst(%arg6 : memref<10000xi32, #tpu.memory_space<vmem>>)
      tpu.yield
    }) : () -> ()
    %scan3A = arith.constant 0 : i32
    %scan3A_6 = arith.constant 0 : i32
    %scan3A_7 = arith.constant 40 : i32
    %scan3A_8 = arith.addi %scan3A_6, %scan3A_7 : i32
    %scan3A_9 = arith.constant 1 : i32
    scf.for %scan3A_151 = %scan3A_6 to %scan3A_8 step %scan3A_9  : i32 {
      %broadcast_in_dim3A = arith.constant 0.000000e+00 : f32
      %broadcast_in_dim3A_152 = vector.broadcast %broadcast_in_dim3A : f32 to vector<16xf32>
      %swap3A = arith.constant 0 : i32
      %swap3A_153 = arith.index_cast %swap3A : i32 to index
      %swap3A_154 = arith.index_cast %scan3A_151 : i32 to index
      %swap3A_155 = arith.constant 0 : index
      %swap3A_156 = tpu.vector_load %arg7[%swap3A_153, %swap3A_154, %swap3A_155] {strides = array<i32>} : memref<5x40x128xf32, #tpu.memory_space<vmem>>, vector<1x1x16xf32>,
      %swap3A_157 = vector.shape_cast %swap3A_156 : vector<1x1x16xf32> to vector<16xf32>
      %swap3A_158 = vector.shape_cast %broadcast_in_dim3A_152 : vector<16xf32> to vector<1x1x16xf32>
      tpu.vector_store %arg7[%swap3A_153, %swap3A_154, %swap3A_155], %swap3A_158 {strides = array<i32>} : memref<5x40x128xf32, #tpu.memory_space<vmem>>, vector<1x1x16xf32>,
      %broadcast_in_dim3A_159 = arith.constant 0.000000e+00 : f32
      %broadcast_in_dim3A_160 = vector.broadcast %broadcast_in_dim3A_159 : f32 to vector<16xf32>
      %swap3A_161 = arith.constant 0 : i32
      %swap3A_162 = arith.index_cast %swap3A_161 : i32 to index
      %swap3A_163 = arith.index_cast %scan3A_151 : i32 to index
      %swap3A_164 = arith.constant 16 : index
      %swap3A_165 = tpu.vector_load %arg7[%swap3A_162, %swap3A_163, %swap3A_164] {strides = array<i32>} : memref<5x40x128xf32, #tpu.memory_space<vmem>>, vector<1x1x16xf32>,
      %swap3A_166 = vector.shape_cast %swap3A_165 : vector<1x1x16xf32> to vector<16xf32>
      %swap3A_167 = vector.shape_cast %broadcast_in_dim3A_160 : vector<16xf32> to vector<1x1x16xf32>
      tpu.vector_store %arg7[%swap3A_162, %swap3A_163, %swap3A_164], %swap3A_167 {strides = array<i32>} : memref<5x40x128xf32, #tpu.memory_space<vmem>>, vector<1x1x16xf32>,
      %broadcast_in_dim3A_168 = arith.constant 0.000000e+00 : f32
      %broadcast_in_dim3A_169 = vector.broadcast %broadcast_in_dim3A_168 : f32 to vector<16xf32>
      %swap3A_170 = arith.constant 0 : i32
      %swap3A_171 = arith.index_cast %swap3A_170 : i32 to index
      %swap3A_172 = arith.index_cast %scan3A_151 : i32 to index
      %swap3A_173 = arith.constant 32 : index
      %swap3A_174 = tpu.vector_load %arg7[%swap3A_171, %swap3A_172, %swap3A_173] {strides = array<i32>} : memref<5x40x128xf32, #tpu.memory_space<vmem>>, vector<1x1x16xf32>,
      %swap3A_175 = vector.shape_cast %swap3A_174 : vector<1x1x16xf32> to vector<16xf32>
      %swap3A_176 = vector.shape_cast %broadcast_in_dim3A_169 : vector<16xf32> to vector<1x1x16xf32>
      tpu.vector_store %arg7[%swap3A_171, %swap3A_172, %swap3A_173], %swap3A_176 {strides = array<i32>} : memref<5x40x128xf32, #tpu.memory_space<vmem>>, vector<1x1x16xf32>,
      %broadcast_in_dim3A_177 = arith.constant 0.000000e+00 : f32
      %broadcast_in_dim3A_178 = vector.broadcast %broadcast_in_dim3A_177 : f32 to vector<16xf32>
      %swap3A_179 = arith.constant 0 : i32
      %swap3A_180 = arith.index_cast %swap3A_179 : i32 to index
      %swap3A_181 = arith.index_cast %scan3A_151 : i32 to index
      %swap3A_182 = arith.constant 48 : index
      %swap3A_183 = tpu.vector_load %arg7[%swap3A_180, %swap3A_181, %swap3A_182] {strides = array<i32>} : memref<5x40x128xf32, #tpu.memory_space<vmem>>, vector<1x1x16xf32>,
      %swap3A_184 = vector.shape_cast %swap3A_183 : vector<1x1x16xf32> to vector<16xf32>
      %swap3A_185 = vector.shape_cast %broadcast_in_dim3A_178 : vector<16xf32> to vector<1x1x16xf32>
      tpu.vector_store %arg7[%swap3A_180, %swap3A_181, %swap3A_182], %swap3A_185 {strides = array<i32>} : memref<5x40x128xf32, #tpu.memory_space<vmem>>, vector<1x1x16xf32>,
      %broadcast_in_dim3A_186 = arith.constant 0.000000e+00 : f32
      %broadcast_in_dim3A_187 = vector.broadcast %broadcast_in_dim3A_186 : f32 to vector<16xf32>
      %swap3A_188 = arith.constant 0 : i32
      %swap3A_189 = arith.index_cast %swap3A_188 : i32 to index
      %swap3A_190 = arith.index_cast %scan3A_151 : i32 to index
      %swap3A_191 = arith.constant 64 : index
      %swap3A_192 = tpu.vector_load %arg7[%swap3A_189, %swap3A_190, %swap3A_191] {strides = array<i32>} : memref<5x40x128xf32, #tpu.memory_space<vmem>>, vector<1x1x16xf32>,
      %swap3A_193 = vector.shape_cast %swap3A_192 : vector<1x1x16xf32> to vector<16xf32>
      %swap3A_194 = vector.shape_cast %broadcast_in_dim3A_187 : vector<16xf32> to vector<1x1x16xf32>
      tpu.vector_store %arg7[%swap3A_189, %swap3A_190, %swap3A_191], %swap3A_194 {strides = array<i32>} : memref<5x40x128xf32, #tpu.memory_space<vmem>>, vector<1x1x16xf32>,
      %broadcast_in_dim3A_195 = arith.constant 0.000000e+00 : f32
      %broadcast_in_dim3A_196 = vector.broadcast %broadcast_in_dim3A_195 : f32 to vector<16xf32>
      %swap3A_197 = arith.constant 0 : i32
      %swap3A_198 = arith.index_cast %swap3A_197 : i32 to index
      %swap3A_199 = arith.index_cast %scan3A_151 : i32 to index
      %swap3A_200 = arith.constant 80 : index
      %swap3A_201 = tpu.vector_load %arg7[%swap3A_198, %swap3A_199, %swap3A_200] {strides = array<i32>} : memref<5x40x128xf32, #tpu.memory_space<vmem>>, vector<1x1x16xf32>,
      %swap3A_202 = vector.shape_cast %swap3A_201 : vector<1x1x16xf32> to vector<16xf32>
      %swap3A_203 = vector.shape_cast %broadcast_in_dim3A_196 : vector<16xf32> to vector<1x1x16xf32>
      tpu.vector_store %arg7[%swap3A_198, %swap3A_199, %swap3A_200], %swap3A_203 {strides = array<i32>} : memref<5x40x128xf32, #tpu.memory_space<vmem>>, vector<1x1x16xf32>,
      %broadcast_in_dim3A_204 = arith.constant 0.000000e+00 : f32
      %broadcast_in_dim3A_205 = vector.broadcast %broadcast_in_dim3A_204 : f32 to vector<16xf32>
      %swap3A_206 = arith.constant 0 : i32
      %swap3A_207 = arith.index_cast %swap3A_206 : i32 to index
      %swap3A_208 = arith.index_cast %scan3A_151 : i32 to index
      %swap3A_209 = arith.constant 96 : index
      %swap3A_210 = tpu.vector_load %arg7[%swap3A_207, %swap3A_208, %swap3A_209] {strides = array<i32>} : memref<5x40x128xf32, #tpu.memory_space<vmem>>, vector<1x1x16xf32>,
      %swap3A_211 = vector.shape_cast %swap3A_210 : vector<1x1x16xf32> to vector<16xf32>
      %swap3A_212 = vector.shape_cast %broadcast_in_dim3A_205 : vector<16xf32> to vector<1x1x16xf32>
      tpu.vector_store %arg7[%swap3A_207, %swap3A_208, %swap3A_209], %swap3A_212 {strides = array<i32>} : memref<5x40x128xf32, #tpu.memory_space<vmem>>, vector<1x1x16xf32>,
      %broadcast_in_dim3A_213 = arith.constant 0.000000e+00 : f32
      %broadcast_in_dim3A_214 = vector.broadcast %broadcast_in_dim3A_213 : f32 to vector<16xf32>
      %swap3A_215 = arith.constant 0 : i32
      %swap3A_216 = arith.index_cast %swap3A_215 : i32 to index
      %swap3A_217 = arith.index_cast %scan3A_151 : i32 to index
      %swap3A_218 = arith.constant 112 : index
      %swap3A_219 = tpu.vector_load %arg7[%swap3A_216, %swap3A_217, %swap3A_218] {strides = array<i32>} : memref<5x40x128xf32, #tpu.memory_space<vmem>>, vector<1x1x16xf32>,
      %swap3A_220 = vector.shape_cast %swap3A_219 : vector<1x1x16xf32> to vector<16xf32>
      %swap3A_221 = vector.shape_cast %broadcast_in_dim3A_214 : vector<16xf32> to vector<1x1x16xf32>
      tpu.vector_store %arg7[%swap3A_216, %swap3A_217, %swap3A_218], %swap3A_221 {strides = array<i32>} : memref<5x40x128xf32, #tpu.memory_space<vmem>>, vector<1x1x16xf32>,
    }
    %scan3A_10 = arith.constant 40 : i32
    %mul3A_11 = arith.constant 640 : i32
    %mul3A_12 = arith.muli %arg1, %mul3A_11 : i32
    %add3A_13 = arith.constant 0 : i32
    %add3A_14 = arith.addi %mul3A_12, %add3A_13 : i32
    %run_scoped3A_15 = arith.constant 0 : i32
    "tpu.region"() ({
      %run_scoped3A_151 = tpu.sem_alloc : memref<!tpu.dma_semaphore, #tpu.memory_space<semaphore_mem>>
      %dma_start3A_152 = arith.constant 0 : i32
      %dma_start3A_153 = arith.constant 0 : i32
      %dma_start3A_154 = tpu.memref_slice %arg7[%run_scoped3A_15, %dma_start3A_152, %dma_start3A_153] : memref<5x40x128xf32, #tpu.memory_space<vmem>> -> memref<1x40x128xf32, #tpu.memory_space<vmem>>
      %dma_start3A_155 = tpu.memref_squeeze %dma_start3A_154 : memref<1x40x128xf32, #tpu.memory_space<vmem>> -> memref<40x128xf32, #tpu.memory_space<vmem>>
      %dma_start3A_156 = arith.constant 0 : i32
      %dma_start3A_157 = tpu.memref_slice %arg8[%add3A_14, %dma_start3A_156] : memref<10240x128xf32, #tpu.memory_space<vmem_shared>> -> memref<40x128xf32, #tpu.memory_space<vmem_shared>>
      %dma_start3A_158 = arith.constant 0 : i32
      %dma_start3A_159 = tpu.memref_slice %arg8[%add3A_14, %dma_start3A_158] : memref<10240x128xf32, #tpu.memory_space<vmem_shared>> -> memref<40x128xf32, #tpu.memory_space<vmem_shared>>
      %dma_start3A_160 = arith.constant 0 : i32
      %dma_start3A_161 = arith.constant 0 : i32
      %dma_start3A_162 = tpu.memref_slice %arg7[%run_scoped3A_15, %dma_start3A_160, %dma_start3A_161] : memref<5x40x128xf32, #tpu.memory_space<vmem>> -> memref<1x40x128xf32, #tpu.memory_space<vmem>>
      %dma_start3A_163 = tpu.memref_squeeze %dma_start3A_162 : memref<1x40x128xf32, #tpu.memory_space<vmem>> -> memref<40x128xf32, #tpu.memory_space<vmem>>
      tpu.enqueue_dma source(%dma_start3A_163 : memref<40x128xf32, #tpu.memory_space<vmem>>) target(%dma_start3A_159 : memref<40x128xf32, #tpu.memory_space<vmem_shared>>) target_semaphore(%run_scoped3A_151 : memref<!tpu.dma_semaphore, #tpu.memory_space<semaphore_mem>>)
      %dma_wait3A = arith.constant 0 : i32
      %dma_wait3A_164 = arith.constant 0 : i32
      %dma_wait3A_165 = tpu.memref_slice %arg7[%run_scoped3A_15, %dma_wait3A, %dma_wait3A_164] : memref<5x40x128xf32, #tpu.memory_space<vmem>> -> memref<1x40x128xf32, #tpu.memory_space<vmem>>
      %dma_wait3A_166 = tpu.memref_squeeze %dma_wait3A_165 : memref<1x40x128xf32, #tpu.memory_space<vmem>> -> memref<40x128xf32, #tpu.memory_space<vmem>>
      %dma_wait3A_167 = arith.constant 0 : i32
      %dma_wait3A_168 = tpu.memref_slice %arg8[%add3A_14, %dma_wait3A_167] : memref<10240x128xf32, #tpu.memory_space<vmem_shared>> -> memref<40x128xf32, #tpu.memory_space<vmem_shared>>
      %dma_wait3A_169 = arith.constant 0 : i32
      %dma_wait3A_170 = tpu.memref_slice %arg8[%add3A_14, %dma_wait3A_169] : memref<10240x128xf32, #tpu.memory_space<vmem_shared>> -> memref<40x128xf32, #tpu.memory_space<vmem_shared>>
      %dma_wait3A_171 = arith.constant 0 : i32
      %dma_wait3A_172 = arith.constant 0 : i32
      %dma_wait3A_173 = tpu.memref_slice %arg7[%run_scoped3A_15, %dma_wait3A_171, %dma_wait3A_172] : memref<5x40x128xf32, #tpu.memory_space<vmem>> -> memref<1x40x128xf32, #tpu.memory_space<vmem>>
      %dma_wait3A_174 = tpu.memref_squeeze %dma_wait3A_173 : memref<1x40x128xf32, #tpu.memory_space<vmem>> -> memref<40x128xf32, #tpu.memory_space<vmem>>
      tpu.wait_dma2 semaphore(%run_scoped3A_151 : memref<!tpu.dma_semaphore, #tpu.memory_space<semaphore_mem>>) src(%dma_wait3A_174 : memref<40x128xf32, #tpu.memory_space<vmem>>) dst(%dma_wait3A_170 : memref<40x128xf32, #tpu.memory_space<vmem_shared>>)
      tpu.yield
    }) : () -> ()
    %mul3A_16 = arith.constant 640 : i32
    %mul3A_17 = arith.muli %arg1, %mul3A_16 : i32
    %add3A_18 = arith.constant 40 : i32
    %add3A_19 = arith.addi %mul3A_17, %add3A_18 : i32
    %run_scoped3A_20 = arith.constant 0 : i32
    "tpu.region"() ({
      %run_scoped3A_151 = tpu.sem_alloc : memref<!tpu.dma_semaphore, #tpu.memory_space<semaphore_mem>>
      %dma_start3A_152 = arith.constant 0 : i32
      %dma_start3A_153 = arith.constant 0 : i32
      %dma_start3A_154 = tpu.memref_slice %arg7[%run_scoped3A_20, %dma_start3A_152, %dma_start3A_153] : memref<5x40x128xf32, #tpu.memory_space<vmem>> -> memref<1x40x128xf32, #tpu.memory_space<vmem>>
      %dma_start3A_155 = tpu.memref_squeeze %dma_start3A_154 : memref<1x40x128xf32, #tpu.memory_space<vmem>> -> memref<40x128xf32, #tpu.memory_space<vmem>>
      %dma_start3A_156 = arith.constant 0 : i32
      %dma_start3A_157 = tpu.memref_slice %arg8[%add3A_19, %dma_start3A_156] : memref<10240x128xf32, #tpu.memory_space<vmem_shared>> -> memref<40x128xf32, #tpu.memory_space<vmem_shared>>
      %dma_start3A_158 = arith.constant 0 : i32
      %dma_start3A_159 = tpu.memref_slice %arg8[%add3A_19, %dma_start3A_158] : memref<10240x128xf32, #tpu.memory_space<vmem_shared>> -> memref<40x128xf32, #tpu.memory_space<vmem_shared>>
      %dma_start3A_160 = arith.constant 0 : i32
      %dma_start3A_161 = arith.constant 0 : i32
      %dma_start3A_162 = tpu.memref_slice %arg7[%run_scoped3A_20, %dma_start3A_160, %dma_start3A_161] : memref<5x40x128xf32, #tpu.memory_space<vmem>> -> memref<1x40x128xf32, #tpu.memory_space<vmem>>
      %dma_start3A_163 = tpu.memref_squeeze %dma_start3A_162 : memref<1x40x128xf32, #tpu.memory_space<vmem>> -> memref<40x128xf32, #tpu.memory_space<vmem>>
      tpu.enqueue_dma source(%dma_start3A_163 : memref<40x128xf32, #tpu.memory_space<vmem>>) target(%dma_start3A_159 : memref<40x128xf32, #tpu.memory_space<vmem_shared>>) target_semaphore(%run_scoped3A_151 : memref<!tpu.dma_semaphore, #tpu.memory_space<semaphore_mem>>)
      %dma_wait3A = arith.constant 0 : i32
      %dma_wait3A_164 = arith.constant 0 : i32
      %dma_wait3A_165 = tpu.memref_slice %arg7[%run_scoped3A_20, %dma_wait3A, %dma_wait3A_164] : memref<5x40x128xf32, #tpu.memory_space<vmem>> -> memref<1x40x128xf32, #tpu.memory_space<vmem>>
      %dma_wait3A_166 = tpu.memref_squeeze %dma_wait3A_165 : memref<1x40x128xf32, #tpu.memory_space<vmem>> -> memref<40x128xf32, #tpu.memory_space<vmem>>
      %dma_wait3A_167 = arith.constant 0 : i32
      %dma_wait3A_168 = tpu.memref_slice %arg8[%add3A_19, %dma_wait3A_167] : memref<10240x128xf32, #tpu.memory_space<vmem_shared>> -> memref<40x128xf32, #tpu.memory_space<vmem_shared>>
      %dma_wait3A_169 = arith.constant 0 : i32
      %dma_wait3A_170 = tpu.memref_slice %arg8[%add3A_19, %dma_wait3A_169] : memref<10240x128xf32, #tpu.memory_space<vmem_shared>> -> memref<40x128xf32, #tpu.memory_space<vmem_shared>>
      %dma_wait3A_171 = arith.constant 0 : i32
      %dma_wait3A_172 = arith.constant 0 : i32
      %dma_wait3A_173 = tpu.memref_slice %arg7[%run_scoped3A_20, %dma_wait3A_171, %dma_wait3A_172] : memref<5x40x128xf32, #tpu.memory_space<vmem>> -> memref<1x40x128xf32, #tpu.memory_space<vmem>>
      %dma_wait3A_174 = tpu.memref_squeeze %dma_wait3A_173 : memref<1x40x128xf32, #tpu.memory_space<vmem>> -> memref<40x128xf32, #tpu.memory_space<vmem>>
      tpu.wait_dma2 semaphore(%run_scoped3A_151 : memref<!tpu.dma_semaphore, #tpu.memory_space<semaphore_mem>>) src(%dma_wait3A_174 : memref<40x128xf32, #tpu.memory_space<vmem>>) dst(%dma_wait3A_170 : memref<40x128xf32, #tpu.memory_space<vmem_shared>>)
      tpu.yield
    }) : () -> ()
    %mul3A_21 = arith.constant 640 : i32
    %mul3A_22 = arith.muli %arg1, %mul3A_21 : i32
    %add3A_23 = arith.constant 80 : i32
    %add3A_24 = arith.addi %mul3A_22, %add3A_23 : i32
    %run_scoped3A_25 = arith.constant 0 : i32
    "tpu.region"() ({
      %run_scoped3A_151 = tpu.sem_alloc : memref<!tpu.dma_semaphore, #tpu.memory_space<semaphore_mem>>
      %dma_start3A_152 = arith.constant 0 : i32
      %dma_start3A_153 = arith.constant 0 : i32
      %dma_start3A_154 = tpu.memref_slice %arg7[%run_scoped3A_25, %dma_start3A_152, %dma_start3A_153] : memref<5x40x128xf32, #tpu.memory_space<vmem>> -> memref<1x40x128xf32, #tpu.memory_space<vmem>>
      %dma_start3A_155 = tpu.memref_squeeze %dma_start3A_154 : memref<1x40x128xf32, #tpu.memory_space<vmem>> -> memref<40x128xf32, #tpu.memory_space<vmem>>
      %dma_start3A_156 = arith.constant 0 : i32
      %dma_start3A_157 = tpu.memref_slice %arg8[%add3A_24, %dma_start3A_156] : memref<10240x128xf32, #tpu.memory_space<vmem_shared>> -> memref<40x128xf32, #tpu.memory_space<vmem_shared>>
      %dma_start3A_158 = arith.constant 0 : i32
      %dma_start3A_159 = tpu.memref_slice %arg8[%add3A_24, %dma_start3A_158] : memref<10240x128xf32, #tpu.memory_space<vmem_shared>> -> memref<40x128xf32, #tpu.memory_space<vmem_shared>>
      %dma_start3A_160 = arith.constant 0 : i32
      %dma_start3A_161 = arith.constant 0 : i32
      %dma_start3A_162 = tpu.memref_slice %arg7[%run_scoped3A_25, %dma_start3A_160, %dma_start3A_161] : memref<5x40x128xf32, #tpu.memory_space<vmem>> -> memref<1x40x128xf32, #tpu.memory_space<vmem>>
      %dma_start3A_163 = tpu.memref_squeeze %dma_start3A_162 : memref<1x40x128xf32, #tpu.memory_space<vmem>> -> memref<40x128xf32, #tpu.memory_space<vmem>>
      tpu.enqueue_dma source(%dma_start3A_163 : memref<40x128xf32, #tpu.memory_space<vmem>>) target(%dma_start3A_159 : memref<40x128xf32, #tpu.memory_space<vmem_shared>>) target_semaphore(%run_scoped3A_151 : memref<!tpu.dma_semaphore, #tpu.memory_space<semaphore_mem>>)
      %dma_wait3A = arith.constant 0 : i32
      %dma_wait3A_164 = arith.constant 0 : i32
      %dma_wait3A_165 = tpu.memref_slice %arg7[%run_scoped3A_25, %dma_wait3A, %dma_wait3A_164] : memref<5x40x128xf32, #tpu.memory_space<vmem>> -> memref<1x40x128xf32, #tpu.memory_space<vmem>>
      %dma_wait3A_166 = tpu.memref_squeeze %dma_wait3A_165 : memref<1x40x128xf32, #tpu.memory_space<vmem>> -> memref<40x128xf32, #tpu.memory_space<vmem>>
      %dma_wait3A_167 = arith.constant 0 : i32
      %dma_wait3A_168 = tpu.memref_slice %arg8[%add3A_24, %dma_wait3A_167] : memref<10240x128xf32, #tpu.memory_space<vmem_shared>> -> memref<40x128xf32, #tpu.memory_space<vmem_shared>>
      %dma_wait3A_169 = arith.constant 0 : i32
      %dma_wait3A_170 = tpu.memref_slice %arg8[%add3A_24, %dma_wait3A_169] : memref<10240x128xf32, #tpu.memory_space<vmem_shared>> -> memref<40x128xf32, #tpu.memory_space<vmem_shared>>
      %dma_wait3A_171 = arith.constant 0 : i32
      %dma_wait3A_172 = arith.constant 0 : i32
      %dma_wait3A_173 = tpu.memref_slice %arg7[%run_scoped3A_25, %dma_wait3A_171, %dma_wait3A_172] : memref<5x40x128xf32, #tpu.memory_space<vmem>> -> memref<1x40x128xf32, #tpu.memory_space<vmem>>
      %dma_wait3A_174 = tpu.memref_squeeze %dma_wait3A_173 : memref<1x40x128xf32, #tpu.memory_space<vmem>> -> memref<40x128xf32, #tpu.memory_space<vmem>>
      tpu.wait_dma2 semaphore(%run_scoped3A_151 : memref<!tpu.dma_semaphore, #tpu.memory_space<semaphore_mem>>) src(%dma_wait3A_174 : memref<40x128xf32, #tpu.memory_space<vmem>>) dst(%dma_wait3A_170 : memref<40x128xf32, #tpu.memory_space<vmem_shared>>)
      tpu.yield
    }) : () -> ()
    %mul3A_26 = arith.constant 640 : i32
    %mul3A_27 = arith.muli %arg1, %mul3A_26 : i32
    %add3A_28 = arith.constant 120 : i32
    %add3A_29 = arith.addi %mul3A_27, %add3A_28 : i32
    %run_scoped3A_30 = arith.constant 0 : i32
    "tpu.region"() ({
      %run_scoped3A_151 = tpu.sem_alloc : memref<!tpu.dma_semaphore, #tpu.memory_space<semaphore_mem>>
      %dma_start3A_152 = arith.constant 0 : i32
      %dma_start3A_153 = arith.constant 0 : i32
      %dma_start3A_154 = tpu.memref_slice %arg7[%run_scoped3A_30, %dma_start3A_152, %dma_start3A_153] : memref<5x40x128xf32, #tpu.memory_space<vmem>> -> memref<1x40x128xf32, #tpu.memory_space<vmem>>
      %dma_start3A_155 = tpu.memref_squeeze %dma_start3A_154 : memref<1x40x128xf32, #tpu.memory_space<vmem>> -> memref<40x128xf32, #tpu.memory_space<vmem>>
      %dma_start3A_156 = arith.constant 0 : i32
      %dma_start3A_157 = tpu.memref_slice %arg8[%add3A_29, %dma_start3A_156] : memref<10240x128xf32, #tpu.memory_space<vmem_shared>> -> memref<40x128xf32, #tpu.memory_space<vmem_shared>>
      %dma_start3A_158 = arith.constant 0 : i32
      %dma_start3A_159 = tpu.memref_slice %arg8[%add3A_29, %dma_start3A_158] : memref<10240x128xf32, #tpu.memory_space<vmem_shared>> -> memref<40x128xf32, #tpu.memory_space<vmem_shared>>
      %dma_start3A_160 = arith.constant 0 : i32
      %dma_start3A_161 = arith.constant 0 : i32
      %dma_start3A_162 = tpu.memref_slice %arg7[%run_scoped3A_30, %dma_start3A_160, %dma_start3A_161] : memref<5x40x128xf32, #tpu.memory_space<vmem>> -> memref<1x40x128xf32, #tpu.memory_space<vmem>>
      %dma_start3A_163 = tpu.memref_squeeze %dma_start3A_162 : memref<1x40x128xf32, #tpu.memory_space<vmem>> -> memref<40x128xf32, #tpu.memory_space<vmem>>
      tpu.enqueue_dma source(%dma_start3A_163 : memref<40x128xf32, #tpu.memory_space<vmem>>) target(%dma_start3A_159 : memref<40x128xf32, #tpu.memory_space<vmem_shared>>) target_semaphore(%run_scoped3A_151 : memref<!tpu.dma_semaphore, #tpu.memory_space<semaphore_mem>>)
      %dma_wait3A = arith.constant 0 : i32
      %dma_wait3A_164 = arith.constant 0 : i32
      %dma_wait3A_165 = tpu.memref_slice %arg7[%run_scoped3A_30, %dma_wait3A, %dma_wait3A_164] : memref<5x40x128xf32, #tpu.memory_space<vmem>> -> memref<1x40x128xf32, #tpu.memory_space<vmem>>
      %dma_wait3A_166 = tpu.memref_squeeze %dma_wait3A_165 : memref<1x40x128xf32, #tpu.memory_space<vmem>> -> memref<40x128xf32, #tpu.memory_space<vmem>>
      %dma_wait3A_167 = arith.constant 0 : i32
      %dma_wait3A_168 = tpu.memref_slice %arg8[%add3A_29, %dma_wait3A_167] : memref<10240x128xf32, #tpu.memory_space<vmem_shared>> -> memref<40x128xf32, #tpu.memory_space<vmem_shared>>
      %dma_wait3A_169 = arith.constant 0 : i32
      %dma_wait3A_170 = tpu.memref_slice %arg8[%add3A_29, %dma_wait3A_169] : memref<10240x128xf32, #tpu.memory_space<vmem_shared>> -> memref<40x128xf32, #tpu.memory_space<vmem_shared>>
      %dma_wait3A_171 = arith.constant 0 : i32
      %dma_wait3A_172 = arith.constant 0 : i32
      %dma_wait3A_173 = tpu.memref_slice %arg7[%run_scoped3A_30, %dma_wait3A_171, %dma_wait3A_172] : memref<5x40x128xf32, #tpu.memory_space<vmem>> -> memref<1x40x128xf32, #tpu.memory_space<vmem>>
      %dma_wait3A_174 = tpu.memref_squeeze %dma_wait3A_173 : memref<1x40x128xf32, #tpu.memory_space<vmem>> -> memref<40x128xf32, #tpu.memory_space<vmem>>
      tpu.wait_dma2 semaphore(%run_scoped3A_151 : memref<!tpu.dma_semaphore, #tpu.memory_space<semaphore_mem>>) src(%dma_wait3A_174 : memref<40x128xf32, #tpu.memory_space<vmem>>) dst(%dma_wait3A_170 : memref<40x128xf32, #tpu.memory_space<vmem_shared>>)
      tpu.yield
    }) : () -> ()
    %mul3A_31 = arith.constant 640 : i32
    %mul3A_32 = arith.muli %arg1, %mul3A_31 : i32
    %add3A_33 = arith.constant 160 : i32
    %add3A_34 = arith.addi %mul3A_32, %add3A_33 : i32
    %run_scoped3A_35 = arith.constant 0 : i32
    "tpu.region"() ({
      %run_scoped3A_151 = tpu.sem_alloc : memref<!tpu.dma_semaphore, #tpu.memory_space<semaphore_mem>>
      %dma_start3A_152 = arith.constant 0 : i32
      %dma_start3A_153 = arith.constant 0 : i32
      %dma_start3A_154 = tpu.memref_slice %arg7[%run_scoped3A_35, %dma_start3A_152, %dma_start3A_153] : memref<5x40x128xf32, #tpu.memory_space<vmem>> -> memref<1x40x128xf32, #tpu.memory_space<vmem>>
      %dma_start3A_155 = tpu.memref_squeeze %dma_start3A_154 : memref<1x40x128xf32, #tpu.memory_space<vmem>> -> memref<40x128xf32, #tpu.memory_space<vmem>>
      %dma_start3A_156 = arith.constant 0 : i32
      %dma_start3A_157 = tpu.memref_slice %arg8[%add3A_34, %dma_start3A_156] : memref<10240x128xf32, #tpu.memory_space<vmem_shared>> -> memref<40x128xf32, #tpu.memory_space<vmem_shared>>
      %dma_start3A_158 = arith.constant 0 : i32
      %dma_start3A_159 = tpu.memref_slice %arg8[%add3A_34, %dma_start3A_158] : memref<10240x128xf32, #tpu.memory_space<vmem_shared>> -> memref<40x128xf32, #tpu.memory_space<vmem_shared>>
      %dma_start3A_160 = arith.constant 0 : i32
      %dma_start3A_161 = arith.constant 0 : i32
      %dma_start3A_162 = tpu.memref_slice %arg7[%run_scoped3A_35, %dma_start3A_160, %dma_start3A_161] : memref<5x40x128xf32, #tpu.memory_space<vmem>> -> memref<1x40x128xf32, #tpu.memory_space<vmem>>
      %dma_start3A_163 = tpu.memref_squeeze %dma_start3A_162 : memref<1x40x128xf32, #tpu.memory_space<vmem>> -> memref<40x128xf32, #tpu.memory_space<vmem>>
      tpu.enqueue_dma source(%dma_start3A_163 : memref<40x128xf32, #tpu.memory_space<vmem>>) target(%dma_start3A_159 : memref<40x128xf32, #tpu.memory_space<vmem_shared>>) target_semaphore(%run_scoped3A_151 : memref<!tpu.dma_semaphore, #tpu.memory_space<semaphore_mem>>)
      %dma_wait3A = arith.constant 0 : i32
      %dma_wait3A_164 = arith.constant 0 : i32
      %dma_wait3A_165 = tpu.memref_slice %arg7[%run_scoped3A_35, %dma_wait3A, %dma_wait3A_164] : memref<5x40x128xf32, #tpu.memory_space<vmem>> -> memref<1x40x128xf32, #tpu.memory_space<vmem>>
      %dma_wait3A_166 = tpu.memref_squeeze %dma_wait3A_165 : memref<1x40x128xf32, #tpu.memory_space<vmem>> -> memref<40x128xf32, #tpu.memory_space<vmem>>
      %dma_wait3A_167 = arith.constant 0 : i32
      %dma_wait3A_168 = tpu.memref_slice %arg8[%add3A_34, %dma_wait3A_167] : memref<10240x128xf32, #tpu.memory_space<vmem_shared>> -> memref<40x128xf32, #tpu.memory_space<vmem_shared>>
      %dma_wait3A_169 = arith.constant 0 : i32
      %dma_wait3A_170 = tpu.memref_slice %arg8[%add3A_34, %dma_wait3A_169] : memref<10240x128xf32, #tpu.memory_space<vmem_shared>> -> memref<40x128xf32, #tpu.memory_space<vmem_shared>>
      %dma_wait3A_171 = arith.constant 0 : i32
      %dma_wait3A_172 = arith.constant 0 : i32
      %dma_wait3A_173 = tpu.memref_slice %arg7[%run_scoped3A_35, %dma_wait3A_171, %dma_wait3A_172] : memref<5x40x128xf32, #tpu.memory_space<vmem>> -> memref<1x40x128xf32, #tpu.memory_space<vmem>>
      %dma_wait3A_174 = tpu.memref_squeeze %dma_wait3A_173 : memref<1x40x128xf32, #tpu.memory_space<vmem>> -> memref<40x128xf32, #tpu.memory_space<vmem>>
      tpu.wait_dma2 semaphore(%run_scoped3A_151 : memref<!tpu.dma_semaphore, #tpu.memory_space<semaphore_mem>>) src(%dma_wait3A_174 : memref<40x128xf32, #tpu.memory_space<vmem>>) dst(%dma_wait3A_170 : memref<40x128xf32, #tpu.memory_space<vmem_shared>>)
      tpu.yield
    }) : () -> ()
    %mul3A_36 = arith.constant 640 : i32
    %mul3A_37 = arith.muli %arg1, %mul3A_36 : i32
    %add3A_38 = arith.constant 200 : i32
    %add3A_39 = arith.addi %mul3A_37, %add3A_38 : i32
    %run_scoped3A_40 = arith.constant 0 : i32
    "tpu.region"() ({
      %run_scoped3A_151 = tpu.sem_alloc : memref<!tpu.dma_semaphore, #tpu.memory_space<semaphore_mem>>
      %dma_start3A_152 = arith.constant 0 : i32
      %dma_start3A_153 = arith.constant 0 : i32
      %dma_start3A_154 = tpu.memref_slice %arg7[%run_scoped3A_40, %dma_start3A_152, %dma_start3A_153] : memref<5x40x128xf32, #tpu.memory_space<vmem>> -> memref<1x40x128xf32, #tpu.memory_space<vmem>>
      %dma_start3A_155 = tpu.memref_squeeze %dma_start3A_154 : memref<1x40x128xf32, #tpu.memory_space<vmem>> -> memref<40x128xf32, #tpu.memory_space<vmem>>
      %dma_start3A_156 = arith.constant 0 : i32
      %dma_start3A_157 = tpu.memref_slice %arg8[%add3A_39, %dma_start3A_156] : memref<10240x128xf32, #tpu.memory_space<vmem_shared>> -> memref<40x128xf32, #tpu.memory_space<vmem_shared>>
      %dma_start3A_158 = arith.constant 0 : i32
      %dma_start3A_159 = tpu.memref_slice %arg8[%add3A_39, %dma_start3A_158] : memref<10240x128xf32, #tpu.memory_space<vmem_shared>> -> memref<40x128xf32, #tpu.memory_space<vmem_shared>>
      %dma_start3A_160 = arith.constant 0 : i32
      %dma_start3A_161 = arith.constant 0 : i32
      %dma_start3A_162 = tpu.memref_slice %arg7[%run_scoped3A_40, %dma_start3A_160, %dma_start3A_161] : memref<5x40x128xf32, #tpu.memory_space<vmem>> -> memref<1x40x128xf32, #tpu.memory_space<vmem>>
      %dma_start3A_163 = tpu.memref_squeeze %dma_start3A_162 : memref<1x40x128xf32, #tpu.memory_space<vmem>> -> memref<40x128xf32, #tpu.memory_space<vmem>>
      tpu.enqueue_dma source(%dma_start3A_163 : memref<40x128xf32, #tpu.memory_space<vmem>>) target(%dma_start3A_159 : memref<40x128xf32, #tpu.memory_space<vmem_shared>>) target_semaphore(%run_scoped3A_151 : memref<!tpu.dma_semaphore, #tpu.memory_space<semaphore_mem>>)
      %dma_wait3A = arith.constant 0 : i32
      %dma_wait3A_164 = arith.constant 0 : i32
      %dma_wait3A_165 = tpu.memref_slice %arg7[%run_scoped3A_40, %dma_wait3A, %dma_wait3A_164] : memref<5x40x128xf32, #tpu.memory_space<vmem>> -> memref<1x40x128xf32, #tpu.memory_space<vmem>>
      %dma_wait3A_166 = tpu.memref_squeeze %dma_wait3A_165 : memref<1x40x128xf32, #tpu.memory_space<vmem>> -> memref<40x128xf32, #tpu.memory_space<vmem>>
      %dma_wait3A_167 = arith.constant 0 : i32
      %dma_wait3A_168 = tpu.memref_slice %arg8[%add3A_39, %dma_wait3A_167] : memref<10240x128xf32, #tpu.memory_space<vmem_shared>> -> memref<40x128xf32, #tpu.memory_space<vmem_shared>>
      %dma_wait3A_169 = arith.constant 0 : i32
      %dma_wait3A_170 = tpu.memref_slice %arg8[%add3A_39, %dma_wait3A_169] : memref<10240x128xf32, #tpu.memory_space<vmem_shared>> -> memref<40x128xf32, #tpu.memory_space<vmem_shared>>
      %dma_wait3A_171 = arith.constant 0 : i32
      %dma_wait3A_172 = arith.constant 0 : i32
      %dma_wait3A_173 = tpu.memref_slice %arg7[%run_scoped3A_40, %dma_wait3A_171, %dma_wait3A_172] : memref<5x40x128xf32, #tpu.memory_space<vmem>> -> memref<1x40x128xf32, #tpu.memory_space<vmem>>
      %dma_wait3A_174 = tpu.memref_squeeze %dma_wait3A_173 : memref<1x40x128xf32, #tpu.memory_space<vmem>> -> memref<40x128xf32, #tpu.memory_space<vmem>>
      tpu.wait_dma2 semaphore(%run_scoped3A_151 : memref<!tpu.dma_semaphore, #tpu.memory_space<semaphore_mem>>) src(%dma_wait3A_174 : memref<40x128xf32, #tpu.memory_space<vmem>>) dst(%dma_wait3A_170 : memref<40x128xf32, #tpu.memory_space<vmem_shared>>)
      tpu.yield
    }) : () -> ()
    %mul3A_41 = arith.constant 640 : i32
    %mul3A_42 = arith.muli %arg1, %mul3A_41 : i32
    %add3A_43 = arith.constant 240 : i32
    %add3A_44 = arith.addi %mul3A_42, %add3A_43 : i32
    %run_scoped3A_45 = arith.constant 0 : i32
    "tpu.region"() ({
      %run_scoped3A_151 = tpu.sem_alloc : memref<!tpu.dma_semaphore, #tpu.memory_space<semaphore_mem>>
      %dma_start3A_152 = arith.constant 0 : i32
      %dma_start3A_153 = arith.constant 0 : i32
      %dma_start3A_154 = tpu.memref_slice %arg7[%run_scoped3A_45, %dma_start3A_152, %dma_start3A_153] : memref<5x40x128xf32, #tpu.memory_space<vmem>> -> memref<1x40x128xf32, #tpu.memory_space<vmem>>
      %dma_start3A_155 = tpu.memref_squeeze %dma_start3A_154 : memref<1x40x128xf32, #tpu.memory_space<vmem>> -> memref<40x128xf32, #tpu.memory_space<vmem>>
      %dma_start3A_156 = arith.constant 0 : i32
      %dma_start3A_157 = tpu.memref_slice %arg8[%add3A_44, %dma_start3A_156] : memref<10240x128xf32, #tpu.memory_space<vmem_shared>> -> memref<40x128xf32, #tpu.memory_space<vmem_shared>>
      %dma_start3A_158 = arith.constant 0 : i32
      %dma_start3A_159 = tpu.memref_slice %arg8[%add3A_44, %dma_start3A_158] : memref<10240x128xf32, #tpu.memory_space<vmem_shared>> -> memref<40x128xf32, #tpu.memory_space<vmem_shared>>
      %dma_start3A_160 = arith.constant 0 : i32
      %dma_start3A_161 = arith.constant 0 : i32
      %dma_start3A_162 = tpu.memref_slice %arg7[%run_scoped3A_45, %dma_start3A_160, %dma_start3A_161] : memref<5x40x128xf32, #tpu.memory_space<vmem>> -> memref<1x40x128xf32, #tpu.memory_space<vmem>>
      %dma_start3A_163 = tpu.memref_squeeze %dma_start3A_162 : memref<1x40x128xf32, #tpu.memory_space<vmem>> -> memref<40x128xf32, #tpu.memory_space<vmem>>
      tpu.enqueue_dma source(%dma_start3A_163 : memref<40x128xf32, #tpu.memory_space<vmem>>) target(%dma_start3A_159 : memref<40x128xf32, #tpu.memory_space<vmem_shared>>) target_semaphore(%run_scoped3A_151 : memref<!tpu.dma_semaphore, #tpu.memory_space<semaphore_mem>>)
      %dma_wait3A = arith.constant 0 : i32
      %dma_wait3A_164 = arith.constant 0 : i32
      %dma_wait3A_165 = tpu.memref_slice %arg7[%run_scoped3A_45, %dma_wait3A, %dma_wait3A_164] : memref<5x40x128xf32, #tpu.memory_space<vmem>> -> memref<1x40x128xf32, #tpu.memory_space<vmem>>
      %dma_wait3A_166 = tpu.memref_squeeze %dma_wait3A_165 : memref<1x40x128xf32, #tpu.memory_space<vmem>> -> memref<40x128xf32, #tpu.memory_space<vmem>>
      %dma_wait3A_167 = arith.constant 0 : i32
      %dma_wait3A_168 = tpu.memref_slice %arg8[%add3A_44, %dma_wait3A_167] : memref<10240x128xf32, #tpu.memory_space<vmem_shared>> -> memref<40x128xf32, #tpu.memory_space<vmem_shared>>
      %dma_wait3A_169 = arith.constant 0 : i32
      %dma_wait3A_170 = tpu.memref_slice %arg8[%add3A_44, %dma_wait3A_169] : memref<10240x128xf32, #tpu.memory_space<vmem_shared>> -> memref<40x128xf32, #tpu.memory_space<vmem_shared>>
      %dma_wait3A_171 = arith.constant 0 : i32
      %dma_wait3A_172 = arith.constant 0 : i32
      %dma_wait3A_173 = tpu.memref_slice %arg7[%run_scoped3A_45, %dma_wait3A_171, %dma_wait3A_172] : memref<5x40x128xf32, #tpu.memory_space<vmem>> -> memref<1x40x128xf32, #tpu.memory_space<vmem>>
      %dma_wait3A_174 = tpu.memref_squeeze %dma_wait3A_173 : memref<1x40x128xf32, #tpu.memory_space<vmem>> -> memref<40x128xf32, #tpu.memory_space<vmem>>
      tpu.wait_dma2 semaphore(%run_scoped3A_151 : memref<!tpu.dma_semaphore, #tpu.memory_space<semaphore_mem>>) src(%dma_wait3A_174 : memref<40x128xf32, #tpu.memory_space<vmem>>) dst(%dma_wait3A_170 : memref<40x128xf32, #tpu.memory_space<vmem_shared>>)
      tpu.yield
    }) : () -> ()
    %mul3A_46 = arith.constant 640 : i32
    %mul3A_47 = arith.muli %arg1, %mul3A_46 : i32
    %add3A_48 = arith.constant 280 : i32
    %add3A_49 = arith.addi %mul3A_47, %add3A_48 : i32
    %run_scoped3A_50 = arith.constant 0 : i32
    "tpu.region"() ({
      %run_scoped3A_151 = tpu.sem_alloc : memref<!tpu.dma_semaphore, #tpu.memory_space<semaphore_mem>>
      %dma_start3A_152 = arith.constant 0 : i32
      %dma_start3A_153 = arith.constant 0 : i32
      %dma_start3A_154 = tpu.memref_slice %arg7[%run_scoped3A_50, %dma_start3A_152, %dma_start3A_153] : memref<5x40x128xf32, #tpu.memory_space<vmem>> -> memref<1x40x128xf32, #tpu.memory_space<vmem>>
      %dma_start3A_155 = tpu.memref_squeeze %dma_start3A_154 : memref<1x40x128xf32, #tpu.memory_space<vmem>> -> memref<40x128xf32, #tpu.memory_space<vmem>>
      %dma_start3A_156 = arith.constant 0 : i32
      %dma_start3A_157 = tpu.memref_slice %arg8[%add3A_49, %dma_start3A_156] : memref<10240x128xf32, #tpu.memory_space<vmem_shared>> -> memref<40x128xf32, #tpu.memory_space<vmem_shared>>
      %dma_start3A_158 = arith.constant 0 : i32
      %dma_start3A_159 = tpu.memref_slice %arg8[%add3A_49, %dma_start3A_158] : memref<10240x128xf32, #tpu.memory_space<vmem_shared>> -> memref<40x128xf32, #tpu.memory_space<vmem_shared>>
      %dma_start3A_160 = arith.constant 0 : i32
      %dma_start3A_161 = arith.constant 0 : i32
      %dma_start3A_162 = tpu.memref_slice %arg7[%run_scoped3A_50, %dma_start3A_160, %dma_start3A_161] : memref<5x40x128xf32, #tpu.memory_space<vmem>> -> memref<1x40x128xf32, #tpu.memory_space<vmem>>
      %dma_start3A_163 = tpu.memref_squeeze %dma_start3A_162 : memref<1x40x128xf32, #tpu.memory_space<vmem>> -> memref<40x128xf32, #tpu.memory_space<vmem>>
      tpu.enqueue_dma source(%dma_start3A_163 : memref<40x128xf32, #tpu.memory_space<vmem>>) target(%dma_start3A_159 : memref<40x128xf32, #tpu.memory_space<vmem_shared>>) target_semaphore(%run_scoped3A_151 : memref<!tpu.dma_semaphore, #tpu.memory_space<semaphore_mem>>)
      %dma_wait3A = arith.constant 0 : i32
      %dma_wait3A_164 = arith.constant 0 : i32
      %dma_wait3A_165 = tpu.memref_slice %arg7[%run_scoped3A_50, %dma_wait3A, %dma_wait3A_164] : memref<5x40x128xf32, #tpu.memory_space<vmem>> -> memref<1x40x128xf32, #tpu.memory_space<vmem>>
      %dma_wait3A_166 = tpu.memref_squeeze %dma_wait3A_165 : memref<1x40x128xf32, #tpu.memory_space<vmem>> -> memref<40x128xf32, #tpu.memory_space<vmem>>
      %dma_wait3A_167 = arith.constant 0 : i32
      %dma_wait3A_168 = tpu.memref_slice %arg8[%add3A_49, %dma_wait3A_167] : memref<10240x128xf32, #tpu.memory_space<vmem_shared>> -> memref<40x128xf32, #tpu.memory_space<vmem_shared>>
      %dma_wait3A_169 = arith.constant 0 : i32
      %dma_wait3A_170 = tpu.memref_slice %arg8[%add3A_49, %dma_wait3A_169] : memref<10240x128xf32, #tpu.memory_space<vmem_shared>> -> memref<40x128xf32, #tpu.memory_space<vmem_shared>>
      %dma_wait3A_171 = arith.constant 0 : i32
      %dma_wait3A_172 = arith.constant 0 : i32
      %dma_wait3A_173 = tpu.memref_slice %arg7[%run_scoped3A_50, %dma_wait3A_171, %dma_wait3A_172] : memref<5x40x128xf32, #tpu.memory_space<vmem>> -> memref<1x40x128xf32, #tpu.memory_space<vmem>>
      %dma_wait3A_174 = tpu.memref_squeeze %dma_wait3A_173 : memref<1x40x128xf32, #tpu.memory_space<vmem>> -> memref<40x128xf32, #tpu.memory_space<vmem>>
      tpu.wait_dma2 semaphore(%run_scoped3A_151 : memref<!tpu.dma_semaphore, #tpu.memory_space<semaphore_mem>>) src(%dma_wait3A_174 : memref<40x128xf32, #tpu.memory_space<vmem>>) dst(%dma_wait3A_170 : memref<40x128xf32, #tpu.memory_space<vmem_shared>>)
      tpu.yield
    }) : () -> ()
    %mul3A_51 = arith.constant 640 : i32
    %mul3A_52 = arith.muli %arg1, %mul3A_51 : i32
    %add3A_53 = arith.constant 320 : i32
    %add3A_54 = arith.addi %mul3A_52, %add3A_53 : i32
    %run_scoped3A_55 = arith.constant 0 : i32
    "tpu.region"() ({
      %run_scoped3A_151 = tpu.sem_alloc : memref<!tpu.dma_semaphore, #tpu.memory_space<semaphore_mem>>
      %dma_start3A_152 = arith.constant 0 : i32
      %dma_start3A_153 = arith.constant 0 : i32
      %dma_start3A_154 = tpu.memref_slice %arg7[%run_scoped3A_55, %dma_start3A_152, %dma_start3A_153] : memref<5x40x128xf32, #tpu.memory_space<vmem>> -> memref<1x40x128xf32, #tpu.memory_space<vmem>>
      %dma_start3A_155 = tpu.memref_squeeze %dma_start3A_154 : memref<1x40x128xf32, #tpu.memory_space<vmem>> -> memref<40x128xf32, #tpu.memory_space<vmem>>
      %dma_start3A_156 = arith.constant 0 : i32
      %dma_start3A_157 = tpu.memref_slice %arg8[%add3A_54, %dma_start3A_156] : memref<10240x128xf32, #tpu.memory_space<vmem_shared>> -> memref<40x128xf32, #tpu.memory_space<vmem_shared>>
      %dma_start3A_158 = arith.constant 0 : i32
      %dma_start3A_159 = tpu.memref_slice %arg8[%add3A_54, %dma_start3A_158] : memref<10240x128xf32, #tpu.memory_space<vmem_shared>> -> memref<40x128xf32, #tpu.memory_space<vmem_shared>>
      %dma_start3A_160 = arith.constant 0 : i32
      %dma_start3A_161 = arith.constant 0 : i32
      %dma_start3A_162 = tpu.memref_slice %arg7[%run_scoped3A_55, %dma_start3A_160, %dma_start3A_161] : memref<5x40x128xf32, #tpu.memory_space<vmem>> -> memref<1x40x128xf32, #tpu.memory_space<vmem>>
      %dma_start3A_163 = tpu.memref_squeeze %dma_start3A_162 : memref<1x40x128xf32, #tpu.memory_space<vmem>> -> memref<40x128xf32, #tpu.memory_space<vmem>>
      tpu.enqueue_dma source(%dma_start3A_163 : memref<40x128xf32, #tpu.memory_space<vmem>>) target(%dma_start3A_159 : memref<40x128xf32, #tpu.memory_space<vmem_shared>>) target_semaphore(%run_scoped3A_151 : memref<!tpu.dma_semaphore, #tpu.memory_space<semaphore_mem>>)
      %dma_wait3A = arith.constant 0 : i32
      %dma_wait3A_164 = arith.constant 0 : i32
      %dma_wait3A_165 = tpu.memref_slice %arg7[%run_scoped3A_55, %dma_wait3A, %dma_wait3A_164] : memref<5x40x128xf32, #tpu.memory_space<vmem>> -> memref<1x40x128xf32, #tpu.memory_space<vmem>>
      %dma_wait3A_166 = tpu.memref_squeeze %dma_wait3A_165 : memref<1x40x128xf32, #tpu.memory_space<vmem>> -> memref<40x128xf32, #tpu.memory_space<vmem>>
      %dma_wait3A_167 = arith.constant 0 : i32
      %dma_wait3A_168 = tpu.memref_slice %arg8[%add3A_54, %dma_wait3A_167] : memref<10240x128xf32, #tpu.memory_space<vmem_shared>> -> memref<40x128xf32, #tpu.memory_space<vmem_shared>>
      %dma_wait3A_169 = arith.constant 0 : i32
      %dma_wait3A_170 = tpu.memref_slice %arg8[%add3A_54, %dma_wait3A_169] : memref<10240x128xf32, #tpu.memory_space<vmem_shared>> -> memref<40x128xf32, #tpu.memory_space<vmem_shared>>
      %dma_wait3A_171 = arith.constant 0 : i32
      %dma_wait3A_172 = arith.constant 0 : i32
      %dma_wait3A_173 = tpu.memref_slice %arg7[%run_scoped3A_55, %dma_wait3A_171, %dma_wait3A_172] : memref<5x40x128xf32, #tpu.memory_space<vmem>> -> memref<1x40x128xf32, #tpu.memory_space<vmem>>
      %dma_wait3A_174 = tpu.memref_squeeze %dma_wait3A_173 : memref<1x40x128xf32, #tpu.memory_space<vmem>> -> memref<40x128xf32, #tpu.memory_space<vmem>>
      tpu.wait_dma2 semaphore(%run_scoped3A_151 : memref<!tpu.dma_semaphore, #tpu.memory_space<semaphore_mem>>) src(%dma_wait3A_174 : memref<40x128xf32, #tpu.memory_space<vmem>>) dst(%dma_wait3A_170 : memref<40x128xf32, #tpu.memory_space<vmem_shared>>)
      tpu.yield
    }) : () -> ()
    %mul3A_56 = arith.constant 640 : i32
    %mul3A_57 = arith.muli %arg1, %mul3A_56 : i32
    %add3A_58 = arith.constant 360 : i32
    %add3A_59 = arith.addi %mul3A_57, %add3A_58 : i32
    %run_scoped3A_60 = arith.constant 0 : i32
    "tpu.region"() ({
      %run_scoped3A_151 = tpu.sem_alloc : memref<!tpu.dma_semaphore, #tpu.memory_space<semaphore_mem>>
      %dma_start3A_152 = arith.constant 0 : i32
      %dma_start3A_153 = arith.constant 0 : i32
      %dma_start3A_154 = tpu.memref_slice %arg7[%run_scoped3A_60, %dma_start3A_152, %dma_start3A_153] : memref<5x40x128xf32, #tpu.memory_space<vmem>> -> memref<1x40x128xf32, #tpu.memory_space<vmem>>
      %dma_start3A_155 = tpu.memref_squeeze %dma_start3A_154 : memref<1x40x128xf32, #tpu.memory_space<vmem>> -> memref<40x128xf32, #tpu.memory_space<vmem>>
      %dma_start3A_156 = arith.constant 0 : i32
      %dma_start3A_157 = tpu.memref_slice %arg8[%add3A_59, %dma_start3A_156] : memref<10240x128xf32, #tpu.memory_space<vmem_shared>> -> memref<40x128xf32, #tpu.memory_space<vmem_shared>>
      %dma_start3A_158 = arith.constant 0 : i32
      %dma_start3A_159 = tpu.memref_slice %arg8[%add3A_59, %dma_start3A_158] : memref<10240x128xf32, #tpu.memory_space<vmem_shared>> -> memref<40x128xf32, #tpu.memory_space<vmem_shared>>
      %dma_start3A_160 = arith.constant 0 : i32
      %dma_start3A_161 = arith.constant 0 : i32
      %dma_start3A_162 = tpu.memref_slice %arg7[%run_scoped3A_60, %dma_start3A_160, %dma_start3A_161] : memref<5x40x128xf32, #tpu.memory_space<vmem>> -> memref<1x40x128xf32, #tpu.memory_space<vmem>>
      %dma_start3A_163 = tpu.memref_squeeze %dma_start3A_162 : memref<1x40x128xf32, #tpu.memory_space<vmem>> -> memref<40x128xf32, #tpu.memory_space<vmem>>
      tpu.enqueue_dma source(%dma_start3A_163 : memref<40x128xf32, #tpu.memory_space<vmem>>) target(%dma_start3A_159 : memref<40x128xf32, #tpu.memory_space<vmem_shared>>) target_semaphore(%run_scoped3A_151 : memref<!tpu.dma_semaphore, #tpu.memory_space<semaphore_mem>>)
      %dma_wait3A = arith.constant 0 : i32
      %dma_wait3A_164 = arith.constant 0 : i32
      %dma_wait3A_165 = tpu.memref_slice %arg7[%run_scoped3A_60, %dma_wait3A, %dma_wait3A_164] : memref<5x40x128xf32, #tpu.memory_space<vmem>> -> memref<1x40x128xf32, #tpu.memory_space<vmem>>
      %dma_wait3A_166 = tpu.memref_squeeze %dma_wait3A_165 : memref<1x40x128xf32, #tpu.memory_space<vmem>> -> memref<40x128xf32, #tpu.memory_space<vmem>>
      %dma_wait3A_167 = arith.constant 0 : i32
      %dma_wait3A_168 = tpu.memref_slice %arg8[%add3A_59, %dma_wait3A_167] : memref<10240x128xf32, #tpu.memory_space<vmem_shared>> -> memref<40x128xf32, #tpu.memory_space<vmem_shared>>
      %dma_wait3A_169 = arith.constant 0 : i32
      %dma_wait3A_170 = tpu.memref_slice %arg8[%add3A_59, %dma_wait3A_169] : memref<10240x128xf32, #tpu.memory_space<vmem_shared>> -> memref<40x128xf32, #tpu.memory_space<vmem_shared>>
      %dma_wait3A_171 = arith.constant 0 : i32
      %dma_wait3A_172 = arith.constant 0 : i32
      %dma_wait3A_173 = tpu.memref_slice %arg7[%run_scoped3A_60, %dma_wait3A_171, %dma_wait3A_172] : memref<5x40x128xf32, #tpu.memory_space<vmem>> -> memref<1x40x128xf32, #tpu.memory_space<vmem>>
      %dma_wait3A_174 = tpu.memref_squeeze %dma_wait3A_173 : memref<1x40x128xf32, #tpu.memory_space<vmem>> -> memref<40x128xf32, #tpu.memory_space<vmem>>
      tpu.wait_dma2 semaphore(%run_scoped3A_151 : memref<!tpu.dma_semaphore, #tpu.memory_space<semaphore_mem>>) src(%dma_wait3A_174 : memref<40x128xf32, #tpu.memory_space<vmem>>) dst(%dma_wait3A_170 : memref<40x128xf32, #tpu.memory_space<vmem_shared>>)
      tpu.yield
    }) : () -> ()
    %mul3A_61 = arith.constant 640 : i32
    %mul3A_62 = arith.muli %arg1, %mul3A_61 : i32
    %add3A_63 = arith.constant 400 : i32
    %add3A_64 = arith.addi %mul3A_62, %add3A_63 : i32
    %run_scoped3A_65 = arith.constant 0 : i32
    "tpu.region"() ({
      %run_scoped3A_151 = tpu.sem_alloc : memref<!tpu.dma_semaphore, #tpu.memory_space<semaphore_mem>>
      %dma_start3A_152 = arith.constant 0 : i32
      %dma_start3A_153 = arith.constant 0 : i32
      %dma_start3A_154 = tpu.memref_slice %arg7[%run_scoped3A_65, %dma_start3A_152, %dma_start3A_153] : memref<5x40x128xf32, #tpu.memory_space<vmem>> -> memref<1x40x128xf32, #tpu.memory_space<vmem>>
      %dma_start3A_155 = tpu.memref_squeeze %dma_start3A_154 : memref<1x40x128xf32, #tpu.memory_space<vmem>> -> memref<40x128xf32, #tpu.memory_space<vmem>>
      %dma_start3A_156 = arith.constant 0 : i32
      %dma_start3A_157 = tpu.memref_slice %arg8[%add3A_64, %dma_start3A_156] : memref<10240x128xf32, #tpu.memory_space<vmem_shared>> -> memref<40x128xf32, #tpu.memory_space<vmem_shared>>
      %dma_start3A_158 = arith.constant 0 : i32
      %dma_start3A_159 = tpu.memref_slice %arg8[%add3A_64, %dma_start3A_158] : memref<10240x128xf32, #tpu.memory_space<vmem_shared>> -> memref<40x128xf32, #tpu.memory_space<vmem_shared>>
      %dma_start3A_160 = arith.constant 0 : i32
      %dma_start3A_161 = arith.constant 0 : i32
      %dma_start3A_162 = tpu.memref_slice %arg7[%run_scoped3A_65, %dma_start3A_160, %dma_start3A_161] : memref<5x40x128xf32, #tpu.memory_space<vmem>> -> memref<1x40x128xf32, #tpu.memory_space<vmem>>
      %dma_start3A_163 = tpu.memref_squeeze %dma_start3A_162 : memref<1x40x128xf32, #tpu.memory_space<vmem>> -> memref<40x128xf32, #tpu.memory_space<vmem>>
      tpu.enqueue_dma source(%dma_start3A_163 : memref<40x128xf32, #tpu.memory_space<vmem>>) target(%dma_start3A_159 : memref<40x128xf32, #tpu.memory_space<vmem_shared>>) target_semaphore(%run_scoped3A_151 : memref<!tpu.dma_semaphore, #tpu.memory_space<semaphore_mem>>)
      %dma_wait3A = arith.constant 0 : i32
      %dma_wait3A_164 = arith.constant 0 : i32
      %dma_wait3A_165 = tpu.memref_slice %arg7[%run_scoped3A_65, %dma_wait3A, %dma_wait3A_164] : memref<5x40x128xf32, #tpu.memory_space<vmem>> -> memref<1x40x128xf32, #tpu.memory_space<vmem>>
      %dma_wait3A_166 = tpu.memref_squeeze %dma_wait3A_165 : memref<1x40x128xf32, #tpu.memory_space<vmem>> -> memref<40x128xf32, #tpu.memory_space<vmem>>
      %dma_wait3A_167 = arith.constant 0 : i32
      %dma_wait3A_168 = tpu.memref_slice %arg8[%add3A_64, %dma_wait3A_167] : memref<10240x128xf32, #tpu.memory_space<vmem_shared>> -> memref<40x128xf32, #tpu.memory_space<vmem_shared>>
      %dma_wait3A_169 = arith.constant 0 : i32
      %dma_wait3A_170 = tpu.memref_slice %arg8[%add3A_64, %dma_wait3A_169] : memref<10240x128xf32, #tpu.memory_space<vmem_shared>> -> memref<40x128xf32, #tpu.memory_space<vmem_shared>>
      %dma_wait3A_171 = arith.constant 0 : i32
      %dma_wait3A_172 = arith.constant 0 : i32
      %dma_wait3A_173 = tpu.memref_slice %arg7[%run_scoped3A_65, %dma_wait3A_171, %dma_wait3A_172] : memref<5x40x128xf32, #tpu.memory_space<vmem>> -> memref<1x40x128xf32, #tpu.memory_space<vmem>>
      %dma_wait3A_174 = tpu.memref_squeeze %dma_wait3A_173 : memref<1x40x128xf32, #tpu.memory_space<vmem>> -> memref<40x128xf32, #tpu.memory_space<vmem>>
      tpu.wait_dma2 semaphore(%run_scoped3A_151 : memref<!tpu.dma_semaphore, #tpu.memory_space<semaphore_mem>>) src(%dma_wait3A_174 : memref<40x128xf32, #tpu.memory_space<vmem>>) dst(%dma_wait3A_170 : memref<40x128xf32, #tpu.memory_space<vmem_shared>>)
      tpu.yield
    }) : () -> ()
    %mul3A_66 = arith.constant 640 : i32
    %mul3A_67 = arith.muli %arg1, %mul3A_66 : i32
    %add3A_68 = arith.constant 440 : i32
    %add3A_69 = arith.addi %mul3A_67, %add3A_68 : i32
    %run_scoped3A_70 = arith.constant 0 : i32
    "tpu.region"() ({
      %run_scoped3A_151 = tpu.sem_alloc : memref<!tpu.dma_semaphore, #tpu.memory_space<semaphore_mem>>
      %dma_start3A_152 = arith.constant 0 : i32
      %dma_start3A_153 = arith.constant 0 : i32
      %dma_start3A_154 = tpu.memref_slice %arg7[%run_scoped3A_70, %dma_start3A_152, %dma_start3A_153] : memref<5x40x128xf32, #tpu.memory_space<vmem>> -> memref<1x40x128xf32, #tpu.memory_space<vmem>>
      %dma_start3A_155 = tpu.memref_squeeze %dma_start3A_154 : memref<1x40x128xf32, #tpu.memory_space<vmem>> -> memref<40x128xf32, #tpu.memory_space<vmem>>
      %dma_start3A_156 = arith.constant 0 : i32
      %dma_start3A_157 = tpu.memref_slice %arg8[%add3A_69, %dma_start3A_156] : memref<10240x128xf32, #tpu.memory_space<vmem_shared>> -> memref<40x128xf32, #tpu.memory_space<vmem_shared>>
      %dma_start3A_158 = arith.constant 0 : i32
      %dma_start3A_159 = tpu.memref_slice %arg8[%add3A_69, %dma_start3A_158] : memref<10240x128xf32, #tpu.memory_space<vmem_shared>> -> memref<40x128xf32, #tpu.memory_space<vmem_shared>>
      %dma_start3A_160 = arith.constant 0 : i32
      %dma_start3A_161 = arith.constant 0 : i32
      %dma_start3A_162 = tpu.memref_slice %arg7[%run_scoped3A_70, %dma_start3A_160, %dma_start3A_161] : memref<5x40x128xf32, #tpu.memory_space<vmem>> -> memref<1x40x128xf32, #tpu.memory_space<vmem>>
      %dma_start3A_163 = tpu.memref_squeeze %dma_start3A_162 : memref<1x40x128xf32, #tpu.memory_space<vmem>> -> memref<40x128xf32, #tpu.memory_space<vmem>>
      tpu.enqueue_dma source(%dma_start3A_163 : memref<40x128xf32, #tpu.memory_space<vmem>>) target(%dma_start3A_159 : memref<40x128xf32, #tpu.memory_space<vmem_shared>>) target_semaphore(%run_scoped3A_151 : memref<!tpu.dma_semaphore, #tpu.memory_space<semaphore_mem>>)
      %dma_wait3A = arith.constant 0 : i32
      %dma_wait3A_164 = arith.constant 0 : i32
      %dma_wait3A_165 = tpu.memref_slice %arg7[%run_scoped3A_70, %dma_wait3A, %dma_wait3A_164] : memref<5x40x128xf32, #tpu.memory_space<vmem>> -> memref<1x40x128xf32, #tpu.memory_space<vmem>>
      %dma_wait3A_166 = tpu.memref_squeeze %dma_wait3A_165 : memref<1x40x128xf32, #tpu.memory_space<vmem>> -> memref<40x128xf32, #tpu.memory_space<vmem>>
      %dma_wait3A_167 = arith.constant 0 : i32
      %dma_wait3A_168 = tpu.memref_slice %arg8[%add3A_69, %dma_wait3A_167] : memref<10240x128xf32, #tpu.memory_space<vmem_shared>> -> memref<40x128xf32, #tpu.memory_space<vmem_shared>>
      %dma_wait3A_169 = arith.constant 0 : i32
      %dma_wait3A_170 = tpu.memref_slice %arg8[%add3A_69, %dma_wait3A_169] : memref<10240x128xf32, #tpu.memory_space<vmem_shared>> -> memref<40x128xf32, #tpu.memory_space<vmem_shared>>
      %dma_wait3A_171 = arith.constant 0 : i32
      %dma_wait3A_172 = arith.constant 0 : i32
      %dma_wait3A_173 = tpu.memref_slice %arg7[%run_scoped3A_70, %dma_wait3A_171, %dma_wait3A_172] : memref<5x40x128xf32, #tpu.memory_space<vmem>> -> memref<1x40x128xf32, #tpu.memory_space<vmem>>
      %dma_wait3A_174 = tpu.memref_squeeze %dma_wait3A_173 : memref<1x40x128xf32, #tpu.memory_space<vmem>> -> memref<40x128xf32, #tpu.memory_space<vmem>>
      tpu.wait_dma2 semaphore(%run_scoped3A_151 : memref<!tpu.dma_semaphore, #tpu.memory_space<semaphore_mem>>) src(%dma_wait3A_174 : memref<40x128xf32, #tpu.memory_space<vmem>>) dst(%dma_wait3A_170 : memref<40x128xf32, #tpu.memory_space<vmem_shared>>)
      tpu.yield
    }) : () -> ()
    %mul3A_71 = arith.constant 640 : i32
    %mul3A_72 = arith.muli %arg1, %mul3A_71 : i32
    %add3A_73 = arith.constant 480 : i32
    %add3A_74 = arith.addi %mul3A_72, %add3A_73 : i32
    %run_scoped3A_75 = arith.constant 0 : i32
    "tpu.region"() ({
      %run_scoped3A_151 = tpu.sem_alloc : memref<!tpu.dma_semaphore, #tpu.memory_space<semaphore_mem>>
      %dma_start3A_152 = arith.constant 0 : i32
      %dma_start3A_153 = arith.constant 0 : i32
      %dma_start3A_154 = tpu.memref_slice %arg7[%run_scoped3A_75, %dma_start3A_152, %dma_start3A_153] : memref<5x40x128xf32, #tpu.memory_space<vmem>> -> memref<1x40x128xf32, #tpu.memory_space<vmem>>
      %dma_start3A_155 = tpu.memref_squeeze %dma_start3A_154 : memref<1x40x128xf32, #tpu.memory_space<vmem>> -> memref<40x128xf32, #tpu.memory_space<vmem>>
      %dma_start3A_156 = arith.constant 0 : i32
      %dma_start3A_157 = tpu.memref_slice %arg8[%add3A_74, %dma_start3A_156] : memref<10240x128xf32, #tpu.memory_space<vmem_shared>> -> memref<40x128xf32, #tpu.memory_space<vmem_shared>>
      %dma_start3A_158 = arith.constant 0 : i32
      %dma_start3A_159 = tpu.memref_slice %arg8[%add3A_74, %dma_start3A_158] : memref<10240x128xf32, #tpu.memory_space<vmem_shared>> -> memref<40x128xf32, #tpu.memory_space<vmem_shared>>
      %dma_start3A_160 = arith.constant 0 : i32
      %dma_start3A_161 = arith.constant 0 : i32
      %dma_start3A_162 = tpu.memref_slice %arg7[%run_scoped3A_75, %dma_start3A_160, %dma_start3A_161] : memref<5x40x128xf32, #tpu.memory_space<vmem>> -> memref<1x40x128xf32, #tpu.memory_space<vmem>>
      %dma_start3A_163 = tpu.memref_squeeze %dma_start3A_162 : memref<1x40x128xf32, #tpu.memory_space<vmem>> -> memref<40x128xf32, #tpu.memory_space<vmem>>
      tpu.enqueue_dma source(%dma_start3A_163 : memref<40x128xf32, #tpu.memory_space<vmem>>) target(%dma_start3A_159 : memref<40x128xf32, #tpu.memory_space<vmem_shared>>) target_semaphore(%run_scoped3A_151 : memref<!tpu.dma_semaphore, #tpu.memory_space<semaphore_mem>>)
      %dma_wait3A = arith.constant 0 : i32
      %dma_wait3A_164 = arith.constant 0 : i32
      %dma_wait3A_165 = tpu.memref_slice %arg7[%run_scoped3A_75, %dma_wait3A, %dma_wait3A_164] : memref<5x40x128xf32, #tpu.memory_space<vmem>> -> memref<1x40x128xf32, #tpu.memory_space<vmem>>
      %dma_wait3A_166 = tpu.memref_squeeze %dma_wait3A_165 : memref<1x40x128xf32, #tpu.memory_space<vmem>> -> memref<40x128xf32, #tpu.memory_space<vmem>>
      %dma_wait3A_167 = arith.constant 0 : i32
      %dma_wait3A_168 = tpu.memref_slice %arg8[%add3A_74, %dma_wait3A_167] : memref<10240x128xf32, #tpu.memory_space<vmem_shared>> -> memref<40x128xf32, #tpu.memory_space<vmem_shared>>
      %dma_wait3A_169 = arith.constant 0 : i32
      %dma_wait3A_170 = tpu.memref_slice %arg8[%add3A_74, %dma_wait3A_169] : memref<10240x128xf32, #tpu.memory_space<vmem_shared>> -> memref<40x128xf32, #tpu.memory_space<vmem_shared>>
      %dma_wait3A_171 = arith.constant 0 : i32
      %dma_wait3A_172 = arith.constant 0 : i32
      %dma_wait3A_173 = tpu.memref_slice %arg7[%run_scoped3A_75, %dma_wait3A_171, %dma_wait3A_172] : memref<5x40x128xf32, #tpu.memory_space<vmem>> -> memref<1x40x128xf32, #tpu.memory_space<vmem>>
      %dma_wait3A_174 = tpu.memref_squeeze %dma_wait3A_173 : memref<1x40x128xf32, #tpu.memory_space<vmem>> -> memref<40x128xf32, #tpu.memory_space<vmem>>
      tpu.wait_dma2 semaphore(%run_scoped3A_151 : memref<!tpu.dma_semaphore, #tpu.memory_space<semaphore_mem>>) src(%dma_wait3A_174 : memref<40x128xf32, #tpu.memory_space<vmem>>) dst(%dma_wait3A_170 : memref<40x128xf32, #tpu.memory_space<vmem_shared>>)
      tpu.yield
    }) : () -> ()
    %mul3A_76 = arith.constant 640 : i32
    %mul3A_77 = arith.muli %arg1, %mul3A_76 : i32
    %add3A_78 = arith.constant 520 : i32
    %add3A_79 = arith.addi %mul3A_77, %add3A_78 : i32
    %run_scoped3A_80 = arith.constant 0 : i32
    "tpu.region"() ({
      %run_scoped3A_151 = tpu.sem_alloc : memref<!tpu.dma_semaphore, #tpu.memory_space<semaphore_mem>>
      %dma_start3A_152 = arith.constant 0 : i32
      %dma_start3A_153 = arith.constant 0 : i32
      %dma_start3A_154 = tpu.memref_slice %arg7[%run_scoped3A_80, %dma_start3A_152, %dma_start3A_153] : memref<5x40x128xf32, #tpu.memory_space<vmem>> -> memref<1x40x128xf32, #tpu.memory_space<vmem>>
      %dma_start3A_155 = tpu.memref_squeeze %dma_start3A_154 : memref<1x40x128xf32, #tpu.memory_space<vmem>> -> memref<40x128xf32, #tpu.memory_space<vmem>>
      %dma_start3A_156 = arith.constant 0 : i32
      %dma_start3A_157 = tpu.memref_slice %arg8[%add3A_79, %dma_start3A_156] : memref<10240x128xf32, #tpu.memory_space<vmem_shared>> -> memref<40x128xf32, #tpu.memory_space<vmem_shared>>
      %dma_start3A_158 = arith.constant 0 : i32
      %dma_start3A_159 = tpu.memref_slice %arg8[%add3A_79, %dma_start3A_158] : memref<10240x128xf32, #tpu.memory_space<vmem_shared>> -> memref<40x128xf32, #tpu.memory_space<vmem_shared>>
      %dma_start3A_160 = arith.constant 0 : i32
      %dma_start3A_161 = arith.constant 0 : i32
      %dma_start3A_162 = tpu.memref_slice %arg7[%run_scoped3A_80, %dma_start3A_160, %dma_start3A_161] : memref<5x40x128xf32, #tpu.memory_space<vmem>> -> memref<1x40x128xf32, #tpu.memory_space<vmem>>
      %dma_start3A_163 = tpu.memref_squeeze %dma_start3A_162 : memref<1x40x128xf32, #tpu.memory_space<vmem>> -> memref<40x128xf32, #tpu.memory_space<vmem>>
      tpu.enqueue_dma source(%dma_start3A_163 : memref<40x128xf32, #tpu.memory_space<vmem>>) target(%dma_start3A_159 : memref<40x128xf32, #tpu.memory_space<vmem_shared>>) target_semaphore(%run_scoped3A_151 : memref<!tpu.dma_semaphore, #tpu.memory_space<semaphore_mem>>)
      %dma_wait3A = arith.constant 0 : i32
      %dma_wait3A_164 = arith.constant 0 : i32
      %dma_wait3A_165 = tpu.memref_slice %arg7[%run_scoped3A_80, %dma_wait3A, %dma_wait3A_164] : memref<5x40x128xf32, #tpu.memory_space<vmem>> -> memref<1x40x128xf32, #tpu.memory_space<vmem>>
      %dma_wait3A_166 = tpu.memref_squeeze %dma_wait3A_165 : memref<1x40x128xf32, #tpu.memory_space<vmem>> -> memref<40x128xf32, #tpu.memory_space<vmem>>
      %dma_wait3A_167 = arith.constant 0 : i32
      %dma_wait3A_168 = tpu.memref_slice %arg8[%add3A_79, %dma_wait3A_167] : memref<10240x128xf32, #tpu.memory_space<vmem_shared>> -> memref<40x128xf32, #tpu.memory_space<vmem_shared>>
      %dma_wait3A_169 = arith.constant 0 : i32
      %dma_wait3A_170 = tpu.memref_slice %arg8[%add3A_79, %dma_wait3A_169] : memref<10240x128xf32, #tpu.memory_space<vmem_shared>> -> memref<40x128xf32, #tpu.memory_space<vmem_shared>>
      %dma_wait3A_171 = arith.constant 0 : i32
      %dma_wait3A_172 = arith.constant 0 : i32
      %dma_wait3A_173 = tpu.memref_slice %arg7[%run_scoped3A_80, %dma_wait3A_171, %dma_wait3A_172] : memref<5x40x128xf32, #tpu.memory_space<vmem>> -> memref<1x40x128xf32, #tpu.memory_space<vmem>>
      %dma_wait3A_174 = tpu.memref_squeeze %dma_wait3A_173 : memref<1x40x128xf32, #tpu.memory_space<vmem>> -> memref<40x128xf32, #tpu.memory_space<vmem>>
      tpu.wait_dma2 semaphore(%run_scoped3A_151 : memref<!tpu.dma_semaphore, #tpu.memory_space<semaphore_mem>>) src(%dma_wait3A_174 : memref<40x128xf32, #tpu.memory_space<vmem>>) dst(%dma_wait3A_170 : memref<40x128xf32, #tpu.memory_space<vmem_shared>>)
      tpu.yield
    }) : () -> ()
    %mul3A_81 = arith.constant 640 : i32
    %mul3A_82 = arith.muli %arg1, %mul3A_81 : i32
    %add3A_83 = arith.constant 560 : i32
    %add3A_84 = arith.addi %mul3A_82, %add3A_83 : i32
    %run_scoped3A_85 = arith.constant 0 : i32
    "tpu.region"() ({
      %run_scoped3A_151 = tpu.sem_alloc : memref<!tpu.dma_semaphore, #tpu.memory_space<semaphore_mem>>
      %dma_start3A_152 = arith.constant 0 : i32
      %dma_start3A_153 = arith.constant 0 : i32
      %dma_start3A_154 = tpu.memref_slice %arg7[%run_scoped3A_85, %dma_start3A_152, %dma_start3A_153] : memref<5x40x128xf32, #tpu.memory_space<vmem>> -> memref<1x40x128xf32, #tpu.memory_space<vmem>>
      %dma_start3A_155 = tpu.memref_squeeze %dma_start3A_154 : memref<1x40x128xf32, #tpu.memory_space<vmem>> -> memref<40x128xf32, #tpu.memory_space<vmem>>
      %dma_start3A_156 = arith.constant 0 : i32
      %dma_start3A_157 = tpu.memref_slice %arg8[%add3A_84, %dma_start3A_156] : memref<10240x128xf32, #tpu.memory_space<vmem_shared>> -> memref<40x128xf32, #tpu.memory_space<vmem_shared>>
      %dma_start3A_158 = arith.constant 0 : i32
      %dma_start3A_159 = tpu.memref_slice %arg8[%add3A_84, %dma_start3A_158] : memref<10240x128xf32, #tpu.memory_space<vmem_shared>> -> memref<40x128xf32, #tpu.memory_space<vmem_shared>>
      %dma_start3A_160 = arith.constant 0 : i32
      %dma_start3A_161 = arith.constant 0 : i32
      %dma_start3A_162 = tpu.memref_slice %arg7[%run_scoped3A_85, %dma_start3A_160, %dma_start3A_161] : memref<5x40x128xf32, #tpu.memory_space<vmem>> -> memref<1x40x128xf32, #tpu.memory_space<vmem>>
      %dma_start3A_163 = tpu.memref_squeeze %dma_start3A_162 : memref<1x40x128xf32, #tpu.memory_space<vmem>> -> memref<40x128xf32, #tpu.memory_space<vmem>>
      tpu.enqueue_dma source(%dma_start3A_163 : memref<40x128xf32, #tpu.memory_space<vmem>>) target(%dma_start3A_159 : memref<40x128xf32, #tpu.memory_space<vmem_shared>>) target_semaphore(%run_scoped3A_151 : memref<!tpu.dma_semaphore, #tpu.memory_space<semaphore_mem>>)
      %dma_wait3A = arith.constant 0 : i32
      %dma_wait3A_164 = arith.constant 0 : i32
      %dma_wait3A_165 = tpu.memref_slice %arg7[%run_scoped3A_85, %dma_wait3A, %dma_wait3A_164] : memref<5x40x128xf32, #tpu.memory_space<vmem>> -> memref<1x40x128xf32, #tpu.memory_space<vmem>>
      %dma_wait3A_166 = tpu.memref_squeeze %dma_wait3A_165 : memref<1x40x128xf32, #tpu.memory_space<vmem>> -> memref<40x128xf32, #tpu.memory_space<vmem>>
      %dma_wait3A_167 = arith.constant 0 : i32
      %dma_wait3A_168 = tpu.memref_slice %arg8[%add3A_84, %dma_wait3A_167] : memref<10240x128xf32, #tpu.memory_space<vmem_shared>> -> memref<40x128xf32, #tpu.memory_space<vmem_shared>>
      %dma_wait3A_169 = arith.constant 0 : i32
      %dma_wait3A_170 = tpu.memref_slice %arg8[%add3A_84, %dma_wait3A_169] : memref<10240x128xf32, #tpu.memory_space<vmem_shared>> -> memref<40x128xf32, #tpu.memory_space<vmem_shared>>
      %dma_wait3A_171 = arith.constant 0 : i32
      %dma_wait3A_172 = arith.constant 0 : i32
      %dma_wait3A_173 = tpu.memref_slice %arg7[%run_scoped3A_85, %dma_wait3A_171, %dma_wait3A_172] : memref<5x40x128xf32, #tpu.memory_space<vmem>> -> memref<1x40x128xf32, #tpu.memory_space<vmem>>
      %dma_wait3A_174 = tpu.memref_squeeze %dma_wait3A_173 : memref<1x40x128xf32, #tpu.memory_space<vmem>> -> memref<40x128xf32, #tpu.memory_space<vmem>>
      tpu.wait_dma2 semaphore(%run_scoped3A_151 : memref<!tpu.dma_semaphore, #tpu.memory_space<semaphore_mem>>) src(%dma_wait3A_174 : memref<40x128xf32, #tpu.memory_space<vmem>>) dst(%dma_wait3A_170 : memref<40x128xf32, #tpu.memory_space<vmem_shared>>)
      tpu.yield
    }) : () -> ()
    %mul3A_86 = arith.constant 640 : i32
    %mul3A_87 = arith.muli %arg1, %mul3A_86 : i32
    %add3A_88 = arith.constant 600 : i32
    %add3A_89 = arith.addi %mul3A_87, %add3A_88 : i32
    %run_scoped3A_90 = arith.constant 0 : i32
    "tpu.region"() ({
      %run_scoped3A_151 = tpu.sem_alloc : memref<!tpu.dma_semaphore, #tpu.memory_space<semaphore_mem>>
      %dma_start3A_152 = arith.constant 0 : i32
      %dma_start3A_153 = arith.constant 0 : i32
      %dma_start3A_154 = tpu.memref_slice %arg7[%run_scoped3A_90, %dma_start3A_152, %dma_start3A_153] : memref<5x40x128xf32, #tpu.memory_space<vmem>> -> memref<1x40x128xf32, #tpu.memory_space<vmem>>
      %dma_start3A_155 = tpu.memref_squeeze %dma_start3A_154 : memref<1x40x128xf32, #tpu.memory_space<vmem>> -> memref<40x128xf32, #tpu.memory_space<vmem>>
      %dma_start3A_156 = arith.constant 0 : i32
      %dma_start3A_157 = tpu.memref_slice %arg8[%add3A_89, %dma_start3A_156] : memref<10240x128xf32, #tpu.memory_space<vmem_shared>> -> memref<40x128xf32, #tpu.memory_space<vmem_shared>>
      %dma_start3A_158 = arith.constant 0 : i32
      %dma_start3A_159 = tpu.memref_slice %arg8[%add3A_89, %dma_start3A_158] : memref<10240x128xf32, #tpu.memory_space<vmem_shared>> -> memref<40x128xf32, #tpu.memory_space<vmem_shared>>
      %dma_start3A_160 = arith.constant 0 : i32
      %dma_start3A_161 = arith.constant 0 : i32
      %dma_start3A_162 = tpu.memref_slice %arg7[%run_scoped3A_90, %dma_start3A_160, %dma_start3A_161] : memref<5x40x128xf32, #tpu.memory_space<vmem>> -> memref<1x40x128xf32, #tpu.memory_space<vmem>>
      %dma_start3A_163 = tpu.memref_squeeze %dma_start3A_162 : memref<1x40x128xf32, #tpu.memory_space<vmem>> -> memref<40x128xf32, #tpu.memory_space<vmem>>
      tpu.enqueue_dma source(%dma_start3A_163 : memref<40x128xf32, #tpu.memory_space<vmem>>) target(%dma_start3A_159 : memref<40x128xf32, #tpu.memory_space<vmem_shared>>) target_semaphore(%run_scoped3A_151 : memref<!tpu.dma_semaphore, #tpu.memory_space<semaphore_mem>>)
      %dma_wait3A = arith.constant 0 : i32
      %dma_wait3A_164 = arith.constant 0 : i32
      %dma_wait3A_165 = tpu.memref_slice %arg7[%run_scoped3A_90, %dma_wait3A, %dma_wait3A_164] : memref<5x40x128xf32, #tpu.memory_space<vmem>> -> memref<1x40x128xf32, #tpu.memory_space<vmem>>
      %dma_wait3A_166 = tpu.memref_squeeze %dma_wait3A_165 : memref<1x40x128xf32, #tpu.memory_space<vmem>> -> memref<40x128xf32, #tpu.memory_space<vmem>>
      %dma_wait3A_167 = arith.constant 0 : i32
      %dma_wait3A_168 = tpu.memref_slice %arg8[%add3A_89, %dma_wait3A_167] : memref<10240x128xf32, #tpu.memory_space<vmem_shared>> -> memref<40x128xf32, #tpu.memory_space<vmem_shared>>
      %dma_wait3A_169 = arith.constant 0 : i32
      %dma_wait3A_170 = tpu.memref_slice %arg8[%add3A_89, %dma_wait3A_169] : memref<10240x128xf32, #tpu.memory_space<vmem_shared>> -> memref<40x128xf32, #tpu.memory_space<vmem_shared>>
      %dma_wait3A_171 = arith.constant 0 : i32
      %dma_wait3A_172 = arith.constant 0 : i32
      %dma_wait3A_173 = tpu.memref_slice %arg7[%run_scoped3A_90, %dma_wait3A_171, %dma_wait3A_172] : memref<5x40x128xf32, #tpu.memory_space<vmem>> -> memref<1x40x128xf32, #tpu.memory_space<vmem>>
      %dma_wait3A_174 = tpu.memref_squeeze %dma_wait3A_173 : memref<1x40x128xf32, #tpu.memory_space<vmem>> -> memref<40x128xf32, #tpu.memory_space<vmem>>
      tpu.wait_dma2 semaphore(%run_scoped3A_151 : memref<!tpu.dma_semaphore, #tpu.memory_space<semaphore_mem>>) src(%dma_wait3A_174 : memref<40x128xf32, #tpu.memory_space<vmem>>) dst(%dma_wait3A_170 : memref<40x128xf32, #tpu.memory_space<vmem_shared>>)
      tpu.yield
    }) : () -> ()
    %barrier3A = arith.constant 0 : index
    tpu.barrier barrier_id(%barrier3A)
    %dma_start3A = arith.constant 0 : i32
    %dma_start3A_91 = arith.constant 0 : i32
    %dma_start3A_92 = arith.constant 0 : i32
    %dma_start3A_93 = tpu.memref_slice %arg7[%dma_start3A, %dma_start3A_91, %dma_start3A_92] : memref<5x40x128xf32, #tpu.memory_space<vmem>> -> memref<1x40x128xf32, #tpu.memory_space<vmem>>
    %dma_start3A_94 = tpu.memref_squeeze %dma_start3A_93 : memref<1x40x128xf32, #tpu.memory_space<vmem>> -> memref<40x128xf32, #tpu.memory_space<vmem>>
    %dma_start3A_95 = arith.constant 0 : i32
    %dma_start3A_96 = tpu.memref_slice %arg5[%dma_start3A_95] : memref<10000xi32, #tpu.memory_space<vmem>> -> memref<40xi32, #tpu.memory_space<vmem>>
    %dma_start3A_97 = arith.constant 0 : i32
    %dma_start3A_98 = arith.constant 0 : i32
    %dma_start3A_99 = tpu.memref_slice %arg3[%dma_start3A_97, %dma_start3A_98] : memref<10000x128xf32, #tpu.memory_space<hbm>> -> memref<10000x128xf32, #tpu.memory_space<hbm>>
    tpu.enqueue_indirect_dma source(%dma_start3A_99 : memref<10000x128xf32, #tpu.memory_space<hbm>>) target(%dma_start3A_94 : memref<40x128xf32, #tpu.memory_space<vmem>>) offsets(%dma_start3A_96 : memref<40xi32, #tpu.memory_space<vmem>>) semaphore(%arg9 : memref<!tpu.dma_semaphore, #tpu.memory_space<semaphore_mem>>)
    %dma_start3A_100 = arith.constant 1 : i32
    %dma_start3A_101 = arith.constant 0 : i32
    %dma_start3A_102 = arith.constant 0 : i32
    %dma_start3A_103 = tpu.memref_slice %arg7[%dma_start3A_100, %dma_start3A_101, %dma_start3A_102] : memref<5x40x128xf32, #tpu.memory_space<vmem>> -> memref<1x40x128xf32, #tpu.memory_space<vmem>>
    %dma_start3A_104 = tpu.memref_squeeze %dma_start3A_103 : memref<1x40x128xf32, #tpu.memory_space<vmem>> -> memref<40x128xf32, #tpu.memory_space<vmem>>
    %dma_start3A_105 = arith.constant 40 : i32
    %dma_start3A_106 = tpu.memref_slice %arg5[%dma_start3A_105] : memref<10000xi32, #tpu.memory_space<vmem>> -> memref<40xi32, #tpu.memory_space<vmem>>
    %dma_start3A_107 = arith.constant 0 : i32
    %dma_start3A_108 = arith.constant 0 : i32
    %dma_start3A_109 = tpu.memref_slice %arg3[%dma_start3A_107, %dma_start3A_108] : memref<10000x128xf32, #tpu.memory_space<hbm>> -> memref<10000x128xf32, #tpu.memory_space<hbm>>
    tpu.enqueue_indirect_dma source(%dma_start3A_109 : memref<10000x128xf32, #tpu.memory_space<hbm>>) target(%dma_start3A_104 : memref<40x128xf32, #tpu.memory_space<vmem>>) offsets(%dma_start3A_106 : memref<40xi32, #tpu.memory_space<vmem>>) semaphore(%arg10 : memref<!tpu.dma_semaphore, #tpu.memory_space<semaphore_mem>>)
    %dma_start3A_110 = arith.constant 2 : i32
    %dma_start3A_111 = arith.constant 0 : i32
    %dma_start3A_112 = arith.constant 0 : i32
    %dma_start3A_113 = tpu.memref_slice %arg7[%dma_start3A_110, %dma_start3A_111, %dma_start3A_112] : memref<5x40x128xf32, #tpu.memory_space<vmem>> -> memref<1x40x128xf32, #tpu.memory_space<vmem>>
    %dma_start3A_114 = tpu.memref_squeeze %dma_start3A_113 : memref<1x40x128xf32, #tpu.memory_space<vmem>> -> memref<40x128xf32, #tpu.memory_space<vmem>>
    %dma_start3A_115 = arith.constant 80 : i32
    %dma_start3A_116 = tpu.memref_slice %arg5[%dma_start3A_115] : memref<10000xi32, #tpu.memory_space<vmem>> -> memref<40xi32, #tpu.memory_space<vmem>>
    %dma_start3A_117 = arith.constant 0 : i32
    %dma_start3A_118 = arith.constant 0 : i32
    %dma_start3A_119 = tpu.memref_slice %arg3[%dma_start3A_117, %dma_start3A_118] : memref<10000x128xf32, #tpu.memory_space<hbm>> -> memref<10000x128xf32, #tpu.memory_space<hbm>>
    tpu.enqueue_indirect_dma source(%dma_start3A_119 : memref<10000x128xf32, #tpu.memory_space<hbm>>) target(%dma_start3A_114 : memref<40x128xf32, #tpu.memory_space<vmem>>) offsets(%dma_start3A_116 : memref<40xi32, #tpu.memory_space<vmem>>) semaphore(%arg11 : memref<!tpu.dma_semaphore, #tpu.memory_space<semaphore_mem>>)
    %dma_start3A_120 = arith.constant 3 : i32
    %dma_start3A_121 = arith.constant 0 : i32
    %dma_start3A_122 = arith.constant 0 : i32
    %dma_start3A_123 = tpu.memref_slice %arg7[%dma_start3A_120, %dma_start3A_121, %dma_start3A_122] : memref<5x40x128xf32, #tpu.memory_space<vmem>> -> memref<1x40x128xf32, #tpu.memory_space<vmem>>
    %dma_start3A_124 = tpu.memref_squeeze %dma_start3A_123 : memref<1x40x128xf32, #tpu.memory_space<vmem>> -> memref<40x128xf32, #tpu.memory_space<vmem>>
    %dma_start3A_125 = arith.constant 120 : i32
    %dma_start3A_126 = tpu.memref_slice %arg5[%dma_start3A_125] : memref<10000xi32, #tpu.memory_space<vmem>> -> memref<40xi32, #tpu.memory_space<vmem>>
    %dma_start3A_127 = arith.constant 0 : i32
    %dma_start3A_128 = arith.constant 0 : i32
    %dma_start3A_129 = tpu.memref_slice %arg3[%dma_start3A_127, %dma_start3A_128] : memref<10000x128xf32, #tpu.memory_space<hbm>> -> memref<10000x128xf32, #tpu.memory_space<hbm>>
    tpu.enqueue_indirect_dma source(%dma_start3A_129 : memref<10000x128xf32, #tpu.memory_space<hbm>>) target(%dma_start3A_124 : memref<40x128xf32, #tpu.memory_space<vmem>>) offsets(%dma_start3A_126 : memref<40xi32, #tpu.memory_space<vmem>>) semaphore(%arg12 : memref<!tpu.dma_semaphore, #tpu.memory_space<semaphore_mem>>)
    %dma_start3A_130 = arith.constant 4 : i32
    %dma_start3A_131 = arith.constant 0 : i32
    %dma_start3A_132 = arith.constant 0 : i32
    %dma_start3A_133 = tpu.memref_slice %arg7[%dma_start3A_130, %dma_start3A_131, %dma_start3A_132] : memref<5x40x128xf32, #tpu.memory_space<vmem>> -> memref<1x40x128xf32, #tpu.memory_space<vmem>>
    %dma_start3A_134 = tpu.memref_squeeze %dma_start3A_133 : memref<1x40x128xf32, #tpu.memory_space<vmem>> -> memref<40x128xf32, #tpu.memory_space<vmem>>
    %dma_start3A_135 = arith.constant 160 : i32
    %dma_start3A_136 = tpu.memref_slice %arg5[%dma_start3A_135] : memref<10000xi32, #tpu.memory_space<vmem>> -> memref<40xi32, #tpu.memory_space<vmem>>
    %dma_start3A_137 = arith.constant 0 : i32
    %dma_start3A_138 = arith.constant 0 : i32
    %dma_start3A_139 = tpu.memref_slice %arg3[%dma_start3A_137, %dma_start3A_138] : memref<10000x128xf32, #tpu.memory_space<hbm>> -> memref<10000x128xf32, #tpu.memory_space<hbm>>
    tpu.enqueue_indirect_dma source(%dma_start3A_139 : memref<10000x128xf32, #tpu.memory_space<hbm>>) target(%dma_start3A_134 : memref<40x128xf32, #tpu.memory_space<vmem>>) offsets(%dma_start3A_136 : memref<40xi32, #tpu.memory_space<vmem>>) semaphore(%arg13 : memref<!tpu.dma_semaphore, #tpu.memory_space<semaphore_mem>>)
    %scan3A_140 = arith.constant 0 : i32
    %scan3A_141 = arith.constant 0 : i32
    %scan3A_142 = arith.constant 50 : i32
    %scan3A_143 = arith.addi %scan3A_141, %scan3A_142 : i32
    %scan3A_144 = arith.constant 1 : i32
    scf.for %scan3A_151 = %scan3A_141 to %scan3A_143 step %scan3A_144  : i32 {
      %mul3A_152 = arith.constant 5 : i32
      %mul3A_153 = arith.muli %scan3A_151, %mul3A_152 : i32
      %add3A_154 = arith.constant 0 : i32
      %add3A_155 = arith.addi %mul3A_153, %add3A_154 : i32
      %mul3A_156 = arith.constant 40 : i32
      %mul3A_157 = arith.muli %add3A_155, %mul3A_156 : i32
      %dma_wait3A = arith.constant 0 : i32
      %dma_wait3A_158 = arith.constant 0 : i32
      %dma_wait3A_159 = arith.constant 0 : i32
      %dma_wait3A_160 = tpu.memref_slice %arg7[%dma_wait3A, %dma_wait3A_158, %dma_wait3A_159] : memref<5x40x128xf32, #tpu.memory_space<vmem>> -> memref<1x40x128xf32, #tpu.memory_space<vmem>>
      %dma_wait3A_161 = tpu.memref_squeeze %dma_wait3A_160 : memref<1x40x128xf32, #tpu.memory_space<vmem>> -> memref<40x128xf32, #tpu.memory_space<vmem>>
      %dma_wait3A_162 = tpu.memref_slice %arg5[%mul3A_157] : memref<10000xi32, #tpu.memory_space<vmem>> -> memref<40xi32, #tpu.memory_space<vmem>>
      %dma_wait3A_163 = arith.constant 0 : i32
      %dma_wait3A_164 = arith.constant 0 : i32
      %dma_wait3A_165 = tpu.memref_slice %arg3[%dma_wait3A_163, %dma_wait3A_164] : memref<10000x128xf32, #tpu.memory_space<hbm>> -> memref<10000x128xf32, #tpu.memory_space<hbm>>
      tpu.wait_indirect_dma semaphore(%arg9 : memref<!tpu.dma_semaphore, #tpu.memory_space<semaphore_mem>>) src(%dma_wait3A_165 : memref<10000x128xf32, #tpu.memory_space<hbm>>) dst(%dma_wait3A_161 : memref<40x128xf32, #tpu.memory_space<vmem>>)
      %mul3A_166 = arith.constant 40 : i32
      %mul3A_167 = arith.muli %add3A_155, %mul3A_166 : i32
      %run_scoped3A_168 = arith.constant 0 : i32
      "tpu.region"() ({
        %run_scoped3A_265 = tpu.sem_alloc : memref<!tpu.dma_semaphore, #tpu.memory_space<semaphore_mem>>
        %dma_start3A_266 = arith.constant 0 : i32
        %dma_start3A_267 = arith.constant 0 : i32
        %dma_start3A_268 = tpu.memref_slice %arg7[%run_scoped3A_168, %dma_start3A_266, %dma_start3A_267] : memref<5x40x128xf32, #tpu.memory_space<vmem>> -> memref<1x40x128xf32, #tpu.memory_space<vmem>>
        %dma_start3A_269 = tpu.memref_squeeze %dma_start3A_268 : memref<1x40x128xf32, #tpu.memory_space<vmem>> -> memref<40x128xf32, #tpu.memory_space<vmem>>
        %dma_start3A_270 = tpu.memref_slice %arg6[%mul3A_167] : memref<10000xi32, #tpu.memory_space<vmem>> -> memref<40xi32, #tpu.memory_space<vmem>>
        %dma_start3A_271 = arith.constant 0 : i32
        %dma_start3A_272 = arith.constant 0 : i32
        %dma_start3A_273 = tpu.memref_slice %arg8[%dma_start3A_271, %dma_start3A_272] : memref<10240x128xf32, #tpu.memory_space<vmem_shared>> -> memref<10240x128xf32, #tpu.memory_space<vmem_shared>>
        tpu.enqueue_indirect_dma source(%dma_start3A_269 : memref<40x128xf32, #tpu.memory_space<vmem>>) target(%dma_start3A_273 : memref<10240x128xf32, #tpu.memory_space<vmem_shared>>) offsets(%dma_start3A_270 : memref<40xi32, #tpu.memory_space<vmem>>) semaphore(%run_scoped3A_265 : memref<!tpu.dma_semaphore, #tpu.memory_space<semaphore_mem>>) {add = true}
        %dma_wait3A_274 = arith.constant 0 : i32
        %dma_wait3A_275 = arith.constant 0 : i32
        %dma_wait3A_276 = tpu.memref_slice %arg7[%run_scoped3A_168, %dma_wait3A_274, %dma_wait3A_275] : memref<5x40x128xf32, #tpu.memory_space<vmem>> -> memref<1x40x128xf32, #tpu.memory_space<vmem>>
        %dma_wait3A_277 = tpu.memref_squeeze %dma_wait3A_276 : memref<1x40x128xf32, #tpu.memory_space<vmem>> -> memref<40x128xf32, #tpu.memory_space<vmem>>
        %dma_wait3A_278 = tpu.memref_slice %arg6[%mul3A_167] : memref<10000xi32, #tpu.memory_space<vmem>> -> memref<40xi32, #tpu.memory_space<vmem>>
        %dma_wait3A_279 = arith.constant 0 : i32
        %dma_wait3A_280 = arith.constant 0 : i32
        %dma_wait3A_281 = tpu.memref_slice %arg8[%dma_wait3A_279, %dma_wait3A_280] : memref<10240x128xf32, #tpu.memory_space<vmem_shared>> -> memref<10240x128xf32, #tpu.memory_space<vmem_shared>>
        tpu.wait_indirect_dma semaphore(%run_scoped3A_265 : memref<!tpu.dma_semaphore, #tpu.memory_space<semaphore_mem>>) src(%dma_wait3A_277 : memref<40x128xf32, #tpu.memory_space<vmem>>) dst(%dma_wait3A_281 : memref<10240x128xf32, #tpu.memory_space<vmem_shared>>)
        tpu.yield
      }) : () -> ()
      %add3A_169 = arith.constant 5 : i32
      %add3A_170 = arith.addi %add3A_155, %add3A_169 : i32
      %lt3A = arith.constant 250 : i32
      %lt3A_171 = arith.cmpi slt, %add3A_170, %lt3A : i32
      %convert_element_type3A = arith.extui %lt3A_171 : i1 to i32
      %cond3A = arith.constant 0 : i32
      %cond3A_172 = arith.cmpi ne, %convert_element_type3A, %cond3A : i32
      scf.if %cond3A_172 {
        %add3A_265 = arith.constant 5 : i32
        %add3A_266 = arith.addi %add3A_155, %add3A_265 : i32
        %mul3A_267 = arith.constant 40 : i32
        %mul3A_268 = arith.muli %add3A_266, %mul3A_267 : i32
        %dma_start3A_269 = arith.constant 0 : i32
        %dma_start3A_270 = arith.constant 0 : i32
        %dma_start3A_271 = arith.constant 0 : i32
        %dma_start3A_272 = tpu.memref_slice %arg7[%dma_start3A_269, %dma_start3A_270, %dma_start3A_271] : memref<5x40x128xf32, #tpu.memory_space<vmem>> -> memref<1x40x128xf32, #tpu.memory_space<vmem>>
        %dma_start3A_273 = tpu.memref_squeeze %dma_start3A_272 : memref<1x40x128xf32, #tpu.memory_space<vmem>> -> memref<40x128xf32, #tpu.memory_space<vmem>>
        %dma_start3A_274 = tpu.memref_slice %arg5[%mul3A_268] : memref<10000xi32, #tpu.memory_space<vmem>> -> memref<40xi32, #tpu.memory_space<vmem>>
        %dma_start3A_275 = arith.constant 0 : i32
        %dma_start3A_276 = arith.constant 0 : i32
        %dma_start3A_277 = tpu.memref_slice %arg3[%dma_start3A_275, %dma_start3A_276] : memref<10000x128xf32, #tpu.memory_space<hbm>> -> memref<10000x128xf32, #tpu.memory_space<hbm>>
        tpu.enqueue_indirect_dma source(%dma_start3A_277 : memref<10000x128xf32, #tpu.memory_space<hbm>>) target(%dma_start3A_273 : memref<40x128xf32, #tpu.memory_space<vmem>>) offsets(%dma_start3A_274 : memref<40xi32, #tpu.memory_space<vmem>>) semaphore(%arg9 : memref<!tpu.dma_semaphore, #tpu.memory_space<semaphore_mem>>)
      } else {
      }
      %add3A_173 = arith.constant 1 : i32
      %add3A_174 = arith.addi %mul3A_153, %add3A_173 : i32
      %mul3A_175 = arith.constant 40 : i32
      %mul3A_176 = arith.muli %add3A_174, %mul3A_175 : i32
      %dma_wait3A_177 = arith.constant 1 : i32
      %dma_wait3A_178 = arith.constant 0 : i32
      %dma_wait3A_179 = arith.constant 0 : i32
      %dma_wait3A_180 = tpu.memref_slice %arg7[%dma_wait3A_177, %dma_wait3A_178, %dma_wait3A_179] : memref<5x40x128xf32, #tpu.memory_space<vmem>> -> memref<1x40x128xf32, #tpu.memory_space<vmem>>
      %dma_wait3A_181 = tpu.memref_squeeze %dma_wait3A_180 : memref<1x40x128xf32, #tpu.memory_space<vmem>> -> memref<40x128xf32, #tpu.memory_space<vmem>>
      %dma_wait3A_182 = tpu.memref_slice %arg5[%mul3A_176] : memref<10000xi32, #tpu.memory_space<vmem>> -> memref<40xi32, #tpu.memory_space<vmem>>
      %dma_wait3A_183 = arith.constant 0 : i32
      %dma_wait3A_184 = arith.constant 0 : i32
      %dma_wait3A_185 = tpu.memref_slice %arg3[%dma_wait3A_183, %dma_wait3A_184] : memref<10000x128xf32, #tpu.memory_space<hbm>> -> memref<10000x128xf32, #tpu.memory_space<hbm>>
      tpu.wait_indirect_dma semaphore(%arg10 : memref<!tpu.dma_semaphore, #tpu.memory_space<semaphore_mem>>) src(%dma_wait3A_185 : memref<10000x128xf32, #tpu.memory_space<hbm>>) dst(%dma_wait3A_181 : memref<40x128xf32, #tpu.memory_space<vmem>>)
      %mul3A_186 = arith.constant 40 : i32
      %mul3A_187 = arith.muli %add3A_174, %mul3A_186 : i32
      %run_scoped3A_188 = arith.constant 1 : i32
      "tpu.region"() ({
        %run_scoped3A_265 = tpu.sem_alloc : memref<!tpu.dma_semaphore, #tpu.memory_space<semaphore_mem>>
        %dma_start3A_266 = arith.constant 0 : i32
        %dma_start3A_267 = arith.constant 0 : i32
        %dma_start3A_268 = tpu.memref_slice %arg7[%run_scoped3A_188, %dma_start3A_266, %dma_start3A_267] : memref<5x40x128xf32, #tpu.memory_space<vmem>> -> memref<1x40x128xf32, #tpu.memory_space<vmem>>
        %dma_start3A_269 = tpu.memref_squeeze %dma_start3A_268 : memref<1x40x128xf32, #tpu.memory_space<vmem>> -> memref<40x128xf32, #tpu.memory_space<vmem>>
        %dma_start3A_270 = tpu.memref_slice %arg6[%mul3A_187] : memref<10000xi32, #tpu.memory_space<vmem>> -> memref<40xi32, #tpu.memory_space<vmem>>
        %dma_start3A_271 = arith.constant 0 : i32
        %dma_start3A_272 = arith.constant 0 : i32
        %dma_start3A_273 = tpu.memref_slice %arg8[%dma_start3A_271, %dma_start3A_272] : memref<10240x128xf32, #tpu.memory_space<vmem_shared>> -> memref<10240x128xf32, #tpu.memory_space<vmem_shared>>
        tpu.enqueue_indirect_dma source(%dma_start3A_269 : memref<40x128xf32, #tpu.memory_space<vmem>>) target(%dma_start3A_273 : memref<10240x128xf32, #tpu.memory_space<vmem_shared>>) offsets(%dma_start3A_270 : memref<40xi32, #tpu.memory_space<vmem>>) semaphore(%run_scoped3A_265 : memref<!tpu.dma_semaphore, #tpu.memory_space<semaphore_mem>>) {add = true}
        %dma_wait3A_274 = arith.constant 0 : i32
        %dma_wait3A_275 = arith.constant 0 : i32
        %dma_wait3A_276 = tpu.memref_slice %arg7[%run_scoped3A_188, %dma_wait3A_274, %dma_wait3A_275] : memref<5x40x128xf32, #tpu.memory_space<vmem>> -> memref<1x40x128xf32, #tpu.memory_space<vmem>>
        %dma_wait3A_277 = tpu.memref_squeeze %dma_wait3A_276 : memref<1x40x128xf32, #tpu.memory_space<vmem>> -> memref<40x128xf32, #tpu.memory_space<vmem>>
        %dma_wait3A_278 = tpu.memref_slice %arg6[%mul3A_187] : memref<10000xi32, #tpu.memory_space<vmem>> -> memref<40xi32, #tpu.memory_space<vmem>>
        %dma_wait3A_279 = arith.constant 0 : i32
        %dma_wait3A_280 = arith.constant 0 : i32
        %dma_wait3A_281 = tpu.memref_slice %arg8[%dma_wait3A_279, %dma_wait3A_280] : memref<10240x128xf32, #tpu.memory_space<vmem_shared>> -> memref<10240x128xf32, #tpu.memory_space<vmem_shared>>
        tpu.wait_indirect_dma semaphore(%run_scoped3A_265 : memref<!tpu.dma_semaphore, #tpu.memory_space<semaphore_mem>>) src(%dma_wait3A_277 : memref<40x128xf32, #tpu.memory_space<vmem>>) dst(%dma_wait3A_281 : memref<10240x128xf32, #tpu.memory_space<vmem_shared>>)
        tpu.yield
      }) : () -> ()
      %add3A_189 = arith.constant 5 : i32
      %add3A_190 = arith.addi %add3A_174, %add3A_189 : i32
      %lt3A_191 = arith.constant 250 : i32
      %lt3A_192 = arith.cmpi slt, %add3A_190, %lt3A_191 : i32
      %convert_element_type3A_193 = arith.extui %lt3A_192 : i1 to i32
      %cond3A_194 = arith.constant 0 : i32
      %cond3A_195 = arith.cmpi ne, %convert_element_type3A_193, %cond3A_194 : i32
      scf.if %cond3A_195 {
        %add3A_265 = arith.constant 5 : i32
        %add3A_266 = arith.addi %add3A_174, %add3A_265 : i32
        %mul3A_267 = arith.constant 40 : i32
        %mul3A_268 = arith.muli %add3A_266, %mul3A_267 : i32
        %dma_start3A_269 = arith.constant 1 : i32
        %dma_start3A_270 = arith.constant 0 : i32
        %dma_start3A_271 = arith.constant 0 : i32
        %dma_start3A_272 = tpu.memref_slice %arg7[%dma_start3A_269, %dma_start3A_270, %dma_start3A_271] : memref<5x40x128xf32, #tpu.memory_space<vmem>> -> memref<1x40x128xf32, #tpu.memory_space<vmem>>
        %dma_start3A_273 = tpu.memref_squeeze %dma_start3A_272 : memref<1x40x128xf32, #tpu.memory_space<vmem>> -> memref<40x128xf32, #tpu.memory_space<vmem>>
        %dma_start3A_274 = tpu.memref_slice %arg5[%mul3A_268] : memref<10000xi32, #tpu.memory_space<vmem>> -> memref<40xi32, #tpu.memory_space<vmem>>
        %dma_start3A_275 = arith.constant 0 : i32
        %dma_start3A_276 = arith.constant 0 : i32
        %dma_start3A_277 = tpu.memref_slice %arg3[%dma_start3A_275, %dma_start3A_276] : memref<10000x128xf32, #tpu.memory_space<hbm>> -> memref<10000x128xf32, #tpu.memory_space<hbm>>
        tpu.enqueue_indirect_dma source(%dma_start3A_277 : memref<10000x128xf32, #tpu.memory_space<hbm>>) target(%dma_start3A_273 : memref<40x128xf32, #tpu.memory_space<vmem>>) offsets(%dma_start3A_274 : memref<40xi32, #tpu.memory_space<vmem>>) semaphore(%arg10 : memref<!tpu.dma_semaphore, #tpu.memory_space<semaphore_mem>>)
      } else {
      }
      %add3A_196 = arith.constant 2 : i32
      %add3A_197 = arith.addi %mul3A_153, %add3A_196 : i32
      %mul3A_198 = arith.constant 40 : i32
      %mul3A_199 = arith.muli %add3A_197, %mul3A_198 : i32
      %dma_wait3A_200 = arith.constant 2 : i32
      %dma_wait3A_201 = arith.constant 0 : i32
      %dma_wait3A_202 = arith.constant 0 : i32
      %dma_wait3A_203 = tpu.memref_slice %arg7[%dma_wait3A_200, %dma_wait3A_201, %dma_wait3A_202] : memref<5x40x128xf32, #tpu.memory_space<vmem>> -> memref<1x40x128xf32, #tpu.memory_space<vmem>>
      %dma_wait3A_204 = tpu.memref_squeeze %dma_wait3A_203 : memref<1x40x128xf32, #tpu.memory_space<vmem>> -> memref<40x128xf32, #tpu.memory_space<vmem>>
      %dma_wait3A_205 = tpu.memref_slice %arg5[%mul3A_199] : memref<10000xi32, #tpu.memory_space<vmem>> -> memref<40xi32, #tpu.memory_space<vmem>>
      %dma_wait3A_206 = arith.constant 0 : i32
      %dma_wait3A_207 = arith.constant 0 : i32
      %dma_wait3A_208 = tpu.memref_slice %arg3[%dma_wait3A_206, %dma_wait3A_207] : memref<10000x128xf32, #tpu.memory_space<hbm>> -> memref<10000x128xf32, #tpu.memory_space<hbm>>
      tpu.wait_indirect_dma semaphore(%arg11 : memref<!tpu.dma_semaphore, #tpu.memory_space<semaphore_mem>>) src(%dma_wait3A_208 : memref<10000x128xf32, #tpu.memory_space<hbm>>) dst(%dma_wait3A_204 : memref<40x128xf32, #tpu.memory_space<vmem>>)
      %mul3A_209 = arith.constant 40 : i32
      %mul3A_210 = arith.muli %add3A_197, %mul3A_209 : i32
      %run_scoped3A_211 = arith.constant 2 : i32
      "tpu.region"() ({
        %run_scoped3A_265 = tpu.sem_alloc : memref<!tpu.dma_semaphore, #tpu.memory_space<semaphore_mem>>
        %dma_start3A_266 = arith.constant 0 : i32
        %dma_start3A_267 = arith.constant 0 : i32
        %dma_start3A_268 = tpu.memref_slice %arg7[%run_scoped3A_211, %dma_start3A_266, %dma_start3A_267] : memref<5x40x128xf32, #tpu.memory_space<vmem>> -> memref<1x40x128xf32, #tpu.memory_space<vmem>>
        %dma_start3A_269 = tpu.memref_squeeze %dma_start3A_268 : memref<1x40x128xf32, #tpu.memory_space<vmem>> -> memref<40x128xf32, #tpu.memory_space<vmem>>
        %dma_start3A_270 = tpu.memref_slice %arg6[%mul3A_210] : memref<10000xi32, #tpu.memory_space<vmem>> -> memref<40xi32, #tpu.memory_space<vmem>>
        %dma_start3A_271 = arith.constant 0 : i32
        %dma_start3A_272 = arith.constant 0 : i32
        %dma_start3A_273 = tpu.memref_slice %arg8[%dma_start3A_271, %dma_start3A_272] : memref<10240x128xf32, #tpu.memory_space<vmem_shared>> -> memref<10240x128xf32, #tpu.memory_space<vmem_shared>>
        tpu.enqueue_indirect_dma source(%dma_start3A_269 : memref<40x128xf32, #tpu.memory_space<vmem>>) target(%dma_start3A_273 : memref<10240x128xf32, #tpu.memory_space<vmem_shared>>) offsets(%dma_start3A_270 : memref<40xi32, #tpu.memory_space<vmem>>) semaphore(%run_scoped3A_265 : memref<!tpu.dma_semaphore, #tpu.memory_space<semaphore_mem>>) {add = true}
        %dma_wait3A_274 = arith.constant 0 : i32
        %dma_wait3A_275 = arith.constant 0 : i32
        %dma_wait3A_276 = tpu.memref_slice %arg7[%run_scoped3A_211, %dma_wait3A_274, %dma_wait3A_275] : memref<5x40x128xf32, #tpu.memory_space<vmem>> -> memref<1x40x128xf32, #tpu.memory_space<vmem>>
        %dma_wait3A_277 = tpu.memref_squeeze %dma_wait3A_276 : memref<1x40x128xf32, #tpu.memory_space<vmem>> -> memref<40x128xf32, #tpu.memory_space<vmem>>
        %dma_wait3A_278 = tpu.memref_slice %arg6[%mul3A_210] : memref<10000xi32, #tpu.memory_space<vmem>> -> memref<40xi32, #tpu.memory_space<vmem>>
        %dma_wait3A_279 = arith.constant 0 : i32
        %dma_wait3A_280 = arith.constant 0 : i32
        %dma_wait3A_281 = tpu.memref_slice %arg8[%dma_wait3A_279, %dma_wait3A_280] : memref<10240x128xf32, #tpu.memory_space<vmem_shared>> -> memref<10240x128xf32, #tpu.memory_space<vmem_shared>>
        tpu.wait_indirect_dma semaphore(%run_scoped3A_265 : memref<!tpu.dma_semaphore, #tpu.memory_space<semaphore_mem>>) src(%dma_wait3A_277 : memref<40x128xf32, #tpu.memory_space<vmem>>) dst(%dma_wait3A_281 : memref<10240x128xf32, #tpu.memory_space<vmem_shared>>)
        tpu.yield
      }) : () -> ()
      %add3A_212 = arith.constant 5 : i32
      %add3A_213 = arith.addi %add3A_197, %add3A_212 : i32
      %lt3A_214 = arith.constant 250 : i32
      %lt3A_215 = arith.cmpi slt, %add3A_213, %lt3A_214 : i32
      %convert_element_type3A_216 = arith.extui %lt3A_215 : i1 to i32
      %cond3A_217 = arith.constant 0 : i32
      %cond3A_218 = arith.cmpi ne, %convert_element_type3A_216, %cond3A_217 : i32
      scf.if %cond3A_218 {
        %add3A_265 = arith.constant 5 : i32
        %add3A_266 = arith.addi %add3A_197, %add3A_265 : i32
        %mul3A_267 = arith.constant 40 : i32
        %mul3A_268 = arith.muli %add3A_266, %mul3A_267 : i32
        %dma_start3A_269 = arith.constant 2 : i32
        %dma_start3A_270 = arith.constant 0 : i32
        %dma_start3A_271 = arith.constant 0 : i32
        %dma_start3A_272 = tpu.memref_slice %arg7[%dma_start3A_269, %dma_start3A_270, %dma_start3A_271] : memref<5x40x128xf32, #tpu.memory_space<vmem>> -> memref<1x40x128xf32, #tpu.memory_space<vmem>>
        %dma_start3A_273 = tpu.memref_squeeze %dma_start3A_272 : memref<1x40x128xf32, #tpu.memory_space<vmem>> -> memref<40x128xf32, #tpu.memory_space<vmem>>
        %dma_start3A_274 = tpu.memref_slice %arg5[%mul3A_268] : memref<10000xi32, #tpu.memory_space<vmem>> -> memref<40xi32, #tpu.memory_space<vmem>>
        %dma_start3A_275 = arith.constant 0 : i32
        %dma_start3A_276 = arith.constant 0 : i32
        %dma_start3A_277 = tpu.memref_slice %arg3[%dma_start3A_275, %dma_start3A_276] : memref<10000x128xf32, #tpu.memory_space<hbm>> -> memref<10000x128xf32, #tpu.memory_space<hbm>>
        tpu.enqueue_indirect_dma source(%dma_start3A_277 : memref<10000x128xf32, #tpu.memory_space<hbm>>) target(%dma_start3A_273 : memref<40x128xf32, #tpu.memory_space<vmem>>) offsets(%dma_start3A_274 : memref<40xi32, #tpu.memory_space<vmem>>) semaphore(%arg11 : memref<!tpu.dma_semaphore, #tpu.memory_space<semaphore_mem>>)
      } else {
      }
      %add3A_219 = arith.constant 3 : i32
      %add3A_220 = arith.addi %mul3A_153, %add3A_219 : i32
      %mul3A_221 = arith.constant 40 : i32
      %mul3A_222 = arith.muli %add3A_220, %mul3A_221 : i32
      %dma_wait3A_223 = arith.constant 3 : i32
      %dma_wait3A_224 = arith.constant 0 : i32
      %dma_wait3A_225 = arith.constant 0 : i32
      %dma_wait3A_226 = tpu.memref_slice %arg7[%dma_wait3A_223, %dma_wait3A_224, %dma_wait3A_225] : memref<5x40x128xf32, #tpu.memory_space<vmem>> -> memref<1x40x128xf32, #tpu.memory_space<vmem>>
      %dma_wait3A_227 = tpu.memref_squeeze %dma_wait3A_226 : memref<1x40x128xf32, #tpu.memory_space<vmem>> -> memref<40x128xf32, #tpu.memory_space<vmem>>
      %dma_wait3A_228 = tpu.memref_slice %arg5[%mul3A_222] : memref<10000xi32, #tpu.memory_space<vmem>> -> memref<40xi32, #tpu.memory_space<vmem>>
      %dma_wait3A_229 = arith.constant 0 : i32
      %dma_wait3A_230 = arith.constant 0 : i32
      %dma_wait3A_231 = tpu.memref_slice %arg3[%dma_wait3A_229, %dma_wait3A_230] : memref<10000x128xf32, #tpu.memory_space<hbm>> -> memref<10000x128xf32, #tpu.memory_space<hbm>>
      tpu.wait_indirect_dma semaphore(%arg12 : memref<!tpu.dma_semaphore, #tpu.memory_space<semaphore_mem>>) src(%dma_wait3A_231 : memref<10000x128xf32, #tpu.memory_space<hbm>>) dst(%dma_wait3A_227 : memref<40x128xf32, #tpu.memory_space<vmem>>)
      %mul3A_232 = arith.constant 40 : i32
      %mul3A_233 = arith.muli %add3A_220, %mul3A_232 : i32
      %run_scoped3A_234 = arith.constant 3 : i32
      "tpu.region"() ({
        %run_scoped3A_265 = tpu.sem_alloc : memref<!tpu.dma_semaphore, #tpu.memory_space<semaphore_mem>>
        %dma_start3A_266 = arith.constant 0 : i32
        %dma_start3A_267 = arith.constant 0 : i32
        %dma_start3A_268 = tpu.memref_slice %arg7[%run_scoped3A_234, %dma_start3A_266, %dma_start3A_267] : memref<5x40x128xf32, #tpu.memory_space<vmem>> -> memref<1x40x128xf32, #tpu.memory_space<vmem>>
        %dma_start3A_269 = tpu.memref_squeeze %dma_start3A_268 : memref<1x40x128xf32, #tpu.memory_space<vmem>> -> memref<40x128xf32, #tpu.memory_space<vmem>>
        %dma_start3A_270 = tpu.memref_slice %arg6[%mul3A_233] : memref<10000xi32, #tpu.memory_space<vmem>> -> memref<40xi32, #tpu.memory_space<vmem>>
        %dma_start3A_271 = arith.constant 0 : i32
        %dma_start3A_272 = arith.constant 0 : i32
        %dma_start3A_273 = tpu.memref_slice %arg8[%dma_start3A_271, %dma_start3A_272] : memref<10240x128xf32, #tpu.memory_space<vmem_shared>> -> memref<10240x128xf32, #tpu.memory_space<vmem_shared>>
        tpu.enqueue_indirect_dma source(%dma_start3A_269 : memref<40x128xf32, #tpu.memory_space<vmem>>) target(%dma_start3A_273 : memref<10240x128xf32, #tpu.memory_space<vmem_shared>>) offsets(%dma_start3A_270 : memref<40xi32, #tpu.memory_space<vmem>>) semaphore(%run_scoped3A_265 : memref<!tpu.dma_semaphore, #tpu.memory_space<semaphore_mem>>) {add = true}
        %dma_wait3A_274 = arith.constant 0 : i32
        %dma_wait3A_275 = arith.constant 0 : i32
        %dma_wait3A_276 = tpu.memref_slice %arg7[%run_scoped3A_234, %dma_wait3A_274, %dma_wait3A_275] : memref<5x40x128xf32, #tpu.memory_space<vmem>> -> memref<1x40x128xf32, #tpu.memory_space<vmem>>
        %dma_wait3A_277 = tpu.memref_squeeze %dma_wait3A_276 : memref<1x40x128xf32, #tpu.memory_space<vmem>> -> memref<40x128xf32, #tpu.memory_space<vmem>>
        %dma_wait3A_278 = tpu.memref_slice %arg6[%mul3A_233] : memref<10000xi32, #tpu.memory_space<vmem>> -> memref<40xi32, #tpu.memory_space<vmem>>
        %dma_wait3A_279 = arith.constant 0 : i32
        %dma_wait3A_280 = arith.constant 0 : i32
        %dma_wait3A_281 = tpu.memref_slice %arg8[%dma_wait3A_279, %dma_wait3A_280] : memref<10240x128xf32, #tpu.memory_space<vmem_shared>> -> memref<10240x128xf32, #tpu.memory_space<vmem_shared>>
        tpu.wait_indirect_dma semaphore(%run_scoped3A_265 : memref<!tpu.dma_semaphore, #tpu.memory_space<semaphore_mem>>) src(%dma_wait3A_277 : memref<40x128xf32, #tpu.memory_space<vmem>>) dst(%dma_wait3A_281 : memref<10240x128xf32, #tpu.memory_space<vmem_shared>>)
        tpu.yield
      }) : () -> ()
      %add3A_235 = arith.constant 5 : i32
      %add3A_236 = arith.addi %add3A_220, %add3A_235 : i32
      %lt3A_237 = arith.constant 250 : i32
      %lt3A_238 = arith.cmpi slt, %add3A_236, %lt3A_237 : i32
      %convert_element_type3A_239 = arith.extui %lt3A_238 : i1 to i32
      %cond3A_240 = arith.constant 0 : i32
      %cond3A_241 = arith.cmpi ne, %convert_element_type3A_239, %cond3A_240 : i32
      scf.if %cond3A_241 {
        %add3A_265 = arith.constant 5 : i32
        %add3A_266 = arith.addi %add3A_220, %add3A_265 : i32
        %mul3A_267 = arith.constant 40 : i32
        %mul3A_268 = arith.muli %add3A_266, %mul3A_267 : i32
        %dma_start3A_269 = arith.constant 3 : i32
        %dma_start3A_270 = arith.constant 0 : i32
        %dma_start3A_271 = arith.constant 0 : i32
        %dma_start3A_272 = tpu.memref_slice %arg7[%dma_start3A_269, %dma_start3A_270, %dma_start3A_271] : memref<5x40x128xf32, #tpu.memory_space<vmem>> -> memref<1x40x128xf32, #tpu.memory_space<vmem>>
        %dma_start3A_273 = tpu.memref_squeeze %dma_start3A_272 : memref<1x40x128xf32, #tpu.memory_space<vmem>> -> memref<40x128xf32, #tpu.memory_space<vmem>>
        %dma_start3A_274 = tpu.memref_slice %arg5[%mul3A_268] : memref<10000xi32, #tpu.memory_space<vmem>> -> memref<40xi32, #tpu.memory_space<vmem>>
        %dma_start3A_275 = arith.constant 0 : i32
        %dma_start3A_276 = arith.constant 0 : i32
        %dma_start3A_277 = tpu.memref_slice %arg3[%dma_start3A_275, %dma_start3A_276] : memref<10000x128xf32, #tpu.memory_space<hbm>> -> memref<10000x128xf32, #tpu.memory_space<hbm>>
        tpu.enqueue_indirect_dma source(%dma_start3A_277 : memref<10000x128xf32, #tpu.memory_space<hbm>>) target(%dma_start3A_273 : memref<40x128xf32, #tpu.memory_space<vmem>>) offsets(%dma_start3A_274 : memref<40xi32, #tpu.memory_space<vmem>>) semaphore(%arg12 : memref<!tpu.dma_semaphore, #tpu.memory_space<semaphore_mem>>)
      } else {
      }
      %add3A_242 = arith.constant 4 : i32
      %add3A_243 = arith.addi %mul3A_153, %add3A_242 : i32
      %mul3A_244 = arith.constant 40 : i32
      %mul3A_245 = arith.muli %add3A_243, %mul3A_244 : i32
      %dma_wait3A_246 = arith.constant 4 : i32
      %dma_wait3A_247 = arith.constant 0 : i32
      %dma_wait3A_248 = arith.constant 0 : i32
      %dma_wait3A_249 = tpu.memref_slice %arg7[%dma_wait3A_246, %dma_wait3A_247, %dma_wait3A_248] : memref<5x40x128xf32, #tpu.memory_space<vmem>> -> memref<1x40x128xf32, #tpu.memory_space<vmem>>
      %dma_wait3A_250 = tpu.memref_squeeze %dma_wait3A_249 : memref<1x40x128xf32, #tpu.memory_space<vmem>> -> memref<40x128xf32, #tpu.memory_space<vmem>>
      %dma_wait3A_251 = tpu.memref_slice %arg5[%mul3A_245] : memref<10000xi32, #tpu.memory_space<vmem>> -> memref<40xi32, #tpu.memory_space<vmem>>
      %dma_wait3A_252 = arith.constant 0 : i32
      %dma_wait3A_253 = arith.constant 0 : i32
      %dma_wait3A_254 = tpu.memref_slice %arg3[%dma_wait3A_252, %dma_wait3A_253] : memref<10000x128xf32, #tpu.memory_space<hbm>> -> memref<10000x128xf32, #tpu.memory_space<hbm>>
      tpu.wait_indirect_dma semaphore(%arg13 : memref<!tpu.dma_semaphore, #tpu.memory_space<semaphore_mem>>) src(%dma_wait3A_254 : memref<10000x128xf32, #tpu.memory_space<hbm>>) dst(%dma_wait3A_250 : memref<40x128xf32, #tpu.memory_space<vmem>>)
      %mul3A_255 = arith.constant 40 : i32
      %mul3A_256 = arith.muli %add3A_243, %mul3A_255 : i32
      %run_scoped3A_257 = arith.constant 4 : i32
      "tpu.region"() ({
        %run_scoped3A_265 = tpu.sem_alloc : memref<!tpu.dma_semaphore, #tpu.memory_space<semaphore_mem>>
        %dma_start3A_266 = arith.constant 0 : i32
        %dma_start3A_267 = arith.constant 0 : i32
        %dma_start3A_268 = tpu.memref_slice %arg7[%run_scoped3A_257, %dma_start3A_266, %dma_start3A_267] : memref<5x40x128xf32, #tpu.memory_space<vmem>> -> memref<1x40x128xf32, #tpu.memory_space<vmem>>
        %dma_start3A_269 = tpu.memref_squeeze %dma_start3A_268 : memref<1x40x128xf32, #tpu.memory_space<vmem>> -> memref<40x128xf32, #tpu.memory_space<vmem>>
        %dma_start3A_270 = tpu.memref_slice %arg6[%mul3A_256] : memref<10000xi32, #tpu.memory_space<vmem>> -> memref<40xi32, #tpu.memory_space<vmem>>
        %dma_start3A_271 = arith.constant 0 : i32
        %dma_start3A_272 = arith.constant 0 : i32
        %dma_start3A_273 = tpu.memref_slice %arg8[%dma_start3A_271, %dma_start3A_272] : memref<10240x128xf32, #tpu.memory_space<vmem_shared>> -> memref<10240x128xf32, #tpu.memory_space<vmem_shared>>
        tpu.enqueue_indirect_dma source(%dma_start3A_269 : memref<40x128xf32, #tpu.memory_space<vmem>>) target(%dma_start3A_273 : memref<10240x128xf32, #tpu.memory_space<vmem_shared>>) offsets(%dma_start3A_270 : memref<40xi32, #tpu.memory_space<vmem>>) semaphore(%run_scoped3A_265 : memref<!tpu.dma_semaphore, #tpu.memory_space<semaphore_mem>>) {add = true}
        %dma_wait3A_274 = arith.constant 0 : i32
        %dma_wait3A_275 = arith.constant 0 : i32
        %dma_wait3A_276 = tpu.memref_slice %arg7[%run_scoped3A_257, %dma_wait3A_274, %dma_wait3A_275] : memref<5x40x128xf32, #tpu.memory_space<vmem>> -> memref<1x40x128xf32, #tpu.memory_space<vmem>>
        %dma_wait3A_277 = tpu.memref_squeeze %dma_wait3A_276 : memref<1x40x128xf32, #tpu.memory_space<vmem>> -> memref<40x128xf32, #tpu.memory_space<vmem>>
        %dma_wait3A_278 = tpu.memref_slice %arg6[%mul3A_256] : memref<10000xi32, #tpu.memory_space<vmem>> -> memref<40xi32, #tpu.memory_space<vmem>>
        %dma_wait3A_279 = arith.constant 0 : i32
        %dma_wait3A_280 = arith.constant 0 : i32
        %dma_wait3A_281 = tpu.memref_slice %arg8[%dma_wait3A_279, %dma_wait3A_280] : memref<10240x128xf32, #tpu.memory_space<vmem_shared>> -> memref<10240x128xf32, #tpu.memory_space<vmem_shared>>
        tpu.wait_indirect_dma semaphore(%run_scoped3A_265 : memref<!tpu.dma_semaphore, #tpu.memory_space<semaphore_mem>>) src(%dma_wait3A_277 : memref<40x128xf32, #tpu.memory_space<vmem>>) dst(%dma_wait3A_281 : memref<10240x128xf32, #tpu.memory_space<vmem_shared>>)
        tpu.yield
      }) : () -> ()
      %add3A_258 = arith.constant 5 : i32
      %add3A_259 = arith.addi %add3A_243, %add3A_258 : i32
      %lt3A_260 = arith.constant 250 : i32
      %lt3A_261 = arith.cmpi slt, %add3A_259, %lt3A_260 : i32
      %convert_element_type3A_262 = arith.extui %lt3A_261 : i1 to i32
      %cond3A_263 = arith.constant 0 : i32
      %cond3A_264 = arith.cmpi ne, %convert_element_type3A_262, %cond3A_263 : i32
      scf.if %cond3A_264 {
        %add3A_265 = arith.constant 5 : i32
        %add3A_266 = arith.addi %add3A_243, %add3A_265 : i32
        %mul3A_267 = arith.constant 40 : i32
        %mul3A_268 = arith.muli %add3A_266, %mul3A_267 : i32
        %dma_start3A_269 = arith.constant 4 : i32
        %dma_start3A_270 = arith.constant 0 : i32
        %dma_start3A_271 = arith.constant 0 : i32
        %dma_start3A_272 = tpu.memref_slice %arg7[%dma_start3A_269, %dma_start3A_270, %dma_start3A_271] : memref<5x40x128xf32, #tpu.memory_space<vmem>> -> memref<1x40x128xf32, #tpu.memory_space<vmem>>
        %dma_start3A_273 = tpu.memref_squeeze %dma_start3A_272 : memref<1x40x128xf32, #tpu.memory_space<vmem>> -> memref<40x128xf32, #tpu.memory_space<vmem>>
        %dma_start3A_274 = tpu.memref_slice %arg5[%mul3A_268] : memref<10000xi32, #tpu.memory_space<vmem>> -> memref<40xi32, #tpu.memory_space<vmem>>
        %dma_start3A_275 = arith.constant 0 : i32
        %dma_start3A_276 = arith.constant 0 : i32
        %dma_start3A_277 = tpu.memref_slice %arg3[%dma_start3A_275, %dma_start3A_276] : memref<10000x128xf32, #tpu.memory_space<hbm>> -> memref<10000x128xf32, #tpu.memory_space<hbm>>
        tpu.enqueue_indirect_dma source(%dma_start3A_277 : memref<10000x128xf32, #tpu.memory_space<hbm>>) target(%dma_start3A_273 : memref<40x128xf32, #tpu.memory_space<vmem>>) offsets(%dma_start3A_274 : memref<40xi32, #tpu.memory_space<vmem>>) semaphore(%arg13 : memref<!tpu.dma_semaphore, #tpu.memory_space<semaphore_mem>>)
      } else {
      }
    }
    %scan3A_145 = arith.constant 50 : i32
    %barrier3A_146 = arith.constant 0 : index
    tpu.barrier barrier_id(%barrier3A_146)
    %mul3A_147 = arith.constant 640 : i32
    %mul3A_148 = arith.muli %arg1, %mul3A_147 : i32
    %mul3A_149 = arith.constant 640 : i32
    %mul3A_150 = arith.muli %arg1, %mul3A_149 : i32
    "tpu.region"() ({
      %run_scoped3A_151 = tpu.sem_alloc : memref<!tpu.dma_semaphore, #tpu.memory_space<semaphore_mem>>
      %dma_start3A_152 = arith.constant 0 : i32
      %dma_start3A_153 = tpu.memref_slice %arg4[%arg0, %mul3A_150, %dma_start3A_152] : memref<2x10240x128xf32, #tpu.memory_space<hbm>> -> memref<1x640x128xf32, #tpu.memory_space<hbm>>
      %dma_start3A_154 = tpu.memref_squeeze %dma_start3A_153 : memref<1x640x128xf32, #tpu.memory_space<hbm>> -> memref<640x128xf32, #tpu.memory_space<hbm>>
      %dma_start3A_155 = arith.constant 0 : i32
      %dma_start3A_156 = tpu.memref_slice %arg8[%mul3A_148, %dma_start3A_155] : memref<10240x128xf32, #tpu.memory_space<vmem_shared>> -> memref<640x128xf32, #tpu.memory_space<vmem_shared>>
      tpu.enqueue_dma source(%dma_start3A_156 : memref<640x128xf32, #tpu.memory_space<vmem_shared>>) target(%dma_start3A_154 : memref<640x128xf32, #tpu.memory_space<hbm>>) target_semaphore(%run_scoped3A_151 : memref<!tpu.dma_semaphore, #tpu.memory_space<semaphore_mem>>)
      %dma_wait3A = arith.constant 0 : i32
      %dma_wait3A_157 = tpu.memref_slice %arg4[%arg0, %mul3A_150, %dma_wait3A] : memref<2x10240x128xf32, #tpu.memory_space<hbm>> -> memref<1x640x128xf32, #tpu.memory_space<hbm>>
      %dma_wait3A_158 = tpu.memref_squeeze %dma_wait3A_157 : memref<1x640x128xf32, #tpu.memory_space<hbm>> -> memref<640x128xf32, #tpu.memory_space<hbm>>
      %dma_wait3A_159 = arith.constant 0 : i32
      %dma_wait3A_160 = tpu.memref_slice %arg8[%mul3A_148, %dma_wait3A_159] : memref<10240x128xf32, #tpu.memory_space<vmem_shared>> -> memref<640x128xf32, #tpu.memory_space<vmem_shared>>
      tpu.wait_dma2 semaphore(%run_scoped3A_151 : memref<!tpu.dma_semaphore, #tpu.memory_space<semaphore_mem>>) src(%dma_wait3A_160 : memref<640x128xf32, #tpu.memory_space<vmem_shared>>) dst(%dma_wait3A_158 : memref<640x128xf32, #tpu.memory_space<hbm>>)
      tpu.yield
    }) : () -> ()
    return
  }
}

#map = affine_map<(d0, d1) -> (0, 0)>
#map1 = affine_map<(d0, d1) -> (0, 0, 0)>
module attributes {stable_mosaic.version = 14 : i64} {
  func.func @k(%arg0: i32, %arg1: i32, %arg2: memref<2x320000xi32, #tpu.memory_space<hbm>>, %arg3: memref<10000x16xf32, #tpu.memory_space<hbm>>, %arg4: memref<2x10240x16xf32, #tpu.memory_space<hbm>>, %arg5: memref<10000xi32, #tpu.memory_space<vmem>>, %arg6: memref<10000xi32, #tpu.memory_space<vmem>>, %arg7: memref<5x80x16xf32, #tpu.memory_space<vmem>>, %arg8: memref<10000x16xf32, #tpu.memory_space<vmem_shared>>, %arg9: memref<10240x16xf32, #tpu.memory_space<vmem_shared>>, %arg10: memref<!tpu.dma_semaphore, #tpu.memory_space<semaphore_mem>>, %arg11: memref<!tpu.dma_semaphore, #tpu.memory_space<semaphore_mem>>, %arg12: memref<!tpu.dma_semaphore, #tpu.memory_space<semaphore_mem>>, %arg13: memref<!tpu.dma_semaphore, #tpu.memory_space<semaphore_mem>>, %arg14: memref<!tpu.dma_semaphore, #tpu.memory_space<semaphore_mem>>) attributes {dimension_semantics = [#tpu.dimension_semantics<core_parallel>, #tpu.dimension_semantics<subcore_parallel>], iteration_bounds = array<i64: 2, 16>, scalar_prefetch = 0 : i64, scratch_operands = 10 : i64, tpu.core_type = #tpu.core_type<sc_vector_subcore>, window_params = [{transform_indices = #map}, {transform_indices = #map}, {transform_indices = #map1}]} {
    %mul3A = arith.constant 2 : i32
    %mul3A_0 = arith.muli %arg1, %mul3A : i32
    %add3A = arith.addi %mul3A_0, %arg0 : i32
    %mul3A_1 = arith.constant 10000 : i32
    %mul3A_2 = arith.muli %add3A, %mul3A_1 : i32
    %run_scoped3A = arith.constant 0 : i32
    "tpu.region"() ({
      %run_scoped3A_115 = tpu.sem_alloc : memref<!tpu.dma_semaphore, #tpu.memory_space<semaphore_mem>>
      %dma_start3A_116 = tpu.memref_slice %arg2[%run_scoped3A, %mul3A_2] : memref<2x320000xi32, #tpu.memory_space<hbm>> -> memref<1x10000xi32, #tpu.memory_space<hbm>>
      %dma_start3A_117 = tpu.memref_squeeze %dma_start3A_116 : memref<1x10000xi32, #tpu.memory_space<hbm>> -> memref<10000xi32, #tpu.memory_space<hbm>>
      %dma_start3A_118 = tpu.memref_slice %arg2[%run_scoped3A, %mul3A_2] : memref<2x320000xi32, #tpu.memory_space<hbm>> -> memref<1x10000xi32, #tpu.memory_space<hbm>>
      %dma_start3A_119 = tpu.memref_squeeze %dma_start3A_118 : memref<1x10000xi32, #tpu.memory_space<hbm>> -> memref<10000xi32, #tpu.memory_space<hbm>>
      tpu.enqueue_dma source(%dma_start3A_119 : memref<10000xi32, #tpu.memory_space<hbm>>) target(%arg5 : memref<10000xi32, #tpu.memory_space<vmem>>) target_semaphore(%run_scoped3A_115 : memref<!tpu.dma_semaphore, #tpu.memory_space<semaphore_mem>>)
      %dma_wait3A = tpu.memref_slice %arg2[%run_scoped3A, %mul3A_2] : memref<2x320000xi32, #tpu.memory_space<hbm>> -> memref<1x10000xi32, #tpu.memory_space<hbm>>
      %dma_wait3A_120 = tpu.memref_squeeze %dma_wait3A : memref<1x10000xi32, #tpu.memory_space<hbm>> -> memref<10000xi32, #tpu.memory_space<hbm>>
      %dma_wait3A_121 = tpu.memref_slice %arg2[%run_scoped3A, %mul3A_2] : memref<2x320000xi32, #tpu.memory_space<hbm>> -> memref<1x10000xi32, #tpu.memory_space<hbm>>
      %dma_wait3A_122 = tpu.memref_squeeze %dma_wait3A_121 : memref<1x10000xi32, #tpu.memory_space<hbm>> -> memref<10000xi32, #tpu.memory_space<hbm>>
      tpu.wait_dma2 semaphore(%run_scoped3A_115 : memref<!tpu.dma_semaphore, #tpu.memory_space<semaphore_mem>>) src(%dma_wait3A_122 : memref<10000xi32, #tpu.memory_space<hbm>>) dst(%arg5 : memref<10000xi32, #tpu.memory_space<vmem>>)
      tpu.yield
    }) : () -> ()
    %mul3A_3 = arith.constant 10000 : i32
    %mul3A_4 = arith.muli %add3A, %mul3A_3 : i32
    %run_scoped3A_5 = arith.constant 1 : i32
    "tpu.region"() ({
      %run_scoped3A_115 = tpu.sem_alloc : memref<!tpu.dma_semaphore, #tpu.memory_space<semaphore_mem>>
      %dma_start3A_116 = tpu.memref_slice %arg2[%run_scoped3A_5, %mul3A_4] : memref<2x320000xi32, #tpu.memory_space<hbm>> -> memref<1x10000xi32, #tpu.memory_space<hbm>>
      %dma_start3A_117 = tpu.memref_squeeze %dma_start3A_116 : memref<1x10000xi32, #tpu.memory_space<hbm>> -> memref<10000xi32, #tpu.memory_space<hbm>>
      %dma_start3A_118 = tpu.memref_slice %arg2[%run_scoped3A_5, %mul3A_4] : memref<2x320000xi32, #tpu.memory_space<hbm>> -> memref<1x10000xi32, #tpu.memory_space<hbm>>
      %dma_start3A_119 = tpu.memref_squeeze %dma_start3A_118 : memref<1x10000xi32, #tpu.memory_space<hbm>> -> memref<10000xi32, #tpu.memory_space<hbm>>
      tpu.enqueue_dma source(%dma_start3A_119 : memref<10000xi32, #tpu.memory_space<hbm>>) target(%arg6 : memref<10000xi32, #tpu.memory_space<vmem>>) target_semaphore(%run_scoped3A_115 : memref<!tpu.dma_semaphore, #tpu.memory_space<semaphore_mem>>)
      %dma_wait3A = tpu.memref_slice %arg2[%run_scoped3A_5, %mul3A_4] : memref<2x320000xi32, #tpu.memory_space<hbm>> -> memref<1x10000xi32, #tpu.memory_space<hbm>>
      %dma_wait3A_120 = tpu.memref_squeeze %dma_wait3A : memref<1x10000xi32, #tpu.memory_space<hbm>> -> memref<10000xi32, #tpu.memory_space<hbm>>
      %dma_wait3A_121 = tpu.memref_slice %arg2[%run_scoped3A_5, %mul3A_4] : memref<2x320000xi32, #tpu.memory_space<hbm>> -> memref<1x10000xi32, #tpu.memory_space<hbm>>
      %dma_wait3A_122 = tpu.memref_squeeze %dma_wait3A_121 : memref<1x10000xi32, #tpu.memory_space<hbm>> -> memref<10000xi32, #tpu.memory_space<hbm>>
      tpu.wait_dma2 semaphore(%run_scoped3A_115 : memref<!tpu.dma_semaphore, #tpu.memory_space<semaphore_mem>>) src(%dma_wait3A_122 : memref<10000xi32, #tpu.memory_space<hbm>>) dst(%arg6 : memref<10000xi32, #tpu.memory_space<vmem>>)
      tpu.yield
    }) : () -> ()
    %mul3A_6 = arith.constant 625 : i32
    %mul3A_7 = arith.muli %arg1, %mul3A_6 : i32
    %mul3A_8 = arith.constant 625 : i32
    %mul3A_9 = arith.muli %arg1, %mul3A_8 : i32
    "tpu.region"() ({
      %run_scoped3A_115 = tpu.sem_alloc : memref<!tpu.dma_semaphore, #tpu.memory_space<semaphore_mem>>
      %dma_start3A_116 = arith.constant 0 : i32
      %dma_start3A_117 = tpu.memref_slice %arg8[%mul3A_9, %dma_start3A_116] : memref<10000x16xf32, #tpu.memory_space<vmem_shared>> -> memref<625x16xf32, #tpu.memory_space<vmem_shared>>
      %dma_start3A_118 = arith.constant 0 : i32
      %dma_start3A_119 = tpu.memref_slice %arg3[%mul3A_7, %dma_start3A_118] : memref<10000x16xf32, #tpu.memory_space<hbm>> -> memref<625x16xf32, #tpu.memory_space<hbm>>
      tpu.enqueue_dma source(%dma_start3A_119 : memref<625x16xf32, #tpu.memory_space<hbm>>) target(%dma_start3A_117 : memref<625x16xf32, #tpu.memory_space<vmem_shared>>) target_semaphore(%run_scoped3A_115 : memref<!tpu.dma_semaphore, #tpu.memory_space<semaphore_mem>>)
      %dma_wait3A = arith.constant 0 : i32
      %dma_wait3A_120 = tpu.memref_slice %arg8[%mul3A_9, %dma_wait3A] : memref<10000x16xf32, #tpu.memory_space<vmem_shared>> -> memref<625x16xf32, #tpu.memory_space<vmem_shared>>
      %dma_wait3A_121 = arith.constant 0 : i32
      %dma_wait3A_122 = tpu.memref_slice %arg3[%mul3A_7, %dma_wait3A_121] : memref<10000x16xf32, #tpu.memory_space<hbm>> -> memref<625x16xf32, #tpu.memory_space<hbm>>
      tpu.wait_dma2 semaphore(%run_scoped3A_115 : memref<!tpu.dma_semaphore, #tpu.memory_space<semaphore_mem>>) src(%dma_wait3A_122 : memref<625x16xf32, #tpu.memory_space<hbm>>) dst(%dma_wait3A_120 : memref<625x16xf32, #tpu.memory_space<vmem_shared>>)
      tpu.yield
    }) : () -> ()
    %scan3A = arith.constant 0 : i32
    %scan3A_10 = arith.constant 0 : i32
    %scan3A_11 = arith.constant 80 : i32
    %scan3A_12 = arith.addi %scan3A_10, %scan3A_11 : i32
    %scan3A_13 = arith.constant 1 : i32
    scf.for %scan3A_115 = %scan3A_10 to %scan3A_12 step %scan3A_13  : i32 {
      %broadcast_in_dim3A = arith.constant 0.000000e+00 : f32
      %broadcast_in_dim3A_116 = vector.broadcast %broadcast_in_dim3A : f32 to vector<16xf32>
      %swap3A = arith.constant 0 : i32
      %swap3A_117 = arith.index_cast %swap3A : i32 to index
      %swap3A_118 = arith.index_cast %scan3A_115 : i32 to index
      %swap3A_119 = arith.constant 0 : index
      %swap3A_120 = tpu.vector_load %arg7[%swap3A_117, %swap3A_118, %swap3A_119] {strides = array<i32>} : memref<5x80x16xf32, #tpu.memory_space<vmem>>, vector<1x1x16xf32>,
      %swap3A_121 = vector.shape_cast %swap3A_120 : vector<1x1x16xf32> to vector<16xf32>
      %swap3A_122 = vector.shape_cast %broadcast_in_dim3A_116 : vector<16xf32> to vector<1x1x16xf32>
      tpu.vector_store %arg7[%swap3A_117, %swap3A_118, %swap3A_119], %swap3A_122 {strides = array<i32>} : memref<5x80x16xf32, #tpu.memory_space<vmem>>, vector<1x1x16xf32>,
    }
    %scan3A_14 = arith.constant 80 : i32
    %mul3A_15 = arith.constant 640 : i32
    %mul3A_16 = arith.muli %arg1, %mul3A_15 : i32
    %add3A_17 = arith.constant 0 : i32
    %add3A_18 = arith.addi %mul3A_16, %add3A_17 : i32
    %run_scoped3A_19 = arith.constant 0 : i32
    "tpu.region"() ({
      %run_scoped3A_115 = tpu.sem_alloc : memref<!tpu.dma_semaphore, #tpu.memory_space<semaphore_mem>>
      %dma_start3A_116 = arith.constant 0 : i32
      %dma_start3A_117 = arith.constant 0 : i32
      %dma_start3A_118 = tpu.memref_slice %arg7[%run_scoped3A_19, %dma_start3A_116, %dma_start3A_117] : memref<5x80x16xf32, #tpu.memory_space<vmem>> -> memref<1x80x16xf32, #tpu.memory_space<vmem>>
      %dma_start3A_119 = tpu.memref_squeeze %dma_start3A_118 : memref<1x80x16xf32, #tpu.memory_space<vmem>> -> memref<80x16xf32, #tpu.memory_space<vmem>>
      %dma_start3A_120 = arith.constant 0 : i32
      %dma_start3A_121 = tpu.memref_slice %arg9[%add3A_18, %dma_start3A_120] : memref<10240x16xf32, #tpu.memory_space<vmem_shared>> -> memref<80x16xf32, #tpu.memory_space<vmem_shared>>
      %dma_start3A_122 = arith.constant 0 : i32
      %dma_start3A_123 = tpu.memref_slice %arg9[%add3A_18, %dma_start3A_122] : memref<10240x16xf32, #tpu.memory_space<vmem_shared>> -> memref<80x16xf32, #tpu.memory_space<vmem_shared>>
      %dma_start3A_124 = arith.constant 0 : i32
      %dma_start3A_125 = arith.constant 0 : i32
      %dma_start3A_126 = tpu.memref_slice %arg7[%run_scoped3A_19, %dma_start3A_124, %dma_start3A_125] : memref<5x80x16xf32, #tpu.memory_space<vmem>> -> memref<1x80x16xf32, #tpu.memory_space<vmem>>
      %dma_start3A_127 = tpu.memref_squeeze %dma_start3A_126 : memref<1x80x16xf32, #tpu.memory_space<vmem>> -> memref<80x16xf32, #tpu.memory_space<vmem>>
      tpu.enqueue_dma source(%dma_start3A_127 : memref<80x16xf32, #tpu.memory_space<vmem>>) target(%dma_start3A_123 : memref<80x16xf32, #tpu.memory_space<vmem_shared>>) target_semaphore(%run_scoped3A_115 : memref<!tpu.dma_semaphore, #tpu.memory_space<semaphore_mem>>)
      %dma_wait3A = arith.constant 0 : i32
      %dma_wait3A_128 = arith.constant 0 : i32
      %dma_wait3A_129 = tpu.memref_slice %arg7[%run_scoped3A_19, %dma_wait3A, %dma_wait3A_128] : memref<5x80x16xf32, #tpu.memory_space<vmem>> -> memref<1x80x16xf32, #tpu.memory_space<vmem>>
      %dma_wait3A_130 = tpu.memref_squeeze %dma_wait3A_129 : memref<1x80x16xf32, #tpu.memory_space<vmem>> -> memref<80x16xf32, #tpu.memory_space<vmem>>
      %dma_wait3A_131 = arith.constant 0 : i32
      %dma_wait3A_132 = tpu.memref_slice %arg9[%add3A_18, %dma_wait3A_131] : memref<10240x16xf32, #tpu.memory_space<vmem_shared>> -> memref<80x16xf32, #tpu.memory_space<vmem_shared>>
      %dma_wait3A_133 = arith.constant 0 : i32
      %dma_wait3A_134 = tpu.memref_slice %arg9[%add3A_18, %dma_wait3A_133] : memref<10240x16xf32, #tpu.memory_space<vmem_shared>> -> memref<80x16xf32, #tpu.memory_space<vmem_shared>>
      %dma_wait3A_135 = arith.constant 0 : i32
      %dma_wait3A_136 = arith.constant 0 : i32
      %dma_wait3A_137 = tpu.memref_slice %arg7[%run_scoped3A_19, %dma_wait3A_135, %dma_wait3A_136] : memref<5x80x16xf32, #tpu.memory_space<vmem>> -> memref<1x80x16xf32, #tpu.memory_space<vmem>>
      %dma_wait3A_138 = tpu.memref_squeeze %dma_wait3A_137 : memref<1x80x16xf32, #tpu.memory_space<vmem>> -> memref<80x16xf32, #tpu.memory_space<vmem>>
      tpu.wait_dma2 semaphore(%run_scoped3A_115 : memref<!tpu.dma_semaphore, #tpu.memory_space<semaphore_mem>>) src(%dma_wait3A_138 : memref<80x16xf32, #tpu.memory_space<vmem>>) dst(%dma_wait3A_134 : memref<80x16xf32, #tpu.memory_space<vmem_shared>>)
      tpu.yield
    }) : () -> ()
    %mul3A_20 = arith.constant 640 : i32
    %mul3A_21 = arith.muli %arg1, %mul3A_20 : i32
    %add3A_22 = arith.constant 80 : i32
    %add3A_23 = arith.addi %mul3A_21, %add3A_22 : i32
    %run_scoped3A_24 = arith.constant 0 : i32
    "tpu.region"() ({
      %run_scoped3A_115 = tpu.sem_alloc : memref<!tpu.dma_semaphore, #tpu.memory_space<semaphore_mem>>
      %dma_start3A_116 = arith.constant 0 : i32
      %dma_start3A_117 = arith.constant 0 : i32
      %dma_start3A_118 = tpu.memref_slice %arg7[%run_scoped3A_24, %dma_start3A_116, %dma_start3A_117] : memref<5x80x16xf32, #tpu.memory_space<vmem>> -> memref<1x80x16xf32, #tpu.memory_space<vmem>>
      %dma_start3A_119 = tpu.memref_squeeze %dma_start3A_118 : memref<1x80x16xf32, #tpu.memory_space<vmem>> -> memref<80x16xf32, #tpu.memory_space<vmem>>
      %dma_start3A_120 = arith.constant 0 : i32
      %dma_start3A_121 = tpu.memref_slice %arg9[%add3A_23, %dma_start3A_120] : memref<10240x16xf32, #tpu.memory_space<vmem_shared>> -> memref<80x16xf32, #tpu.memory_space<vmem_shared>>
      %dma_start3A_122 = arith.constant 0 : i32
      %dma_start3A_123 = tpu.memref_slice %arg9[%add3A_23, %dma_start3A_122] : memref<10240x16xf32, #tpu.memory_space<vmem_shared>> -> memref<80x16xf32, #tpu.memory_space<vmem_shared>>
      %dma_start3A_124 = arith.constant 0 : i32
      %dma_start3A_125 = arith.constant 0 : i32
      %dma_start3A_126 = tpu.memref_slice %arg7[%run_scoped3A_24, %dma_start3A_124, %dma_start3A_125] : memref<5x80x16xf32, #tpu.memory_space<vmem>> -> memref<1x80x16xf32, #tpu.memory_space<vmem>>
      %dma_start3A_127 = tpu.memref_squeeze %dma_start3A_126 : memref<1x80x16xf32, #tpu.memory_space<vmem>> -> memref<80x16xf32, #tpu.memory_space<vmem>>
      tpu.enqueue_dma source(%dma_start3A_127 : memref<80x16xf32, #tpu.memory_space<vmem>>) target(%dma_start3A_123 : memref<80x16xf32, #tpu.memory_space<vmem_shared>>) target_semaphore(%run_scoped3A_115 : memref<!tpu.dma_semaphore, #tpu.memory_space<semaphore_mem>>)
      %dma_wait3A = arith.constant 0 : i32
      %dma_wait3A_128 = arith.constant 0 : i32
      %dma_wait3A_129 = tpu.memref_slice %arg7[%run_scoped3A_24, %dma_wait3A, %dma_wait3A_128] : memref<5x80x16xf32, #tpu.memory_space<vmem>> -> memref<1x80x16xf32, #tpu.memory_space<vmem>>
      %dma_wait3A_130 = tpu.memref_squeeze %dma_wait3A_129 : memref<1x80x16xf32, #tpu.memory_space<vmem>> -> memref<80x16xf32, #tpu.memory_space<vmem>>
      %dma_wait3A_131 = arith.constant 0 : i32
      %dma_wait3A_132 = tpu.memref_slice %arg9[%add3A_23, %dma_wait3A_131] : memref<10240x16xf32, #tpu.memory_space<vmem_shared>> -> memref<80x16xf32, #tpu.memory_space<vmem_shared>>
      %dma_wait3A_133 = arith.constant 0 : i32
      %dma_wait3A_134 = tpu.memref_slice %arg9[%add3A_23, %dma_wait3A_133] : memref<10240x16xf32, #tpu.memory_space<vmem_shared>> -> memref<80x16xf32, #tpu.memory_space<vmem_shared>>
      %dma_wait3A_135 = arith.constant 0 : i32
      %dma_wait3A_136 = arith.constant 0 : i32
      %dma_wait3A_137 = tpu.memref_slice %arg7[%run_scoped3A_24, %dma_wait3A_135, %dma_wait3A_136] : memref<5x80x16xf32, #tpu.memory_space<vmem>> -> memref<1x80x16xf32, #tpu.memory_space<vmem>>
      %dma_wait3A_138 = tpu.memref_squeeze %dma_wait3A_137 : memref<1x80x16xf32, #tpu.memory_space<vmem>> -> memref<80x16xf32, #tpu.memory_space<vmem>>
      tpu.wait_dma2 semaphore(%run_scoped3A_115 : memref<!tpu.dma_semaphore, #tpu.memory_space<semaphore_mem>>) src(%dma_wait3A_138 : memref<80x16xf32, #tpu.memory_space<vmem>>) dst(%dma_wait3A_134 : memref<80x16xf32, #tpu.memory_space<vmem_shared>>)
      tpu.yield
    }) : () -> ()
    %mul3A_25 = arith.constant 640 : i32
    %mul3A_26 = arith.muli %arg1, %mul3A_25 : i32
    %add3A_27 = arith.constant 160 : i32
    %add3A_28 = arith.addi %mul3A_26, %add3A_27 : i32
    %run_scoped3A_29 = arith.constant 0 : i32
    "tpu.region"() ({
      %run_scoped3A_115 = tpu.sem_alloc : memref<!tpu.dma_semaphore, #tpu.memory_space<semaphore_mem>>
      %dma_start3A_116 = arith.constant 0 : i32
      %dma_start3A_117 = arith.constant 0 : i32
      %dma_start3A_118 = tpu.memref_slice %arg7[%run_scoped3A_29, %dma_start3A_116, %dma_start3A_117] : memref<5x80x16xf32, #tpu.memory_space<vmem>> -> memref<1x80x16xf32, #tpu.memory_space<vmem>>
      %dma_start3A_119 = tpu.memref_squeeze %dma_start3A_118 : memref<1x80x16xf32, #tpu.memory_space<vmem>> -> memref<80x16xf32, #tpu.memory_space<vmem>>
      %dma_start3A_120 = arith.constant 0 : i32
      %dma_start3A_121 = tpu.memref_slice %arg9[%add3A_28, %dma_start3A_120] : memref<10240x16xf32, #tpu.memory_space<vmem_shared>> -> memref<80x16xf32, #tpu.memory_space<vmem_shared>>
      %dma_start3A_122 = arith.constant 0 : i32
      %dma_start3A_123 = tpu.memref_slice %arg9[%add3A_28, %dma_start3A_122] : memref<10240x16xf32, #tpu.memory_space<vmem_shared>> -> memref<80x16xf32, #tpu.memory_space<vmem_shared>>
      %dma_start3A_124 = arith.constant 0 : i32
      %dma_start3A_125 = arith.constant 0 : i32
      %dma_start3A_126 = tpu.memref_slice %arg7[%run_scoped3A_29, %dma_start3A_124, %dma_start3A_125] : memref<5x80x16xf32, #tpu.memory_space<vmem>> -> memref<1x80x16xf32, #tpu.memory_space<vmem>>
      %dma_start3A_127 = tpu.memref_squeeze %dma_start3A_126 : memref<1x80x16xf32, #tpu.memory_space<vmem>> -> memref<80x16xf32, #tpu.memory_space<vmem>>
      tpu.enqueue_dma source(%dma_start3A_127 : memref<80x16xf32, #tpu.memory_space<vmem>>) target(%dma_start3A_123 : memref<80x16xf32, #tpu.memory_space<vmem_shared>>) target_semaphore(%run_scoped3A_115 : memref<!tpu.dma_semaphore, #tpu.memory_space<semaphore_mem>>)
      %dma_wait3A = arith.constant 0 : i32
      %dma_wait3A_128 = arith.constant 0 : i32
      %dma_wait3A_129 = tpu.memref_slice %arg7[%run_scoped3A_29, %dma_wait3A, %dma_wait3A_128] : memref<5x80x16xf32, #tpu.memory_space<vmem>> -> memref<1x80x16xf32, #tpu.memory_space<vmem>>
      %dma_wait3A_130 = tpu.memref_squeeze %dma_wait3A_129 : memref<1x80x16xf32, #tpu.memory_space<vmem>> -> memref<80x16xf32, #tpu.memory_space<vmem>>
      %dma_wait3A_131 = arith.constant 0 : i32
      %dma_wait3A_132 = tpu.memref_slice %arg9[%add3A_28, %dma_wait3A_131] : memref<10240x16xf32, #tpu.memory_space<vmem_shared>> -> memref<80x16xf32, #tpu.memory_space<vmem_shared>>
      %dma_wait3A_133 = arith.constant 0 : i32
      %dma_wait3A_134 = tpu.memref_slice %arg9[%add3A_28, %dma_wait3A_133] : memref<10240x16xf32, #tpu.memory_space<vmem_shared>> -> memref<80x16xf32, #tpu.memory_space<vmem_shared>>
      %dma_wait3A_135 = arith.constant 0 : i32
      %dma_wait3A_136 = arith.constant 0 : i32
      %dma_wait3A_137 = tpu.memref_slice %arg7[%run_scoped3A_29, %dma_wait3A_135, %dma_wait3A_136] : memref<5x80x16xf32, #tpu.memory_space<vmem>> -> memref<1x80x16xf32, #tpu.memory_space<vmem>>
      %dma_wait3A_138 = tpu.memref_squeeze %dma_wait3A_137 : memref<1x80x16xf32, #tpu.memory_space<vmem>> -> memref<80x16xf32, #tpu.memory_space<vmem>>
      tpu.wait_dma2 semaphore(%run_scoped3A_115 : memref<!tpu.dma_semaphore, #tpu.memory_space<semaphore_mem>>) src(%dma_wait3A_138 : memref<80x16xf32, #tpu.memory_space<vmem>>) dst(%dma_wait3A_134 : memref<80x16xf32, #tpu.memory_space<vmem_shared>>)
      tpu.yield
    }) : () -> ()
    %mul3A_30 = arith.constant 640 : i32
    %mul3A_31 = arith.muli %arg1, %mul3A_30 : i32
    %add3A_32 = arith.constant 240 : i32
    %add3A_33 = arith.addi %mul3A_31, %add3A_32 : i32
    %run_scoped3A_34 = arith.constant 0 : i32
    "tpu.region"() ({
      %run_scoped3A_115 = tpu.sem_alloc : memref<!tpu.dma_semaphore, #tpu.memory_space<semaphore_mem>>
      %dma_start3A_116 = arith.constant 0 : i32
      %dma_start3A_117 = arith.constant 0 : i32
      %dma_start3A_118 = tpu.memref_slice %arg7[%run_scoped3A_34, %dma_start3A_116, %dma_start3A_117] : memref<5x80x16xf32, #tpu.memory_space<vmem>> -> memref<1x80x16xf32, #tpu.memory_space<vmem>>
      %dma_start3A_119 = tpu.memref_squeeze %dma_start3A_118 : memref<1x80x16xf32, #tpu.memory_space<vmem>> -> memref<80x16xf32, #tpu.memory_space<vmem>>
      %dma_start3A_120 = arith.constant 0 : i32
      %dma_start3A_121 = tpu.memref_slice %arg9[%add3A_33, %dma_start3A_120] : memref<10240x16xf32, #tpu.memory_space<vmem_shared>> -> memref<80x16xf32, #tpu.memory_space<vmem_shared>>
      %dma_start3A_122 = arith.constant 0 : i32
      %dma_start3A_123 = tpu.memref_slice %arg9[%add3A_33, %dma_start3A_122] : memref<10240x16xf32, #tpu.memory_space<vmem_shared>> -> memref<80x16xf32, #tpu.memory_space<vmem_shared>>
      %dma_start3A_124 = arith.constant 0 : i32
      %dma_start3A_125 = arith.constant 0 : i32
      %dma_start3A_126 = tpu.memref_slice %arg7[%run_scoped3A_34, %dma_start3A_124, %dma_start3A_125] : memref<5x80x16xf32, #tpu.memory_space<vmem>> -> memref<1x80x16xf32, #tpu.memory_space<vmem>>
      %dma_start3A_127 = tpu.memref_squeeze %dma_start3A_126 : memref<1x80x16xf32, #tpu.memory_space<vmem>> -> memref<80x16xf32, #tpu.memory_space<vmem>>
      tpu.enqueue_dma source(%dma_start3A_127 : memref<80x16xf32, #tpu.memory_space<vmem>>) target(%dma_start3A_123 : memref<80x16xf32, #tpu.memory_space<vmem_shared>>) target_semaphore(%run_scoped3A_115 : memref<!tpu.dma_semaphore, #tpu.memory_space<semaphore_mem>>)
      %dma_wait3A = arith.constant 0 : i32
      %dma_wait3A_128 = arith.constant 0 : i32
      %dma_wait3A_129 = tpu.memref_slice %arg7[%run_scoped3A_34, %dma_wait3A, %dma_wait3A_128] : memref<5x80x16xf32, #tpu.memory_space<vmem>> -> memref<1x80x16xf32, #tpu.memory_space<vmem>>
      %dma_wait3A_130 = tpu.memref_squeeze %dma_wait3A_129 : memref<1x80x16xf32, #tpu.memory_space<vmem>> -> memref<80x16xf32, #tpu.memory_space<vmem>>
      %dma_wait3A_131 = arith.constant 0 : i32
      %dma_wait3A_132 = tpu.memref_slice %arg9[%add3A_33, %dma_wait3A_131] : memref<10240x16xf32, #tpu.memory_space<vmem_shared>> -> memref<80x16xf32, #tpu.memory_space<vmem_shared>>
      %dma_wait3A_133 = arith.constant 0 : i32
      %dma_wait3A_134 = tpu.memref_slice %arg9[%add3A_33, %dma_wait3A_133] : memref<10240x16xf32, #tpu.memory_space<vmem_shared>> -> memref<80x16xf32, #tpu.memory_space<vmem_shared>>
      %dma_wait3A_135 = arith.constant 0 : i32
      %dma_wait3A_136 = arith.constant 0 : i32
      %dma_wait3A_137 = tpu.memref_slice %arg7[%run_scoped3A_34, %dma_wait3A_135, %dma_wait3A_136] : memref<5x80x16xf32, #tpu.memory_space<vmem>> -> memref<1x80x16xf32, #tpu.memory_space<vmem>>
      %dma_wait3A_138 = tpu.memref_squeeze %dma_wait3A_137 : memref<1x80x16xf32, #tpu.memory_space<vmem>> -> memref<80x16xf32, #tpu.memory_space<vmem>>
      tpu.wait_dma2 semaphore(%run_scoped3A_115 : memref<!tpu.dma_semaphore, #tpu.memory_space<semaphore_mem>>) src(%dma_wait3A_138 : memref<80x16xf32, #tpu.memory_space<vmem>>) dst(%dma_wait3A_134 : memref<80x16xf32, #tpu.memory_space<vmem_shared>>)
      tpu.yield
    }) : () -> ()
    %mul3A_35 = arith.constant 640 : i32
    %mul3A_36 = arith.muli %arg1, %mul3A_35 : i32
    %add3A_37 = arith.constant 320 : i32
    %add3A_38 = arith.addi %mul3A_36, %add3A_37 : i32
    %run_scoped3A_39 = arith.constant 0 : i32
    "tpu.region"() ({
      %run_scoped3A_115 = tpu.sem_alloc : memref<!tpu.dma_semaphore, #tpu.memory_space<semaphore_mem>>
      %dma_start3A_116 = arith.constant 0 : i32
      %dma_start3A_117 = arith.constant 0 : i32
      %dma_start3A_118 = tpu.memref_slice %arg7[%run_scoped3A_39, %dma_start3A_116, %dma_start3A_117] : memref<5x80x16xf32, #tpu.memory_space<vmem>> -> memref<1x80x16xf32, #tpu.memory_space<vmem>>
      %dma_start3A_119 = tpu.memref_squeeze %dma_start3A_118 : memref<1x80x16xf32, #tpu.memory_space<vmem>> -> memref<80x16xf32, #tpu.memory_space<vmem>>
      %dma_start3A_120 = arith.constant 0 : i32
      %dma_start3A_121 = tpu.memref_slice %arg9[%add3A_38, %dma_start3A_120] : memref<10240x16xf32, #tpu.memory_space<vmem_shared>> -> memref<80x16xf32, #tpu.memory_space<vmem_shared>>
      %dma_start3A_122 = arith.constant 0 : i32
      %dma_start3A_123 = tpu.memref_slice %arg9[%add3A_38, %dma_start3A_122] : memref<10240x16xf32, #tpu.memory_space<vmem_shared>> -> memref<80x16xf32, #tpu.memory_space<vmem_shared>>
      %dma_start3A_124 = arith.constant 0 : i32
      %dma_start3A_125 = arith.constant 0 : i32
      %dma_start3A_126 = tpu.memref_slice %arg7[%run_scoped3A_39, %dma_start3A_124, %dma_start3A_125] : memref<5x80x16xf32, #tpu.memory_space<vmem>> -> memref<1x80x16xf32, #tpu.memory_space<vmem>>
      %dma_start3A_127 = tpu.memref_squeeze %dma_start3A_126 : memref<1x80x16xf32, #tpu.memory_space<vmem>> -> memref<80x16xf32, #tpu.memory_space<vmem>>
      tpu.enqueue_dma source(%dma_start3A_127 : memref<80x16xf32, #tpu.memory_space<vmem>>) target(%dma_start3A_123 : memref<80x16xf32, #tpu.memory_space<vmem_shared>>) target_semaphore(%run_scoped3A_115 : memref<!tpu.dma_semaphore, #tpu.memory_space<semaphore_mem>>)
      %dma_wait3A = arith.constant 0 : i32
      %dma_wait3A_128 = arith.constant 0 : i32
      %dma_wait3A_129 = tpu.memref_slice %arg7[%run_scoped3A_39, %dma_wait3A, %dma_wait3A_128] : memref<5x80x16xf32, #tpu.memory_space<vmem>> -> memref<1x80x16xf32, #tpu.memory_space<vmem>>
      %dma_wait3A_130 = tpu.memref_squeeze %dma_wait3A_129 : memref<1x80x16xf32, #tpu.memory_space<vmem>> -> memref<80x16xf32, #tpu.memory_space<vmem>>
      %dma_wait3A_131 = arith.constant 0 : i32
      %dma_wait3A_132 = tpu.memref_slice %arg9[%add3A_38, %dma_wait3A_131] : memref<10240x16xf32, #tpu.memory_space<vmem_shared>> -> memref<80x16xf32, #tpu.memory_space<vmem_shared>>
      %dma_wait3A_133 = arith.constant 0 : i32
      %dma_wait3A_134 = tpu.memref_slice %arg9[%add3A_38, %dma_wait3A_133] : memref<10240x16xf32, #tpu.memory_space<vmem_shared>> -> memref<80x16xf32, #tpu.memory_space<vmem_shared>>
      %dma_wait3A_135 = arith.constant 0 : i32
      %dma_wait3A_136 = arith.constant 0 : i32
      %dma_wait3A_137 = tpu.memref_slice %arg7[%run_scoped3A_39, %dma_wait3A_135, %dma_wait3A_136] : memref<5x80x16xf32, #tpu.memory_space<vmem>> -> memref<1x80x16xf32, #tpu.memory_space<vmem>>
      %dma_wait3A_138 = tpu.memref_squeeze %dma_wait3A_137 : memref<1x80x16xf32, #tpu.memory_space<vmem>> -> memref<80x16xf32, #tpu.memory_space<vmem>>
      tpu.wait_dma2 semaphore(%run_scoped3A_115 : memref<!tpu.dma_semaphore, #tpu.memory_space<semaphore_mem>>) src(%dma_wait3A_138 : memref<80x16xf32, #tpu.memory_space<vmem>>) dst(%dma_wait3A_134 : memref<80x16xf32, #tpu.memory_space<vmem_shared>>)
      tpu.yield
    }) : () -> ()
    %mul3A_40 = arith.constant 640 : i32
    %mul3A_41 = arith.muli %arg1, %mul3A_40 : i32
    %add3A_42 = arith.constant 400 : i32
    %add3A_43 = arith.addi %mul3A_41, %add3A_42 : i32
    %run_scoped3A_44 = arith.constant 0 : i32
    "tpu.region"() ({
      %run_scoped3A_115 = tpu.sem_alloc : memref<!tpu.dma_semaphore, #tpu.memory_space<semaphore_mem>>
      %dma_start3A_116 = arith.constant 0 : i32
      %dma_start3A_117 = arith.constant 0 : i32
      %dma_start3A_118 = tpu.memref_slice %arg7[%run_scoped3A_44, %dma_start3A_116, %dma_start3A_117] : memref<5x80x16xf32, #tpu.memory_space<vmem>> -> memref<1x80x16xf32, #tpu.memory_space<vmem>>
      %dma_start3A_119 = tpu.memref_squeeze %dma_start3A_118 : memref<1x80x16xf32, #tpu.memory_space<vmem>> -> memref<80x16xf32, #tpu.memory_space<vmem>>
      %dma_start3A_120 = arith.constant 0 : i32
      %dma_start3A_121 = tpu.memref_slice %arg9[%add3A_43, %dma_start3A_120] : memref<10240x16xf32, #tpu.memory_space<vmem_shared>> -> memref<80x16xf32, #tpu.memory_space<vmem_shared>>
      %dma_start3A_122 = arith.constant 0 : i32
      %dma_start3A_123 = tpu.memref_slice %arg9[%add3A_43, %dma_start3A_122] : memref<10240x16xf32, #tpu.memory_space<vmem_shared>> -> memref<80x16xf32, #tpu.memory_space<vmem_shared>>
      %dma_start3A_124 = arith.constant 0 : i32
      %dma_start3A_125 = arith.constant 0 : i32
      %dma_start3A_126 = tpu.memref_slice %arg7[%run_scoped3A_44, %dma_start3A_124, %dma_start3A_125] : memref<5x80x16xf32, #tpu.memory_space<vmem>> -> memref<1x80x16xf32, #tpu.memory_space<vmem>>
      %dma_start3A_127 = tpu.memref_squeeze %dma_start3A_126 : memref<1x80x16xf32, #tpu.memory_space<vmem>> -> memref<80x16xf32, #tpu.memory_space<vmem>>
      tpu.enqueue_dma source(%dma_start3A_127 : memref<80x16xf32, #tpu.memory_space<vmem>>) target(%dma_start3A_123 : memref<80x16xf32, #tpu.memory_space<vmem_shared>>) target_semaphore(%run_scoped3A_115 : memref<!tpu.dma_semaphore, #tpu.memory_space<semaphore_mem>>)
      %dma_wait3A = arith.constant 0 : i32
      %dma_wait3A_128 = arith.constant 0 : i32
      %dma_wait3A_129 = tpu.memref_slice %arg7[%run_scoped3A_44, %dma_wait3A, %dma_wait3A_128] : memref<5x80x16xf32, #tpu.memory_space<vmem>> -> memref<1x80x16xf32, #tpu.memory_space<vmem>>
      %dma_wait3A_130 = tpu.memref_squeeze %dma_wait3A_129 : memref<1x80x16xf32, #tpu.memory_space<vmem>> -> memref<80x16xf32, #tpu.memory_space<vmem>>
      %dma_wait3A_131 = arith.constant 0 : i32
      %dma_wait3A_132 = tpu.memref_slice %arg9[%add3A_43, %dma_wait3A_131] : memref<10240x16xf32, #tpu.memory_space<vmem_shared>> -> memref<80x16xf32, #tpu.memory_space<vmem_shared>>
      %dma_wait3A_133 = arith.constant 0 : i32
      %dma_wait3A_134 = tpu.memref_slice %arg9[%add3A_43, %dma_wait3A_133] : memref<10240x16xf32, #tpu.memory_space<vmem_shared>> -> memref<80x16xf32, #tpu.memory_space<vmem_shared>>
      %dma_wait3A_135 = arith.constant 0 : i32
      %dma_wait3A_136 = arith.constant 0 : i32
      %dma_wait3A_137 = tpu.memref_slice %arg7[%run_scoped3A_44, %dma_wait3A_135, %dma_wait3A_136] : memref<5x80x16xf32, #tpu.memory_space<vmem>> -> memref<1x80x16xf32, #tpu.memory_space<vmem>>
      %dma_wait3A_138 = tpu.memref_squeeze %dma_wait3A_137 : memref<1x80x16xf32, #tpu.memory_space<vmem>> -> memref<80x16xf32, #tpu.memory_space<vmem>>
      tpu.wait_dma2 semaphore(%run_scoped3A_115 : memref<!tpu.dma_semaphore, #tpu.memory_space<semaphore_mem>>) src(%dma_wait3A_138 : memref<80x16xf32, #tpu.memory_space<vmem>>) dst(%dma_wait3A_134 : memref<80x16xf32, #tpu.memory_space<vmem_shared>>)
      tpu.yield
    }) : () -> ()
    %mul3A_45 = arith.constant 640 : i32
    %mul3A_46 = arith.muli %arg1, %mul3A_45 : i32
    %add3A_47 = arith.constant 480 : i32
    %add3A_48 = arith.addi %mul3A_46, %add3A_47 : i32
    %run_scoped3A_49 = arith.constant 0 : i32
    "tpu.region"() ({
      %run_scoped3A_115 = tpu.sem_alloc : memref<!tpu.dma_semaphore, #tpu.memory_space<semaphore_mem>>
      %dma_start3A_116 = arith.constant 0 : i32
      %dma_start3A_117 = arith.constant 0 : i32
      %dma_start3A_118 = tpu.memref_slice %arg7[%run_scoped3A_49, %dma_start3A_116, %dma_start3A_117] : memref<5x80x16xf32, #tpu.memory_space<vmem>> -> memref<1x80x16xf32, #tpu.memory_space<vmem>>
      %dma_start3A_119 = tpu.memref_squeeze %dma_start3A_118 : memref<1x80x16xf32, #tpu.memory_space<vmem>> -> memref<80x16xf32, #tpu.memory_space<vmem>>
      %dma_start3A_120 = arith.constant 0 : i32
      %dma_start3A_121 = tpu.memref_slice %arg9[%add3A_48, %dma_start3A_120] : memref<10240x16xf32, #tpu.memory_space<vmem_shared>> -> memref<80x16xf32, #tpu.memory_space<vmem_shared>>
      %dma_start3A_122 = arith.constant 0 : i32
      %dma_start3A_123 = tpu.memref_slice %arg9[%add3A_48, %dma_start3A_122] : memref<10240x16xf32, #tpu.memory_space<vmem_shared>> -> memref<80x16xf32, #tpu.memory_space<vmem_shared>>
      %dma_start3A_124 = arith.constant 0 : i32
      %dma_start3A_125 = arith.constant 0 : i32
      %dma_start3A_126 = tpu.memref_slice %arg7[%run_scoped3A_49, %dma_start3A_124, %dma_start3A_125] : memref<5x80x16xf32, #tpu.memory_space<vmem>> -> memref<1x80x16xf32, #tpu.memory_space<vmem>>
      %dma_start3A_127 = tpu.memref_squeeze %dma_start3A_126 : memref<1x80x16xf32, #tpu.memory_space<vmem>> -> memref<80x16xf32, #tpu.memory_space<vmem>>
      tpu.enqueue_dma source(%dma_start3A_127 : memref<80x16xf32, #tpu.memory_space<vmem>>) target(%dma_start3A_123 : memref<80x16xf32, #tpu.memory_space<vmem_shared>>) target_semaphore(%run_scoped3A_115 : memref<!tpu.dma_semaphore, #tpu.memory_space<semaphore_mem>>)
      %dma_wait3A = arith.constant 0 : i32
      %dma_wait3A_128 = arith.constant 0 : i32
      %dma_wait3A_129 = tpu.memref_slice %arg7[%run_scoped3A_49, %dma_wait3A, %dma_wait3A_128] : memref<5x80x16xf32, #tpu.memory_space<vmem>> -> memref<1x80x16xf32, #tpu.memory_space<vmem>>
      %dma_wait3A_130 = tpu.memref_squeeze %dma_wait3A_129 : memref<1x80x16xf32, #tpu.memory_space<vmem>> -> memref<80x16xf32, #tpu.memory_space<vmem>>
      %dma_wait3A_131 = arith.constant 0 : i32
      %dma_wait3A_132 = tpu.memref_slice %arg9[%add3A_48, %dma_wait3A_131] : memref<10240x16xf32, #tpu.memory_space<vmem_shared>> -> memref<80x16xf32, #tpu.memory_space<vmem_shared>>
      %dma_wait3A_133 = arith.constant 0 : i32
      %dma_wait3A_134 = tpu.memref_slice %arg9[%add3A_48, %dma_wait3A_133] : memref<10240x16xf32, #tpu.memory_space<vmem_shared>> -> memref<80x16xf32, #tpu.memory_space<vmem_shared>>
      %dma_wait3A_135 = arith.constant 0 : i32
      %dma_wait3A_136 = arith.constant 0 : i32
      %dma_wait3A_137 = tpu.memref_slice %arg7[%run_scoped3A_49, %dma_wait3A_135, %dma_wait3A_136] : memref<5x80x16xf32, #tpu.memory_space<vmem>> -> memref<1x80x16xf32, #tpu.memory_space<vmem>>
      %dma_wait3A_138 = tpu.memref_squeeze %dma_wait3A_137 : memref<1x80x16xf32, #tpu.memory_space<vmem>> -> memref<80x16xf32, #tpu.memory_space<vmem>>
      tpu.wait_dma2 semaphore(%run_scoped3A_115 : memref<!tpu.dma_semaphore, #tpu.memory_space<semaphore_mem>>) src(%dma_wait3A_138 : memref<80x16xf32, #tpu.memory_space<vmem>>) dst(%dma_wait3A_134 : memref<80x16xf32, #tpu.memory_space<vmem_shared>>)
      tpu.yield
    }) : () -> ()
    %mul3A_50 = arith.constant 640 : i32
    %mul3A_51 = arith.muli %arg1, %mul3A_50 : i32
    %add3A_52 = arith.constant 560 : i32
    %add3A_53 = arith.addi %mul3A_51, %add3A_52 : i32
    %run_scoped3A_54 = arith.constant 0 : i32
    "tpu.region"() ({
      %run_scoped3A_115 = tpu.sem_alloc : memref<!tpu.dma_semaphore, #tpu.memory_space<semaphore_mem>>
      %dma_start3A_116 = arith.constant 0 : i32
      %dma_start3A_117 = arith.constant 0 : i32
      %dma_start3A_118 = tpu.memref_slice %arg7[%run_scoped3A_54, %dma_start3A_116, %dma_start3A_117] : memref<5x80x16xf32, #tpu.memory_space<vmem>> -> memref<1x80x16xf32, #tpu.memory_space<vmem>>
      %dma_start3A_119 = tpu.memref_squeeze %dma_start3A_118 : memref<1x80x16xf32, #tpu.memory_space<vmem>> -> memref<80x16xf32, #tpu.memory_space<vmem>>
      %dma_start3A_120 = arith.constant 0 : i32
      %dma_start3A_121 = tpu.memref_slice %arg9[%add3A_53, %dma_start3A_120] : memref<10240x16xf32, #tpu.memory_space<vmem_shared>> -> memref<80x16xf32, #tpu.memory_space<vmem_shared>>
      %dma_start3A_122 = arith.constant 0 : i32
      %dma_start3A_123 = tpu.memref_slice %arg9[%add3A_53, %dma_start3A_122] : memref<10240x16xf32, #tpu.memory_space<vmem_shared>> -> memref<80x16xf32, #tpu.memory_space<vmem_shared>>
      %dma_start3A_124 = arith.constant 0 : i32
      %dma_start3A_125 = arith.constant 0 : i32
      %dma_start3A_126 = tpu.memref_slice %arg7[%run_scoped3A_54, %dma_start3A_124, %dma_start3A_125] : memref<5x80x16xf32, #tpu.memory_space<vmem>> -> memref<1x80x16xf32, #tpu.memory_space<vmem>>
      %dma_start3A_127 = tpu.memref_squeeze %dma_start3A_126 : memref<1x80x16xf32, #tpu.memory_space<vmem>> -> memref<80x16xf32, #tpu.memory_space<vmem>>
      tpu.enqueue_dma source(%dma_start3A_127 : memref<80x16xf32, #tpu.memory_space<vmem>>) target(%dma_start3A_123 : memref<80x16xf32, #tpu.memory_space<vmem_shared>>) target_semaphore(%run_scoped3A_115 : memref<!tpu.dma_semaphore, #tpu.memory_space<semaphore_mem>>)
      %dma_wait3A = arith.constant 0 : i32
      %dma_wait3A_128 = arith.constant 0 : i32
      %dma_wait3A_129 = tpu.memref_slice %arg7[%run_scoped3A_54, %dma_wait3A, %dma_wait3A_128] : memref<5x80x16xf32, #tpu.memory_space<vmem>> -> memref<1x80x16xf32, #tpu.memory_space<vmem>>
      %dma_wait3A_130 = tpu.memref_squeeze %dma_wait3A_129 : memref<1x80x16xf32, #tpu.memory_space<vmem>> -> memref<80x16xf32, #tpu.memory_space<vmem>>
      %dma_wait3A_131 = arith.constant 0 : i32
      %dma_wait3A_132 = tpu.memref_slice %arg9[%add3A_53, %dma_wait3A_131] : memref<10240x16xf32, #tpu.memory_space<vmem_shared>> -> memref<80x16xf32, #tpu.memory_space<vmem_shared>>
      %dma_wait3A_133 = arith.constant 0 : i32
      %dma_wait3A_134 = tpu.memref_slice %arg9[%add3A_53, %dma_wait3A_133] : memref<10240x16xf32, #tpu.memory_space<vmem_shared>> -> memref<80x16xf32, #tpu.memory_space<vmem_shared>>
      %dma_wait3A_135 = arith.constant 0 : i32
      %dma_wait3A_136 = arith.constant 0 : i32
      %dma_wait3A_137 = tpu.memref_slice %arg7[%run_scoped3A_54, %dma_wait3A_135, %dma_wait3A_136] : memref<5x80x16xf32, #tpu.memory_space<vmem>> -> memref<1x80x16xf32, #tpu.memory_space<vmem>>
      %dma_wait3A_138 = tpu.memref_squeeze %dma_wait3A_137 : memref<1x80x16xf32, #tpu.memory_space<vmem>> -> memref<80x16xf32, #tpu.memory_space<vmem>>
      tpu.wait_dma2 semaphore(%run_scoped3A_115 : memref<!tpu.dma_semaphore, #tpu.memory_space<semaphore_mem>>) src(%dma_wait3A_138 : memref<80x16xf32, #tpu.memory_space<vmem>>) dst(%dma_wait3A_134 : memref<80x16xf32, #tpu.memory_space<vmem_shared>>)
      tpu.yield
    }) : () -> ()
    %barrier3A = arith.constant 0 : index
    tpu.barrier barrier_id(%barrier3A)
    %dma_start3A = arith.constant 0 : i32
    %dma_start3A_55 = arith.constant 0 : i32
    %dma_start3A_56 = arith.constant 0 : i32
    %dma_start3A_57 = tpu.memref_slice %arg7[%dma_start3A, %dma_start3A_55, %dma_start3A_56] : memref<5x80x16xf32, #tpu.memory_space<vmem>> -> memref<1x80x16xf32, #tpu.memory_space<vmem>>
    %dma_start3A_58 = tpu.memref_squeeze %dma_start3A_57 : memref<1x80x16xf32, #tpu.memory_space<vmem>> -> memref<80x16xf32, #tpu.memory_space<vmem>>
    %dma_start3A_59 = arith.constant 0 : i32
    %dma_start3A_60 = tpu.memref_slice %arg5[%dma_start3A_59] : memref<10000xi32, #tpu.memory_space<vmem>> -> memref<80xi32, #tpu.memory_space<vmem>>
    %dma_start3A_61 = arith.constant 0 : i32
    %dma_start3A_62 = arith.constant 0 : i32
    %dma_start3A_63 = tpu.memref_slice %arg8[%dma_start3A_61, %dma_start3A_62] : memref<10000x16xf32, #tpu.memory_space<vmem_shared>> -> memref<10000x16xf32, #tpu.memory_space<vmem_shared>>
    tpu.enqueue_indirect_dma source(%dma_start3A_63 : memref<10000x16xf32, #tpu.memory_space<vmem_shared>>) target(%dma_start3A_58 : memref<80x16xf32, #tpu.memory_space<vmem>>) offsets(%dma_start3A_60 : memref<80xi32, #tpu.memory_space<vmem>>) semaphore(%arg10 : memref<!tpu.dma_semaphore, #tpu.memory_space<semaphore_mem>>)
    %dma_start3A_64 = arith.constant 1 : i32
    %dma_start3A_65 = arith.constant 0 : i32
    %dma_start3A_66 = arith.constant 0 : i32
    %dma_start3A_67 = tpu.memref_slice %arg7[%dma_start3A_64, %dma_start3A_65, %dma_start3A_66] : memref<5x80x16xf32, #tpu.memory_space<vmem>> -> memref<1x80x16xf32, #tpu.memory_space<vmem>>
    %dma_start3A_68 = tpu.memref_squeeze %dma_start3A_67 : memref<1x80x16xf32, #tpu.memory_space<vmem>> -> memref<80x16xf32, #tpu.memory_space<vmem>>
    %dma_start3A_69 = arith.constant 80 : i32
    %dma_start3A_70 = tpu.memref_slice %arg5[%dma_start3A_69] : memref<10000xi32, #tpu.memory_space<vmem>> -> memref<80xi32, #tpu.memory_space<vmem>>
    %dma_start3A_71 = arith.constant 0 : i32
    %dma_start3A_72 = arith.constant 0 : i32
    %dma_start3A_73 = tpu.memref_slice %arg8[%dma_start3A_71, %dma_start3A_72] : memref<10000x16xf32, #tpu.memory_space<vmem_shared>> -> memref<10000x16xf32, #tpu.memory_space<vmem_shared>>
    tpu.enqueue_indirect_dma source(%dma_start3A_73 : memref<10000x16xf32, #tpu.memory_space<vmem_shared>>) target(%dma_start3A_68 : memref<80x16xf32, #tpu.memory_space<vmem>>) offsets(%dma_start3A_70 : memref<80xi32, #tpu.memory_space<vmem>>) semaphore(%arg11 : memref<!tpu.dma_semaphore, #tpu.memory_space<semaphore_mem>>)
    %dma_start3A_74 = arith.constant 2 : i32
    %dma_start3A_75 = arith.constant 0 : i32
    %dma_start3A_76 = arith.constant 0 : i32
    %dma_start3A_77 = tpu.memref_slice %arg7[%dma_start3A_74, %dma_start3A_75, %dma_start3A_76] : memref<5x80x16xf32, #tpu.memory_space<vmem>> -> memref<1x80x16xf32, #tpu.memory_space<vmem>>
    %dma_start3A_78 = tpu.memref_squeeze %dma_start3A_77 : memref<1x80x16xf32, #tpu.memory_space<vmem>> -> memref<80x16xf32, #tpu.memory_space<vmem>>
    %dma_start3A_79 = arith.constant 160 : i32
    %dma_start3A_80 = tpu.memref_slice %arg5[%dma_start3A_79] : memref<10000xi32, #tpu.memory_space<vmem>> -> memref<80xi32, #tpu.memory_space<vmem>>
    %dma_start3A_81 = arith.constant 0 : i32
    %dma_start3A_82 = arith.constant 0 : i32
    %dma_start3A_83 = tpu.memref_slice %arg8[%dma_start3A_81, %dma_start3A_82] : memref<10000x16xf32, #tpu.memory_space<vmem_shared>> -> memref<10000x16xf32, #tpu.memory_space<vmem_shared>>
    tpu.enqueue_indirect_dma source(%dma_start3A_83 : memref<10000x16xf32, #tpu.memory_space<vmem_shared>>) target(%dma_start3A_78 : memref<80x16xf32, #tpu.memory_space<vmem>>) offsets(%dma_start3A_80 : memref<80xi32, #tpu.memory_space<vmem>>) semaphore(%arg12 : memref<!tpu.dma_semaphore, #tpu.memory_space<semaphore_mem>>)
    %dma_start3A_84 = arith.constant 3 : i32
    %dma_start3A_85 = arith.constant 0 : i32
    %dma_start3A_86 = arith.constant 0 : i32
    %dma_start3A_87 = tpu.memref_slice %arg7[%dma_start3A_84, %dma_start3A_85, %dma_start3A_86] : memref<5x80x16xf32, #tpu.memory_space<vmem>> -> memref<1x80x16xf32, #tpu.memory_space<vmem>>
    %dma_start3A_88 = tpu.memref_squeeze %dma_start3A_87 : memref<1x80x16xf32, #tpu.memory_space<vmem>> -> memref<80x16xf32, #tpu.memory_space<vmem>>
    %dma_start3A_89 = arith.constant 240 : i32
    %dma_start3A_90 = tpu.memref_slice %arg5[%dma_start3A_89] : memref<10000xi32, #tpu.memory_space<vmem>> -> memref<80xi32, #tpu.memory_space<vmem>>
    %dma_start3A_91 = arith.constant 0 : i32
    %dma_start3A_92 = arith.constant 0 : i32
    %dma_start3A_93 = tpu.memref_slice %arg8[%dma_start3A_91, %dma_start3A_92] : memref<10000x16xf32, #tpu.memory_space<vmem_shared>> -> memref<10000x16xf32, #tpu.memory_space<vmem_shared>>
    tpu.enqueue_indirect_dma source(%dma_start3A_93 : memref<10000x16xf32, #tpu.memory_space<vmem_shared>>) target(%dma_start3A_88 : memref<80x16xf32, #tpu.memory_space<vmem>>) offsets(%dma_start3A_90 : memref<80xi32, #tpu.memory_space<vmem>>) semaphore(%arg13 : memref<!tpu.dma_semaphore, #tpu.memory_space<semaphore_mem>>)
    %dma_start3A_94 = arith.constant 4 : i32
    %dma_start3A_95 = arith.constant 0 : i32
    %dma_start3A_96 = arith.constant 0 : i32
    %dma_start3A_97 = tpu.memref_slice %arg7[%dma_start3A_94, %dma_start3A_95, %dma_start3A_96] : memref<5x80x16xf32, #tpu.memory_space<vmem>> -> memref<1x80x16xf32, #tpu.memory_space<vmem>>
    %dma_start3A_98 = tpu.memref_squeeze %dma_start3A_97 : memref<1x80x16xf32, #tpu.memory_space<vmem>> -> memref<80x16xf32, #tpu.memory_space<vmem>>
    %dma_start3A_99 = arith.constant 320 : i32
    %dma_start3A_100 = tpu.memref_slice %arg5[%dma_start3A_99] : memref<10000xi32, #tpu.memory_space<vmem>> -> memref<80xi32, #tpu.memory_space<vmem>>
    %dma_start3A_101 = arith.constant 0 : i32
    %dma_start3A_102 = arith.constant 0 : i32
    %dma_start3A_103 = tpu.memref_slice %arg8[%dma_start3A_101, %dma_start3A_102] : memref<10000x16xf32, #tpu.memory_space<vmem_shared>> -> memref<10000x16xf32, #tpu.memory_space<vmem_shared>>
    tpu.enqueue_indirect_dma source(%dma_start3A_103 : memref<10000x16xf32, #tpu.memory_space<vmem_shared>>) target(%dma_start3A_98 : memref<80x16xf32, #tpu.memory_space<vmem>>) offsets(%dma_start3A_100 : memref<80xi32, #tpu.memory_space<vmem>>) semaphore(%arg14 : memref<!tpu.dma_semaphore, #tpu.memory_space<semaphore_mem>>)
    %scan3A_104 = arith.constant 0 : i32
    %scan3A_105 = arith.constant 0 : i32
    %scan3A_106 = arith.constant 25 : i32
    %scan3A_107 = arith.addi %scan3A_105, %scan3A_106 : i32
    %scan3A_108 = arith.constant 1 : i32
    scf.for %scan3A_115 = %scan3A_105 to %scan3A_107 step %scan3A_108  : i32 {
      %mul3A_116 = arith.constant 5 : i32
      %mul3A_117 = arith.muli %scan3A_115, %mul3A_116 : i32
      %add3A_118 = arith.constant 0 : i32
      %add3A_119 = arith.addi %mul3A_117, %add3A_118 : i32
      %mul3A_120 = arith.constant 80 : i32
      %mul3A_121 = arith.muli %add3A_119, %mul3A_120 : i32
      %dma_wait3A = arith.constant 0 : i32
      %dma_wait3A_122 = arith.constant 0 : i32
      %dma_wait3A_123 = arith.constant 0 : i32
      %dma_wait3A_124 = tpu.memref_slice %arg7[%dma_wait3A, %dma_wait3A_122, %dma_wait3A_123] : memref<5x80x16xf32, #tpu.memory_space<vmem>> -> memref<1x80x16xf32, #tpu.memory_space<vmem>>
      %dma_wait3A_125 = tpu.memref_squeeze %dma_wait3A_124 : memref<1x80x16xf32, #tpu.memory_space<vmem>> -> memref<80x16xf32, #tpu.memory_space<vmem>>
      %dma_wait3A_126 = tpu.memref_slice %arg5[%mul3A_121] : memref<10000xi32, #tpu.memory_space<vmem>> -> memref<80xi32, #tpu.memory_space<vmem>>
      %dma_wait3A_127 = arith.constant 0 : i32
      %dma_wait3A_128 = arith.constant 0 : i32
      %dma_wait3A_129 = tpu.memref_slice %arg8[%dma_wait3A_127, %dma_wait3A_128] : memref<10000x16xf32, #tpu.memory_space<vmem_shared>> -> memref<10000x16xf32, #tpu.memory_space<vmem_shared>>
      tpu.wait_indirect_dma semaphore(%arg10 : memref<!tpu.dma_semaphore, #tpu.memory_space<semaphore_mem>>) src(%dma_wait3A_129 : memref<10000x16xf32, #tpu.memory_space<vmem_shared>>) dst(%dma_wait3A_125 : memref<80x16xf32, #tpu.memory_space<vmem>>)
      %mul3A_130 = arith.constant 80 : i32
      %mul3A_131 = arith.muli %add3A_119, %mul3A_130 : i32
      %run_scoped3A_132 = arith.constant 0 : i32
      "tpu.region"() ({
        %run_scoped3A_229 = tpu.sem_alloc : memref<!tpu.dma_semaphore, #tpu.memory_space<semaphore_mem>>
        %dma_start3A_230 = arith.constant 0 : i32
        %dma_start3A_231 = arith.constant 0 : i32
        %dma_start3A_232 = tpu.memref_slice %arg7[%run_scoped3A_132, %dma_start3A_230, %dma_start3A_231] : memref<5x80x16xf32, #tpu.memory_space<vmem>> -> memref<1x80x16xf32, #tpu.memory_space<vmem>>
        %dma_start3A_233 = tpu.memref_squeeze %dma_start3A_232 : memref<1x80x16xf32, #tpu.memory_space<vmem>> -> memref<80x16xf32, #tpu.memory_space<vmem>>
        %dma_start3A_234 = tpu.memref_slice %arg6[%mul3A_131] : memref<10000xi32, #tpu.memory_space<vmem>> -> memref<80xi32, #tpu.memory_space<vmem>>
        %dma_start3A_235 = arith.constant 0 : i32
        %dma_start3A_236 = arith.constant 0 : i32
        %dma_start3A_237 = tpu.memref_slice %arg9[%dma_start3A_235, %dma_start3A_236] : memref<10240x16xf32, #tpu.memory_space<vmem_shared>> -> memref<10240x16xf32, #tpu.memory_space<vmem_shared>>
        tpu.enqueue_indirect_dma source(%dma_start3A_233 : memref<80x16xf32, #tpu.memory_space<vmem>>) target(%dma_start3A_237 : memref<10240x16xf32, #tpu.memory_space<vmem_shared>>) offsets(%dma_start3A_234 : memref<80xi32, #tpu.memory_space<vmem>>) semaphore(%run_scoped3A_229 : memref<!tpu.dma_semaphore, #tpu.memory_space<semaphore_mem>>) {add = true}
        %dma_wait3A_238 = arith.constant 0 : i32
        %dma_wait3A_239 = arith.constant 0 : i32
        %dma_wait3A_240 = tpu.memref_slice %arg7[%run_scoped3A_132, %dma_wait3A_238, %dma_wait3A_239] : memref<5x80x16xf32, #tpu.memory_space<vmem>> -> memref<1x80x16xf32, #tpu.memory_space<vmem>>
        %dma_wait3A_241 = tpu.memref_squeeze %dma_wait3A_240 : memref<1x80x16xf32, #tpu.memory_space<vmem>> -> memref<80x16xf32, #tpu.memory_space<vmem>>
        %dma_wait3A_242 = tpu.memref_slice %arg6[%mul3A_131] : memref<10000xi32, #tpu.memory_space<vmem>> -> memref<80xi32, #tpu.memory_space<vmem>>
        %dma_wait3A_243 = arith.constant 0 : i32
        %dma_wait3A_244 = arith.constant 0 : i32
        %dma_wait3A_245 = tpu.memref_slice %arg9[%dma_wait3A_243, %dma_wait3A_244] : memref<10240x16xf32, #tpu.memory_space<vmem_shared>> -> memref<10240x16xf32, #tpu.memory_space<vmem_shared>>
        tpu.wait_indirect_dma semaphore(%run_scoped3A_229 : memref<!tpu.dma_semaphore, #tpu.memory_space<semaphore_mem>>) src(%dma_wait3A_241 : memref<80x16xf32, #tpu.memory_space<vmem>>) dst(%dma_wait3A_245 : memref<10240x16xf32, #tpu.memory_space<vmem_shared>>)
        tpu.yield
      }) : () -> ()
      %add3A_133 = arith.constant 5 : i32
      %add3A_134 = arith.addi %add3A_119, %add3A_133 : i32
      %lt3A = arith.constant 125 : i32
      %lt3A_135 = arith.cmpi slt, %add3A_134, %lt3A : i32
      %convert_element_type3A = arith.extui %lt3A_135 : i1 to i32
      %cond3A = arith.constant 0 : i32
      %cond3A_136 = arith.cmpi ne, %convert_element_type3A, %cond3A : i32
      scf.if %cond3A_136 {
        %add3A_229 = arith.constant 5 : i32
        %add3A_230 = arith.addi %add3A_119, %add3A_229 : i32
        %mul3A_231 = arith.constant 80 : i32
        %mul3A_232 = arith.muli %add3A_230, %mul3A_231 : i32
        %dma_start3A_233 = arith.constant 0 : i32
        %dma_start3A_234 = arith.constant 0 : i32
        %dma_start3A_235 = arith.constant 0 : i32
        %dma_start3A_236 = tpu.memref_slice %arg7[%dma_start3A_233, %dma_start3A_234, %dma_start3A_235] : memref<5x80x16xf32, #tpu.memory_space<vmem>> -> memref<1x80x16xf32, #tpu.memory_space<vmem>>
        %dma_start3A_237 = tpu.memref_squeeze %dma_start3A_236 : memref<1x80x16xf32, #tpu.memory_space<vmem>> -> memref<80x16xf32, #tpu.memory_space<vmem>>
        %dma_start3A_238 = tpu.memref_slice %arg5[%mul3A_232] : memref<10000xi32, #tpu.memory_space<vmem>> -> memref<80xi32, #tpu.memory_space<vmem>>
        %dma_start3A_239 = arith.constant 0 : i32
        %dma_start3A_240 = arith.constant 0 : i32
        %dma_start3A_241 = tpu.memref_slice %arg8[%dma_start3A_239, %dma_start3A_240] : memref<10000x16xf32, #tpu.memory_space<vmem_shared>> -> memref<10000x16xf32, #tpu.memory_space<vmem_shared>>
        tpu.enqueue_indirect_dma source(%dma_start3A_241 : memref<10000x16xf32, #tpu.memory_space<vmem_shared>>) target(%dma_start3A_237 : memref<80x16xf32, #tpu.memory_space<vmem>>) offsets(%dma_start3A_238 : memref<80xi32, #tpu.memory_space<vmem>>) semaphore(%arg10 : memref<!tpu.dma_semaphore, #tpu.memory_space<semaphore_mem>>)
      } else {
      }
      %add3A_137 = arith.constant 1 : i32
      %add3A_138 = arith.addi %mul3A_117, %add3A_137 : i32
      %mul3A_139 = arith.constant 80 : i32
      %mul3A_140 = arith.muli %add3A_138, %mul3A_139 : i32
      %dma_wait3A_141 = arith.constant 1 : i32
      %dma_wait3A_142 = arith.constant 0 : i32
      %dma_wait3A_143 = arith.constant 0 : i32
      %dma_wait3A_144 = tpu.memref_slice %arg7[%dma_wait3A_141, %dma_wait3A_142, %dma_wait3A_143] : memref<5x80x16xf32, #tpu.memory_space<vmem>> -> memref<1x80x16xf32, #tpu.memory_space<vmem>>
      %dma_wait3A_145 = tpu.memref_squeeze %dma_wait3A_144 : memref<1x80x16xf32, #tpu.memory_space<vmem>> -> memref<80x16xf32, #tpu.memory_space<vmem>>
      %dma_wait3A_146 = tpu.memref_slice %arg5[%mul3A_140] : memref<10000xi32, #tpu.memory_space<vmem>> -> memref<80xi32, #tpu.memory_space<vmem>>
      %dma_wait3A_147 = arith.constant 0 : i32
      %dma_wait3A_148 = arith.constant 0 : i32
      %dma_wait3A_149 = tpu.memref_slice %arg8[%dma_wait3A_147, %dma_wait3A_148] : memref<10000x16xf32, #tpu.memory_space<vmem_shared>> -> memref<10000x16xf32, #tpu.memory_space<vmem_shared>>
      tpu.wait_indirect_dma semaphore(%arg11 : memref<!tpu.dma_semaphore, #tpu.memory_space<semaphore_mem>>) src(%dma_wait3A_149 : memref<10000x16xf32, #tpu.memory_space<vmem_shared>>) dst(%dma_wait3A_145 : memref<80x16xf32, #tpu.memory_space<vmem>>)
      %mul3A_150 = arith.constant 80 : i32
      %mul3A_151 = arith.muli %add3A_138, %mul3A_150 : i32
      %run_scoped3A_152 = arith.constant 1 : i32
      "tpu.region"() ({
        %run_scoped3A_229 = tpu.sem_alloc : memref<!tpu.dma_semaphore, #tpu.memory_space<semaphore_mem>>
        %dma_start3A_230 = arith.constant 0 : i32
        %dma_start3A_231 = arith.constant 0 : i32
        %dma_start3A_232 = tpu.memref_slice %arg7[%run_scoped3A_152, %dma_start3A_230, %dma_start3A_231] : memref<5x80x16xf32, #tpu.memory_space<vmem>> -> memref<1x80x16xf32, #tpu.memory_space<vmem>>
        %dma_start3A_233 = tpu.memref_squeeze %dma_start3A_232 : memref<1x80x16xf32, #tpu.memory_space<vmem>> -> memref<80x16xf32, #tpu.memory_space<vmem>>
        %dma_start3A_234 = tpu.memref_slice %arg6[%mul3A_151] : memref<10000xi32, #tpu.memory_space<vmem>> -> memref<80xi32, #tpu.memory_space<vmem>>
        %dma_start3A_235 = arith.constant 0 : i32
        %dma_start3A_236 = arith.constant 0 : i32
        %dma_start3A_237 = tpu.memref_slice %arg9[%dma_start3A_235, %dma_start3A_236] : memref<10240x16xf32, #tpu.memory_space<vmem_shared>> -> memref<10240x16xf32, #tpu.memory_space<vmem_shared>>
        tpu.enqueue_indirect_dma source(%dma_start3A_233 : memref<80x16xf32, #tpu.memory_space<vmem>>) target(%dma_start3A_237 : memref<10240x16xf32, #tpu.memory_space<vmem_shared>>) offsets(%dma_start3A_234 : memref<80xi32, #tpu.memory_space<vmem>>) semaphore(%run_scoped3A_229 : memref<!tpu.dma_semaphore, #tpu.memory_space<semaphore_mem>>) {add = true}
        %dma_wait3A_238 = arith.constant 0 : i32
        %dma_wait3A_239 = arith.constant 0 : i32
        %dma_wait3A_240 = tpu.memref_slice %arg7[%run_scoped3A_152, %dma_wait3A_238, %dma_wait3A_239] : memref<5x80x16xf32, #tpu.memory_space<vmem>> -> memref<1x80x16xf32, #tpu.memory_space<vmem>>
        %dma_wait3A_241 = tpu.memref_squeeze %dma_wait3A_240 : memref<1x80x16xf32, #tpu.memory_space<vmem>> -> memref<80x16xf32, #tpu.memory_space<vmem>>
        %dma_wait3A_242 = tpu.memref_slice %arg6[%mul3A_151] : memref<10000xi32, #tpu.memory_space<vmem>> -> memref<80xi32, #tpu.memory_space<vmem>>
        %dma_wait3A_243 = arith.constant 0 : i32
        %dma_wait3A_244 = arith.constant 0 : i32
        %dma_wait3A_245 = tpu.memref_slice %arg9[%dma_wait3A_243, %dma_wait3A_244] : memref<10240x16xf32, #tpu.memory_space<vmem_shared>> -> memref<10240x16xf32, #tpu.memory_space<vmem_shared>>
        tpu.wait_indirect_dma semaphore(%run_scoped3A_229 : memref<!tpu.dma_semaphore, #tpu.memory_space<semaphore_mem>>) src(%dma_wait3A_241 : memref<80x16xf32, #tpu.memory_space<vmem>>) dst(%dma_wait3A_245 : memref<10240x16xf32, #tpu.memory_space<vmem_shared>>)
        tpu.yield
      }) : () -> ()
      %add3A_153 = arith.constant 5 : i32
      %add3A_154 = arith.addi %add3A_138, %add3A_153 : i32
      %lt3A_155 = arith.constant 125 : i32
      %lt3A_156 = arith.cmpi slt, %add3A_154, %lt3A_155 : i32
      %convert_element_type3A_157 = arith.extui %lt3A_156 : i1 to i32
      %cond3A_158 = arith.constant 0 : i32
      %cond3A_159 = arith.cmpi ne, %convert_element_type3A_157, %cond3A_158 : i32
      scf.if %cond3A_159 {
        %add3A_229 = arith.constant 5 : i32
        %add3A_230 = arith.addi %add3A_138, %add3A_229 : i32
        %mul3A_231 = arith.constant 80 : i32
        %mul3A_232 = arith.muli %add3A_230, %mul3A_231 : i32
        %dma_start3A_233 = arith.constant 1 : i32
        %dma_start3A_234 = arith.constant 0 : i32
        %dma_start3A_235 = arith.constant 0 : i32
        %dma_start3A_236 = tpu.memref_slice %arg7[%dma_start3A_233, %dma_start3A_234, %dma_start3A_235] : memref<5x80x16xf32, #tpu.memory_space<vmem>> -> memref<1x80x16xf32, #tpu.memory_space<vmem>>
        %dma_start3A_237 = tpu.memref_squeeze %dma_start3A_236 : memref<1x80x16xf32, #tpu.memory_space<vmem>> -> memref<80x16xf32, #tpu.memory_space<vmem>>
        %dma_start3A_238 = tpu.memref_slice %arg5[%mul3A_232] : memref<10000xi32, #tpu.memory_space<vmem>> -> memref<80xi32, #tpu.memory_space<vmem>>
        %dma_start3A_239 = arith.constant 0 : i32
        %dma_start3A_240 = arith.constant 0 : i32
        %dma_start3A_241 = tpu.memref_slice %arg8[%dma_start3A_239, %dma_start3A_240] : memref<10000x16xf32, #tpu.memory_space<vmem_shared>> -> memref<10000x16xf32, #tpu.memory_space<vmem_shared>>
        tpu.enqueue_indirect_dma source(%dma_start3A_241 : memref<10000x16xf32, #tpu.memory_space<vmem_shared>>) target(%dma_start3A_237 : memref<80x16xf32, #tpu.memory_space<vmem>>) offsets(%dma_start3A_238 : memref<80xi32, #tpu.memory_space<vmem>>) semaphore(%arg11 : memref<!tpu.dma_semaphore, #tpu.memory_space<semaphore_mem>>)
      } else {
      }
      %add3A_160 = arith.constant 2 : i32
      %add3A_161 = arith.addi %mul3A_117, %add3A_160 : i32
      %mul3A_162 = arith.constant 80 : i32
      %mul3A_163 = arith.muli %add3A_161, %mul3A_162 : i32
      %dma_wait3A_164 = arith.constant 2 : i32
      %dma_wait3A_165 = arith.constant 0 : i32
      %dma_wait3A_166 = arith.constant 0 : i32
      %dma_wait3A_167 = tpu.memref_slice %arg7[%dma_wait3A_164, %dma_wait3A_165, %dma_wait3A_166] : memref<5x80x16xf32, #tpu.memory_space<vmem>> -> memref<1x80x16xf32, #tpu.memory_space<vmem>>
      %dma_wait3A_168 = tpu.memref_squeeze %dma_wait3A_167 : memref<1x80x16xf32, #tpu.memory_space<vmem>> -> memref<80x16xf32, #tpu.memory_space<vmem>>
      %dma_wait3A_169 = tpu.memref_slice %arg5[%mul3A_163] : memref<10000xi32, #tpu.memory_space<vmem>> -> memref<80xi32, #tpu.memory_space<vmem>>
      %dma_wait3A_170 = arith.constant 0 : i32
      %dma_wait3A_171 = arith.constant 0 : i32
      %dma_wait3A_172 = tpu.memref_slice %arg8[%dma_wait3A_170, %dma_wait3A_171] : memref<10000x16xf32, #tpu.memory_space<vmem_shared>> -> memref<10000x16xf32, #tpu.memory_space<vmem_shared>>
      tpu.wait_indirect_dma semaphore(%arg12 : memref<!tpu.dma_semaphore, #tpu.memory_space<semaphore_mem>>) src(%dma_wait3A_172 : memref<10000x16xf32, #tpu.memory_space<vmem_shared>>) dst(%dma_wait3A_168 : memref<80x16xf32, #tpu.memory_space<vmem>>)
      %mul3A_173 = arith.constant 80 : i32
      %mul3A_174 = arith.muli %add3A_161, %mul3A_173 : i32
      %run_scoped3A_175 = arith.constant 2 : i32
      "tpu.region"() ({
        %run_scoped3A_229 = tpu.sem_alloc : memref<!tpu.dma_semaphore, #tpu.memory_space<semaphore_mem>>
        %dma_start3A_230 = arith.constant 0 : i32
        %dma_start3A_231 = arith.constant 0 : i32
        %dma_start3A_232 = tpu.memref_slice %arg7[%run_scoped3A_175, %dma_start3A_230, %dma_start3A_231] : memref<5x80x16xf32, #tpu.memory_space<vmem>> -> memref<1x80x16xf32, #tpu.memory_space<vmem>>
        %dma_start3A_233 = tpu.memref_squeeze %dma_start3A_232 : memref<1x80x16xf32, #tpu.memory_space<vmem>> -> memref<80x16xf32, #tpu.memory_space<vmem>>
        %dma_start3A_234 = tpu.memref_slice %arg6[%mul3A_174] : memref<10000xi32, #tpu.memory_space<vmem>> -> memref<80xi32, #tpu.memory_space<vmem>>
        %dma_start3A_235 = arith.constant 0 : i32
        %dma_start3A_236 = arith.constant 0 : i32
        %dma_start3A_237 = tpu.memref_slice %arg9[%dma_start3A_235, %dma_start3A_236] : memref<10240x16xf32, #tpu.memory_space<vmem_shared>> -> memref<10240x16xf32, #tpu.memory_space<vmem_shared>>
        tpu.enqueue_indirect_dma source(%dma_start3A_233 : memref<80x16xf32, #tpu.memory_space<vmem>>) target(%dma_start3A_237 : memref<10240x16xf32, #tpu.memory_space<vmem_shared>>) offsets(%dma_start3A_234 : memref<80xi32, #tpu.memory_space<vmem>>) semaphore(%run_scoped3A_229 : memref<!tpu.dma_semaphore, #tpu.memory_space<semaphore_mem>>) {add = true}
        %dma_wait3A_238 = arith.constant 0 : i32
        %dma_wait3A_239 = arith.constant 0 : i32
        %dma_wait3A_240 = tpu.memref_slice %arg7[%run_scoped3A_175, %dma_wait3A_238, %dma_wait3A_239] : memref<5x80x16xf32, #tpu.memory_space<vmem>> -> memref<1x80x16xf32, #tpu.memory_space<vmem>>
        %dma_wait3A_241 = tpu.memref_squeeze %dma_wait3A_240 : memref<1x80x16xf32, #tpu.memory_space<vmem>> -> memref<80x16xf32, #tpu.memory_space<vmem>>
        %dma_wait3A_242 = tpu.memref_slice %arg6[%mul3A_174] : memref<10000xi32, #tpu.memory_space<vmem>> -> memref<80xi32, #tpu.memory_space<vmem>>
        %dma_wait3A_243 = arith.constant 0 : i32
        %dma_wait3A_244 = arith.constant 0 : i32
        %dma_wait3A_245 = tpu.memref_slice %arg9[%dma_wait3A_243, %dma_wait3A_244] : memref<10240x16xf32, #tpu.memory_space<vmem_shared>> -> memref<10240x16xf32, #tpu.memory_space<vmem_shared>>
        tpu.wait_indirect_dma semaphore(%run_scoped3A_229 : memref<!tpu.dma_semaphore, #tpu.memory_space<semaphore_mem>>) src(%dma_wait3A_241 : memref<80x16xf32, #tpu.memory_space<vmem>>) dst(%dma_wait3A_245 : memref<10240x16xf32, #tpu.memory_space<vmem_shared>>)
        tpu.yield
      }) : () -> ()
      %add3A_176 = arith.constant 5 : i32
      %add3A_177 = arith.addi %add3A_161, %add3A_176 : i32
      %lt3A_178 = arith.constant 125 : i32
      %lt3A_179 = arith.cmpi slt, %add3A_177, %lt3A_178 : i32
      %convert_element_type3A_180 = arith.extui %lt3A_179 : i1 to i32
      %cond3A_181 = arith.constant 0 : i32
      %cond3A_182 = arith.cmpi ne, %convert_element_type3A_180, %cond3A_181 : i32
      scf.if %cond3A_182 {
        %add3A_229 = arith.constant 5 : i32
        %add3A_230 = arith.addi %add3A_161, %add3A_229 : i32
        %mul3A_231 = arith.constant 80 : i32
        %mul3A_232 = arith.muli %add3A_230, %mul3A_231 : i32
        %dma_start3A_233 = arith.constant 2 : i32
        %dma_start3A_234 = arith.constant 0 : i32
        %dma_start3A_235 = arith.constant 0 : i32
        %dma_start3A_236 = tpu.memref_slice %arg7[%dma_start3A_233, %dma_start3A_234, %dma_start3A_235] : memref<5x80x16xf32, #tpu.memory_space<vmem>> -> memref<1x80x16xf32, #tpu.memory_space<vmem>>
        %dma_start3A_237 = tpu.memref_squeeze %dma_start3A_236 : memref<1x80x16xf32, #tpu.memory_space<vmem>> -> memref<80x16xf32, #tpu.memory_space<vmem>>
        %dma_start3A_238 = tpu.memref_slice %arg5[%mul3A_232] : memref<10000xi32, #tpu.memory_space<vmem>> -> memref<80xi32, #tpu.memory_space<vmem>>
        %dma_start3A_239 = arith.constant 0 : i32
        %dma_start3A_240 = arith.constant 0 : i32
        %dma_start3A_241 = tpu.memref_slice %arg8[%dma_start3A_239, %dma_start3A_240] : memref<10000x16xf32, #tpu.memory_space<vmem_shared>> -> memref<10000x16xf32, #tpu.memory_space<vmem_shared>>
        tpu.enqueue_indirect_dma source(%dma_start3A_241 : memref<10000x16xf32, #tpu.memory_space<vmem_shared>>) target(%dma_start3A_237 : memref<80x16xf32, #tpu.memory_space<vmem>>) offsets(%dma_start3A_238 : memref<80xi32, #tpu.memory_space<vmem>>) semaphore(%arg12 : memref<!tpu.dma_semaphore, #tpu.memory_space<semaphore_mem>>)
      } else {
      }
      %add3A_183 = arith.constant 3 : i32
      %add3A_184 = arith.addi %mul3A_117, %add3A_183 : i32
      %mul3A_185 = arith.constant 80 : i32
      %mul3A_186 = arith.muli %add3A_184, %mul3A_185 : i32
      %dma_wait3A_187 = arith.constant 3 : i32
      %dma_wait3A_188 = arith.constant 0 : i32
      %dma_wait3A_189 = arith.constant 0 : i32
      %dma_wait3A_190 = tpu.memref_slice %arg7[%dma_wait3A_187, %dma_wait3A_188, %dma_wait3A_189] : memref<5x80x16xf32, #tpu.memory_space<vmem>> -> memref<1x80x16xf32, #tpu.memory_space<vmem>>
      %dma_wait3A_191 = tpu.memref_squeeze %dma_wait3A_190 : memref<1x80x16xf32, #tpu.memory_space<vmem>> -> memref<80x16xf32, #tpu.memory_space<vmem>>
      %dma_wait3A_192 = tpu.memref_slice %arg5[%mul3A_186] : memref<10000xi32, #tpu.memory_space<vmem>> -> memref<80xi32, #tpu.memory_space<vmem>>
      %dma_wait3A_193 = arith.constant 0 : i32
      %dma_wait3A_194 = arith.constant 0 : i32
      %dma_wait3A_195 = tpu.memref_slice %arg8[%dma_wait3A_193, %dma_wait3A_194] : memref<10000x16xf32, #tpu.memory_space<vmem_shared>> -> memref<10000x16xf32, #tpu.memory_space<vmem_shared>>
      tpu.wait_indirect_dma semaphore(%arg13 : memref<!tpu.dma_semaphore, #tpu.memory_space<semaphore_mem>>) src(%dma_wait3A_195 : memref<10000x16xf32, #tpu.memory_space<vmem_shared>>) dst(%dma_wait3A_191 : memref<80x16xf32, #tpu.memory_space<vmem>>)
      %mul3A_196 = arith.constant 80 : i32
      %mul3A_197 = arith.muli %add3A_184, %mul3A_196 : i32
      %run_scoped3A_198 = arith.constant 3 : i32
      "tpu.region"() ({
        %run_scoped3A_229 = tpu.sem_alloc : memref<!tpu.dma_semaphore, #tpu.memory_space<semaphore_mem>>
        %dma_start3A_230 = arith.constant 0 : i32
        %dma_start3A_231 = arith.constant 0 : i32
        %dma_start3A_232 = tpu.memref_slice %arg7[%run_scoped3A_198, %dma_start3A_230, %dma_start3A_231] : memref<5x80x16xf32, #tpu.memory_space<vmem>> -> memref<1x80x16xf32, #tpu.memory_space<vmem>>
        %dma_start3A_233 = tpu.memref_squeeze %dma_start3A_232 : memref<1x80x16xf32, #tpu.memory_space<vmem>> -> memref<80x16xf32, #tpu.memory_space<vmem>>
        %dma_start3A_234 = tpu.memref_slice %arg6[%mul3A_197] : memref<10000xi32, #tpu.memory_space<vmem>> -> memref<80xi32, #tpu.memory_space<vmem>>
        %dma_start3A_235 = arith.constant 0 : i32
        %dma_start3A_236 = arith.constant 0 : i32
        %dma_start3A_237 = tpu.memref_slice %arg9[%dma_start3A_235, %dma_start3A_236] : memref<10240x16xf32, #tpu.memory_space<vmem_shared>> -> memref<10240x16xf32, #tpu.memory_space<vmem_shared>>
        tpu.enqueue_indirect_dma source(%dma_start3A_233 : memref<80x16xf32, #tpu.memory_space<vmem>>) target(%dma_start3A_237 : memref<10240x16xf32, #tpu.memory_space<vmem_shared>>) offsets(%dma_start3A_234 : memref<80xi32, #tpu.memory_space<vmem>>) semaphore(%run_scoped3A_229 : memref<!tpu.dma_semaphore, #tpu.memory_space<semaphore_mem>>) {add = true}
        %dma_wait3A_238 = arith.constant 0 : i32
        %dma_wait3A_239 = arith.constant 0 : i32
        %dma_wait3A_240 = tpu.memref_slice %arg7[%run_scoped3A_198, %dma_wait3A_238, %dma_wait3A_239] : memref<5x80x16xf32, #tpu.memory_space<vmem>> -> memref<1x80x16xf32, #tpu.memory_space<vmem>>
        %dma_wait3A_241 = tpu.memref_squeeze %dma_wait3A_240 : memref<1x80x16xf32, #tpu.memory_space<vmem>> -> memref<80x16xf32, #tpu.memory_space<vmem>>
        %dma_wait3A_242 = tpu.memref_slice %arg6[%mul3A_197] : memref<10000xi32, #tpu.memory_space<vmem>> -> memref<80xi32, #tpu.memory_space<vmem>>
        %dma_wait3A_243 = arith.constant 0 : i32
        %dma_wait3A_244 = arith.constant 0 : i32
        %dma_wait3A_245 = tpu.memref_slice %arg9[%dma_wait3A_243, %dma_wait3A_244] : memref<10240x16xf32, #tpu.memory_space<vmem_shared>> -> memref<10240x16xf32, #tpu.memory_space<vmem_shared>>
        tpu.wait_indirect_dma semaphore(%run_scoped3A_229 : memref<!tpu.dma_semaphore, #tpu.memory_space<semaphore_mem>>) src(%dma_wait3A_241 : memref<80x16xf32, #tpu.memory_space<vmem>>) dst(%dma_wait3A_245 : memref<10240x16xf32, #tpu.memory_space<vmem_shared>>)
        tpu.yield
      }) : () -> ()
      %add3A_199 = arith.constant 5 : i32
      %add3A_200 = arith.addi %add3A_184, %add3A_199 : i32
      %lt3A_201 = arith.constant 125 : i32
      %lt3A_202 = arith.cmpi slt, %add3A_200, %lt3A_201 : i32
      %convert_element_type3A_203 = arith.extui %lt3A_202 : i1 to i32
      %cond3A_204 = arith.constant 0 : i32
      %cond3A_205 = arith.cmpi ne, %convert_element_type3A_203, %cond3A_204 : i32
      scf.if %cond3A_205 {
        %add3A_229 = arith.constant 5 : i32
        %add3A_230 = arith.addi %add3A_184, %add3A_229 : i32
        %mul3A_231 = arith.constant 80 : i32
        %mul3A_232 = arith.muli %add3A_230, %mul3A_231 : i32
        %dma_start3A_233 = arith.constant 3 : i32
        %dma_start3A_234 = arith.constant 0 : i32
        %dma_start3A_235 = arith.constant 0 : i32
        %dma_start3A_236 = tpu.memref_slice %arg7[%dma_start3A_233, %dma_start3A_234, %dma_start3A_235] : memref<5x80x16xf32, #tpu.memory_space<vmem>> -> memref<1x80x16xf32, #tpu.memory_space<vmem>>
        %dma_start3A_237 = tpu.memref_squeeze %dma_start3A_236 : memref<1x80x16xf32, #tpu.memory_space<vmem>> -> memref<80x16xf32, #tpu.memory_space<vmem>>
        %dma_start3A_238 = tpu.memref_slice %arg5[%mul3A_232] : memref<10000xi32, #tpu.memory_space<vmem>> -> memref<80xi32, #tpu.memory_space<vmem>>
        %dma_start3A_239 = arith.constant 0 : i32
        %dma_start3A_240 = arith.constant 0 : i32
        %dma_start3A_241 = tpu.memref_slice %arg8[%dma_start3A_239, %dma_start3A_240] : memref<10000x16xf32, #tpu.memory_space<vmem_shared>> -> memref<10000x16xf32, #tpu.memory_space<vmem_shared>>
        tpu.enqueue_indirect_dma source(%dma_start3A_241 : memref<10000x16xf32, #tpu.memory_space<vmem_shared>>) target(%dma_start3A_237 : memref<80x16xf32, #tpu.memory_space<vmem>>) offsets(%dma_start3A_238 : memref<80xi32, #tpu.memory_space<vmem>>) semaphore(%arg13 : memref<!tpu.dma_semaphore, #tpu.memory_space<semaphore_mem>>)
      } else {
      }
      %add3A_206 = arith.constant 4 : i32
      %add3A_207 = arith.addi %mul3A_117, %add3A_206 : i32
      %mul3A_208 = arith.constant 80 : i32
      %mul3A_209 = arith.muli %add3A_207, %mul3A_208 : i32
      %dma_wait3A_210 = arith.constant 4 : i32
      %dma_wait3A_211 = arith.constant 0 : i32
      %dma_wait3A_212 = arith.constant 0 : i32
      %dma_wait3A_213 = tpu.memref_slice %arg7[%dma_wait3A_210, %dma_wait3A_211, %dma_wait3A_212] : memref<5x80x16xf32, #tpu.memory_space<vmem>> -> memref<1x80x16xf32, #tpu.memory_space<vmem>>
      %dma_wait3A_214 = tpu.memref_squeeze %dma_wait3A_213 : memref<1x80x16xf32, #tpu.memory_space<vmem>> -> memref<80x16xf32, #tpu.memory_space<vmem>>
      %dma_wait3A_215 = tpu.memref_slice %arg5[%mul3A_209] : memref<10000xi32, #tpu.memory_space<vmem>> -> memref<80xi32, #tpu.memory_space<vmem>>
      %dma_wait3A_216 = arith.constant 0 : i32
      %dma_wait3A_217 = arith.constant 0 : i32
      %dma_wait3A_218 = tpu.memref_slice %arg8[%dma_wait3A_216, %dma_wait3A_217] : memref<10000x16xf32, #tpu.memory_space<vmem_shared>> -> memref<10000x16xf32, #tpu.memory_space<vmem_shared>>
      tpu.wait_indirect_dma semaphore(%arg14 : memref<!tpu.dma_semaphore, #tpu.memory_space<semaphore_mem>>) src(%dma_wait3A_218 : memref<10000x16xf32, #tpu.memory_space<vmem_shared>>) dst(%dma_wait3A_214 : memref<80x16xf32, #tpu.memory_space<vmem>>)
      %mul3A_219 = arith.constant 80 : i32
      %mul3A_220 = arith.muli %add3A_207, %mul3A_219 : i32
      %run_scoped3A_221 = arith.constant 4 : i32
      "tpu.region"() ({
        %run_scoped3A_229 = tpu.sem_alloc : memref<!tpu.dma_semaphore, #tpu.memory_space<semaphore_mem>>
        %dma_start3A_230 = arith.constant 0 : i32
        %dma_start3A_231 = arith.constant 0 : i32
        %dma_start3A_232 = tpu.memref_slice %arg7[%run_scoped3A_221, %dma_start3A_230, %dma_start3A_231] : memref<5x80x16xf32, #tpu.memory_space<vmem>> -> memref<1x80x16xf32, #tpu.memory_space<vmem>>
        %dma_start3A_233 = tpu.memref_squeeze %dma_start3A_232 : memref<1x80x16xf32, #tpu.memory_space<vmem>> -> memref<80x16xf32, #tpu.memory_space<vmem>>
        %dma_start3A_234 = tpu.memref_slice %arg6[%mul3A_220] : memref<10000xi32, #tpu.memory_space<vmem>> -> memref<80xi32, #tpu.memory_space<vmem>>
        %dma_start3A_235 = arith.constant 0 : i32
        %dma_start3A_236 = arith.constant 0 : i32
        %dma_start3A_237 = tpu.memref_slice %arg9[%dma_start3A_235, %dma_start3A_236] : memref<10240x16xf32, #tpu.memory_space<vmem_shared>> -> memref<10240x16xf32, #tpu.memory_space<vmem_shared>>
        tpu.enqueue_indirect_dma source(%dma_start3A_233 : memref<80x16xf32, #tpu.memory_space<vmem>>) target(%dma_start3A_237 : memref<10240x16xf32, #tpu.memory_space<vmem_shared>>) offsets(%dma_start3A_234 : memref<80xi32, #tpu.memory_space<vmem>>) semaphore(%run_scoped3A_229 : memref<!tpu.dma_semaphore, #tpu.memory_space<semaphore_mem>>) {add = true}
        %dma_wait3A_238 = arith.constant 0 : i32
        %dma_wait3A_239 = arith.constant 0 : i32
        %dma_wait3A_240 = tpu.memref_slice %arg7[%run_scoped3A_221, %dma_wait3A_238, %dma_wait3A_239] : memref<5x80x16xf32, #tpu.memory_space<vmem>> -> memref<1x80x16xf32, #tpu.memory_space<vmem>>
        %dma_wait3A_241 = tpu.memref_squeeze %dma_wait3A_240 : memref<1x80x16xf32, #tpu.memory_space<vmem>> -> memref<80x16xf32, #tpu.memory_space<vmem>>
        %dma_wait3A_242 = tpu.memref_slice %arg6[%mul3A_220] : memref<10000xi32, #tpu.memory_space<vmem>> -> memref<80xi32, #tpu.memory_space<vmem>>
        %dma_wait3A_243 = arith.constant 0 : i32
        %dma_wait3A_244 = arith.constant 0 : i32
        %dma_wait3A_245 = tpu.memref_slice %arg9[%dma_wait3A_243, %dma_wait3A_244] : memref<10240x16xf32, #tpu.memory_space<vmem_shared>> -> memref<10240x16xf32, #tpu.memory_space<vmem_shared>>
        tpu.wait_indirect_dma semaphore(%run_scoped3A_229 : memref<!tpu.dma_semaphore, #tpu.memory_space<semaphore_mem>>) src(%dma_wait3A_241 : memref<80x16xf32, #tpu.memory_space<vmem>>) dst(%dma_wait3A_245 : memref<10240x16xf32, #tpu.memory_space<vmem_shared>>)
        tpu.yield
      }) : () -> ()
      %add3A_222 = arith.constant 5 : i32
      %add3A_223 = arith.addi %add3A_207, %add3A_222 : i32
      %lt3A_224 = arith.constant 125 : i32
      %lt3A_225 = arith.cmpi slt, %add3A_223, %lt3A_224 : i32
      %convert_element_type3A_226 = arith.extui %lt3A_225 : i1 to i32
      %cond3A_227 = arith.constant 0 : i32
      %cond3A_228 = arith.cmpi ne, %convert_element_type3A_226, %cond3A_227 : i32
      scf.if %cond3A_228 {
        %add3A_229 = arith.constant 5 : i32
        %add3A_230 = arith.addi %add3A_207, %add3A_229 : i32
        %mul3A_231 = arith.constant 80 : i32
        %mul3A_232 = arith.muli %add3A_230, %mul3A_231 : i32
        %dma_start3A_233 = arith.constant 4 : i32
        %dma_start3A_234 = arith.constant 0 : i32
        %dma_start3A_235 = arith.constant 0 : i32
        %dma_start3A_236 = tpu.memref_slice %arg7[%dma_start3A_233, %dma_start3A_234, %dma_start3A_235] : memref<5x80x16xf32, #tpu.memory_space<vmem>> -> memref<1x80x16xf32, #tpu.memory_space<vmem>>
        %dma_start3A_237 = tpu.memref_squeeze %dma_start3A_236 : memref<1x80x16xf32, #tpu.memory_space<vmem>> -> memref<80x16xf32, #tpu.memory_space<vmem>>
        %dma_start3A_238 = tpu.memref_slice %arg5[%mul3A_232] : memref<10000xi32, #tpu.memory_space<vmem>> -> memref<80xi32, #tpu.memory_space<vmem>>
        %dma_start3A_239 = arith.constant 0 : i32
        %dma_start3A_240 = arith.constant 0 : i32
        %dma_start3A_241 = tpu.memref_slice %arg8[%dma_start3A_239, %dma_start3A_240] : memref<10000x16xf32, #tpu.memory_space<vmem_shared>> -> memref<10000x16xf32, #tpu.memory_space<vmem_shared>>
        tpu.enqueue_indirect_dma source(%dma_start3A_241 : memref<10000x16xf32, #tpu.memory_space<vmem_shared>>) target(%dma_start3A_237 : memref<80x16xf32, #tpu.memory_space<vmem>>) offsets(%dma_start3A_238 : memref<80xi32, #tpu.memory_space<vmem>>) semaphore(%arg14 : memref<!tpu.dma_semaphore, #tpu.memory_space<semaphore_mem>>)
      } else {
      }
    }
    %scan3A_109 = arith.constant 25 : i32
    %barrier3A_110 = arith.constant 0 : index
    tpu.barrier barrier_id(%barrier3A_110)
    %mul3A_111 = arith.constant 640 : i32
    %mul3A_112 = arith.muli %arg1, %mul3A_111 : i32
    %mul3A_113 = arith.constant 640 : i32
    %mul3A_114 = arith.muli %arg1, %mul3A_113 : i32
    "tpu.region"() ({
      %run_scoped3A_115 = tpu.sem_alloc : memref<!tpu.dma_semaphore, #tpu.memory_space<semaphore_mem>>
      %dma_start3A_116 = arith.constant 0 : i32
      %dma_start3A_117 = tpu.memref_slice %arg4[%arg0, %mul3A_114, %dma_start3A_116] : memref<2x10240x16xf32, #tpu.memory_space<hbm>> -> memref<1x640x16xf32, #tpu.memory_space<hbm>>
      %dma_start3A_118 = tpu.memref_squeeze %dma_start3A_117 : memref<1x640x16xf32, #tpu.memory_space<hbm>> -> memref<640x16xf32, #tpu.memory_space<hbm>>
      %dma_start3A_119 = arith.constant 0 : i32
      %dma_start3A_120 = tpu.memref_slice %arg9[%mul3A_112, %dma_start3A_119] : memref<10240x16xf32, #tpu.memory_space<vmem_shared>> -> memref<640x16xf32, #tpu.memory_space<vmem_shared>>
      tpu.enqueue_dma source(%dma_start3A_120 : memref<640x16xf32, #tpu.memory_space<vmem_shared>>) target(%dma_start3A_118 : memref<640x16xf32, #tpu.memory_space<hbm>>) target_semaphore(%run_scoped3A_115 : memref<!tpu.dma_semaphore, #tpu.memory_space<semaphore_mem>>)
      %dma_wait3A = arith.constant 0 : i32
      %dma_wait3A_121 = tpu.memref_slice %arg4[%arg0, %mul3A_114, %dma_wait3A] : memref<2x10240x16xf32, #tpu.memory_space<hbm>> -> memref<1x640x16xf32, #tpu.memory_space<hbm>>
      %dma_wait3A_122 = tpu.memref_squeeze %dma_wait3A_121 : memref<1x640x16xf32, #tpu.memory_space<hbm>> -> memref<640x16xf32, #tpu.memory_space<hbm>>
      %dma_wait3A_123 = arith.constant 0 : i32
      %dma_wait3A_124 = tpu.memref_slice %arg9[%mul3A_112, %dma_wait3A_123] : memref<10240x16xf32, #tpu.memory_space<vmem_shared>> -> memref<640x16xf32, #tpu.memory_space<vmem_shared>>
      tpu.wait_dma2 semaphore(%run_scoped3A_115 : memref<!tpu.dma_semaphore, #tpu.memory_space<semaphore_mem>>) src(%dma_wait3A_124 : memref<640x16xf32, #tpu.memory_space<vmem_shared>>) dst(%dma_wait3A_122 : memref<640x16xf32, #tpu.memory_space<hbm>>)
      tpu.yield
    }) : () -> ()
    return
  }
}

module attributes {stable_mosaic.version = 14 : i64} {
  func.func @_combine_body(%arg0: i32, %arg1: memref<1x2000x128xf32, #tpu.memory_space<vmem>>, %arg2: memref<1x2000x128xf32, #tpu.memory_space<vmem>>, %arg3: memref<2000x128xf32, #tpu.memory_space<vmem>>, %arg4: memref<128xf32, #tpu.memory_space<vmem>>, %arg5: memref<128x128xf32, #tpu.memory_space<vmem>>, %arg6: memref<1x2000x16xf32, #tpu.memory_space<vmem>>, %arg7: memref<1x2000x16xf32, #tpu.memory_space<vmem>>, %arg8: memref<2000x128xf32, #tpu.memory_space<vmem>>) attributes {dimension_semantics = [#tpu.dimension_semantics<arbitrary>], iteration_bounds = array<i64: 5>, scalar_prefetch = 0 : i64, scratch_operands = 0 : i64, tpu.core_type = #tpu.core_type<tc>, window_params = [{transform_indices = @transform_0, window_bounds = array<i64: 1, 2000, 128>}, {transform_indices = @transform_1, window_bounds = array<i64: 1, 2000, 128>}, {transform_indices = @transform_2, window_bounds = array<i64: 2000, 128>}, {pipeline_mode = #tpu.pipeline_mode<synchronous>, transform_indices = @transform_3, window_bounds = array<i64: 128>}, {pipeline_mode = #tpu.pipeline_mode<synchronous>, transform_indices = @transform_4, window_bounds = array<i64: 128, 128>}, {transform_indices = @transform_5, window_bounds = array<i64: 1, 2000, 16>}, {transform_indices = @transform_6, window_bounds = array<i64: 1, 2000, 16>}, {transform_indices = @transform_7, window_bounds = array<i64: 2000, 128>}]} {
    %get3A = arith.constant 0 : index
    %get3A_0 = arith.constant 0 : index
    %get3A_1 = arith.constant 0 : index
    %get3A_2 = vector.load %arg6[%get3A, %get3A_0, %get3A_1] : memref<1x2000x16xf32, #tpu.memory_space<vmem>>, vector<1x2000x16xf32>
    %get3A_3 = arith.constant 0 : index
    %get3A_4 = arith.constant 0 : index
    %get3A_5 = arith.constant 0 : index
    %get3A_6 = vector.load %arg7[%get3A_3, %get3A_4, %get3A_5] : memref<1x2000x16xf32, #tpu.memory_space<vmem>>, vector<1x2000x16xf32>
    %slice3A = vector.extract_strided_slice %get3A_2 {offsets = [0, 0, 0], sizes = [1, 2000, 1], strides = [1, 1, 1]} : vector<1x2000x16xf32> to vector<1x2000x1xf32>
    %squeeze3A = vector.shape_cast %slice3A : vector<1x2000x1xf32> to vector<2000xf32>
    %slice3A_7 = vector.extract_strided_slice %get3A_6 {offsets = [0, 0, 0], sizes = [1, 2000, 1], strides = [1, 1, 1]} : vector<1x2000x16xf32> to vector<1x2000x1xf32>
    %squeeze3A_8 = vector.shape_cast %slice3A_7 : vector<1x2000x1xf32> to vector<2000xf32>
    %add3A = arith.addf %squeeze3A, %squeeze3A_8 : vector<2000xf32>
    %add3A_9 = arith.constant 1.000000e+00 : f32
    %add3A_10 = vector.broadcast %add3A_9 : f32 to vector<2000xf32>
    %add3A_11 = arith.addf %add3A, %add3A_10 : vector<2000xf32>
    %max3A = arith.constant 9.99999996E-13 : f32
    %max3A_12 = vector.broadcast %max3A : f32 to vector<2000xf32>
    %max3A_13 = arith.maximumf %add3A_11, %max3A_12 : vector<2000xf32>
    %rsqrt3A = math.rsqrt %max3A_13 : vector<2000xf32>
    %broadcast_in_dim3A = vector.shape_cast %rsqrt3A : vector<2000xf32> to vector<2000x1xf32>
    %get3A_14 = arith.constant 0 : index
    %get3A_15 = arith.constant 0 : index
    %get3A_16 = arith.constant 0 : index
    %get3A_17 = vector.load %arg1[%get3A_14, %get3A_15, %get3A_16] : memref<1x2000x128xf32, #tpu.memory_space<vmem>>, vector<1x2000x128xf32>
    %get3A_18 = vector.shape_cast %get3A_17 : vector<1x2000x128xf32> to vector<2000x128xf32>
    %get3A_19 = arith.constant 0 : index
    %get3A_20 = arith.constant 0 : index
    %get3A_21 = arith.constant 0 : index
    %get3A_22 = vector.load %arg2[%get3A_19, %get3A_20, %get3A_21] : memref<1x2000x128xf32, #tpu.memory_space<vmem>>, vector<1x2000x128xf32>
    %get3A_23 = vector.shape_cast %get3A_22 : vector<1x2000x128xf32> to vector<2000x128xf32>
    %add3A_24 = arith.addf %get3A_18, %get3A_23 : vector<2000x128xf32>
    %get3A_25 = arith.constant 0 : index
    %get3A_26 = arith.constant 0 : index
    %get3A_27 = vector.load %arg3[%get3A_25, %get3A_26] : memref<2000x128xf32, #tpu.memory_space<vmem>>, vector<2000x128xf32>
    %add3A_28 = arith.addf %add3A_24, %get3A_27 : vector<2000x128xf32>
    %mul3A = vector.broadcast %broadcast_in_dim3A : vector<2000x1xf32> to vector<2000x128xf32>
    %mul3A_29 = arith.mulf %mul3A, %add3A_28 : vector<2000x128xf32>
    %get3A_30 = arith.constant 0 : index
    %get3A_31 = vector.load %arg4[%get3A_30] : memref<128xf32, #tpu.memory_space<vmem>>, vector<128xf32>
    %broadcast_in_dim3A_32 = vector.shape_cast %get3A_31 : vector<128xf32> to vector<1x128xf32>
    %add3A_33 = vector.broadcast %broadcast_in_dim3A_32 : vector<1x128xf32> to vector<2000x128xf32>
    %add3A_34 = arith.addf %mul3A_29, %add3A_33 : vector<2000x128xf32>
    %broadcast_in_dim3A_35 = vector.shape_cast %rsqrt3A : vector<2000xf32> to vector<2000x1xf32>
    %get3A_36 = arith.constant 0 : index
    %get3A_37 = arith.constant 0 : index
    %get3A_38 = vector.load %arg5[%get3A_36, %get3A_37] : memref<128x128xf32, #tpu.memory_space<vmem>>, vector<128x128xf32>
    %dot_general3A = arith.constant dense<0.000000e+00> : vector<2000x128xf32>
    %dot_general3A_39 = tpu.matmul %add3A_34, %get3A_38, %dot_general3A {dimension_numbers = #tpu.dot_dimension_numbers<[1], [0], [0], [1], [0, 0, 1, 1], [], []>, transpose_lhs_hint = false} : vector<2000x128xf32>, vector<128x128xf32>, vector<2000x128xf32> -> vector<2000x128xf32>
    %mul3A_40 = vector.broadcast %broadcast_in_dim3A_35 : vector<2000x1xf32> to vector<2000x128xf32>
    %mul3A_41 = arith.mulf %mul3A_40, %dot_general3A_39 : vector<2000x128xf32>
    %swap3A = arith.constant 0 : index
    %swap3A_42 = arith.constant 0 : index
    %swap3A_43 = vector.load %arg8[%swap3A, %swap3A_42] : memref<2000x128xf32, #tpu.memory_space<vmem>>, vector<2000x128xf32>
    tpu.vector_store %arg8[%swap3A, %swap3A_42], %mul3A_41 {strides = array<i32>} : memref<2000x128xf32, #tpu.memory_space<vmem>>, vector<2000x128xf32>,
    return
  }
  func.func @transform_0(%arg0: i32) -> (i32, i32, i32) {
    %c0_i32 = arith.constant 0 : i32
    %c0_i32_0 = arith.constant 0 : i32
    %c0_i32_1 = arith.constant 0 : i32
    return %c0_i32, %arg0, %c0_i32_0 : i32, i32, i32
  }
  func.func @transform_1(%arg0: i32) -> (i32, i32, i32) {
    %c1_i32 = arith.constant 1 : i32
    %c0_i32 = arith.constant 0 : i32
    %c0_i32_0 = arith.constant 0 : i32
    return %c1_i32, %arg0, %c0_i32 : i32, i32, i32
  }
  func.func @transform_2(%arg0: i32) -> (i32, i32) {
    %c0_i32 = arith.constant 0 : i32
    %c0_i32_0 = arith.constant 0 : i32
    return %arg0, %c0_i32 : i32, i32
  }
  func.func @transform_3(%arg0: i32) -> i32 {
    %c0_i32 = arith.constant 0 : i32
    %c0_i32_0 = arith.constant 0 : i32
    return %c0_i32 : i32
  }
  func.func @transform_4(%arg0: i32) -> (i32, i32) {
    %c0_i32 = arith.constant 0 : i32
    %c0_i32_0 = arith.constant 0 : i32
    %c0_i32_1 = arith.constant 0 : i32
    return %c0_i32, %c0_i32_0 : i32, i32
  }
  func.func @transform_5(%arg0: i32) -> (i32, i32, i32) {
    %c0_i32 = arith.constant 0 : i32
    %c0_i32_0 = arith.constant 0 : i32
    %c0_i32_1 = arith.constant 0 : i32
    return %c0_i32, %arg0, %c0_i32_0 : i32, i32, i32
  }
  func.func @transform_6(%arg0: i32) -> (i32, i32, i32) {
    %c1_i32 = arith.constant 1 : i32
    %c0_i32 = arith.constant 0 : i32
    %c0_i32_0 = arith.constant 0 : i32
    return %c1_i32, %arg0, %c0_i32 : i32, i32, i32
  }
  func.func @transform_7(%arg0: i32) -> (i32, i32) {
    %c0_i32 = arith.constant 0 : i32
    %c0_i32_0 = arith.constant 0 : i32
    return %arg0, %c0_i32 : i32, i32
  }
}

module attributes {stable_mosaic.version = 14 : i64} {
  func.func @_mlp_body(%arg0: i32, %arg1: memref<2000x128xf32, #tpu.memory_space<vmem>>, %arg2: memref<128x128xf32, #tpu.memory_space<vmem>>, %arg3: memref<128xf32, #tpu.memory_space<vmem>>, %arg4: memref<128x128xf32, #tpu.memory_space<vmem>>, %arg5: memref<128xf32, #tpu.memory_space<vmem>>, %arg6: memref<128x128xf32, #tpu.memory_space<vmem>>, %arg7: memref<1x2000x16xf32, #tpu.memory_space<vmem>>, %arg8: memref<1x2000x16xf32, #tpu.memory_space<vmem>>, %arg9: memref<2000x128xf32, #tpu.memory_space<vmem>>) attributes {dimension_semantics = [#tpu.dimension_semantics<arbitrary>], iteration_bounds = array<i64: 5>, scalar_prefetch = 0 : i64, scratch_operands = 0 : i64, tpu.core_type = #tpu.core_type<tc>, window_params = [{transform_indices = @transform_0, window_bounds = array<i64: 2000, 128>}, {pipeline_mode = #tpu.pipeline_mode<synchronous>, transform_indices = @transform_1, window_bounds = array<i64: 128, 128>}, {pipeline_mode = #tpu.pipeline_mode<synchronous>, transform_indices = @transform_2, window_bounds = array<i64: 128>}, {pipeline_mode = #tpu.pipeline_mode<synchronous>, transform_indices = @transform_3, window_bounds = array<i64: 128, 128>}, {pipeline_mode = #tpu.pipeline_mode<synchronous>, transform_indices = @transform_4, window_bounds = array<i64: 128>}, {pipeline_mode = #tpu.pipeline_mode<synchronous>, transform_indices = @transform_5, window_bounds = array<i64: 128, 128>}, {transform_indices = @transform_6, window_bounds = array<i64: 1, 2000, 16>}, {transform_indices = @transform_7, window_bounds = array<i64: 1, 2000, 16>}, {transform_indices = @transform_8, window_bounds = array<i64: 2000, 128>}]} {
    %get3A = arith.constant 0 : index
    %get3A_0 = arith.constant 0 : index
    %get3A_1 = arith.constant 0 : index
    %get3A_2 = vector.load %arg7[%get3A, %get3A_0, %get3A_1] : memref<1x2000x16xf32, #tpu.memory_space<vmem>>, vector<1x2000x16xf32>
    %get3A_3 = arith.constant 0 : index
    %get3A_4 = arith.constant 0 : index
    %get3A_5 = arith.constant 0 : index
    %get3A_6 = vector.load %arg8[%get3A_3, %get3A_4, %get3A_5] : memref<1x2000x16xf32, #tpu.memory_space<vmem>>, vector<1x2000x16xf32>
    %slice3A = vector.extract_strided_slice %get3A_2 {offsets = [0, 0, 0], sizes = [1, 2000, 1], strides = [1, 1, 1]} : vector<1x2000x16xf32> to vector<1x2000x1xf32>
    %squeeze3A = vector.shape_cast %slice3A : vector<1x2000x1xf32> to vector<2000xf32>
    %slice3A_7 = vector.extract_strided_slice %get3A_6 {offsets = [0, 0, 0], sizes = [1, 2000, 1], strides = [1, 1, 1]} : vector<1x2000x16xf32> to vector<1x2000x1xf32>
    %squeeze3A_8 = vector.shape_cast %slice3A_7 : vector<1x2000x1xf32> to vector<2000xf32>
    %add3A = arith.addf %squeeze3A, %squeeze3A_8 : vector<2000xf32>
    %add3A_9 = arith.constant 1.000000e+00 : f32
    %add3A_10 = vector.broadcast %add3A_9 : f32 to vector<2000xf32>
    %add3A_11 = arith.addf %add3A, %add3A_10 : vector<2000xf32>
    %max3A = arith.constant 9.99999996E-13 : f32
    %max3A_12 = vector.broadcast %max3A : f32 to vector<2000xf32>
    %max3A_13 = arith.maximumf %add3A_11, %max3A_12 : vector<2000xf32>
    %rsqrt3A = math.rsqrt %max3A_13 : vector<2000xf32>
    %get3A_14 = arith.constant 0 : index
    %get3A_15 = arith.constant 0 : index
    %get3A_16 = vector.load %arg1[%get3A_14, %get3A_15] : memref<2000x128xf32, #tpu.memory_space<vmem>>, vector<2000x128xf32>
    %get3A_17 = arith.constant 0 : index
    %get3A_18 = arith.constant 0 : index
    %get3A_19 = vector.load %arg2[%get3A_17, %get3A_18] : memref<128x128xf32, #tpu.memory_space<vmem>>, vector<128x128xf32>
    %dot_general3A = arith.constant dense<0.000000e+00> : vector<2000x128xf32>
    %dot_general3A_20 = tpu.matmul %get3A_16, %get3A_19, %dot_general3A {dimension_numbers = #tpu.dot_dimension_numbers<[1], [0], [0], [1], [0, 0, 1, 1], [], []>, transpose_lhs_hint = false} : vector<2000x128xf32>, vector<128x128xf32>, vector<2000x128xf32> -> vector<2000x128xf32>
    %get3A_21 = arith.constant 0 : index
    %get3A_22 = vector.load %arg3[%get3A_21] : memref<128xf32, #tpu.memory_space<vmem>>, vector<128xf32>
    %broadcast_in_dim3A = vector.shape_cast %get3A_22 : vector<128xf32> to vector<1x128xf32>
    %add3A_23 = vector.broadcast %broadcast_in_dim3A : vector<1x128xf32> to vector<2000x128xf32>
    %add3A_24 = arith.addf %dot_general3A_20, %add3A_23 : vector<2000x128xf32>
    %logistic3A = arith.negf %add3A_24 : vector<2000x128xf32>
    %logistic3A_25 = math.exp %logistic3A : vector<2000x128xf32>
    %logistic3A_26 = arith.constant 1.000000e+00 : f32
    %logistic3A_27 = vector.broadcast %logistic3A_26 : f32 to vector<2000x128xf32>
    %logistic3A_28 = arith.addf %logistic3A_27, %logistic3A_25 : vector<2000x128xf32>
    %logistic3A_29 = arith.divf %logistic3A_27, %logistic3A_28 : vector<2000x128xf32>
    %get3A_30 = arith.constant 0 : index
    %get3A_31 = arith.constant 0 : index
    %get3A_32 = vector.load %arg4[%get3A_30, %get3A_31] : memref<128x128xf32, #tpu.memory_space<vmem>>, vector<128x128xf32>
    %dot_general3A_33 = arith.constant dense<0.000000e+00> : vector<2000x128xf32>
    %dot_general3A_34 = tpu.matmul %logistic3A_29, %get3A_32, %dot_general3A_33 {dimension_numbers = #tpu.dot_dimension_numbers<[1], [0], [0], [1], [0, 0, 1, 1], [], []>, transpose_lhs_hint = false} : vector<2000x128xf32>, vector<128x128xf32>, vector<2000x128xf32> -> vector<2000x128xf32>
    %get3A_35 = arith.constant 0 : index
    %get3A_36 = vector.load %arg5[%get3A_35] : memref<128xf32, #tpu.memory_space<vmem>>, vector<128xf32>
    %broadcast_in_dim3A_37 = vector.shape_cast %get3A_36 : vector<128xf32> to vector<1x128xf32>
    %add3A_38 = vector.broadcast %broadcast_in_dim3A_37 : vector<1x128xf32> to vector<2000x128xf32>
    %add3A_39 = arith.addf %dot_general3A_34, %add3A_38 : vector<2000x128xf32>
    %logistic3A_40 = arith.negf %add3A_39 : vector<2000x128xf32>
    %logistic3A_41 = math.exp %logistic3A_40 : vector<2000x128xf32>
    %logistic3A_42 = arith.constant 1.000000e+00 : f32
    %logistic3A_43 = vector.broadcast %logistic3A_42 : f32 to vector<2000x128xf32>
    %logistic3A_44 = arith.addf %logistic3A_43, %logistic3A_41 : vector<2000x128xf32>
    %logistic3A_45 = arith.divf %logistic3A_43, %logistic3A_44 : vector<2000x128xf32>
    %broadcast_in_dim3A_46 = vector.shape_cast %rsqrt3A : vector<2000xf32> to vector<2000x1xf32>
    %get3A_47 = arith.constant 0 : index
    %get3A_48 = arith.constant 0 : index
    %get3A_49 = vector.load %arg6[%get3A_47, %get3A_48] : memref<128x128xf32, #tpu.memory_space<vmem>>, vector<128x128xf32>
    %dot_general3A_50 = arith.constant dense<0.000000e+00> : vector<2000x128xf32>
    %dot_general3A_51 = tpu.matmul %logistic3A_45, %get3A_49, %dot_general3A_50 {dimension_numbers = #tpu.dot_dimension_numbers<[1], [0], [0], [1], [0, 0, 1, 1], [], []>, transpose_lhs_hint = false} : vector<2000x128xf32>, vector<128x128xf32>, vector<2000x128xf32> -> vector<2000x128xf32>
    %mul3A = vector.broadcast %broadcast_in_dim3A_46 : vector<2000x1xf32> to vector<2000x128xf32>
    %mul3A_52 = arith.mulf %mul3A, %dot_general3A_51 : vector<2000x128xf32>
    %swap3A = arith.constant 0 : index
    %swap3A_53 = arith.constant 0 : index
    %swap3A_54 = vector.load %arg9[%swap3A, %swap3A_53] : memref<2000x128xf32, #tpu.memory_space<vmem>>, vector<2000x128xf32>
    tpu.vector_store %arg9[%swap3A, %swap3A_53], %mul3A_52 {strides = array<i32>} : memref<2000x128xf32, #tpu.memory_space<vmem>>, vector<2000x128xf32>,
    return
  }
  func.func @transform_0(%arg0: i32) -> (i32, i32) {
    %c0_i32 = arith.constant 0 : i32
    %c0_i32_0 = arith.constant 0 : i32
    return %arg0, %c0_i32 : i32, i32
  }
  func.func @transform_1(%arg0: i32) -> (i32, i32) {
    %c0_i32 = arith.constant 0 : i32
    %c0_i32_0 = arith.constant 0 : i32
    %c0_i32_1 = arith.constant 0 : i32
    return %c0_i32, %c0_i32_0 : i32, i32
  }
  func.func @transform_2(%arg0: i32) -> i32 {
    %c0_i32 = arith.constant 0 : i32
    %c0_i32_0 = arith.constant 0 : i32
    return %c0_i32 : i32
  }
  func.func @transform_3(%arg0: i32) -> (i32, i32) {
    %c0_i32 = arith.constant 0 : i32
    %c0_i32_0 = arith.constant 0 : i32
    %c0_i32_1 = arith.constant 0 : i32
    return %c0_i32, %c0_i32_0 : i32, i32
  }
  func.func @transform_4(%arg0: i32) -> i32 {
    %c0_i32 = arith.constant 0 : i32
    %c0_i32_0 = arith.constant 0 : i32
    return %c0_i32 : i32
  }
  func.func @transform_5(%arg0: i32) -> (i32, i32) {
    %c0_i32 = arith.constant 0 : i32
    %c0_i32_0 = arith.constant 0 : i32
    %c0_i32_1 = arith.constant 0 : i32
    return %c0_i32, %c0_i32_0 : i32, i32
  }
  func.func @transform_6(%arg0: i32) -> (i32, i32, i32) {
    %c0_i32 = arith.constant 0 : i32
    %c0_i32_0 = arith.constant 0 : i32
    %c0_i32_1 = arith.constant 0 : i32
    return %c0_i32, %arg0, %c0_i32_0 : i32, i32, i32
  }
  func.func @transform_7(%arg0: i32) -> (i32, i32, i32) {
    %c1_i32 = arith.constant 1 : i32
    %c0_i32 = arith.constant 0 : i32
    %c0_i32_0 = arith.constant 0 : i32
    return %c1_i32, %arg0, %c0_i32 : i32, i32, i32
  }
  func.func @transform_8(%arg0: i32) -> (i32, i32) {
    %c0_i32 = arith.constant 0 : i32
    %c0_i32_0 = arith.constant 0 : i32
    return %arg0, %c0_i32 : i32, i32
  }
}

module attributes {stable_mosaic.version = 14 : i64} {
  func.func @_combine_body(%arg0: i32, %arg1: memref<1x2000x128xf32, #tpu.memory_space<vmem>>, %arg2: memref<1x2000x128xf32, #tpu.memory_space<vmem>>, %arg3: memref<2000x128xf32, #tpu.memory_space<vmem>>, %arg4: memref<128xf32, #tpu.memory_space<vmem>>, %arg5: memref<128x16xf32, #tpu.memory_space<vmem>>, %arg6: memref<1x2000x16xf32, #tpu.memory_space<vmem>>, %arg7: memref<1x2000x16xf32, #tpu.memory_space<vmem>>, %arg8: memref<2000x16xf32, #tpu.memory_space<vmem>>) attributes {dimension_semantics = [#tpu.dimension_semantics<arbitrary>], iteration_bounds = array<i64: 5>, scalar_prefetch = 0 : i64, scratch_operands = 0 : i64, tpu.core_type = #tpu.core_type<tc>, window_params = [{transform_indices = @transform_0, window_bounds = array<i64: 1, 2000, 128>}, {transform_indices = @transform_1, window_bounds = array<i64: 1, 2000, 128>}, {transform_indices = @transform_2, window_bounds = array<i64: 2000, 128>}, {pipeline_mode = #tpu.pipeline_mode<synchronous>, transform_indices = @transform_3, window_bounds = array<i64: 128>}, {pipeline_mode = #tpu.pipeline_mode<synchronous>, transform_indices = @transform_4, window_bounds = array<i64: 128, 16>}, {transform_indices = @transform_5, window_bounds = array<i64: 1, 2000, 16>}, {transform_indices = @transform_6, window_bounds = array<i64: 1, 2000, 16>}, {transform_indices = @transform_7, window_bounds = array<i64: 2000, 16>}]} {
    %get3A = arith.constant 0 : index
    %get3A_0 = arith.constant 0 : index
    %get3A_1 = arith.constant 0 : index
    %get3A_2 = vector.load %arg6[%get3A, %get3A_0, %get3A_1] : memref<1x2000x16xf32, #tpu.memory_space<vmem>>, vector<1x2000x16xf32>
    %get3A_3 = arith.constant 0 : index
    %get3A_4 = arith.constant 0 : index
    %get3A_5 = arith.constant 0 : index
    %get3A_6 = vector.load %arg7[%get3A_3, %get3A_4, %get3A_5] : memref<1x2000x16xf32, #tpu.memory_space<vmem>>, vector<1x2000x16xf32>
    %slice3A = vector.extract_strided_slice %get3A_2 {offsets = [0, 0, 0], sizes = [1, 2000, 1], strides = [1, 1, 1]} : vector<1x2000x16xf32> to vector<1x2000x1xf32>
    %squeeze3A = vector.shape_cast %slice3A : vector<1x2000x1xf32> to vector<2000xf32>
    %slice3A_7 = vector.extract_strided_slice %get3A_6 {offsets = [0, 0, 0], sizes = [1, 2000, 1], strides = [1, 1, 1]} : vector<1x2000x16xf32> to vector<1x2000x1xf32>
    %squeeze3A_8 = vector.shape_cast %slice3A_7 : vector<1x2000x1xf32> to vector<2000xf32>
    %add3A = arith.addf %squeeze3A, %squeeze3A_8 : vector<2000xf32>
    %add3A_9 = arith.constant 1.000000e+00 : f32
    %add3A_10 = vector.broadcast %add3A_9 : f32 to vector<2000xf32>
    %add3A_11 = arith.addf %add3A, %add3A_10 : vector<2000xf32>
    %max3A = arith.constant 9.99999996E-13 : f32
    %max3A_12 = vector.broadcast %max3A : f32 to vector<2000xf32>
    %max3A_13 = arith.maximumf %add3A_11, %max3A_12 : vector<2000xf32>
    %rsqrt3A = math.rsqrt %max3A_13 : vector<2000xf32>
    %broadcast_in_dim3A = vector.shape_cast %rsqrt3A : vector<2000xf32> to vector<2000x1xf32>
    %get3A_14 = arith.constant 0 : index
    %get3A_15 = arith.constant 0 : index
    %get3A_16 = arith.constant 0 : index
    %get3A_17 = vector.load %arg1[%get3A_14, %get3A_15, %get3A_16] : memref<1x2000x128xf32, #tpu.memory_space<vmem>>, vector<1x2000x128xf32>
    %get3A_18 = vector.shape_cast %get3A_17 : vector<1x2000x128xf32> to vector<2000x128xf32>
    %get3A_19 = arith.constant 0 : index
    %get3A_20 = arith.constant 0 : index
    %get3A_21 = arith.constant 0 : index
    %get3A_22 = vector.load %arg2[%get3A_19, %get3A_20, %get3A_21] : memref<1x2000x128xf32, #tpu.memory_space<vmem>>, vector<1x2000x128xf32>
    %get3A_23 = vector.shape_cast %get3A_22 : vector<1x2000x128xf32> to vector<2000x128xf32>
    %add3A_24 = arith.addf %get3A_18, %get3A_23 : vector<2000x128xf32>
    %get3A_25 = arith.constant 0 : index
    %get3A_26 = arith.constant 0 : index
    %get3A_27 = vector.load %arg3[%get3A_25, %get3A_26] : memref<2000x128xf32, #tpu.memory_space<vmem>>, vector<2000x128xf32>
    %add3A_28 = arith.addf %add3A_24, %get3A_27 : vector<2000x128xf32>
    %mul3A = vector.broadcast %broadcast_in_dim3A : vector<2000x1xf32> to vector<2000x128xf32>
    %mul3A_29 = arith.mulf %mul3A, %add3A_28 : vector<2000x128xf32>
    %get3A_30 = arith.constant 0 : index
    %get3A_31 = vector.load %arg4[%get3A_30] : memref<128xf32, #tpu.memory_space<vmem>>, vector<128xf32>
    %broadcast_in_dim3A_32 = vector.shape_cast %get3A_31 : vector<128xf32> to vector<1x128xf32>
    %add3A_33 = vector.broadcast %broadcast_in_dim3A_32 : vector<1x128xf32> to vector<2000x128xf32>
    %add3A_34 = arith.addf %mul3A_29, %add3A_33 : vector<2000x128xf32>
    %broadcast_in_dim3A_35 = vector.shape_cast %rsqrt3A : vector<2000xf32> to vector<2000x1xf32>
    %get3A_36 = arith.constant 0 : index
    %get3A_37 = arith.constant 0 : index
    %get3A_38 = vector.load %arg5[%get3A_36, %get3A_37] : memref<128x16xf32, #tpu.memory_space<vmem>>, vector<128x16xf32>
    %dot_general3A = arith.constant dense<0.000000e+00> : vector<2000x16xf32>
    %dot_general3A_39 = tpu.matmul %add3A_34, %get3A_38, %dot_general3A {dimension_numbers = #tpu.dot_dimension_numbers<[1], [0], [0], [1], [0, 0, 1, 1], [], []>, transpose_lhs_hint = false} : vector<2000x128xf32>, vector<128x16xf32>, vector<2000x16xf32> -> vector<2000x16xf32>
    %mul3A_40 = vector.broadcast %broadcast_in_dim3A_35 : vector<2000x1xf32> to vector<2000x16xf32>
    %mul3A_41 = arith.mulf %mul3A_40, %dot_general3A_39 : vector<2000x16xf32>
    %swap3A = arith.constant 0 : index
    %swap3A_42 = arith.constant 0 : index
    %swap3A_43 = vector.load %arg8[%swap3A, %swap3A_42] : memref<2000x16xf32, #tpu.memory_space<vmem>>, vector<2000x16xf32>
    tpu.vector_store %arg8[%swap3A, %swap3A_42], %mul3A_41 {strides = array<i32>} : memref<2000x16xf32, #tpu.memory_space<vmem>>, vector<2000x16xf32>,
    return
  }
  func.func @transform_0(%arg0: i32) -> (i32, i32, i32) {
    %c0_i32 = arith.constant 0 : i32
    %c0_i32_0 = arith.constant 0 : i32
    %c0_i32_1 = arith.constant 0 : i32
    return %c0_i32, %arg0, %c0_i32_0 : i32, i32, i32
  }
  func.func @transform_1(%arg0: i32) -> (i32, i32, i32) {
    %c1_i32 = arith.constant 1 : i32
    %c0_i32 = arith.constant 0 : i32
    %c0_i32_0 = arith.constant 0 : i32
    return %c1_i32, %arg0, %c0_i32 : i32, i32, i32
  }
  func.func @transform_2(%arg0: i32) -> (i32, i32) {
    %c0_i32 = arith.constant 0 : i32
    %c0_i32_0 = arith.constant 0 : i32
    return %arg0, %c0_i32 : i32, i32
  }
  func.func @transform_3(%arg0: i32) -> i32 {
    %c0_i32 = arith.constant 0 : i32
    %c0_i32_0 = arith.constant 0 : i32
    return %c0_i32 : i32
  }
  func.func @transform_4(%arg0: i32) -> (i32, i32) {
    %c0_i32 = arith.constant 0 : i32
    %c0_i32_0 = arith.constant 0 : i32
    %c0_i32_1 = arith.constant 0 : i32
    return %c0_i32, %c0_i32_0 : i32, i32
  }
  func.func @transform_5(%arg0: i32) -> (i32, i32, i32) {
    %c0_i32 = arith.constant 0 : i32
    %c0_i32_0 = arith.constant 0 : i32
    %c0_i32_1 = arith.constant 0 : i32
    return %c0_i32, %arg0, %c0_i32_0 : i32, i32, i32
  }
  func.func @transform_6(%arg0: i32) -> (i32, i32, i32) {
    %c1_i32 = arith.constant 1 : i32
    %c0_i32 = arith.constant 0 : i32
    %c0_i32_0 = arith.constant 0 : i32
    return %c1_i32, %arg0, %c0_i32 : i32, i32, i32
  }
  func.func @transform_7(%arg0: i32) -> (i32, i32) {
    %c0_i32 = arith.constant 0 : i32
    %c0_i32_0 = arith.constant 0 : i32
    return %arg0, %c0_i32 : i32, i32
  }
}

module attributes {stable_mosaic.version = 14 : i64} {
  func.func @_final_body(%arg0: i32, %arg1: memref<1x2000x16xf32, #tpu.memory_space<vmem>>, %arg2: memref<1x2000x16xf32, #tpu.memory_space<vmem>>, %arg3: memref<2000x16xf32, #tpu.memory_space<vmem>>, %arg4: memref<16xf32, #tpu.memory_space<vmem>>, %arg5: memref<1x2000x16xf32, #tpu.memory_space<vmem>>, %arg6: memref<1x2000x16xf32, #tpu.memory_space<vmem>>, %arg7: memref<2000x16xf32, #tpu.memory_space<vmem>>) attributes {dimension_semantics = [#tpu.dimension_semantics<arbitrary>], iteration_bounds = array<i64: 5>, scalar_prefetch = 0 : i64, scratch_operands = 0 : i64, tpu.core_type = #tpu.core_type<tc>, window_params = [{transform_indices = @transform_0, window_bounds = array<i64: 1, 2000, 16>}, {transform_indices = @transform_1, window_bounds = array<i64: 1, 2000, 16>}, {transform_indices = @transform_2, window_bounds = array<i64: 2000, 16>}, {pipeline_mode = #tpu.pipeline_mode<synchronous>, transform_indices = @transform_3, window_bounds = array<i64: 16>}, {transform_indices = @transform_4, window_bounds = array<i64: 1, 2000, 16>}, {transform_indices = @transform_5, window_bounds = array<i64: 1, 2000, 16>}, {transform_indices = @transform_6, window_bounds = array<i64: 2000, 16>}]} {
    %get3A = arith.constant 0 : index
    %get3A_0 = arith.constant 0 : index
    %get3A_1 = arith.constant 0 : index
    %get3A_2 = vector.load %arg5[%get3A, %get3A_0, %get3A_1] : memref<1x2000x16xf32, #tpu.memory_space<vmem>>, vector<1x2000x16xf32>
    %get3A_3 = arith.constant 0 : index
    %get3A_4 = arith.constant 0 : index
    %get3A_5 = arith.constant 0 : index
    %get3A_6 = vector.load %arg6[%get3A_3, %get3A_4, %get3A_5] : memref<1x2000x16xf32, #tpu.memory_space<vmem>>, vector<1x2000x16xf32>
    %slice3A = vector.extract_strided_slice %get3A_2 {offsets = [0, 0, 0], sizes = [1, 2000, 1], strides = [1, 1, 1]} : vector<1x2000x16xf32> to vector<1x2000x1xf32>
    %squeeze3A = vector.shape_cast %slice3A : vector<1x2000x1xf32> to vector<2000xf32>
    %slice3A_7 = vector.extract_strided_slice %get3A_6 {offsets = [0, 0, 0], sizes = [1, 2000, 1], strides = [1, 1, 1]} : vector<1x2000x16xf32> to vector<1x2000x1xf32>
    %squeeze3A_8 = vector.shape_cast %slice3A_7 : vector<1x2000x1xf32> to vector<2000xf32>
    %add3A = arith.addf %squeeze3A, %squeeze3A_8 : vector<2000xf32>
    %add3A_9 = arith.constant 1.000000e+00 : f32
    %add3A_10 = vector.broadcast %add3A_9 : f32 to vector<2000xf32>
    %add3A_11 = arith.addf %add3A, %add3A_10 : vector<2000xf32>
    %max3A = arith.constant 9.99999996E-13 : f32
    %max3A_12 = vector.broadcast %max3A : f32 to vector<2000xf32>
    %max3A_13 = arith.maximumf %add3A_11, %max3A_12 : vector<2000xf32>
    %rsqrt3A = math.rsqrt %max3A_13 : vector<2000xf32>
    %broadcast_in_dim3A = vector.shape_cast %rsqrt3A : vector<2000xf32> to vector<2000x1xf32>
    %get3A_14 = arith.constant 0 : index
    %get3A_15 = arith.constant 0 : index
    %get3A_16 = arith.constant 0 : index
    %get3A_17 = vector.load %arg1[%get3A_14, %get3A_15, %get3A_16] : memref<1x2000x16xf32, #tpu.memory_space<vmem>>, vector<1x2000x16xf32>
    %get3A_18 = vector.shape_cast %get3A_17 : vector<1x2000x16xf32> to vector<2000x16xf32>
    %get3A_19 = arith.constant 0 : index
    %get3A_20 = arith.constant 0 : index
    %get3A_21 = arith.constant 0 : index
    %get3A_22 = vector.load %arg2[%get3A_19, %get3A_20, %get3A_21] : memref<1x2000x16xf32, #tpu.memory_space<vmem>>, vector<1x2000x16xf32>
    %get3A_23 = vector.shape_cast %get3A_22 : vector<1x2000x16xf32> to vector<2000x16xf32>
    %add3A_24 = arith.addf %get3A_18, %get3A_23 : vector<2000x16xf32>
    %get3A_25 = arith.constant 0 : index
    %get3A_26 = arith.constant 0 : index
    %get3A_27 = vector.load %arg3[%get3A_25, %get3A_26] : memref<2000x16xf32, #tpu.memory_space<vmem>>, vector<2000x16xf32>
    %add3A_28 = arith.addf %add3A_24, %get3A_27 : vector<2000x16xf32>
    %mul3A = vector.broadcast %broadcast_in_dim3A : vector<2000x1xf32> to vector<2000x16xf32>
    %mul3A_29 = arith.mulf %mul3A, %add3A_28 : vector<2000x16xf32>
    %get3A_30 = arith.constant 0 : index
    %get3A_31 = vector.load %arg4[%get3A_30] : memref<16xf32, #tpu.memory_space<vmem>>, vector<16xf32>
    %broadcast_in_dim3A_32 = vector.shape_cast %get3A_31 : vector<16xf32> to vector<1x16xf32>
    %add3A_33 = vector.broadcast %broadcast_in_dim3A_32 : vector<1x16xf32> to vector<2000x16xf32>
    %add3A_34 = arith.addf %mul3A_29, %add3A_33 : vector<2000x16xf32>
    %swap3A = arith.constant 0 : index
    %swap3A_35 = arith.constant 0 : index
    %swap3A_36 = vector.load %arg7[%swap3A, %swap3A_35] : memref<2000x16xf32, #tpu.memory_space<vmem>>, vector<2000x16xf32>
    tpu.vector_store %arg7[%swap3A, %swap3A_35], %add3A_34 {strides = array<i32>} : memref<2000x16xf32, #tpu.memory_space<vmem>>, vector<2000x16xf32>,
    return
  }
  func.func @transform_0(%arg0: i32) -> (i32, i32, i32) {
    %c0_i32 = arith.constant 0 : i32
    %c0_i32_0 = arith.constant 0 : i32
    %c0_i32_1 = arith.constant 0 : i32
    return %c0_i32, %arg0, %c0_i32_0 : i32, i32, i32
  }
  func.func @transform_1(%arg0: i32) -> (i32, i32, i32) {
    %c1_i32 = arith.constant 1 : i32
    %c0_i32 = arith.constant 0 : i32
    %c0_i32_0 = arith.constant 0 : i32
    return %c1_i32, %arg0, %c0_i32 : i32, i32, i32
  }
  func.func @transform_2(%arg0: i32) -> (i32, i32) {
    %c0_i32 = arith.constant 0 : i32
    %c0_i32_0 = arith.constant 0 : i32
    return %arg0, %c0_i32 : i32, i32
  }
  func.func @transform_3(%arg0: i32) -> i32 {
    %c0_i32 = arith.constant 0 : i32
    %c0_i32_0 = arith.constant 0 : i32
    return %c0_i32 : i32
  }
  func.func @transform_4(%arg0: i32) -> (i32, i32, i32) {
    %c0_i32 = arith.constant 0 : i32
    %c0_i32_0 = arith.constant 0 : i32
    %c0_i32_1 = arith.constant 0 : i32
    return %c0_i32, %arg0, %c0_i32_0 : i32, i32, i32
  }
  func.func @transform_5(%arg0: i32) -> (i32, i32, i32) {
    %c1_i32 = arith.constant 1 : i32
    %c0_i32 = arith.constant 0 : i32
    %c0_i32_0 = arith.constant 0 : i32
    return %c1_i32, %arg0, %c0_i32 : i32, i32, i32
  }
  func.func @transform_6(%arg0: i32) -> (i32, i32) {
    %c0_i32 = arith.constant 0 : i32
    %c0_i32_0 = arith.constant 0 : i32
    return %arg0, %c0_i32 : i32, i32
  }
}

</mosaic_0001>

<sc_bundles>
// kernel: kernel.10.cloned.1.call-start
scs
__scs_entry_jumppad:
0x0: {  	(pc) =	sbr.rel $0x88, $3  }
0x1: {  	(tag) =	ssettag $0x0;
	lr =	simm.s32 $0x1  }
0x2: {  	[smem:$0x3F95] =	sst lr;
	_ =	strace $0xD0000000  }
0x3: {  	_ = 	snop  }
0x4: {  	_ = 	snop  }
0x5: {  	_ = 	snop  }
0x6: {  	_ = 	snop  }
0x7: {  	_ = 	snop  }
__scs_overlays_trampoline_lowered:
0x8: {  	[smem:$0x3FA4] =	sst s0  }
0x9: {  	[smem:$0x3FA5] =	sst s1  }
0xa: {  	[smem:$0x3FA6] =	sst s2  }
0xb: {  	[smem:$0x3FA7] =	sst s3  }
0xc: {  	[smem:$0x3FA8] =	sst s4  }
0xd: {  	[smem:$0x3FA9] =	sst s5  }
0xe: {  	[smem:$0x3FAA] =	sst s6  }
0xf: {  	[smem:$0x3FAB] =	sst s7  }
0x10: {  	[smem:$0x3FAC] =	sst s8  }
0x11: {  	[smem:$0x3FAD] =	sst s9;
	s0 =	simm.s32 @!p0 $0x0  }
0x12: {  	s1 =	sld [smem:$0x3F93];
	s0 =	simm.s32 @p0 $0x1  }
0x13: {  	[smem:$0x3FAE] =	sst s0;
	s0 =	simm.s32 @!p1 $0x0  }
0x14: {  	s2 =	sld [smem:$0x3F92];
	s0 =	simm.s32 @p1 $0x1  }
0x15: {  	[smem:$0x3FAF] =	sst s0;
	s0 =	simm.s32 @!p2 $0x0  }
0x16: {  	s3 =	sld [smem:$0x3FDB];
	s0 =	simm.s32 @p2 $0x1  }
0x17: {  	s4 =	simm.s32 $0x1BF5;
	[smem:$0x3FB1] =	sst s0  }
0x18: {  	s0 =	sld [smem:$0x3F94];
	_ =	swait.ge [sflag:s4], $0x0  }
0x19: {  	s7 =	sld [smem:$0x3F95]  }
0x1a: {  	s8 =	sadd.s32 $0xFFFFE003, lr  }
0x1b: {  	s9 =	sadd.s32 $0xFFFFFEF7, lr;
	s5 =	simm.s32 $0xFFFFFFFF;
	p2 =	slt.u32 s8, $0xFFFFF086  }
0x1c: {  	p1 =	slt.u32 s9, $0xF7A;
	s5 =	simm.s32 @!p2 $0x0  }
0x1d: {  	s5 =	simm.s32 @p1 $0x1;
	p0 =	seq.s32 s7, s2  }
0x1e: {  	s7 =	smul.u32 @!p0 $0xF7A, s2;
	p2 =	seq.s32 @!p0 s5, $0x0  }
0x1f: {  	s9 =	smul.u32 $0xF7A, s1;
	s8 =	simm.s32 @!p0 $0x1BF5;
	p2 =	por !p2, p0  }
0x20: {  	[sflag:s8] =	ssyncset.s32 @!p0 $0xFFFFF086;
	s6 =	sadd.s32 @!p0 s3, s7;
	s7 =	simm.s32 @!p0 $0x108  }
0x21: {  	s3 =	sadd.s32 s3, s9;
	s6 =	sadd.s32 @!p0 $0x88, s6;
	s7 =	simm.s32 @p2 $0x1082  }
0x22: {  	[simem:s7], [sflag:s8] =	dma.local @!p0 [hbm:s6], $0xF7A  }
0x23: {  	s9 =	sor.u32 $0xD0000000, s2;
	s6 =	simm.s32 $0x108;
	_ =	swait.ge @!p0 [sflag:s8], $0x0  }
0x24: {  	s3 =	sadd.s32 $0x88, s3;
	s6 =	simm.s32 @!p1 $0x1082;
	[sflag:s4] =	ssyncset.s32 $0xFFFFF086  }
0x25: {  	[simem:s6], [sflag:s4] =	dma.local [hbm:s3], $0xF7A  }
0x26: {  	[smem:$0x3F95] =	sst s1;
	(tag) =	ssettag s2;
	_ =	strace s9  }
0x27: {  	s1 =	sld [smem:$0x3FA5]  }
0x28: {  	s2 =	sld [smem:$0x3FA6]  }
0x29: {  	s4 =	sld [smem:$0x3FA8]  }
0x2a: {  	p0 =	seq.s32 s5, $0x0;
	s5 =	sld [smem:$0x3FA9]  }
0x2b: {  	s6 =	sld [smem:$0x3FAA]  }
0x2c: {  	s7 =	sld [smem:$0x3FAB]  }
0x2d: {  	s3 =	simm.s32 $0x108;
	s8 =	sld [smem:$0x3FAC]  }
0x2e: {  	s3 =	simm.s32 @!p0 $0x1082;
	s9 =	sld [smem:$0x3FAD]  }
0x2f: {  	lr =	sadd.s32 s0, s3;
	s0 =	sld [smem:$0x3FA4]  }
0x30: {  	s3 =	sld [smem:$0x3FA7]  }
0x31: {  	[smem:$0x3FB0] =	sst s10  }
0x32: {  	s10 =	sld [smem:$0x3FAE];
	_ =	sdelay $0x3  }
0x33: {  	p0 =	seq.s32 s10, $0x1;
	s10 =	sld [smem:$0x3FB0];
	_ =	sdelay $0x3  }
0x34: {  	[smem:$0x3FB0] =	sst s10  }
0x35: {  	s10 =	sld [smem:$0x3FAF];
	_ =	sdelay $0x3  }
0x36: {  	p1 =	seq.s32 s10, $0x1;
	s10 =	sld [smem:$0x3FB0];
	_ =	sdelay $0x3  }
0x37: {  	[smem:$0x3FB0] =	sst s10  }
0x38: {  	s10 =	sld [smem:$0x3FB1]  }
0x39: {  	_ = 	snop;
	(pc) =	sbr.ind lr, $3  }
0x3a: {  	_ = 	snop  }
0x3b: {  	_ = 	snop  }
0x3c: {  	p2 =	seq.s32 s10, $0x1;
	s10 =	sld [smem:$0x3FB0]  }
0x3d: {  	_ =	shalt  }
0x3e: {  	_ =	shalt  }
0x3f: {  	_ =	shalt  }
0x40: {  	_ =	shalt  }
0x41: {  	_ =	shalt  }
0x42: {  	_ =	shalt  }
0x43: {  	_ =	shalt  }
0x44: {  	_ =	shalt  }
0x45: {  	_ =	shalt  }
0x46: {  	_ =	shalt  }
0x47: {  	_ =	shalt  }
0x48: {  	_ =	shalt  }
0x49: {  	_ =	shalt  }
0x4a: {  	_ =	shalt  }
0x4b: {  	_ =	shalt  }
0x4c: {  	_ =	shalt  }
0x4d: {  	_ =	shalt  }
0x4e: {  	_ =	shalt  }
0x4f: {  	_ =	shalt  }
0x50: {  	_ =	shalt  }
0x51: {  	_ =	shalt  }
0x52: {  	_ =	shalt  }
0x53: {  	_ =	shalt  }
0x54: {  	_ =	shalt  }
0x55: {  	_ =	shalt  }
0x56: {  	_ =	shalt  }
0x57: {  	_ =	shalt  }
0x58: {  	_ =	shalt  }
0x59: {  	_ =	shalt  }
0x5a: {  	_ =	shalt  }
0x5b: {  	_ =	shalt  }
0x5c: {  	_ =	shalt  }
0x5d: {  	_ =	shalt  }
0x5e: {  	_ =	shalt  }
0x5f: {  	_ =	shalt  }
0x60: {  	_ =	shalt  }
0x61: {  	_ =	shalt  }
0x62: {  	_ =	shalt  }
0x63: {  	_ =	shalt  }
0x64: {  	_ =	shalt  }
0x65: {  	_ =	shalt  }
0x66: {  	_ =	shalt  }
0x67: {  	_ =	shalt  }
0x68: {  	_ =	shalt  }
0x69: {  	_ =	shalt  }
0x6a: {  	_ =	shalt  }
0x6b: {  	_ =	shalt  }
0x6c: {  	_ =	shalt  }
0x6d: {  	_ =	shalt  }
0x6e: {  	_ =	shalt  }
0x6f: {  	_ =	shalt  }
0x70: {  	_ =	shalt  }
0x71: {  	_ =	shalt  }
0x72: {  	_ =	shalt  }
0x73: {  	_ =	shalt  }
0x74: {  	_ =	shalt  }
0x75: {  	_ =	shalt  }
0x76: {  	_ =	shalt  }
0x77: {  	_ =	shalt  }
0x78: {  	_ =	shalt  }
0x79: {  	_ =	shalt  }
0x7a: {  	_ =	shalt  }
0x7b: {  	_ =	shalt  }
0x7c: {  	_ =	shalt  }
0x7d: {  	_ =	shalt  }
0x7e: {  	_ =	shalt  }
0x7f: {  	_ =	shalt  }
0x80: {  	_ =	shalt  }
0x81: {  	_ =	shalt  }
0x82: {  	_ =	shalt  }
0x83: {  	_ =	shalt  }
0x84: {  	_ =	shalt  }
0x85: {  	_ =	shalt  }
0x86: {  	_ =	shalt  }
0x87: {  	_ =	shalt  }
.Lfunc_end0:
.L_simem_size_0:
called_computation_lowered:
.L_overlay_start_0:
0x88: {  	s2 =	sld [smem:$0x3FD9]  }
0x89: {  	s3 =	sld [smem:$0x3FFE];
	_ =	sdelay $0x1  }
0x8a: {  	s1 =	srdreg.scid  }
0x8b: {  	s0 =	sand.u32 $0x1, s1  }
0x8c: {  	s16 =	sshll.u32 s0, $0xA;
	s2 =	sadd.s32 s3, s2  }
0x8d: {  	s2 =	sadd.s32 s2, s16  }
0x8e: {  	[smem:$0x3FBC] =	sst s2  }
0x8f: {  	_ = 	snop  }
0x90: {  	(tm) =	ssettm $0x1  }
0x91: {  	s17 =	sld [smem:$0x3FFB];
	_ =	sdelay $0x3  }
0x92: {  	_ =	strace s17  }
0x93: {  	s2 =	sld [smem:$0x3FFC];
	_ =	sdelay $0x3  }
0x94: {  	_ =	strace s2  }
0x95: {  	s2 =	sld [smem:$0x3FFD];
	_ =	sdelay $0x3  }
0x96: {  	_ =	strace s2  }
0x97: {  	_ =	strace $0x8FFFFFFF  }
0x98: {  	s18 =	sld [smem:$0x3FDB];
	_ =	sdelay $0x1  }
0x99: {  	s19 =	simm.s32 $_scs_section_size  }
0x9a: {  	s4 =	simm.s32 $_size__tile_overlayer_lowered;
	s5 =	simm.s32 $_tile_overlayer_lowered  }
0x9b: {  	s22 =	simm.s32 $0x1BFF;
	s21 =	sshll.u32 s5, $0x1;
	s2 =	sadd.s32 s19, s18  }
0x9c: {  	s6 =	simm.s32 $0x0;
	s20 =	sshll.u32 s4, $0x1;
	s4 =	sadd.s32 s21, s2  }
0x9d: {  	[timem:s6], [sflag:s22] =	dma.local [hbm:s4], s20  }
0x9e: {  	_ =	swait.ge [sflag:s22], s20  }
0x9f: {  	s3 =	ssub.s32 $0x0, s20;
	[sflag:s22] =	ssyncset.done $0x0  }
0xa0: {  	[sflag:s22] =	ssyncadd.s32 s3;
	_ =	sdelay $0x1  }
0xa1: {  	s23 =	simm.s32 $0x1B8B  }
0xa2: {  	_ =	swait.ge [sflag:s23], $0x1  }
0xa3: {  	[sflag:s23] =	ssyncset.done $0x0  }
0xa4: {  	s25 =	simm.s32 $0x1B8E;
	s24 =	sld [smem:$0x3FFE];
	[sflag:s23] =	ssyncadd.s32 $0xFFFFFFFF  }
0xa5: {  	s26 =	simm.s32 $execute0_lowered;
	[smem:$0x3FD2] =	sst s25  }
0xa6: {  	s4 =	sshll.u32 s26, $0x1;
	_ =	strace $0x80000046;
	[dreg:$0x1] =	wrdreg $0xFFFFFFFF  }
0xa7: {  	s28 =	simm.s32 $_size_execute0_lowered;
	s2 =	sadd.s32 s2, s4;
	[dreg:$0x0] =	wrdreg $0x0  }
0xa8: {  	s4 =	sshll.u32 s28, $0x1;
	[dreg:$0x2] =	wrdreg s2  }
0xa9: {  	[dreg:$0x3] =	wrdreg s4  }
0xaa: {  	[dreg:$0x4] =	wrdreg $0xC0  }
0xab: {  	_ =	task [dreg:s6], $0x5FFFF  }
0xac: {  	[dreg:$0x1] =	wrdreg $0xFFFFFFFF  }
0xad: {  	[dreg:$0x0] =	wrdreg $0x60  }
0xae: {  	[dreg:$0x2] =	wrdreg s24  }
0xaf: {  	[dreg:$0x3] =	wrdreg $0x34100  }
0xb0: {  	[dreg:$0x4] =	wrdreg $0x9  }
0xb1: {  	_ =	task.clear_ibuf [dreg:s6], $0x5FFFF;
	_ =	strace $0x90000046  }
0xb2: {  	s29 =	simm.s32 $0x9;
	_ =	strace $0x80000048  }
0xb3: {  	_ =	swait.ge [sflag:s29], $0x1  }
0xb4: {  	[sflag:s29] =	ssyncadd.s32 $0xFFFFFFFF  }
0xb5: {  	_ =	strace $0x90000048  }
0xb6: {  	_ =	sfence  }
0xb7: {  	s30 =	sld [smem:$0x0];
	_ =	sdelay $0x2  }
0xb8: {  	s31 =	sshll.u32 s1, $0xD;
	s1 =	sshrl.u32 s1, $0x2  }
0xb9: {  	s3 =	sand.u32 $0x4000, s31;
	s1 =	sadd.s32 s1, s30  }
0xba: {  	s0 =	sor.u32 s3, s0;
	s1 =	sshll.u32 s1, $0x11  }
0xbb: {  	s0 =	sor.u32 s1, s0  }
0xbc: {  	s0 =	sadd.s32 $0x8F2B, s0  }
0xbd: {  	[sflag:s0] =	ssyncadd.remote.s32 $0x1  }
0xbe: {  	_ =	sfence.sel $0xFFFF  }
0xbf: {  	[dreg:$0x0] =	wrdreg $0xFFFFFFFF;
	(pc) =	sbr.abs _section_cstart, $3  }
0xc0: {  	[dreg:$0x1] =	wrdreg $0xFFFFFFFF  }
0xc1: {  	_ =	task.clear_ibuf [dreg:s6], $0x2FFFF;
	_ =	strace $0x9FFFFFFF  }
0xc2: {  	(tm) =	ssettm $0x7FFFFFFF  }
0xc3: {  	_ =	shalt  }
tec
execute0_lowered:
.L_overlay_start_1:
0x0: {  	(tag) =	ssettag $0x1  }
0x1: {  	s4 =	rddreg [dreg:$0x0]  }
0x2: {  	s2 =	rddreg [dreg:$0x1];
	s3 =	srdreg.scid  }
0x3: {  	s1 =	stileid.u32;
	s0 =	rddreg [dreg:$0x2];
	s12 =	simm.s32 $0x2  }
0x4: {  	s13 =	simm.s32 $0x2C10;
	s14 =	simm.s32 $0x50;
	s15 =	simm.s32 $0x2710  }
0x5: {  	s16 =	simm.s32 $0x1;
	s19 =	simm.s32 $0x0;
	s6 =	smul.u32 $0x2800, s1  }
0x6: {  	s5 =	sand.u32 $0x1, s3;
	s3 =	simm.s32 $0x0;
	s9 =	smul.u32 $0xA000, s1  }
0x7: {  	s8 =	sshll.u32 s1, $0x1;
	s17 =	sshll.u32 s1, $0x6;
	s7 =	smul.u32 $0x28000, s5  }
0x8: {  	[smem:$0x7FF] =	sst s3;
	s8 =	sor.u32 s5, s8;
	s5 =	ssub.s32 $0x2, s5  }
0x9: {  	s17 =	sor.u32 $0x1C02, s17;
	_ =	strace $0x80000047;
	s8 =	smul.u32 $0x2710, s8  }
0xa: {  	s30 =	sshrl.u32 s5, $0x1;
	s31 =	sshrl.u32 s9, $0x2;
	s7 =	sadd.s32 s6, s7  }
0xb: {  	s11 =	ssub.s32 s5, s30;
	s5 =	sadd.s32 s6, s2;
	s9 =	sadd.s32 s31, s2  }
0xc: {  	s7 =	sshrl.u32 s7, $0x3;
	s8 =	sshrl.u32 s8, $0x3;
	s6 =	sadd.s32 $0x800, s9  }
0xd: {  	s11 =	smax.u32 s11, $0x1;
	s18 =	sshrl.u32 s5, $0x3;
	s10 =	sadd.s32 s7, s4  }
0xe: {  	s4 =	sadd.s32 s4, s8;
	s7 =	sadd.s32 $0x1000, s9;
	s8 =	sadd.s32 $0x1800, s9  }
0xf: {  	v0 =	vimm.f32 $0.0e+00;
	v1 =	vimm.f32 $1.000000000e+00;
	s9 =	sadd.s32 $0x2000, s9;
	s4 =	sadd.s32 $0xD640, s4;
	s10 =	sadd.s32 $0x17400, s10  }
.LBB2_1:
0x10: {  	[tilespmem:s3], [sflag:$0x2] =	stream.linear.gather [hbm4b:s4+s3], $0x2710, $0x38;
	[tilespmem:$0x5C10] =	vst v63  }
0x11: {  	_ =	swait.ge [sflag:s12], $0x2710  }
0x12: {  	[sflag:s12] =	ssyncset.done $0x0  }
0x13: {  	s20 =	simm.s32 $0x0;
	[sflag:s12] =	ssyncadd.s32 $0xFFFFD8F0  }
.LBB2_2:
0x14: {  	p0 =	sne.s32 s20, $0x1FC0  }
.Ltmp0:
0x15: {  	_ = 	snop;
	(pc) =	sbr.rel @p0 .LBB2_2-.Ltmp0, $3  }
0x16: {  	_ =	sdelay $0x1  }
0x17: {  	s21 =	sshra.s32 s20, $0x2  }
0x18: {  	s20 =	sadd.s32 $0x40, s20;
	[tilespmem:s21+$0x2C10] =	vst v0  }
0x19: {  	s20 =	simm.s32 $0x40;
	s21 =	simm.s32 $0x0  }
.LBB2_4:
0x1a: {  	p0 =	sne.s32 s20, $0x13C0;
	[tilespmem:s21+$0x2710] =	vst v1;
	s21 =	smov.u32 s20;
	s20 =	sadd.s32 $0x40, s20  }
.Ltmp1:
0x1b: {  	(pc) =	sbr.rel @p0 .LBB2_4-.Ltmp1, $2  }
0x1c: {  	_ =	sdelay $0x2  }
0x1d: {  	s21 =	sshra.s32 s21, $0x2  }
0x1e: {  	[tilespmem:s21+$0x2710] =	vst v1  }
0x1f: {  	[spmem:s5] =	stream.linear.scatter [tilespmem:s13], [sflag:$0x2], $0x800, $0x38;
	[tilespmem:$0x5C10] =	vst v63  }
0x20: {  	_ =	swait.ge [sflag:s12], $0x800  }
0x21: {  	[sflag:s12] =	ssyncset.done $0x0  }
0x22: {  	[sflag:s12] =	ssyncadd.s32 $0xFFFFF800  }
0x23: {  	[spmem:s6] =	stream.linear.scatter [tilespmem:s13], [sflag:$0x2], $0x800, $0x38;
	[tilespmem:$0x5C10] =	vst v63  }
0x24: {  	_ =	swait.ge [sflag:s12], $0x800  }
0x25: {  	[sflag:s12] =	ssyncset.done $0x0  }
0x26: {  	[sflag:s12] =	ssyncadd.s32 $0xFFFFF800  }
0x27: {  	[spmem:s7] =	stream.linear.scatter [tilespmem:s13], [sflag:$0x2], $0x800, $0x38;
	[tilespmem:$0x5C10] =	vst v63  }
0x28: {  	_ =	swait.ge [sflag:s12], $0x800  }
0x29: {  	[sflag:s12] =	ssyncset.done $0x0  }
0x2a: {  	[sflag:s12] =	ssyncadd.s32 $0xFFFFF800  }
0x2b: {  	[spmem:s8] =	stream.linear.scatter [tilespmem:s13], [sflag:$0x2], $0x800, $0x38;
	[tilespmem:$0x5C10] =	vst v63  }
0x2c: {  	_ =	swait.ge [sflag:s12], $0x800  }
0x2d: {  	[sflag:s12] =	ssyncset.done $0x0  }
0x2e: {  	[sflag:s12] =	ssyncadd.s32 $0xFFFFF800  }
0x2f: {  	[spmem:s9] =	stream.linear.scatter [tilespmem:s13], [sflag:$0x2], $0x800, $0x38;
	[tilespmem:$0x5C10] =	vst v63  }
0x30: {  	_ =	swait.ge [sflag:s12], $0x800  }
0x31: {  	[sflag:s12] =	ssyncset.done $0x0  }
0x32: {  	[sflag:s12] =	ssyncadd.s32 $0xFFFFF800  }
0x33: {  	s20 =	simm.s32 $0x0;
	[bflag:$0x0] =	sbarrier.arrive $0xFFFF  }
0x34: {  	[spmem:s2] =	stream.indirect.scatter.add.f32 [tilespmem:s15], [sflag:$0x1], $0x10, s20, s14, $0xb8;
	[tilespmem:$0x5C10] =	vst v63  }
0x35: {  	s28 =	simm.s32 $0x50  }
0x36: {  	[spmem:s2] =	stream.indirect.scatter.add.f32 [tilespmem:s15], [sflag:$0x1], $0x10, s28, s14, $0xb8;
	[tilespmem:$0x5C10] =	vst v63  }
0x37: {  	s29 =	simm.s32 $0xA0  }
0x38: {  	[spmem:s2] =	stream.indirect.scatter.add.f32 [tilespmem:s15], [sflag:$0x1], $0x10, s29, s14, $0xb8;
	[tilespmem:$0x5C10] =	vst v63  }
0x39: {  	s30 =	simm.s32 $0xF0  }
0x3a: {  	[spmem:s2] =	stream.indirect.scatter.add.f32 [tilespmem:s15], [sflag:$0x1], $0x10, s30, s14, $0xb8;
	[tilespmem:$0x5C10] =	vst v63  }
0x3b: {  	s31 =	simm.s32 $0x140  }
0x3c: {  	[spmem:s2] =	stream.indirect.scatter.add.f32 [tilespmem:s15], [sflag:$0x1], $0x10, s31, s14, $0xb8;
	[tilespmem:$0x5C10] =	vst v63  }
0x3d: {  	_ =	swait.ge [sflag:s16], $0x500  }
0x3e: {  	[sflag:s16] =	ssyncset.done $0x0  }
0x3f: {  	[sflag:s16] =	ssyncadd.s32 $0xFFFFFB00  }
0x40: {  	_ =	swait.ge [sflag:s16], $0x500  }
0x41: {  	[sflag:s16] =	ssyncset.done $0x0  }
0x42: {  	[sflag:s16] =	ssyncadd.s32 $0xFFFFFB00  }
0x43: {  	_ =	swait.ge [sflag:s16], $0x500  }
0x44: {  	[sflag:s16] =	ssyncset.done $0x0  }
0x45: {  	[sflag:s16] =	ssyncadd.s32 $0xFFFFFB00  }
0x46: {  	_ =	swait.ge [sflag:s16], $0x500  }
0x47: {  	[sflag:s16] =	ssyncset.done $0x0  }
0x48: {  	[sflag:s16] =	ssyncadd.s32 $0xFFFFFB00  }
0x49: {  	_ =	swait.ge [sflag:s16], $0x500  }
0x4a: {  	s21 =	simm.s32 $0xC80;
	s20 =	simm.s32 $0x640;
	[sflag:s16] =	ssyncset.done $0x0  }
.LBB2_6:
0x4b: {  	s22 =	sshra.s32 s20, $0x2  }
0x4c: {  	[sflag:s16] =	ssyncadd.s32 $0xFFFFFB00;
	s20 =	smov.u32 s21;
	s23 =	sadd.s32 $0x640, s21  }
0x4d: {  	[spmem:s2] =	stream.indirect.scatter.add.f32 [tilespmem:s15], [sflag:$0x1], $0x10, s22, s14, $0xb8;
	[tilespmem:$0x5C10] =	vst v63  }
0x4e: {  	p0 =	sne.s32 s21, $0x9600;
	s21 =	sadd.s32 $0x50, s22  }
0x4f: {  	[spmem:s2] =	stream.indirect.scatter.add.f32 [tilespmem:s15], [sflag:$0x1], $0x10, s21, s14, $0xb8;
	[tilespmem:$0x5C10] =	vst v63  }
0x50: {  	s21 =	sadd.s32 $0xA0, s22  }
0x51: {  	[spmem:s2] =	stream.indirect.scatter.add.f32 [tilespmem:s15], [sflag:$0x1], $0x10, s21, s14, $0xb8;
	[tilespmem:$0x5C10] =	vst v63  }
0x52: {  	s21 =	sadd.s32 $0xF0, s22  }
0x53: {  	[spmem:s2] =	stream.indirect.scatter.add.f32 [tilespmem:s15], [sflag:$0x1], $0x10, s21, s14, $0xb8;
	[tilespmem:$0x5C10] =	vst v63  }
0x54: {  	s21 =	sadd.s32 $0x140, s22  }
0x55: {  	[spmem:s2] =	stream.indirect.scatter.add.f32 [tilespmem:s15], [sflag:$0x1], $0x10, s21, s14, $0xb8;
	[tilespmem:$0x5C10] =	vst v63  }
0x56: {  	_ =	swait.ge [sflag:s16], $0x500  }
0x57: {  	[sflag:s16] =	ssyncset.done $0x0  }
0x58: {  	[sflag:s16] =	ssyncadd.s32 $0xFFFFFB00  }
0x59: {  	_ =	swait.ge [sflag:s16], $0x500  }
0x5a: {  	[sflag:s16] =	ssyncset.done $0x0  }
0x5b: {  	[sflag:s16] =	ssyncadd.s32 $0xFFFFFB00  }
0x5c: {  	_ =	swait.ge [sflag:s16], $0x500  }
0x5d: {  	[sflag:s16] =	ssyncset.done $0x0  }
0x5e: {  	[sflag:s16] =	ssyncadd.s32 $0xFFFFFB00  }
.Ltmp2:
0x5f: {  	_ =	swait.ge [sflag:s16], $0x500;
	(pc) =	sbr.rel @p0 .LBB2_6-.Ltmp2, $4  }
0x60: {  	[sflag:s16] =	ssyncset.done $0x0  }
0x61: {  	[sflag:s16] =	ssyncadd.s32 $0xFFFFFB00  }
0x62: {  	_ =	swait.ge [sflag:s16], $0x500  }
0x63: {  	s21 =	smov.u32 s23;
	[sflag:s16] =	ssyncset.done $0x0  }
0x64: {  	s20 =	sshra.s32 s20, $0x2;
	[sflag:s16] =	ssyncadd.s32 $0xFFFFFB00  }
0x65: {  	[spmem:s2] =	stream.indirect.scatter.add.f32 [tilespmem:s15], [sflag:$0x1], $0x10, s20, s14, $0xb8;
	[tilespmem:$0x5C10] =	vst v63  }
0x66: {  	s21 =	sadd.s32 $0x50, s20  }
0x67: {  	[spmem:s2] =	stream.indirect.scatter.add.f32 [tilespmem:s15], [sflag:$0x1], $0x10, s21, s14, $0xb8;
	[tilespmem:$0x5C10] =	vst v63  }
0x68: {  	s30 =	sadd.s32 $0xA0, s20  }
0x69: {  	[spmem:s2] =	stream.indirect.scatter.add.f32 [tilespmem:s15], [sflag:$0x1], $0x10, s30, s14, $0xb8;
	[tilespmem:$0x5C10] =	vst v63  }
0x6a: {  	s31 =	sadd.s32 $0xF0, s20  }
0x6b: {  	[spmem:s2] =	stream.indirect.scatter.add.f32 [tilespmem:s15], [sflag:$0x1], $0x10, s31, s14, $0xb8;
	[tilespmem:$0x5C10] =	vst v63  }
0x6c: {  	s20 =	sadd.s32 $0x140, s20  }
0x6d: {  	[spmem:s2] =	stream.indirect.scatter.add.f32 [tilespmem:s15], [sflag:$0x1], $0x10, s20, s14, $0xb8;
	[tilespmem:$0x5C10] =	vst v63  }
0x6e: {  	_ =	swait.ge [sflag:s16], $0x500  }
0x6f: {  	[sflag:s16] =	ssyncset.done $0x0  }
0x70: {  	[sflag:s16] =	ssyncadd.s32 $0xFFFFFB00  }
0x71: {  	_ =	swait.ge [sflag:s16], $0x500  }
0x72: {  	[sflag:s16] =	ssyncset.done $0x0  }
0x73: {  	[sflag:s16] =	ssyncadd.s32 $0xFFFFFB00  }
0x74: {  	_ =	swait.ge [sflag:s16], $0x500  }
0x75: {  	[sflag:s16] =	ssyncset.done $0x0  }
0x76: {  	[sflag:s16] =	ssyncadd.s32 $0xFFFFFB00  }
0x77: {  	_ =	swait.ge [sflag:s16], $0x500  }
0x78: {  	[sflag:s16] =	ssyncset.done $0x0  }
0x79: {  	[sflag:s16] =	ssyncadd.s32 $0xFFFFFB00  }
0x7a: {  	_ =	swait.ge [sflag:s16], $0x500  }
0x7b: {  	s19 =	sadd.s32 $0x1, s19;
	[sflag:s16] =	ssyncset.done $0x0  }
0x7c: {  	p0 =	sne.s32 s19, s11;
	[sflag:s16] =	ssyncadd.s32 $0xFFFFFB00  }
.Ltmp3:
0x7d: {  	[bflag:$0x0] =	sbarrier.arrive $0xFFFF;
	(pc) =	sbr.rel @p0 .LBB2_1-.Ltmp3, $4  }
0x7e: {  	[hbm:s10], [sflag:s17] =	dma.local [spmem:s18], $0x500  }
0x7f: {  	_ =	swait.ge [sflag:s12], $0x500  }
0x80: {  	[sflag:s12] =	ssyncset.done $0x0  }
0x81: {  	[sflag:s12] =	ssyncadd.s32 $0xFFFFFB00  }
0x82: {  	_ =	sfence.sel $0x180000  }
0x83: {  	[bflag:$0x0] =	sbarrier.arrive $0xFFFF  }
0x84: {  	p0 =	sne.s32 s1, $0x0;
	_ =	strace $0x90000047  }
0x85: {  	s0 =	sadd.s32 @!p0 $0x100000, s0;
	[bflag:$0x2] =	sbarrier.arrive $0xFFFF  }
0x86: {  	[sflag:s0] =	ssyncadd.tile.s32 @!p0 $0x1;
	_ =	shalt  }
.Lfunc_end2:
_tile_overlayer_lowered:
.L_overlay_start_2:
0x87: {  	(tag) =	ssettag $0x2  }
0x88: {  	s0 =	rddreg [dreg:$0x0];
	s2 =	stileid.u32  }
0x89: {  	s1 =	rddreg [dreg:$0x1];
	p0 =	sne.s32 s2, $0x0  }
0x8a: {  	s3 =	rddreg [dreg:$0x2];
	[bflag:$0x3] =	sbarrier.arrive $0xFFFF;
	s2 =	simm.s32 @!p0 $0x1C02  }
0x8b: {  	[timem:s3], [sflag:s2] =	dma.local @!p0 [hbm:s0], s1  }
0x8c: {  	s0 =	simm.s32 @!p0 $0x2  }
0x8d: {  	_ =	swait.ge @!p0 [sflag:s0], s1  }
0x8e: {  	s1 =	ssub.s32 @!p0 $0x0, s1;
	[sflag:s0] =	ssyncset.done @!p0 $0x0  }
0x8f: {  	[sflag:s0] =	ssyncadd.s32 @!p0 s1  }
0x90: {  	[bflag:$0x3] =	sbarrier.arrive $0xFFFF  }
0x91: {  	_ =	shalt  }

// kernel: kernel.13.cloned.1.call-start
scs
__scs_entry_jumppad:
0x0: {  	(pc) =	sbr.rel $0x88, $3  }
0x1: {  	(tag) =	ssettag $0x0;
	lr =	simm.s32 $0x1  }
0x2: {  	[smem:$0x3F95] =	sst lr;
	_ =	strace $0xD0000000  }
0x3: {  	_ = 	snop  }
0x4: {  	_ = 	snop  }
0x5: {  	_ = 	snop  }
0x6: {  	_ = 	snop  }
0x7: {  	_ = 	snop  }
__scs_overlays_trampoline_lowered:
0x8: {  	[smem:$0x3FA4] =	sst s0  }
0x9: {  	[smem:$0x3FA5] =	sst s1  }
0xa: {  	[smem:$0x3FA6] =	sst s2  }
0xb: {  	[smem:$0x3FA7] =	sst s3  }
0xc: {  	[smem:$0x3FA8] =	sst s4  }
0xd: {  	[smem:$0x3FA9] =	sst s5  }
0xe: {  	[smem:$0x3FAA] =	sst s6  }
0xf: {  	[smem:$0x3FAB] =	sst s7  }
0x10: {  	[smem:$0x3FAC] =	sst s8  }
0x11: {  	[smem:$0x3FAD] =	sst s9;
	s0 =	simm.s32 @!p0 $0x0  }
0x12: {  	s1 =	sld [smem:$0x3F93];
	s0 =	simm.s32 @p0 $0x1  }
0x13: {  	[smem:$0x3FAE] =	sst s0;
	s0 =	simm.s32 @!p1 $0x0  }
0x14: {  	s2 =	sld [smem:$0x3F92];
	s0 =	simm.s32 @p1 $0x1  }
0x15: {  	[smem:$0x3FAF] =	sst s0;
	s0 =	simm.s32 @!p2 $0x0  }
0x16: {  	s3 =	sld [smem:$0x3FDB];
	s0 =	simm.s32 @p2 $0x1  }
0x17: {  	s4 =	simm.s32 $0x1BF5;
	[smem:$0x3FB1] =	sst s0  }
0x18: {  	s0 =	sld [smem:$0x3F94];
	_ =	swait.ge [sflag:s4], $0x0  }
0x19: {  	s7 =	sld [smem:$0x3F95]  }
0x1a: {  	s8 =	sadd.s32 $0xFFFFE003, lr  }
0x1b: {  	s9 =	sadd.s32 $0xFFFFFEF7, lr;
	s5 =	simm.s32 $0xFFFFFFFF;
	p2 =	slt.u32 s8, $0xFFFFF086  }
0x1c: {  	p1 =	slt.u32 s9, $0xF7A;
	s5 =	simm.s32 @!p2 $0x0  }
0x1d: {  	s5 =	simm.s32 @p1 $0x1;
	p0 =	seq.s32 s7, s2  }
0x1e: {  	s7 =	smul.u32 @!p0 $0xF7A, s2;
	p2 =	seq.s32 @!p0 s5, $0x0  }
0x1f: {  	s9 =	smul.u32 $0xF7A, s1;
	s8 =	simm.s32 @!p0 $0x1BF5;
	p2 =	por !p2, p0  }
0x20: {  	[sflag:s8] =	ssyncset.s32 @!p0 $0xFFFFF086;
	s6 =	sadd.s32 @!p0 s3, s7;
	s7 =	simm.s32 @!p0 $0x108  }
0x21: {  	s3 =	sadd.s32 s3, s9;
	s6 =	sadd.s32 @!p0 $0x88, s6;
	s7 =	simm.s32 @p2 $0x1082  }
0x22: {  	[simem:s7], [sflag:s8] =	dma.local @!p0 [hbm:s6], $0xF7A  }
0x23: {  	s9 =	sor.u32 $0xD0000000, s2;
	s6 =	simm.s32 $0x108;
	_ =	swait.ge @!p0 [sflag:s8], $0x0  }
0x24: {  	s3 =	sadd.s32 $0x88, s3;
	s6 =	simm.s32 @!p1 $0x1082;
	[sflag:s4] =	ssyncset.s32 $0xFFFFF086  }
0x25: {  	[simem:s6], [sflag:s4] =	dma.local [hbm:s3], $0xF7A  }
0x26: {  	[smem:$0x3F95] =	sst s1;
	(tag) =	ssettag s2;
	_ =	strace s9  }
0x27: {  	s1 =	sld [smem:$0x3FA5]  }
0x28: {  	s2 =	sld [smem:$0x3FA6]  }
0x29: {  	s4 =	sld [smem:$0x3FA8]  }
0x2a: {  	p0 =	seq.s32 s5, $0x0;
	s5 =	sld [smem:$0x3FA9]  }
0x2b: {  	s6 =	sld [smem:$0x3FAA]  }
0x2c: {  	s7 =	sld [smem:$0x3FAB]  }
0x2d: {  	s3 =	simm.s32 $0x108;
	s8 =	sld [smem:$0x3FAC]  }
0x2e: {  	s3 =	simm.s32 @!p0 $0x1082;
	s9 =	sld [smem:$0x3FAD]  }
0x2f: {  	lr =	sadd.s32 s0, s3;
	s0 =	sld [smem:$0x3FA4]  }
0x30: {  	s3 =	sld [smem:$0x3FA7]  }
0x31: {  	[smem:$0x3FB0] =	sst s10  }
0x32: {  	s10 =	sld [smem:$0x3FAE];
	_ =	sdelay $0x3  }
0x33: {  	p0 =	seq.s32 s10, $0x1;
	s10 =	sld [smem:$0x3FB0];
	_ =	sdelay $0x3  }
0x34: {  	[smem:$0x3FB0] =	sst s10  }
0x35: {  	s10 =	sld [smem:$0x3FAF];
	_ =	sdelay $0x3  }
0x36: {  	p1 =	seq.s32 s10, $0x1;
	s10 =	sld [smem:$0x3FB0];
	_ =	sdelay $0x3  }
0x37: {  	[smem:$0x3FB0] =	sst s10  }
0x38: {  	s10 =	sld [smem:$0x3FB1]  }
0x39: {  	_ = 	snop;
	(pc) =	sbr.ind lr, $3  }
0x3a: {  	_ = 	snop  }
0x3b: {  	_ = 	snop  }
0x3c: {  	p2 =	seq.s32 s10, $0x1;
	s10 =	sld [smem:$0x3FB0]  }
0x3d: {  	_ =	shalt  }
0x3e: {  	_ =	shalt  }
0x3f: {  	_ =	shalt  }
0x40: {  	_ =	shalt  }
0x41: {  	_ =	shalt  }
0x42: {  	_ =	shalt  }
0x43: {  	_ =	shalt  }
0x44: {  	_ =	shalt  }
0x45: {  	_ =	shalt  }
0x46: {  	_ =	shalt  }
0x47: {  	_ =	shalt  }
0x48: {  	_ =	shalt  }
0x49: {  	_ =	shalt  }
0x4a: {  	_ =	shalt  }
0x4b: {  	_ =	shalt  }
0x4c: {  	_ =	shalt  }
0x4d: {  	_ =	shalt  }
0x4e: {  	_ =	shalt  }
0x4f: {  	_ =	shalt  }
0x50: {  	_ =	shalt  }
0x51: {  	_ =	shalt  }
0x52: {  	_ =	shalt  }
0x53: {  	_ =	shalt  }
0x54: {  	_ =	shalt  }
0x55: {  	_ =	shalt  }
0x56: {  	_ =	shalt  }
0x57: {  	_ =	shalt  }
0x58: {  	_ =	shalt  }
0x59: {  	_ =	shalt  }
0x5a: {  	_ =	shalt  }
0x5b: {  	_ =	shalt  }
0x5c: {  	_ =	shalt  }
0x5d: {  	_ =	shalt  }
0x5e: {  	_ =	shalt  }
0x5f: {  	_ =	shalt  }
0x60: {  	_ =	shalt  }
0x61: {  	_ =	shalt  }
0x62: {  	_ =	shalt  }
0x63: {  	_ =	shalt  }
0x64: {  	_ =	shalt  }
0x65: {  	_ =	shalt  }
0x66: {  	_ =	shalt  }
0x67: {  	_ =	shalt  }
0x68: {  	_ =	shalt  }
0x69: {  	_ =	shalt  }
0x6a: {  	_ =	shalt  }
0x6b: {  	_ =	shalt  }
0x6c: {  	_ =	shalt  }
0x6d: {  	_ =	shalt  }
0x6e: {  	_ =	shalt  }
0x6f: {  	_ =	shalt  }
0x70: {  	_ =	shalt  }
0x71: {  	_ =	shalt  }
0x72: {  	_ =	shalt  }
0x73: {  	_ =	shalt  }
0x74: {  	_ =	shalt  }
0x75: {  	_ =	shalt  }
0x76: {  	_ =	shalt  }
0x77: {  	_ =	shalt  }
0x78: {  	_ =	shalt  }
0x79: {  	_ =	shalt  }
0x7a: {  	_ =	shalt  }
0x7b: {  	_ =	shalt  }
0x7c: {  	_ =	shalt  }
0x7d: {  	_ =	shalt  }
0x7e: {  	_ =	shalt  }
0x7f: {  	_ =	shalt  }
0x80: {  	_ =	shalt  }
0x81: {  	_ =	shalt  }
0x82: {  	_ =	shalt  }
0x83: {  	_ =	shalt  }
0x84: {  	_ =	shalt  }
0x85: {  	_ =	shalt  }
0x86: {  	_ =	shalt  }
0x87: {  	_ =	shalt  }
.Lfunc_end0:
.L_simem_size_0:
called_computation.1_lowered:
.L_overlay_start_0:
0x88: {  	s2 =	sld [smem:$0x3FD9]  }
0x89: {  	s3 =	sld [smem:$0x3FFE];
	_ =	sdelay $0x1  }
0x8a: {  	s1 =	srdreg.scid  }
0x8b: {  	s0 =	sand.u32 $0x1, s1  }
0x8c: {  	s16 =	sshll.u32 s0, $0xA;
	s2 =	sadd.s32 s3, s2  }
0x8d: {  	s2 =	sadd.s32 s2, s16  }
0x8e: {  	[smem:$0x3FBC] =	sst s2  }
0x8f: {  	_ = 	snop  }
0x90: {  	(tm) =	ssettm $0x1  }
0x91: {  	s17 =	sld [smem:$0x3FFB];
	_ =	sdelay $0x3  }
0x92: {  	_ =	strace s17  }
0x93: {  	s2 =	sld [smem:$0x3FFC];
	_ =	sdelay $0x3  }
0x94: {  	_ =	strace s2  }
0x95: {  	s2 =	sld [smem:$0x3FFD];
	_ =	sdelay $0x3  }
0x96: {  	_ =	strace s2  }
0x97: {  	_ =	strace $0x8FFFFFFF  }
0x98: {  	s18 =	sld [smem:$0x3FDB];
	_ =	sdelay $0x1  }
0x99: {  	s19 =	simm.s32 $_scs_section_size  }
0x9a: {  	s4 =	simm.s32 $_size__tile_overlayer_lowered;
	s5 =	simm.s32 $_tile_overlayer_lowered  }
0x9b: {  	s22 =	simm.s32 $0x1BFF;
	s21 =	sshll.u32 s5, $0x1;
	s2 =	sadd.s32 s19, s18  }
0x9c: {  	s6 =	simm.s32 $0x0;
	s20 =	sshll.u32 s4, $0x1;
	s4 =	sadd.s32 s21, s2  }
0x9d: {  	[timem:s6], [sflag:s22] =	dma.local [hbm:s4], s20  }
0x9e: {  	_ =	swait.ge [sflag:s22], s20  }
0x9f: {  	s3 =	ssub.s32 $0x0, s20;
	[sflag:s22] =	ssyncset.done $0x0  }
0xa0: {  	[sflag:s22] =	ssyncadd.s32 s3;
	_ =	sdelay $0x1  }
0xa1: {  	s23 =	simm.s32 $0x1B8B  }
0xa2: {  	_ =	swait.ge [sflag:s23], $0x1  }
0xa3: {  	[sflag:s23] =	ssyncset.done $0x0  }
0xa4: {  	s25 =	simm.s32 $0x1B8E;
	s24 =	sld [smem:$0x3FFE];
	[sflag:s23] =	ssyncadd.s32 $0xFFFFFFFF  }
0xa5: {  	s26 =	simm.s32 $execute0_lowered;
	[smem:$0x3FD2] =	sst s25  }
0xa6: {  	s4 =	sshll.u32 s26, $0x1;
	_ =	strace $0x80000049;
	[dreg:$0x1] =	wrdreg $0xFFFFFFFF  }
0xa7: {  	s28 =	simm.s32 $_size_execute0_lowered;
	s2 =	sadd.s32 s2, s4;
	[dreg:$0x0] =	wrdreg $0x0  }
0xa8: {  	s4 =	sshll.u32 s28, $0x1;
	[dreg:$0x2] =	wrdreg s2  }
0xa9: {  	[dreg:$0x3] =	wrdreg s4  }
0xaa: {  	[dreg:$0x4] =	wrdreg $0xC0  }
0xab: {  	_ =	task [dreg:s6], $0x5FFFF  }
0xac: {  	[dreg:$0x1] =	wrdreg $0xFFFFFFFF  }
0xad: {  	[dreg:$0x0] =	wrdreg $0x60  }
0xae: {  	[dreg:$0x2] =	wrdreg s24  }
0xaf: {  	[dreg:$0x3] =	wrdreg $0xB2200  }
0xb0: {  	[dreg:$0x4] =	wrdreg $0x9  }
0xb1: {  	_ =	task.clear_ibuf [dreg:s6], $0x5FFFF;
	_ =	strace $0x90000049  }
0xb2: {  	s29 =	simm.s32 $0x9;
	_ =	strace $0x8000004B  }
0xb3: {  	_ =	swait.ge [sflag:s29], $0x1  }
0xb4: {  	[sflag:s29] =	ssyncadd.s32 $0xFFFFFFFF  }
0xb5: {  	_ =	strace $0x9000004B  }
0xb6: {  	_ =	sfence  }
0xb7: {  	s30 =	sld [smem:$0x0];
	_ =	sdelay $0x2  }
0xb8: {  	s31 =	sshll.u32 s1, $0xD;
	s1 =	sshrl.u32 s1, $0x2  }
0xb9: {  	s3 =	sand.u32 $0x4000, s31;
	s1 =	sadd.s32 s1, s30  }
0xba: {  	s0 =	sor.u32 s3, s0;
	s1 =	sshll.u32 s1, $0x11  }
0xbb: {  	s0 =	sor.u32 s1, s0  }
0xbc: {  	s0 =	sadd.s32 $0x8F2B, s0  }
0xbd: {  	[sflag:s0] =	ssyncadd.remote.s32 $0x1  }
0xbe: {  	_ =	sfence.sel $0xFFFF  }
0xbf: {  	[dreg:$0x0] =	wrdreg $0xFFFFFFFF;
	(pc) =	sbr.abs _section_cstart, $3  }
0xc0: {  	[dreg:$0x1] =	wrdreg $0xFFFFFFFF  }
0xc1: {  	_ =	task.clear_ibuf [dreg:s6], $0x2FFFF;
	_ =	strace $0x9FFFFFFF  }
0xc2: {  	(tm) =	ssettm $0x7FFFFFFF  }
0xc3: {  	_ =	shalt  }
tec
execute0_lowered:
.L_overlay_start_1:
0x0: {  	(tag) =	ssettag $0x1  }
0x1: {  	s0 =	srdreg.scid;
	s3 =	rddreg [dreg:$0x0]  }
0x2: {  	s7 =	stileid.u32;
	s2 =	rddreg [dreg:$0x1];
	s6 =	simm.s32 $0x0  }
0x3: {  	s28 =	simm.s32 $0x4E20;
	s29 =	simm.s32 $0x28;
	s30 =	simm.s32 $0x6220  }
0x4: {  	s31 =	simm.s32 $0x1;
	s0 =	sand.u32 $0x1, s0;
	s5 =	smul.u32 $0x14000, s7  }
0x5: {  	s1 =	sshll.u32 s7, $0x1;
	[smem:$0x7FF] =	sst s6;
	s7 =	smul.u32 $0x50000, s7  }
0x6: {  	s6 =	simm.s32 $0x4;
	s1 =	sor.u32 s0, s1;
	s4 =	smul.u32 $0x140000, s0  }
0x7: {  	_ =	strace $0x8000004A;
	s0 =	ssub.s32 $0x2, s0;
	s1 =	smul.u32 $0x2710, s1  }
0x8: {  	s9 =	sshrl.u32 s0, $0x1;
	s11 =	sshrl.u32 s7, $0x2;
	s7 =	sadd.s32 s5, s2  }
0x9: {  	s4 =	sadd.s32 s5, s4;
	s0 =	ssub.s32 s0, s9;
	s12 =	sadd.s32 s11, s2  }
0xa: {  	s5 =	simm.s32 $0x3;
	s9 =	simm.s32 $0x0;
	s1 =	sshrl.u32 s1, $0x3  }
0xb: {  	s8 =	sshrl.u32 s4, $0x3;
	s4 =	sadd.s32 $0x67400, s3;
	s22 =	sadd.s32 $0x1400, s12  }
0xc: {  	s23 =	sadd.s32 $0x2800, s12;
	s24 =	sadd.s32 $0x3C00, s12;
	s25 =	sadd.s32 $0x5000, s12  }
0xd: {  	s26 =	sadd.s32 $0x6400, s12;
	s13 =	sadd.s32 $0x7800, s12;
	s14 =	sadd.s32 $0x8C00, s12  }
0xe: {  	s15 =	sadd.s32 $0xA000, s12;
	s16 =	sadd.s32 $0xB400, s12;
	[dreg:$0x5] =	wrdreg s22  }
0xf: {  	s17 =	sadd.s32 $0xC800, s12;
	s18 =	sadd.s32 $0xDC00, s12;
	[dreg:$0x6] =	wrdreg s23  }
0x10: {  	s19 =	sadd.s32 $0xF000, s12;
	s20 =	sadd.s32 $0x10400, s12;
	[dreg:$0x7] =	wrdreg s24  }
0x11: {  	s21 =	sadd.s32 $0x11800, s12;
	s1 =	sadd.s32 s1, s3;
	[dreg:$0x8] =	wrdreg s25  }
0x12: {  	s3 =	sadd.s32 s8, s3;
	[dreg:$0x9] =	wrdreg s26;
	s22 =	sadd.s32 $0x12C00, s12  }
0x13: {  	s24 =	smax.u32 s0, $0x1;
	s25 =	simm.s32 $0x6;
	s26 =	simm.s32 $0x8A20  }
0x14: {  	s0 =	simm.s32 $0x9E20;
	s8 =	simm.s32 $0x5;
	s10 =	sadd.s32 $0x3A00, s1  }
0x15: {  	s1 =	sadd.s32 $0xD640, s1;
	s23 =	sadd.s32 $0x8E600, s3;
	[dreg:$0x3] =	wrdreg s10  }
0x16: {  	v0 =	vimm.f32 $0.0e+00;
	s3 =	simm.s32 $0x2;
	[dreg:$0x4] =	wrdreg s1;
	s1 =	simm.s32 $0x7620  }
.LBB2_1:
0x17: {  	s10 =	simm.s32 $0x0;
	s11 =	rddreg [dreg:$0x3]  }
0x18: {  	[tilespmem:s10], [sflag:$0x6] =	stream.linear.gather [hbm4b:s11+s10], $0x2710, $0x38;
	[tilespmem:$0x1F220] =	vst v63  }
0x19: {  	_ =	swait.ge [sflag:s25], $0x2710  }
0x1a: {  	[sflag:s25] =	ssyncset.done $0x0  }
0x1b: {  	s12 =	simm.s32 $0x2710;
	s11 =	rddreg [dreg:$0x4];
	[sflag:s25] =	ssyncadd.s32 $0xFFFFD8F0  }
0x1c: {  	[tilespmem:s12], [sflag:$0x6] =	stream.linear.gather [hbm4b:s11+s10], $0x2710, $0x38;
	[tilespmem:$0x1F220] =	vst v63  }
0x1d: {  	_ =	swait.ge [sflag:s25], $0x2710  }
0x1e: {  	[sflag:s25] =	ssyncset.done $0x0  }
0x1f: {  	s10 =	simm.s32 $0x0;
	s11 =	simm.s32 $0x200;
	[sflag:s25] =	ssyncadd.s32 $0xFFFFD8F0  }
.LBB2_2:
0x20: {  	p0 =	sne.s32 s11, $0x4E00;
	[tilespmem:s10+$0x4E90] =	vst v0  }
0x21: {  	[tilespmem:s10+$0x4E20] =	vst v0  }
0x22: {  	[tilespmem:s10+$0x4E30] =	vst v0  }
.Ltmp0:
0x23: {  	[tilespmem:s10+$0x4E40] =	vst v0;
	(pc) =	sbr.rel @p0 .LBB2_2-.Ltmp0, $4  }
0x24: {  	[tilespmem:s10+$0x4E50] =	vst v0  }
0x25: {  	[tilespmem:s10+$0x4E60] =	vst v0  }
0x26: {  	[tilespmem:s10+$0x4E70] =	vst v0  }
0x27: {  	[tilespmem:s10+$0x4E80] =	vst v0;
	s10 =	sshra.s32 s11, $0x2;
	s11 =	sadd.s32 $0x200, s11  }
0x28: {  	[tilespmem:s10+$0x4E90] =	vst v0  }
0x29: {  	[tilespmem:s10+$0x4E20] =	vst v0  }
0x2a: {  	[tilespmem:s10+$0x4E30] =	vst v0  }
0x2b: {  	[tilespmem:s10+$0x4E40] =	vst v0  }
0x2c: {  	[tilespmem:s10+$0x4E50] =	vst v0  }
0x2d: {  	[tilespmem:s10+$0x4E60] =	vst v0  }
0x2e: {  	[tilespmem:s10+$0x4E70] =	vst v0  }
0x2f: {  	[tilespmem:s10+$0x4E80] =	vst v0  }
0x30: {  	[spmem:s7] =	stream.linear.scatter [tilespmem:s28], [sflag:$0x6], $0x1400, $0x38;
	[tilespmem:$0x1F220] =	vst v63  }
0x31: {  	_ =	swait.ge [sflag:s25], $0x1400  }
0x32: {  	[sflag:s25] =	ssyncset.done $0x0  }
0x33: {  	s11 =	rddreg [dreg:$0x5];
	[sflag:s25] =	ssyncadd.s32 $0xFFFFEC00  }
0x34: {  	[spmem:s11] =	stream.linear.scatter [tilespmem:s28], [sflag:$0x6], $0x1400, $0x38;
	[tilespmem:$0x1F220] =	vst v63  }
0x35: {  	_ =	swait.ge [sflag:s25], $0x1400  }
0x36: {  	[sflag:s25] =	ssyncset.done $0x0  }
0x37: {  	s12 =	rddreg [dreg:$0x6];
	[sflag:s25] =	ssyncadd.s32 $0xFFFFEC00  }
0x38: {  	[spmem:s12] =	stream.linear.scatter [tilespmem:s28], [sflag:$0x6], $0x1400, $0x38;
	[tilespmem:$0x1F220] =	vst v63  }
0x39: {  	_ =	swait.ge [sflag:s25], $0x1400  }
0x3a: {  	[sflag:s25] =	ssyncset.done $0x0  }
0x3b: {  	s11 =	rddreg [dreg:$0x7];
	[sflag:s25] =	ssyncadd.s32 $0xFFFFEC00  }
0x3c: {  	[spmem:s11] =	stream.linear.scatter [tilespmem:s28], [sflag:$0x6], $0x1400, $0x38;
	[tilespmem:$0x1F220] =	vst v63  }
0x3d: {  	_ =	swait.ge [sflag:s25], $0x1400  }
0x3e: {  	[sflag:s25] =	ssyncset.done $0x0  }
0x3f: {  	s12 =	rddreg [dreg:$0x8];
	[sflag:s25] =	ssyncadd.s32 $0xFFFFEC00  }
0x40: {  	[spmem:s12] =	stream.linear.scatter [tilespmem:s28], [sflag:$0x6], $0x1400, $0x38;
	[tilespmem:$0x1F220] =	vst v63  }
0x41: {  	_ =	swait.ge [sflag:s25], $0x1400  }
0x42: {  	[sflag:s25] =	ssyncset.done $0x0  }
0x43: {  	s11 =	rddreg [dreg:$0x9];
	[sflag:s25] =	ssyncadd.s32 $0xFFFFEC00  }
0x44: {  	[spmem:s11] =	stream.linear.scatter [tilespmem:s28], [sflag:$0x6], $0x1400, $0x38;
	[tilespmem:$0x1F220] =	vst v63  }
0x45: {  	_ =	swait.ge [sflag:s25], $0x1400  }
0x46: {  	[sflag:s25] =	ssyncset.done $0x0  }
0x47: {  	[sflag:s25] =	ssyncadd.s32 $0xFFFFEC00  }
0x48: {  	[spmem:s13] =	stream.linear.scatter [tilespmem:s28], [sflag:$0x6], $0x1400, $0x38;
	[tilespmem:$0x1F220] =	vst v63  }
0x49: {  	_ =	swait.ge [sflag:s25], $0x1400  }
0x4a: {  	[sflag:s25] =	ssyncset.done $0x0  }
0x4b: {  	[sflag:s25] =	ssyncadd.s32 $0xFFFFEC00  }
0x4c: {  	[spmem:s14] =	stream.linear.scatter [tilespmem:s28], [sflag:$0x6], $0x1400, $0x38;
	[tilespmem:$0x1F220] =	vst v63  }
0x4d: {  	_ =	swait.ge [sflag:s25], $0x1400  }
0x4e: {  	[sflag:s25] =	ssyncset.done $0x0  }
0x4f: {  	[sflag:s25] =	ssyncadd.s32 $0xFFFFEC00  }
0x50: {  	[spmem:s15] =	stream.linear.scatter [tilespmem:s28], [sflag:$0x6], $0x1400, $0x38;
	[tilespmem:$0x1F220] =	vst v63  }
0x51: {  	_ =	swait.ge [sflag:s25], $0x1400  }
0x52: {  	[sflag:s25] =	ssyncset.done $0x0  }
0x53: {  	[sflag:s25] =	ssyncadd.s32 $0xFFFFEC00  }
0x54: {  	[spmem:s16] =	stream.linear.scatter [tilespmem:s28], [sflag:$0x6], $0x1400, $0x38;
	[tilespmem:$0x1F220] =	vst v63  }
0x55: {  	_ =	swait.ge [sflag:s25], $0x1400  }
0x56: {  	[sflag:s25] =	ssyncset.done $0x0  }
0x57: {  	[sflag:s25] =	ssyncadd.s32 $0xFFFFEC00  }
0x58: {  	[spmem:s17] =	stream.linear.scatter [tilespmem:s28], [sflag:$0x6], $0x1400, $0x38;
	[tilespmem:$0x1F220] =	vst v63  }
0x59: {  	_ =	swait.ge [sflag:s25], $0x1400  }
0x5a: {  	[sflag:s25] =	ssyncset.done $0x0  }
0x5b: {  	[sflag:s25] =	ssyncadd.s32 $0xFFFFEC00  }
0x5c: {  	[spmem:s18] =	stream.linear.scatter [tilespmem:s28], [sflag:$0x6], $0x1400, $0x38;
	[tilespmem:$0x1F220] =	vst v63  }
0x5d: {  	_ =	swait.ge [sflag:s25], $0x1400  }
0x5e: {  	[sflag:s25] =	ssyncset.done $0x0  }
0x5f: {  	[sflag:s25] =	ssyncadd.s32 $0xFFFFEC00  }
0x60: {  	[spmem:s19] =	stream.linear.scatter [tilespmem:s28], [sflag:$0x6], $0x1400, $0x38;
	[tilespmem:$0x1F220] =	vst v63  }
0x61: {  	_ =	swait.ge [sflag:s25], $0x1400  }
0x62: {  	[sflag:s25] =	ssyncset.done $0x0  }
0x63: {  	[sflag:s25] =	ssyncadd.s32 $0xFFFFEC00  }
0x64: {  	[spmem:s20] =	stream.linear.scatter [tilespmem:s28], [sflag:$0x6], $0x1400, $0x38;
	[tilespmem:$0x1F220] =	vst v63  }
0x65: {  	_ =	swait.ge [sflag:s25], $0x1400  }
0x66: {  	[sflag:s25] =	ssyncset.done $0x0  }
0x67: {  	[sflag:s25] =	ssyncadd.s32 $0xFFFFEC00  }
0x68: {  	[spmem:s21] =	stream.linear.scatter [tilespmem:s28], [sflag:$0x6], $0x1400, $0x38;
	[tilespmem:$0x1F220] =	vst v63  }
0x69: {  	_ =	swait.ge [sflag:s25], $0x1400  }
0x6a: {  	[sflag:s25] =	ssyncset.done $0x0  }
0x6b: {  	[sflag:s25] =	ssyncadd.s32 $0xFFFFEC00  }
0x6c: {  	[spmem:s22] =	stream.linear.scatter [tilespmem:s28], [sflag:$0x6], $0x1400, $0x38;
	[tilespmem:$0x1F220] =	vst v63  }
0x6d: {  	_ =	swait.ge [sflag:s25], $0x1400  }
0x6e: {  	[sflag:s25] =	ssyncset.done $0x0  }
0x6f: {  	[sflag:s25] =	ssyncadd.s32 $0xFFFFEC00  }
0x70: {  	s12 =	simm.s32 $0x0;
	[bflag:$0x0] =	sbarrier.arrive $0xFFFF  }
0x71: {  	[tilespmem:s28], [sflag:$0x1] =	stream.indirect.gather [hbm4b:s4+s29], $0x80, s12, s29, $0xb8;
	[tilespmem:$0x1F220] =	vst v63  }
0x72: {  	_ = 	snop  }
0x73: {  	[tilespmem:s30], [sflag:$0x2] =	stream.indirect.gather [hbm4b:s4+s29], $0x80, s29, s29, $0xb8;
	[tilespmem:$0x1F220] =	vst v63  }
0x74: {  	s11 =	simm.s32 $0x50  }
0x75: {  	[tilespmem:s1], [sflag:$0x3] =	stream.indirect.gather [hbm4b:s4+s29], $0x80, s11, s29, $0xb8;
	[tilespmem:$0x1F220] =	vst v63  }
0x76: {  	s12 =	simm.s32 $0x78  }
0x77: {  	[tilespmem:s26], [sflag:$0x4] =	stream.indirect.gather [hbm4b:s4+s29], $0x80, s12, s29, $0xb8;
	[tilespmem:$0x1F220] =	vst v63  }
0x78: {  	s11 =	simm.s32 $0xA0  }
0x79: {  	[tilespmem:s0], [sflag:$0x5] =	stream.indirect.gather [hbm4b:s4+s29], $0x80, s11, s29, $0xb8;
	[tilespmem:$0x1F220] =	vst v63  }
0x7a: {  	_ =	swait.ge [sflag:s31], $0x1400  }
0x7b: {  	[sflag:s31] =	ssyncset.done $0x0  }
0x7c: {  	s12 =	simm.s32 $0x2710;
	[sflag:s31] =	ssyncadd.s32 $0xFFFFEC00  }
0x7d: {  	[spmem:s2] =	stream.indirect.scatter.add.f32 [tilespmem:s28], [sflag:$0x6], $0x80, s12, s29, $0xb8;
	[tilespmem:$0x1F220] =	vst v63  }
0x7e: {  	_ =	swait.ge [sflag:s25], $0x1400  }
0x7f: {  	[sflag:s25] =	ssyncset.done $0x0  }
0x80: {  	s11 =	simm.s32 $0xC8;
	[sflag:s25] =	ssyncadd.s32 $0xFFFFEC00  }
0x81: {  	[tilespmem:s28], [sflag:$0x1] =	stream.indirect.gather [hbm4b:s4+s29], $0x80, s11, s29, $0xb8;
	[tilespmem:$0x1F220] =	vst v63  }
0x82: {  	_ =	swait.ge [sflag:s3], $0x1400  }
0x83: {  	[sflag:s3] =	ssyncset.done $0x0  }
0x84: {  	s12 =	simm.s32 $0x2738;
	[sflag:s3] =	ssyncadd.s32 $0xFFFFEC00  }
0x85: {  	[spmem:s2] =	stream.indirect.scatter.add.f32 [tilespmem:s30], [sflag:$0x6], $0x80, s12, s29, $0xb8;
	[tilespmem:$0x1F220] =	vst v63  }
0x86: {  	_ =	swait.ge [sflag:s25], $0x1400  }
0x87: {  	[sflag:s25] =	ssyncset.done $0x0  }
0x88: {  	s11 =	simm.s32 $0xF0;
	[sflag:s25] =	ssyncadd.s32 $0xFFFFEC00  }
0x89: {  	[tilespmem:s30], [sflag:$0x2] =	stream.indirect.gather [hbm4b:s4+s29], $0x80, s11, s29, $0xb8;
	[tilespmem:$0x1F220] =	vst v63  }
0x8a: {  	_ =	swait.ge [sflag:s5], $0x1400  }
0x8b: {  	[sflag:s5] =	ssyncset.done $0x0  }
0x8c: {  	s12 =	simm.s32 $0x2760;
	[sflag:s5] =	ssyncadd.s32 $0xFFFFEC00  }
0x8d: {  	[spmem:s2] =	stream.indirect.scatter.add.f32 [tilespmem:s1], [sflag:$0x6], $0x80, s12, s29, $0xb8;
	[tilespmem:$0x1F220] =	vst v63  }
0x8e: {  	_ =	swait.ge [sflag:s25], $0x1400  }
0x8f: {  	[sflag:s25] =	ssyncset.done $0x0  }
0x90: {  	s11 =	simm.s32 $0x118;
	[sflag:s25] =	ssyncadd.s32 $0xFFFFEC00  }
0x91: {  	[tilespmem:s1], [sflag:$0x3] =	stream.indirect.gather [hbm4b:s4+s29], $0x80, s11, s29, $0xb8;
	[tilespmem:$0x1F220] =	vst v63  }
0x92: {  	_ =	swait.ge [sflag:s6], $0x1400  }
0x93: {  	[sflag:s6] =	ssyncset.done $0x0  }
0x94: {  	s12 =	simm.s32 $0x2788;
	[sflag:s6] =	ssyncadd.s32 $0xFFFFEC00  }
0x95: {  	[spmem:s2] =	stream.indirect.scatter.add.f32 [tilespmem:s26], [sflag:$0x6], $0x80, s12, s29, $0xb8;
	[tilespmem:$0x1F220] =	vst v63  }
0x96: {  	_ =	swait.ge [sflag:s25], $0x1400  }
0x97: {  	[sflag:s25] =	ssyncset.done $0x0  }
0x98: {  	s11 =	simm.s32 $0x140;
	[sflag:s25] =	ssyncadd.s32 $0xFFFFEC00  }
0x99: {  	[tilespmem:s26], [sflag:$0x4] =	stream.indirect.gather [hbm4b:s4+s29], $0x80, s11, s29, $0xb8;
	[tilespmem:$0x1F220] =	vst v63  }
0x9a: {  	_ =	swait.ge [sflag:s8], $0x1400  }
0x9b: {  	[sflag:s8] =	ssyncset.done $0x0  }
0x9c: {  	s12 =	simm.s32 $0x27B0;
	[sflag:s8] =	ssyncadd.s32 $0xFFFFEC00  }
0x9d: {  	[spmem:s2] =	stream.indirect.scatter.add.f32 [tilespmem:s0], [sflag:$0x6], $0x80, s12, s29, $0xb8;
	[tilespmem:$0x1F220] =	vst v63  }
0x9e: {  	_ =	swait.ge [sflag:s25], $0x1400  }
0x9f: {  	[sflag:s25] =	ssyncset.done $0x0  }
0xa0: {  	s10 =	simm.s32 $0x320;
	s11 =	simm.s32 $0x168;
	[sflag:s25] =	ssyncadd.s32 $0xFFFFEC00  }
.LBB2_4:
0xa1: {  	[tilespmem:s0], [sflag:$0x5] =	stream.indirect.gather [hbm4b:s4+s29], $0x80, s11, s29, $0xb8;
	[tilespmem:$0x1F220] =	vst v63  }
0xa2: {  	s11 =	smov.u32 s10  }
0xa3: {  	p0 =	sne.s32 s10, $0x9600;
	s10 =	sadd.s32 $0x320, s10;
	_ =	swait.ge [sflag:s31], $0x1400  }
0xa4: {  	s11 =	sshra.s32 s11, $0x2;
	[sflag:s31] =	ssyncset.done $0x0  }
0xa5: {  	s12 =	sadd.s32 $0x2710, s11;
	[sflag:s31] =	ssyncadd.s32 $0xFFFFEC00  }
0xa6: {  	[spmem:s2] =	stream.indirect.scatter.add.f32 [tilespmem:s28], [sflag:$0x6], $0x80, s12, s29, $0xb8;
	[tilespmem:$0x1F220] =	vst v63  }
0xa7: {  	_ =	swait.ge [sflag:s25], $0x1400  }
0xa8: {  	[sflag:s25] =	ssyncset.done $0x0  }
0xa9: {  	s12 =	sadd.s32 $0xC8, s11;
	[sflag:s25] =	ssyncadd.s32 $0xFFFFEC00  }
0xaa: {  	[tilespmem:s28], [sflag:$0x1] =	stream.indirect.gather [hbm4b:s4+s29], $0x80, s12, s29, $0xb8;
	[tilespmem:$0x1F220] =	vst v63  }
0xab: {  	_ =	swait.ge [sflag:s3], $0x1400  }
0xac: {  	[sflag:s3] =	ssyncset.done $0x0  }
0xad: {  	s12 =	sadd.s32 $0x2738, s11;
	[sflag:s3] =	ssyncadd.s32 $0xFFFFEC00  }
0xae: {  	[spmem:s2] =	stream.indirect.scatter.add.f32 [tilespmem:s30], [sflag:$0x6], $0x80, s12, s29, $0xb8;
	[tilespmem:$0x1F220] =	vst v63  }
0xaf: {  	_ =	swait.ge [sflag:s25], $0x1400  }
0xb0: {  	[sflag:s25] =	ssyncset.done $0x0  }
0xb1: {  	s12 =	sadd.s32 $0xF0, s11;
	[sflag:s25] =	ssyncadd.s32 $0xFFFFEC00  }
0xb2: {  	[tilespmem:s30], [sflag:$0x2] =	stream.indirect.gather [hbm4b:s4+s29], $0x80, s12, s29, $0xb8;
	[tilespmem:$0x1F220] =	vst v63  }
0xb3: {  	_ =	swait.ge [sflag:s5], $0x1400  }
0xb4: {  	[sflag:s5] =	ssyncset.done $0x0  }
0xb5: {  	s12 =	sadd.s32 $0x2760, s11;
	[sflag:s5] =	ssyncadd.s32 $0xFFFFEC00  }
0xb6: {  	[spmem:s2] =	stream.indirect.scatter.add.f32 [tilespmem:s1], [sflag:$0x6], $0x80, s12, s29, $0xb8;
	[tilespmem:$0x1F220] =	vst v63  }
0xb7: {  	_ =	swait.ge [sflag:s25], $0x1400  }
0xb8: {  	[sflag:s25] =	ssyncset.done $0x0  }
0xb9: {  	s12 =	sadd.s32 $0x118, s11;
	[sflag:s25] =	ssyncadd.s32 $0xFFFFEC00  }
0xba: {  	[tilespmem:s1], [sflag:$0x3] =	stream.indirect.gather [hbm4b:s4+s29], $0x80, s12, s29, $0xb8;
	[tilespmem:$0x1F220] =	vst v63  }
0xbb: {  	_ =	swait.ge [sflag:s6], $0x1400  }
0xbc: {  	[sflag:s6] =	ssyncset.done $0x0  }
0xbd: {  	s12 =	sadd.s32 $0x2788, s11;
	[sflag:s6] =	ssyncadd.s32 $0xFFFFEC00  }
0xbe: {  	[spmem:s2] =	stream.indirect.scatter.add.f32 [tilespmem:s26], [sflag:$0x6], $0x80, s12, s29, $0xb8;
	[tilespmem:$0x1F220] =	vst v63  }
0xbf: {  	_ =	swait.ge [sflag:s25], $0x1400  }
0xc0: {  	[sflag:s25] =	ssyncset.done $0x0  }
0xc1: {  	s12 =	sadd.s32 $0x140, s11;
	[sflag:s25] =	ssyncadd.s32 $0xFFFFEC00  }
0xc2: {  	[tilespmem:s26], [sflag:$0x4] =	stream.indirect.gather [hbm4b:s4+s29], $0x80, s12, s29, $0xb8;
	[tilespmem:$0x1F220] =	vst v63  }
0xc3: {  	_ =	swait.ge [sflag:s8], $0x1400  }
0xc4: {  	[sflag:s8] =	ssyncset.done $0x0  }
.Ltmp1:
0xc5: {  	s12 =	sadd.s32 $0x27B0, s11;
	[sflag:s8] =	ssyncadd.s32 $0xFFFFEC00;
	(pc) =	sbr.rel @p0 .LBB2_4-.Ltmp1, $4  }
0xc6: {  	[spmem:s2] =	stream.indirect.scatter.add.f32 [tilespmem:s0], [sflag:$0x6], $0x80, s12, s29, $0xb8;
	[tilespmem:$0x1F220] =	vst v63  }
0xc7: {  	_ =	swait.ge [sflag:s25], $0x1400  }
0xc8: {  	[sflag:s25] =	ssyncset.done $0x0  }
0xc9: {  	s11 =	sadd.s32 $0x168, s11;
	[sflag:s25] =	ssyncadd.s32 $0xFFFFEC00  }
0xca: {  	[tilespmem:s0], [sflag:$0x5] =	stream.indirect.gather [hbm4b:s4+s29], $0x80, s11, s29, $0xb8;
	[tilespmem:$0x1F220] =	vst v63  }
0xcb: {  	_ =	swait.ge [sflag:s31], $0x1400  }
0xcc: {  	[sflag:s31] =	ssyncset.done $0x0  }
0xcd: {  	s10 =	simm.s32 $0x4D58;
	[sflag:s31] =	ssyncadd.s32 $0xFFFFEC00  }
0xce: {  	[spmem:s2] =	stream.indirect.scatter.add.f32 [tilespmem:s28], [sflag:$0x6], $0x80, s10, s29, $0xb8;
	[tilespmem:$0x1F220] =	vst v63  }
0xcf: {  	_ =	swait.ge [sflag:s25], $0x1400  }
0xd0: {  	[sflag:s25] =	ssyncset.done $0x0  }
0xd1: {  	[sflag:s25] =	ssyncadd.s32 $0xFFFFEC00  }
0xd2: {  	_ =	swait.ge [sflag:s3], $0x1400  }
0xd3: {  	[sflag:s3] =	ssyncset.done $0x0  }
0xd4: {  	s11 =	simm.s32 $0x4D80;
	[sflag:s3] =	ssyncadd.s32 $0xFFFFEC00  }
0xd5: {  	[spmem:s2] =	stream.indirect.scatter.add.f32 [tilespmem:s30], [sflag:$0x6], $0x80, s11, s29, $0xb8;
	[tilespmem:$0x1F220] =	vst v63  }
0xd6: {  	_ =	swait.ge [sflag:s25], $0x1400  }
0xd7: {  	[sflag:s25] =	ssyncset.done $0x0  }
0xd8: {  	[sflag:s25] =	ssyncadd.s32 $0xFFFFEC00  }
0xd9: {  	_ =	swait.ge [sflag:s5], $0x1400  }
0xda: {  	[sflag:s5] =	ssyncset.done $0x0  }
0xdb: {  	s12 =	simm.s32 $0x4DA8;
	[sflag:s5] =	ssyncadd.s32 $0xFFFFEC00  }
0xdc: {  	[spmem:s2] =	stream.indirect.scatter.add.f32 [tilespmem:s1], [sflag:$0x6], $0x80, s12, s29, $0xb8;
	[tilespmem:$0x1F220] =	vst v63  }
0xdd: {  	_ =	swait.ge [sflag:s25], $0x1400  }
0xde: {  	[sflag:s25] =	ssyncset.done $0x0  }
0xdf: {  	[sflag:s25] =	ssyncadd.s32 $0xFFFFEC00  }
0xe0: {  	_ =	swait.ge [sflag:s6], $0x1400  }
0xe1: {  	[sflag:s6] =	ssyncset.done $0x0  }
0xe2: {  	s11 =	simm.s32 $0x4DD0;
	[sflag:s6] =	ssyncadd.s32 $0xFFFFEC00  }
0xe3: {  	[spmem:s2] =	stream.indirect.scatter.add.f32 [tilespmem:s26], [sflag:$0x6], $0x80, s11, s29, $0xb8;
	[tilespmem:$0x1F220] =	vst v63  }
0xe4: {  	_ =	swait.ge [sflag:s25], $0x1400  }
0xe5: {  	[sflag:s25] =	ssyncset.done $0x0  }
0xe6: {  	[sflag:s25] =	ssyncadd.s32 $0xFFFFEC00  }
0xe7: {  	_ =	swait.ge [sflag:s8], $0x1400  }
0xe8: {  	[sflag:s8] =	ssyncset.done $0x0  }
0xe9: {  	s12 =	simm.s32 $0x4DF8;
	[sflag:s8] =	ssyncadd.s32 $0xFFFFEC00  }
0xea: {  	[spmem:s2] =	stream.indirect.scatter.add.f32 [tilespmem:s0], [sflag:$0x6], $0x80, s12, s29, $0xb8;
	[tilespmem:$0x1F220] =	vst v63  }
0xeb: {  	s11 =	stileid.u32;
	_ =	swait.ge [sflag:s25], $0x1400  }
0xec: {  	s9 =	sadd.s32 $0x1, s9;
	s10 =	sshll.u32 s11, $0x6;
	[sflag:s25] =	ssyncset.done $0x0  }
0xed: {  	p0 =	sne.s32 s9, s24;
	s10 =	sor.u32 $0x1C06, s10;
	[sflag:s25] =	ssyncadd.s32 $0xFFFFEC00  }
.Ltmp2:
0xee: {  	s12 =	sshrl.u32 s7, $0x3;
	[bflag:$0x0] =	sbarrier.arrive $0xFFFF;
	(pc) =	sbr.rel @p0 .LBB2_1-.Ltmp2, $4  }
0xef: {  	[hbm:s23], [sflag:s10] =	dma.local [spmem:s12], $0x2800  }
0xf0: {  	_ =	swait.ge [sflag:s25], $0x2800  }
0xf1: {  	[sflag:s25] =	ssyncset.done $0x0  }
0xf2: {  	[sflag:s25] =	ssyncadd.s32 $0xFFFFD800  }
0xf3: {  	_ =	sfence.sel $0x180000  }
0xf4: {  	[bflag:$0x0] =	sbarrier.arrive $0xFFFF  }
0xf5: {  	_ =	strace $0x9000004A  }
0xf6: {  	s0 =	stileid.u32;
	[bflag:$0x2] =	sbarrier.arrive $0xFFFF  }
0xf7: {  	p0 =	sne.s32 s0, $0x0;
	s0 =	rddreg [dreg:$0x2]  }
0xf8: {  	s0 =	sadd.s32 @!p0 $0x100000, s0  }
0xf9: {  	[sflag:s0] =	ssyncadd.tile.s32 @!p0 $0x1;
	_ =	shalt  }
.Lfunc_end2:
_tile_overlayer_lowered:
.L_overlay_start_2:
0xfa: {  	(tag) =	ssettag $0x2  }
0xfb: {  	s0 =	rddreg [dreg:$0x0];
	s2 =	stileid.u32  }
0xfc: {  	s1 =	rddreg [dreg:$0x1];
	p0 =	sne.s32 s2, $0x0  }
0xfd: {  	s3 =	rddreg [dreg:$0x2];
	[bflag:$0x3] =	sbarrier.arrive $0xFFFF;
	s2 =	simm.s32 @!p0 $0x1C06  }
0xfe: {  	[timem:s3], [sflag:s2] =	dma.local @!p0 [hbm:s0], s1  }
0xff: {  	s0 =	simm.s32 @!p0 $0x6  }
0x100: {  	_ =	swait.ge @!p0 [sflag:s0], s1  }
0x101: {  	s1 =	ssub.s32 @!p0 $0x0, s1;
	[sflag:s0] =	ssyncset.done @!p0 $0x0  }
0x102: {  	[sflag:s0] =	ssyncadd.s32 @!p0 s1  }
0x103: {  	[bflag:$0x3] =	sbarrier.arrive $0xFFFF  }
0x104: {  	_ =	shalt  }

// kernel: kernel.16.cloned.1.call-start
scs
__scs_entry_jumppad:
0x0: {  	(pc) =	sbr.rel $0x88, $3  }
0x1: {  	(tag) =	ssettag $0x0;
	lr =	simm.s32 $0x1  }
0x2: {  	[smem:$0x3F95] =	sst lr;
	_ =	strace $0xD0000000  }
0x3: {  	_ = 	snop  }
0x4: {  	_ = 	snop  }
0x5: {  	_ = 	snop  }
0x6: {  	_ = 	snop  }
0x7: {  	_ = 	snop  }
__scs_overlays_trampoline_lowered:
0x8: {  	[smem:$0x3FA4] =	sst s0  }
0x9: {  	[smem:$0x3FA5] =	sst s1  }
0xa: {  	[smem:$0x3FA6] =	sst s2  }
0xb: {  	[smem:$0x3FA7] =	sst s3  }
0xc: {  	[smem:$0x3FA8] =	sst s4  }
0xd: {  	[smem:$0x3FA9] =	sst s5  }
0xe: {  	[smem:$0x3FAA] =	sst s6  }
0xf: {  	[smem:$0x3FAB] =	sst s7  }
0x10: {  	[smem:$0x3FAC] =	sst s8  }
0x11: {  	[smem:$0x3FAD] =	sst s9;
	s0 =	simm.s32 @!p0 $0x0  }
0x12: {  	s1 =	sld [smem:$0x3F93];
	s0 =	simm.s32 @p0 $0x1  }
0x13: {  	[smem:$0x3FAE] =	sst s0;
	s0 =	simm.s32 @!p1 $0x0  }
0x14: {  	s2 =	sld [smem:$0x3F92];
	s0 =	simm.s32 @p1 $0x1  }
0x15: {  	[smem:$0x3FAF] =	sst s0;
	s0 =	simm.s32 @!p2 $0x0  }
0x16: {  	s3 =	sld [smem:$0x3FDB];
	s0 =	simm.s32 @p2 $0x1  }
0x17: {  	s4 =	simm.s32 $0x1BF5;
	[smem:$0x3FB1] =	sst s0  }
0x18: {  	s0 =	sld [smem:$0x3F94];
	_ =	swait.ge [sflag:s4], $0x0  }
0x19: {  	s7 =	sld [smem:$0x3F95]  }
0x1a: {  	s8 =	sadd.s32 $0xFFFFE003, lr  }
0x1b: {  	s9 =	sadd.s32 $0xFFFFFEF7, lr;
	s5 =	simm.s32 $0xFFFFFFFF;
	p2 =	slt.u32 s8, $0xFFFFF086  }
0x1c: {  	p1 =	slt.u32 s9, $0xF7A;
	s5 =	simm.s32 @!p2 $0x0  }
0x1d: {  	s5 =	simm.s32 @p1 $0x1;
	p0 =	seq.s32 s7, s2  }
0x1e: {  	s7 =	smul.u32 @!p0 $0xF7A, s2;
	p2 =	seq.s32 @!p0 s5, $0x0  }
0x1f: {  	s9 =	smul.u32 $0xF7A, s1;
	s8 =	simm.s32 @!p0 $0x1BF5;
	p2 =	por !p2, p0  }
0x20: {  	[sflag:s8] =	ssyncset.s32 @!p0 $0xFFFFF086;
	s6 =	sadd.s32 @!p0 s3, s7;
	s7 =	simm.s32 @!p0 $0x108  }
0x21: {  	s3 =	sadd.s32 s3, s9;
	s6 =	sadd.s32 @!p0 $0x88, s6;
	s7 =	simm.s32 @p2 $0x1082  }
0x22: {  	[simem:s7], [sflag:s8] =	dma.local @!p0 [hbm:s6], $0xF7A  }
0x23: {  	s9 =	sor.u32 $0xD0000000, s2;
	s6 =	simm.s32 $0x108;
	_ =	swait.ge @!p0 [sflag:s8], $0x0  }
0x24: {  	s3 =	sadd.s32 $0x88, s3;
	s6 =	simm.s32 @!p1 $0x1082;
	[sflag:s4] =	ssyncset.s32 $0xFFFFF086  }
0x25: {  	[simem:s6], [sflag:s4] =	dma.local [hbm:s3], $0xF7A  }
0x26: {  	[smem:$0x3F95] =	sst s1;
	(tag) =	ssettag s2;
	_ =	strace s9  }
0x27: {  	s1 =	sld [smem:$0x3FA5]  }
0x28: {  	s2 =	sld [smem:$0x3FA6]  }
0x29: {  	s4 =	sld [smem:$0x3FA8]  }
0x2a: {  	p0 =	seq.s32 s5, $0x0;
	s5 =	sld [smem:$0x3FA9]  }
0x2b: {  	s6 =	sld [smem:$0x3FAA]  }
0x2c: {  	s7 =	sld [smem:$0x3FAB]  }
0x2d: {  	s3 =	simm.s32 $0x108;
	s8 =	sld [smem:$0x3FAC]  }
0x2e: {  	s3 =	simm.s32 @!p0 $0x1082;
	s9 =	sld [smem:$0x3FAD]  }
0x2f: {  	lr =	sadd.s32 s0, s3;
	s0 =	sld [smem:$0x3FA4]  }
0x30: {  	s3 =	sld [smem:$0x3FA7]  }
0x31: {  	[smem:$0x3FB0] =	sst s10  }
0x32: {  	s10 =	sld [smem:$0x3FAE];
	_ =	sdelay $0x3  }
0x33: {  	p0 =	seq.s32 s10, $0x1;
	s10 =	sld [smem:$0x3FB0];
	_ =	sdelay $0x3  }
0x34: {  	[smem:$0x3FB0] =	sst s10  }
0x35: {  	s10 =	sld [smem:$0x3FAF];
	_ =	sdelay $0x3  }
0x36: {  	p1 =	seq.s32 s10, $0x1;
	s10 =	sld [smem:$0x3FB0];
	_ =	sdelay $0x3  }
0x37: {  	[smem:$0x3FB0] =	sst s10  }
0x38: {  	s10 =	sld [smem:$0x3FB1]  }
0x39: {  	_ = 	snop;
	(pc) =	sbr.ind lr, $3  }
0x3a: {  	_ = 	snop  }
0x3b: {  	_ = 	snop  }
0x3c: {  	p2 =	seq.s32 s10, $0x1;
	s10 =	sld [smem:$0x3FB0]  }
0x3d: {  	_ =	shalt  }
0x3e: {  	_ =	shalt  }
0x3f: {  	_ =	shalt  }
0x40: {  	_ =	shalt  }
0x41: {  	_ =	shalt  }
0x42: {  	_ =	shalt  }
0x43: {  	_ =	shalt  }
0x44: {  	_ =	shalt  }
0x45: {  	_ =	shalt  }
0x46: {  	_ =	shalt  }
0x47: {  	_ =	shalt  }
0x48: {  	_ =	shalt  }
0x49: {  	_ =	shalt  }
0x4a: {  	_ =	shalt  }
0x4b: {  	_ =	shalt  }
0x4c: {  	_ =	shalt  }
0x4d: {  	_ =	shalt  }
0x4e: {  	_ =	shalt  }
0x4f: {  	_ =	shalt  }
0x50: {  	_ =	shalt  }
0x51: {  	_ =	shalt  }
0x52: {  	_ =	shalt  }
0x53: {  	_ =	shalt  }
0x54: {  	_ =	shalt  }
0x55: {  	_ =	shalt  }
0x56: {  	_ =	shalt  }
0x57: {  	_ =	shalt  }
0x58: {  	_ =	shalt  }
0x59: {  	_ =	shalt  }
0x5a: {  	_ =	shalt  }
0x5b: {  	_ =	shalt  }
0x5c: {  	_ =	shalt  }
0x5d: {  	_ =	shalt  }
0x5e: {  	_ =	shalt  }
0x5f: {  	_ =	shalt  }
0x60: {  	_ =	shalt  }
0x61: {  	_ =	shalt  }
0x62: {  	_ =	shalt  }
0x63: {  	_ =	shalt  }
0x64: {  	_ =	shalt  }
0x65: {  	_ =	shalt  }
0x66: {  	_ =	shalt  }
0x67: {  	_ =	shalt  }
0x68: {  	_ =	shalt  }
0x69: {  	_ =	shalt  }
0x6a: {  	_ =	shalt  }
0x6b: {  	_ =	shalt  }
0x6c: {  	_ =	shalt  }
0x6d: {  	_ =	shalt  }
0x6e: {  	_ =	shalt  }
0x6f: {  	_ =	shalt  }
0x70: {  	_ =	shalt  }
0x71: {  	_ =	shalt  }
0x72: {  	_ =	shalt  }
0x73: {  	_ =	shalt  }
0x74: {  	_ =	shalt  }
0x75: {  	_ =	shalt  }
0x76: {  	_ =	shalt  }
0x77: {  	_ =	shalt  }
0x78: {  	_ =	shalt  }
0x79: {  	_ =	shalt  }
0x7a: {  	_ =	shalt  }
0x7b: {  	_ =	shalt  }
0x7c: {  	_ =	shalt  }
0x7d: {  	_ =	shalt  }
0x7e: {  	_ =	shalt  }
0x7f: {  	_ =	shalt  }
0x80: {  	_ =	shalt  }
0x81: {  	_ =	shalt  }
0x82: {  	_ =	shalt  }
0x83: {  	_ =	shalt  }
0x84: {  	_ =	shalt  }
0x85: {  	_ =	shalt  }
0x86: {  	_ =	shalt  }
0x87: {  	_ =	shalt  }
.Lfunc_end0:
.L_simem_size_0:
called_computation.2_lowered:
.L_overlay_start_0:
0x88: {  	s2 =	sld [smem:$0x3FD9]  }
0x89: {  	s3 =	sld [smem:$0x3FFE];
	_ =	sdelay $0x1  }
0x8a: {  	s1 =	srdreg.scid  }
0x8b: {  	s0 =	sand.u32 $0x1, s1  }
0x8c: {  	s16 =	sshll.u32 s0, $0xA;
	s2 =	sadd.s32 s3, s2  }
0x8d: {  	s2 =	sadd.s32 s2, s16  }
0x8e: {  	[smem:$0x3FBC] =	sst s2  }
0x8f: {  	_ = 	snop  }
0x90: {  	(tm) =	ssettm $0x1  }
0x91: {  	s17 =	sld [smem:$0x3FFB];
	_ =	sdelay $0x3  }
0x92: {  	_ =	strace s17  }
0x93: {  	s2 =	sld [smem:$0x3FFC];
	_ =	sdelay $0x3  }
0x94: {  	_ =	strace s2  }
0x95: {  	s2 =	sld [smem:$0x3FFD];
	_ =	sdelay $0x3  }
0x96: {  	_ =	strace s2  }
0x97: {  	_ =	strace $0x8FFFFFFF  }
0x98: {  	s18 =	sld [smem:$0x3FDB];
	_ =	sdelay $0x1  }
0x99: {  	s19 =	simm.s32 $_scs_section_size  }
0x9a: {  	s4 =	simm.s32 $_size__tile_overlayer_lowered;
	s5 =	simm.s32 $_tile_overlayer_lowered  }
0x9b: {  	s22 =	simm.s32 $0x1BFF;
	s21 =	sshll.u32 s5, $0x1;
	s2 =	sadd.s32 s19, s18  }
0x9c: {  	s6 =	simm.s32 $0x0;
	s20 =	sshll.u32 s4, $0x1;
	s4 =	sadd.s32 s21, s2  }
0x9d: {  	[timem:s6], [sflag:s22] =	dma.local [hbm:s4], s20  }
0x9e: {  	_ =	swait.ge [sflag:s22], s20  }
0x9f: {  	s3 =	ssub.s32 $0x0, s20;
	[sflag:s22] =	ssyncset.done $0x0  }
0xa0: {  	[sflag:s22] =	ssyncadd.s32 s3;
	_ =	sdelay $0x1  }
0xa1: {  	s23 =	simm.s32 $0x1B8B  }
0xa2: {  	_ =	swait.ge [sflag:s23], $0x1  }
0xa3: {  	[sflag:s23] =	ssyncset.done $0x0  }
0xa4: {  	s25 =	simm.s32 $0x1B8E;
	s24 =	sld [smem:$0x3FFE];
	[sflag:s23] =	ssyncadd.s32 $0xFFFFFFFF  }
0xa5: {  	s26 =	simm.s32 $execute0_lowered;
	[smem:$0x3FD2] =	sst s25  }
0xa6: {  	s4 =	sshll.u32 s26, $0x1;
	_ =	strace $0x8000004C;
	[dreg:$0x1] =	wrdreg $0xFFFFFFFF  }
0xa7: {  	s28 =	simm.s32 $_size_execute0_lowered;
	s2 =	sadd.s32 s2, s4;
	[dreg:$0x0] =	wrdreg $0x0  }
0xa8: {  	s4 =	sshll.u32 s28, $0x1;
	[dreg:$0x2] =	wrdreg s2  }
0xa9: {  	[dreg:$0x3] =	wrdreg s4  }
0xaa: {  	[dreg:$0x4] =	wrdreg $0xC0  }
0xab: {  	_ =	task [dreg:s6], $0x5FFFF  }
0xac: {  	[dreg:$0x1] =	wrdreg $0xFFFFFFFF  }
0xad: {  	[dreg:$0x0] =	wrdreg $0x60  }
0xae: {  	[dreg:$0x2] =	wrdreg s24  }
0xaf: {  	[dreg:$0x3] =	wrdreg $0xB2200  }
0xb0: {  	[dreg:$0x4] =	wrdreg $0x9  }
0xb1: {  	_ =	task.clear_ibuf [dreg:s6], $0x5FFFF;
	_ =	strace $0x9000004C  }
0xb2: {  	s29 =	simm.s32 $0x9;
	_ =	strace $0x8000004E  }
0xb3: {  	_ =	swait.ge [sflag:s29], $0x1  }
0xb4: {  	[sflag:s29] =	ssyncadd.s32 $0xFFFFFFFF  }
0xb5: {  	_ =	strace $0x9000004E  }
0xb6: {  	_ =	sfence  }
0xb7: {  	s30 =	sld [smem:$0x0];
	_ =	sdelay $0x2  }
0xb8: {  	s31 =	sshll.u32 s1, $0xD;
	s1 =	sshrl.u32 s1, $0x2  }
0xb9: {  	s3 =	sand.u32 $0x4000, s31;
	s1 =	sadd.s32 s1, s30  }
0xba: {  	s0 =	sor.u32 s3, s0;
	s1 =	sshll.u32 s1, $0x11  }
0xbb: {  	s0 =	sor.u32 s1, s0  }
0xbc: {  	s0 =	sadd.s32 $0x8F2B, s0  }
0xbd: {  	[sflag:s0] =	ssyncadd.remote.s32 $0x1  }
0xbe: {  	_ =	sfence.sel $0xFFFF  }
0xbf: {  	[dreg:$0x0] =	wrdreg $0xFFFFFFFF;
	(pc) =	sbr.abs _section_cstart, $3  }
0xc0: {  	[dreg:$0x1] =	wrdreg $0xFFFFFFFF  }
0xc1: {  	_ =	task.clear_ibuf [dreg:s6], $0x2FFFF;
	_ =	strace $0x9FFFFFFF  }
0xc2: {  	(tm) =	ssettm $0x7FFFFFFF  }
0xc3: {  	_ =	shalt  }
tec
execute0_lowered:
.L_overlay_start_1:
0x0: {  	(tag) =	ssettag $0x1  }
0x1: {  	s0 =	srdreg.scid;
	s3 =	rddreg [dreg:$0x0]  }
0x2: {  	s7 =	stileid.u32;
	s2 =	rddreg [dreg:$0x1];
	s6 =	simm.s32 $0x0  }
0x3: {  	s28 =	simm.s32 $0x4E20;
	s29 =	simm.s32 $0x28;
	s30 =	simm.s32 $0x6220  }
0x4: {  	s31 =	simm.s32 $0x1;
	s0 =	sand.u32 $0x1, s0;
	s5 =	smul.u32 $0x14000, s7  }
0x5: {  	s1 =	sshll.u32 s7, $0x1;
	[smem:$0x7FF] =	sst s6;
	s7 =	smul.u32 $0x50000, s7  }
0x6: {  	s6 =	simm.s32 $0x4;
	s1 =	sor.u32 s0, s1;
	s4 =	smul.u32 $0x140000, s0  }
0x7: {  	_ =	strace $0x8000004D;
	s0 =	ssub.s32 $0x2, s0;
	s1 =	smul.u32 $0x2710, s1  }
0x8: {  	s9 =	sshrl.u32 s0, $0x1;
	s11 =	sshrl.u32 s7, $0x2;
	s7 =	sadd.s32 s5, s2  }
0x9: {  	s4 =	sadd.s32 s5, s4;
	s0 =	ssub.s32 s0, s9;
	s12 =	sadd.s32 s11, s2  }
0xa: {  	s5 =	simm.s32 $0x3;
	s9 =	simm.s32 $0x0;
	s1 =	sshrl.u32 s1, $0x3  }
0xb: {  	s8 =	sshrl.u32 s4, $0x3;
	s4 =	sadd.s32 $0x67400, s3;
	s22 =	sadd.s32 $0x1400, s12  }
0xc: {  	s23 =	sadd.s32 $0x2800, s12;
	s24 =	sadd.s32 $0x3C00, s12;
	s25 =	sadd.s32 $0x5000, s12  }
0xd: {  	s26 =	sadd.s32 $0x6400, s12;
	s13 =	sadd.s32 $0x7800, s12;
	s14 =	sadd.s32 $0x8C00, s12  }
0xe: {  	s15 =	sadd.s32 $0xA000, s12;
	s16 =	sadd.s32 $0xB400, s12;
	[dreg:$0x5] =	wrdreg s22  }
0xf: {  	s17 =	sadd.s32 $0xC800, s12;
	s18 =	sadd.s32 $0xDC00, s12;
	[dreg:$0x6] =	wrdreg s23  }
0x10: {  	s19 =	sadd.s32 $0xF000, s12;
	s20 =	sadd.s32 $0x10400, s12;
	[dreg:$0x7] =	wrdreg s24  }
0x11: {  	s21 =	sadd.s32 $0x11800, s12;
	s1 =	sadd.s32 s1, s3;
	[dreg:$0x8] =	wrdreg s25  }
0x12: {  	s3 =	sadd.s32 s8, s3;
	[dreg:$0x9] =	wrdreg s26;
	s22 =	sadd.s32 $0x12C00, s12  }
0x13: {  	s24 =	smax.u32 s0, $0x1;
	s25 =	simm.s32 $0x6;
	s26 =	simm.s32 $0x8A20  }
0x14: {  	s0 =	simm.s32 $0x9E20;
	s8 =	simm.s32 $0x5;
	s10 =	sadd.s32 $0x3A00, s1  }
0x15: {  	s1 =	sadd.s32 $0xD640, s1;
	s23 =	sadd.s32 $0x8E600, s3;
	[dreg:$0x3] =	wrdreg s10  }
0x16: {  	v0 =	vimm.f32 $0.0e+00;
	s3 =	simm.s32 $0x2;
	[dreg:$0x4] =	wrdreg s1;
	s1 =	simm.s32 $0x7620  }
.LBB2_1:
0x17: {  	s10 =	simm.s32 $0x0;
	s11 =	rddreg [dreg:$0x3]  }
0x18: {  	[tilespmem:s10], [sflag:$0x6] =	stream.linear.gather [hbm4b:s11+s10], $0x2710, $0x38;
	[tilespmem:$0x1F220] =	vst v63  }
0x19: {  	_ =	swait.ge [sflag:s25], $0x2710  }
0x1a: {  	[sflag:s25] =	ssyncset.done $0x0  }
0x1b: {  	s12 =	simm.s32 $0x2710;
	s11 =	rddreg [dreg:$0x4];
	[sflag:s25] =	ssyncadd.s32 $0xFFFFD8F0  }
0x1c: {  	[tilespmem:s12], [sflag:$0x6] =	stream.linear.gather [hbm4b:s11+s10], $0x2710, $0x38;
	[tilespmem:$0x1F220] =	vst v63  }
0x1d: {  	_ =	swait.ge [sflag:s25], $0x2710  }
0x1e: {  	[sflag:s25] =	ssyncset.done $0x0  }
0x1f: {  	s10 =	simm.s32 $0x0;
	s11 =	simm.s32 $0x200;
	[sflag:s25] =	ssyncadd.s32 $0xFFFFD8F0  }
.LBB2_2:
0x20: {  	p0 =	sne.s32 s11, $0x4E00;
	[tilespmem:s10+$0x4E90] =	vst v0  }
0x21: {  	[tilespmem:s10+$0x4E20] =	vst v0  }
0x22: {  	[tilespmem:s10+$0x4E30] =	vst v0  }
.Ltmp0:
0x23: {  	[tilespmem:s10+$0x4E40] =	vst v0;
	(pc) =	sbr.rel @p0 .LBB2_2-.Ltmp0, $4  }
0x24: {  	[tilespmem:s10+$0x4E50] =	vst v0  }
0x25: {  	[tilespmem:s10+$0x4E60] =	vst v0  }
0x26: {  	[tilespmem:s10+$0x4E70] =	vst v0  }
0x27: {  	[tilespmem:s10+$0x4E80] =	vst v0;
	s10 =	sshra.s32 s11, $0x2;
	s11 =	sadd.s32 $0x200, s11  }
0x28: {  	[tilespmem:s10+$0x4E90] =	vst v0  }
0x29: {  	[tilespmem:s10+$0x4E20] =	vst v0  }
0x2a: {  	[tilespmem:s10+$0x4E30] =	vst v0  }
0x2b: {  	[tilespmem:s10+$0x4E40] =	vst v0  }
0x2c: {  	[tilespmem:s10+$0x4E50] =	vst v0  }
0x2d: {  	[tilespmem:s10+$0x4E60] =	vst v0  }
0x2e: {  	[tilespmem:s10+$0x4E70] =	vst v0  }
0x2f: {  	[tilespmem:s10+$0x4E80] =	vst v0  }
0x30: {  	[spmem:s7] =	stream.linear.scatter [tilespmem:s28], [sflag:$0x6], $0x1400, $0x38;
	[tilespmem:$0x1F220] =	vst v63  }
0x31: {  	_ =	swait.ge [sflag:s25], $0x1400  }
0x32: {  	[sflag:s25] =	ssyncset.done $0x0  }
0x33: {  	s11 =	rddreg [dreg:$0x5];
	[sflag:s25] =	ssyncadd.s32 $0xFFFFEC00  }
0x34: {  	[spmem:s11] =	stream.linear.scatter [tilespmem:s28], [sflag:$0x6], $0x1400, $0x38;
	[tilespmem:$0x1F220] =	vst v63  }
0x35: {  	_ =	swait.ge [sflag:s25], $0x1400  }
0x36: {  	[sflag:s25] =	ssyncset.done $0x0  }
0x37: {  	s12 =	rddreg [dreg:$0x6];
	[sflag:s25] =	ssyncadd.s32 $0xFFFFEC00  }
0x38: {  	[spmem:s12] =	stream.linear.scatter [tilespmem:s28], [sflag:$0x6], $0x1400, $0x38;
	[tilespmem:$0x1F220] =	vst v63  }
0x39: {  	_ =	swait.ge [sflag:s25], $0x1400  }
0x3a: {  	[sflag:s25] =	ssyncset.done $0x0  }
0x3b: {  	s11 =	rddreg [dreg:$0x7];
	[sflag:s25] =	ssyncadd.s32 $0xFFFFEC00  }
0x3c: {  	[spmem:s11] =	stream.linear.scatter [tilespmem:s28], [sflag:$0x6], $0x1400, $0x38;
	[tilespmem:$0x1F220] =	vst v63  }
0x3d: {  	_ =	swait.ge [sflag:s25], $0x1400  }
0x3e: {  	[sflag:s25] =	ssyncset.done $0x0  }
0x3f: {  	s12 =	rddreg [dreg:$0x8];
	[sflag:s25] =	ssyncadd.s32 $0xFFFFEC00  }
0x40: {  	[spmem:s12] =	stream.linear.scatter [tilespmem:s28], [sflag:$0x6], $0x1400, $0x38;
	[tilespmem:$0x1F220] =	vst v63  }
0x41: {  	_ =	swait.ge [sflag:s25], $0x1400  }
0x42: {  	[sflag:s25] =	ssyncset.done $0x0  }
0x43: {  	s11 =	rddreg [dreg:$0x9];
	[sflag:s25] =	ssyncadd.s32 $0xFFFFEC00  }
0x44: {  	[spmem:s11] =	stream.linear.scatter [tilespmem:s28], [sflag:$0x6], $0x1400, $0x38;
	[tilespmem:$0x1F220] =	vst v63  }
0x45: {  	_ =	swait.ge [sflag:s25], $0x1400  }
0x46: {  	[sflag:s25] =	ssyncset.done $0x0  }
0x47: {  	[sflag:s25] =	ssyncadd.s32 $0xFFFFEC00  }
0x48: {  	[spmem:s13] =	stream.linear.scatter [tilespmem:s28], [sflag:$0x6], $0x1400, $0x38;
	[tilespmem:$0x1F220] =	vst v63  }
0x49: {  	_ =	swait.ge [sflag:s25], $0x1400  }
0x4a: {  	[sflag:s25] =	ssyncset.done $0x0  }
0x4b: {  	[sflag:s25] =	ssyncadd.s32 $0xFFFFEC00  }
0x4c: {  	[spmem:s14] =	stream.linear.scatter [tilespmem:s28], [sflag:$0x6], $0x1400, $0x38;
	[tilespmem:$0x1F220] =	vst v63  }
0x4d: {  	_ =	swait.ge [sflag:s25], $0x1400  }
0x4e: {  	[sflag:s25] =	ssyncset.done $0x0  }
0x4f: {  	[sflag:s25] =	ssyncadd.s32 $0xFFFFEC00  }
0x50: {  	[spmem:s15] =	stream.linear.scatter [tilespmem:s28], [sflag:$0x6], $0x1400, $0x38;
	[tilespmem:$0x1F220] =	vst v63  }
0x51: {  	_ =	swait.ge [sflag:s25], $0x1400  }
0x52: {  	[sflag:s25] =	ssyncset.done $0x0  }
0x53: {  	[sflag:s25] =	ssyncadd.s32 $0xFFFFEC00  }
0x54: {  	[spmem:s16] =	stream.linear.scatter [tilespmem:s28], [sflag:$0x6], $0x1400, $0x38;
	[tilespmem:$0x1F220] =	vst v63  }
0x55: {  	_ =	swait.ge [sflag:s25], $0x1400  }
0x56: {  	[sflag:s25] =	ssyncset.done $0x0  }
0x57: {  	[sflag:s25] =	ssyncadd.s32 $0xFFFFEC00  }
0x58: {  	[spmem:s17] =	stream.linear.scatter [tilespmem:s28], [sflag:$0x6], $0x1400, $0x38;
	[tilespmem:$0x1F220] =	vst v63  }
0x59: {  	_ =	swait.ge [sflag:s25], $0x1400  }
0x5a: {  	[sflag:s25] =	ssyncset.done $0x0  }
0x5b: {  	[sflag:s25] =	ssyncadd.s32 $0xFFFFEC00  }
0x5c: {  	[spmem:s18] =	stream.linear.scatter [tilespmem:s28], [sflag:$0x6], $0x1400, $0x38;
	[tilespmem:$0x1F220] =	vst v63  }
0x5d: {  	_ =	swait.ge [sflag:s25], $0x1400  }
0x5e: {  	[sflag:s25] =	ssyncset.done $0x0  }
0x5f: {  	[sflag:s25] =	ssyncadd.s32 $0xFFFFEC00  }
0x60: {  	[spmem:s19] =	stream.linear.scatter [tilespmem:s28], [sflag:$0x6], $0x1400, $0x38;
	[tilespmem:$0x1F220] =	vst v63  }
0x61: {  	_ =	swait.ge [sflag:s25], $0x1400  }
0x62: {  	[sflag:s25] =	ssyncset.done $0x0  }
0x63: {  	[sflag:s25] =	ssyncadd.s32 $0xFFFFEC00  }
0x64: {  	[spmem:s20] =	stream.linear.scatter [tilespmem:s28], [sflag:$0x6], $0x1400, $0x38;
	[tilespmem:$0x1F220] =	vst v63  }
0x65: {  	_ =	swait.ge [sflag:s25], $0x1400  }
0x66: {  	[sflag:s25] =	ssyncset.done $0x0  }
0x67: {  	[sflag:s25] =	ssyncadd.s32 $0xFFFFEC00  }
0x68: {  	[spmem:s21] =	stream.linear.scatter [tilespmem:s28], [sflag:$0x6], $0x1400, $0x38;
	[tilespmem:$0x1F220] =	vst v63  }
0x69: {  	_ =	swait.ge [sflag:s25], $0x1400  }
0x6a: {  	[sflag:s25] =	ssyncset.done $0x0  }
0x6b: {  	[sflag:s25] =	ssyncadd.s32 $0xFFFFEC00  }
0x6c: {  	[spmem:s22] =	stream.linear.scatter [tilespmem:s28], [sflag:$0x6], $0x1400, $0x38;
	[tilespmem:$0x1F220] =	vst v63  }
0x6d: {  	_ =	swait.ge [sflag:s25], $0x1400  }
0x6e: {  	[sflag:s25] =	ssyncset.done $0x0  }
0x6f: {  	[sflag:s25] =	ssyncadd.s32 $0xFFFFEC00  }
0x70: {  	s12 =	simm.s32 $0x0;
	[bflag:$0x0] =	sbarrier.arrive $0xFFFF  }
0x71: {  	[tilespmem:s28], [sflag:$0x1] =	stream.indirect.gather [hbm4b:s4+s29], $0x80, s12, s29, $0xb8;
	[tilespmem:$0x1F220] =	vst v63  }
0x72: {  	_ = 	snop  }
0x73: {  	[tilespmem:s30], [sflag:$0x2] =	stream.indirect.gather [hbm4b:s4+s29], $0x80, s29, s29, $0xb8;
	[tilespmem:$0x1F220] =	vst v63  }
0x74: {  	s11 =	simm.s32 $0x50  }
0x75: {  	[tilespmem:s1], [sflag:$0x3] =	stream.indirect.gather [hbm4b:s4+s29], $0x80, s11, s29, $0xb8;
	[tilespmem:$0x1F220] =	vst v63  }
0x76: {  	s12 =	simm.s32 $0x78  }
0x77: {  	[tilespmem:s26], [sflag:$0x4] =	stream.indirect.gather [hbm4b:s4+s29], $0x80, s12, s29, $0xb8;
	[tilespmem:$0x1F220] =	vst v63  }
0x78: {  	s11 =	simm.s32 $0xA0  }
0x79: {  	[tilespmem:s0], [sflag:$0x5] =	stream.indirect.gather [hbm4b:s4+s29], $0x80, s11, s29, $0xb8;
	[tilespmem:$0x1F220] =	vst v63  }
0x7a: {  	_ =	swait.ge [sflag:s31], $0x1400  }
0x7b: {  	[sflag:s31] =	ssyncset.done $0x0  }
0x7c: {  	s12 =	simm.s32 $0x2710;
	[sflag:s31] =	ssyncadd.s32 $0xFFFFEC00  }
0x7d: {  	[spmem:s2] =	stream.indirect.scatter.add.f32 [tilespmem:s28], [sflag:$0x6], $0x80, s12, s29, $0xb8;
	[tilespmem:$0x1F220] =	vst v63  }
0x7e: {  	_ =	swait.ge [sflag:s25], $0x1400  }
0x7f: {  	[sflag:s25] =	ssyncset.done $0x0  }
0x80: {  	s11 =	simm.s32 $0xC8;
	[sflag:s25] =	ssyncadd.s32 $0xFFFFEC00  }
0x81: {  	[tilespmem:s28], [sflag:$0x1] =	stream.indirect.gather [hbm4b:s4+s29], $0x80, s11, s29, $0xb8;
	[tilespmem:$0x1F220] =	vst v63  }
0x82: {  	_ =	swait.ge [sflag:s3], $0x1400  }
0x83: {  	[sflag:s3] =	ssyncset.done $0x0  }
0x84: {  	s12 =	simm.s32 $0x2738;
	[sflag:s3] =	ssyncadd.s32 $0xFFFFEC00  }
0x85: {  	[spmem:s2] =	stream.indirect.scatter.add.f32 [tilespmem:s30], [sflag:$0x6], $0x80, s12, s29, $0xb8;
	[tilespmem:$0x1F220] =	vst v63  }
0x86: {  	_ =	swait.ge [sflag:s25], $0x1400  }
0x87: {  	[sflag:s25] =	ssyncset.done $0x0  }
0x88: {  	s11 =	simm.s32 $0xF0;
	[sflag:s25] =	ssyncadd.s32 $0xFFFFEC00  }
0x89: {  	[tilespmem:s30], [sflag:$0x2] =	stream.indirect.gather [hbm4b:s4+s29], $0x80, s11, s29, $0xb8;
	[tilespmem:$0x1F220] =	vst v63  }
0x8a: {  	_ =	swait.ge [sflag:s5], $0x1400  }
0x8b: {  	[sflag:s5] =	ssyncset.done $0x0  }
0x8c: {  	s12 =	simm.s32 $0x2760;
	[sflag:s5] =	ssyncadd.s32 $0xFFFFEC00  }
0x8d: {  	[spmem:s2] =	stream.indirect.scatter.add.f32 [tilespmem:s1], [sflag:$0x6], $0x80, s12, s29, $0xb8;
	[tilespmem:$0x1F220] =	vst v63  }
0x8e: {  	_ =	swait.ge [sflag:s25], $0x1400  }
0x8f: {  	[sflag:s25] =	ssyncset.done $0x0  }
0x90: {  	s11 =	simm.s32 $0x118;
	[sflag:s25] =	ssyncadd.s32 $0xFFFFEC00  }
0x91: {  	[tilespmem:s1], [sflag:$0x3] =	stream.indirect.gather [hbm4b:s4+s29], $0x80, s11, s29, $0xb8;
	[tilespmem:$0x1F220] =	vst v63  }
0x92: {  	_ =	swait.ge [sflag:s6], $0x1400  }
0x93: {  	[sflag:s6] =	ssyncset.done $0x0  }
0x94: {  	s12 =	simm.s32 $0x2788;
	[sflag:s6] =	ssyncadd.s32 $0xFFFFEC00  }
0x95: {  	[spmem:s2] =	stream.indirect.scatter.add.f32 [tilespmem:s26], [sflag:$0x6], $0x80, s12, s29, $0xb8;
	[tilespmem:$0x1F220] =	vst v63  }
0x96: {  	_ =	swait.ge [sflag:s25], $0x1400  }
0x97: {  	[sflag:s25] =	ssyncset.done $0x0  }
0x98: {  	s11 =	simm.s32 $0x140;
	[sflag:s25] =	ssyncadd.s32 $0xFFFFEC00  }
0x99: {  	[tilespmem:s26], [sflag:$0x4] =	stream.indirect.gather [hbm4b:s4+s29], $0x80, s11, s29, $0xb8;
	[tilespmem:$0x1F220] =	vst v63  }
0x9a: {  	_ =	swait.ge [sflag:s8], $0x1400  }
0x9b: {  	[sflag:s8] =	ssyncset.done $0x0  }
0x9c: {  	s12 =	simm.s32 $0x27B0;
	[sflag:s8] =	ssyncadd.s32 $0xFFFFEC00  }
0x9d: {  	[spmem:s2] =	stream.indirect.scatter.add.f32 [tilespmem:s0], [sflag:$0x6], $0x80, s12, s29, $0xb8;
	[tilespmem:$0x1F220] =	vst v63  }
0x9e: {  	_ =	swait.ge [sflag:s25], $0x1400  }
0x9f: {  	[sflag:s25] =	ssyncset.done $0x0  }
0xa0: {  	s10 =	simm.s32 $0x320;
	s11 =	simm.s32 $0x168;
	[sflag:s25] =	ssyncadd.s32 $0xFFFFEC00  }
.LBB2_4:
0xa1: {  	[tilespmem:s0], [sflag:$0x5] =	stream.indirect.gather [hbm4b:s4+s29], $0x80, s11, s29, $0xb8;
	[tilespmem:$0x1F220] =	vst v63  }
0xa2: {  	s11 =	smov.u32 s10  }
0xa3: {  	p0 =	sne.s32 s10, $0x9600;
	s10 =	sadd.s32 $0x320, s10;
	_ =	swait.ge [sflag:s31], $0x1400  }
0xa4: {  	s11 =	sshra.s32 s11, $0x2;
	[sflag:s31] =	ssyncset.done $0x0  }
0xa5: {  	s12 =	sadd.s32 $0x2710, s11;
	[sflag:s31] =	ssyncadd.s32 $0xFFFFEC00  }
0xa6: {  	[spmem:s2] =	stream.indirect.scatter.add.f32 [tilespmem:s28], [sflag:$0x6], $0x80, s12, s29, $0xb8;
	[tilespmem:$0x1F220] =	vst v63  }
0xa7: {  	_ =	swait.ge [sflag:s25], $0x1400  }
0xa8: {  	[sflag:s25] =	ssyncset.done $0x0  }
0xa9: {  	s12 =	sadd.s32 $0xC8, s11;
	[sflag:s25] =	ssyncadd.s32 $0xFFFFEC00  }
0xaa: {  	[tilespmem:s28], [sflag:$0x1] =	stream.indirect.gather [hbm4b:s4+s29], $0x80, s12, s29, $0xb8;
	[tilespmem:$0x1F220] =	vst v63  }
0xab: {  	_ =	swait.ge [sflag:s3], $0x1400  }
0xac: {  	[sflag:s3] =	ssyncset.done $0x0  }
0xad: {  	s12 =	sadd.s32 $0x2738, s11;
	[sflag:s3] =	ssyncadd.s32 $0xFFFFEC00  }
0xae: {  	[spmem:s2] =	stream.indirect.scatter.add.f32 [tilespmem:s30], [sflag:$0x6], $0x80, s12, s29, $0xb8;
	[tilespmem:$0x1F220] =	vst v63  }
0xaf: {  	_ =	swait.ge [sflag:s25], $0x1400  }
0xb0: {  	[sflag:s25] =	ssyncset.done $0x0  }
0xb1: {  	s12 =	sadd.s32 $0xF0, s11;
	[sflag:s25] =	ssyncadd.s32 $0xFFFFEC00  }
0xb2: {  	[tilespmem:s30], [sflag:$0x2] =	stream.indirect.gather [hbm4b:s4+s29], $0x80, s12, s29, $0xb8;
	[tilespmem:$0x1F220] =	vst v63  }
0xb3: {  	_ =	swait.ge [sflag:s5], $0x1400  }
0xb4: {  	[sflag:s5] =	ssyncset.done $0x0  }
0xb5: {  	s12 =	sadd.s32 $0x2760, s11;
	[sflag:s5] =	ssyncadd.s32 $0xFFFFEC00  }
0xb6: {  	[spmem:s2] =	stream.indirect.scatter.add.f32 [tilespmem:s1], [sflag:$0x6], $0x80, s12, s29, $0xb8;
	[tilespmem:$0x1F220] =	vst v63  }
0xb7: {  	_ =	swait.ge [sflag:s25], $0x1400  }
0xb8: {  	[sflag:s25] =	ssyncset.done $0x0  }
0xb9: {  	s12 =	sadd.s32 $0x118, s11;
	[sflag:s25] =	ssyncadd.s32 $0xFFFFEC00  }
0xba: {  	[tilespmem:s1], [sflag:$0x3] =	stream.indirect.gather [hbm4b:s4+s29], $0x80, s12, s29, $0xb8;
	[tilespmem:$0x1F220] =	vst v63  }
0xbb: {  	_ =	swait.ge [sflag:s6], $0x1400  }
0xbc: {  	[sflag:s6] =	ssyncset.done $0x0  }
0xbd: {  	s12 =	sadd.s32 $0x2788, s11;
	[sflag:s6] =	ssyncadd.s32 $0xFFFFEC00  }
0xbe: {  	[spmem:s2] =	stream.indirect.scatter.add.f32 [tilespmem:s26], [sflag:$0x6], $0x80, s12, s29, $0xb8;
	[tilespmem:$0x1F220] =	vst v63  }
0xbf: {  	_ =	swait.ge [sflag:s25], $0x1400  }
0xc0: {  	[sflag:s25] =	ssyncset.done $0x0  }
0xc1: {  	s12 =	sadd.s32 $0x140, s11;
	[sflag:s25] =	ssyncadd.s32 $0xFFFFEC00  }
0xc2: {  	[tilespmem:s26], [sflag:$0x4] =	stream.indirect.gather [hbm4b:s4+s29], $0x80, s12, s29, $0xb8;
	[tilespmem:$0x1F220] =	vst v63  }
0xc3: {  	_ =	swait.ge [sflag:s8], $0x1400  }
0xc4: {  	[sflag:s8] =	ssyncset.done $0x0  }
.Ltmp1:
0xc5: {  	s12 =	sadd.s32 $0x27B0, s11;
	[sflag:s8] =	ssyncadd.s32 $0xFFFFEC00;
	(pc) =	sbr.rel @p0 .LBB2_4-.Ltmp1, $4  }
0xc6: {  	[spmem:s2] =	stream.indirect.scatter.add.f32 [tilespmem:s0], [sflag:$0x6], $0x80, s12, s29, $0xb8;
	[tilespmem:$0x1F220] =	vst v63  }
0xc7: {  	_ =	swait.ge [sflag:s25], $0x1400  }
0xc8: {  	[sflag:s25] =	ssyncset.done $0x0  }
0xc9: {  	s11 =	sadd.s32 $0x168, s11;
	[sflag:s25] =	ssyncadd.s32 $0xFFFFEC00  }
0xca: {  	[tilespmem:s0], [sflag:$0x5] =	stream.indirect.gather [hbm4b:s4+s29], $0x80, s11, s29, $0xb8;
	[tilespmem:$0x1F220] =	vst v63  }
0xcb: {  	_ =	swait.ge [sflag:s31], $0x1400  }
0xcc: {  	[sflag:s31] =	ssyncset.done $0x0  }
0xcd: {  	s10 =	simm.s32 $0x4D58;
	[sflag:s31] =	ssyncadd.s32 $0xFFFFEC00  }
0xce: {  	[spmem:s2] =	stream.indirect.scatter.add.f32 [tilespmem:s28], [sflag:$0x6], $0x80, s10, s29, $0xb8;
	[tilespmem:$0x1F220] =	vst v63  }
0xcf: {  	_ =	swait.ge [sflag:s25], $0x1400  }
0xd0: {  	[sflag:s25] =	ssyncset.done $0x0  }
0xd1: {  	[sflag:s25] =	ssyncadd.s32 $0xFFFFEC00  }
0xd2: {  	_ =	swait.ge [sflag:s3], $0x1400  }
0xd3: {  	[sflag:s3] =	ssyncset.done $0x0  }
0xd4: {  	s11 =	simm.s32 $0x4D80;
	[sflag:s3] =	ssyncadd.s32 $0xFFFFEC00  }
0xd5: {  	[spmem:s2] =	stream.indirect.scatter.add.f32 [tilespmem:s30], [sflag:$0x6], $0x80, s11, s29, $0xb8;
	[tilespmem:$0x1F220] =	vst v63  }
0xd6: {  	_ =	swait.ge [sflag:s25], $0x1400  }
0xd7: {  	[sflag:s25] =	ssyncset.done $0x0  }
0xd8: {  	[sflag:s25] =	ssyncadd.s32 $0xFFFFEC00  }
0xd9: {  	_ =	swait.ge [sflag:s5], $0x1400  }
0xda: {  	[sflag:s5] =	ssyncset.done $0x0  }
0xdb: {  	s12 =	simm.s32 $0x4DA8;
	[sflag:s5] =	ssyncadd.s32 $0xFFFFEC00  }
0xdc: {  	[spmem:s2] =	stream.indirect.scatter.add.f32 [tilespmem:s1], [sflag:$0x6], $0x80, s12, s29, $0xb8;
	[tilespmem:$0x1F220] =	vst v63  }
0xdd: {  	_ =	swait.ge [sflag:s25], $0x1400  }
0xde: {  	[sflag:s25] =	ssyncset.done $0x0  }
0xdf: {  	[sflag:s25] =	ssyncadd.s32 $0xFFFFEC00  }
0xe0: {  	_ =	swait.ge [sflag:s6], $0x1400  }
0xe1: {  	[sflag:s6] =	ssyncset.done $0x0  }
0xe2: {  	s11 =	simm.s32 $0x4DD0;
	[sflag:s6] =	ssyncadd.s32 $0xFFFFEC00  }
0xe3: {  	[spmem:s2] =	stream.indirect.scatter.add.f32 [tilespmem:s26], [sflag:$0x6], $0x80, s11, s29, $0xb8;
	[tilespmem:$0x1F220] =	vst v63  }
0xe4: {  	_ =	swait.ge [sflag:s25], $0x1400  }
0xe5: {  	[sflag:s25] =	ssyncset.done $0x0  }
0xe6: {  	[sflag:s25] =	ssyncadd.s32 $0xFFFFEC00  }
0xe7: {  	_ =	swait.ge [sflag:s8], $0x1400  }
0xe8: {  	[sflag:s8] =	ssyncset.done $0x0  }
0xe9: {  	s12 =	simm.s32 $0x4DF8;
	[sflag:s8] =	ssyncadd.s32 $0xFFFFEC00  }
0xea: {  	[spmem:s2] =	stream.indirect.scatter.add.f32 [tilespmem:s0], [sflag:$0x6], $0x80, s12, s29, $0xb8;
	[tilespmem:$0x1F220] =	vst v63  }
0xeb: {  	s11 =	stileid.u32;
	_ =	swait.ge [sflag:s25], $0x1400  }
0xec: {  	s9 =	sadd.s32 $0x1, s9;
	s10 =	sshll.u32 s11, $0x6;
	[sflag:s25] =	ssyncset.done $0x0  }
0xed: {  	p0 =	sne.s32 s9, s24;
	s10 =	sor.u32 $0x1C06, s10;
	[sflag:s25] =	ssyncadd.s32 $0xFFFFEC00  }
.Ltmp2:
0xee: {  	s12 =	sshrl.u32 s7, $0x3;
	[bflag:$0x0] =	sbarrier.arrive $0xFFFF;
	(pc) =	sbr.rel @p0 .LBB2_1-.Ltmp2, $4  }
0xef: {  	[hbm:s23], [sflag:s10] =	dma.local [spmem:s12], $0x2800  }
0xf0: {  	_ =	swait.ge [sflag:s25], $0x2800  }
0xf1: {  	[sflag:s25] =	ssyncset.done $0x0  }
0xf2: {  	[sflag:s25] =	ssyncadd.s32 $0xFFFFD800  }
0xf3: {  	_ =	sfence.sel $0x180000  }
0xf4: {  	[bflag:$0x0] =	sbarrier.arrive $0xFFFF  }
0xf5: {  	_ =	strace $0x9000004D  }
0xf6: {  	s0 =	stileid.u32;
	[bflag:$0x2] =	sbarrier.arrive $0xFFFF  }
0xf7: {  	p0 =	sne.s32 s0, $0x0;
	s0 =	rddreg [dreg:$0x2]  }
0xf8: {  	s0 =	sadd.s32 @!p0 $0x100000, s0  }
0xf9: {  	[sflag:s0] =	ssyncadd.tile.s32 @!p0 $0x1;
	_ =	shalt  }
.Lfunc_end2:
_tile_overlayer_lowered:
.L_overlay_start_2:
0xfa: {  	(tag) =	ssettag $0x2  }
0xfb: {  	s0 =	rddreg [dreg:$0x0];
	s2 =	stileid.u32  }
0xfc: {  	s1 =	rddreg [dreg:$0x1];
	p0 =	sne.s32 s2, $0x0  }
0xfd: {  	s3 =	rddreg [dreg:$0x2];
	[bflag:$0x3] =	sbarrier.arrive $0xFFFF;
	s2 =	simm.s32 @!p0 $0x1C06  }
0xfe: {  	[timem:s3], [sflag:s2] =	dma.local @!p0 [hbm:s0], s1  }
0xff: {  	s0 =	simm.s32 @!p0 $0x6  }
0x100: {  	_ =	swait.ge @!p0 [sflag:s0], s1  }
0x101: {  	s1 =	ssub.s32 @!p0 $0x0, s1;
	[sflag:s0] =	ssyncset.done @!p0 $0x0  }
0x102: {  	[sflag:s0] =	ssyncadd.s32 @!p0 s1  }
0x103: {  	[bflag:$0x3] =	sbarrier.arrive $0xFFFF  }
0x104: {  	_ =	shalt  }

// kernel: kernel.19.cloned.1.call-start
scs
__scs_entry_jumppad:
0x0: {  	(pc) =	sbr.rel $0x88, $3  }
0x1: {  	(tag) =	ssettag $0x0;
	lr =	simm.s32 $0x1  }
0x2: {  	[smem:$0x3F95] =	sst lr;
	_ =	strace $0xD0000000  }
0x3: {  	_ = 	snop  }
0x4: {  	_ = 	snop  }
0x5: {  	_ = 	snop  }
0x6: {  	_ = 	snop  }
0x7: {  	_ = 	snop  }
__scs_overlays_trampoline_lowered:
0x8: {  	[smem:$0x3FA4] =	sst s0  }
0x9: {  	[smem:$0x3FA5] =	sst s1  }
0xa: {  	[smem:$0x3FA6] =	sst s2  }
0xb: {  	[smem:$0x3FA7] =	sst s3  }
0xc: {  	[smem:$0x3FA8] =	sst s4  }
0xd: {  	[smem:$0x3FA9] =	sst s5  }
0xe: {  	[smem:$0x3FAA] =	sst s6  }
0xf: {  	[smem:$0x3FAB] =	sst s7  }
0x10: {  	[smem:$0x3FAC] =	sst s8  }
0x11: {  	[smem:$0x3FAD] =	sst s9;
	s0 =	simm.s32 @!p0 $0x0  }
0x12: {  	s1 =	sld [smem:$0x3F93];
	s0 =	simm.s32 @p0 $0x1  }
0x13: {  	[smem:$0x3FAE] =	sst s0;
	s0 =	simm.s32 @!p1 $0x0  }
0x14: {  	s2 =	sld [smem:$0x3F92];
	s0 =	simm.s32 @p1 $0x1  }
0x15: {  	[smem:$0x3FAF] =	sst s0;
	s0 =	simm.s32 @!p2 $0x0  }
0x16: {  	s3 =	sld [smem:$0x3FDB];
	s0 =	simm.s32 @p2 $0x1  }
0x17: {  	s4 =	simm.s32 $0x1BF5;
	[smem:$0x3FB1] =	sst s0  }
0x18: {  	s0 =	sld [smem:$0x3F94];
	_ =	swait.ge [sflag:s4], $0x0  }
0x19: {  	s7 =	sld [smem:$0x3F95]  }
0x1a: {  	s8 =	sadd.s32 $0xFFFFE003, lr  }
0x1b: {  	s9 =	sadd.s32 $0xFFFFFEF7, lr;
	s5 =	simm.s32 $0xFFFFFFFF;
	p2 =	slt.u32 s8, $0xFFFFF086  }
0x1c: {  	p1 =	slt.u32 s9, $0xF7A;
	s5 =	simm.s32 @!p2 $0x0  }
0x1d: {  	s5 =	simm.s32 @p1 $0x1;
	p0 =	seq.s32 s7, s2  }
0x1e: {  	s7 =	smul.u32 @!p0 $0xF7A, s2;
	p2 =	seq.s32 @!p0 s5, $0x0  }
0x1f: {  	s9 =	smul.u32 $0xF7A, s1;
	s8 =	simm.s32 @!p0 $0x1BF5;
	p2 =	por !p2, p0  }
0x20: {  	[sflag:s8] =	ssyncset.s32 @!p0 $0xFFFFF086;
	s6 =	sadd.s32 @!p0 s3, s7;
	s7 =	simm.s32 @!p0 $0x108  }
0x21: {  	s3 =	sadd.s32 s3, s9;
	s6 =	sadd.s32 @!p0 $0x88, s6;
	s7 =	simm.s32 @p2 $0x1082  }
0x22: {  	[simem:s7], [sflag:s8] =	dma.local @!p0 [hbm:s6], $0xF7A  }
0x23: {  	s9 =	sor.u32 $0xD0000000, s2;
	s6 =	simm.s32 $0x108;
	_ =	swait.ge @!p0 [sflag:s8], $0x0  }
0x24: {  	s3 =	sadd.s32 $0x88, s3;
	s6 =	simm.s32 @!p1 $0x1082;
	[sflag:s4] =	ssyncset.s32 $0xFFFFF086  }
0x25: {  	[simem:s6], [sflag:s4] =	dma.local [hbm:s3], $0xF7A  }
0x26: {  	[smem:$0x3F95] =	sst s1;
	(tag) =	ssettag s2;
	_ =	strace s9  }
0x27: {  	s1 =	sld [smem:$0x3FA5]  }
0x28: {  	s2 =	sld [smem:$0x3FA6]  }
0x29: {  	s4 =	sld [smem:$0x3FA8]  }
0x2a: {  	p0 =	seq.s32 s5, $0x0;
	s5 =	sld [smem:$0x3FA9]  }
0x2b: {  	s6 =	sld [smem:$0x3FAA]  }
0x2c: {  	s7 =	sld [smem:$0x3FAB]  }
0x2d: {  	s3 =	simm.s32 $0x108;
	s8 =	sld [smem:$0x3FAC]  }
0x2e: {  	s3 =	simm.s32 @!p0 $0x1082;
	s9 =	sld [smem:$0x3FAD]  }
0x2f: {  	lr =	sadd.s32 s0, s3;
	s0 =	sld [smem:$0x3FA4]  }
0x30: {  	s3 =	sld [smem:$0x3FA7]  }
0x31: {  	[smem:$0x3FB0] =	sst s10  }
0x32: {  	s10 =	sld [smem:$0x3FAE];
	_ =	sdelay $0x3  }
0x33: {  	p0 =	seq.s32 s10, $0x1;
	s10 =	sld [smem:$0x3FB0];
	_ =	sdelay $0x3  }
0x34: {  	[smem:$0x3FB0] =	sst s10  }
0x35: {  	s10 =	sld [smem:$0x3FAF];
	_ =	sdelay $0x3  }
0x36: {  	p1 =	seq.s32 s10, $0x1;
	s10 =	sld [smem:$0x3FB0];
	_ =	sdelay $0x3  }
0x37: {  	[smem:$0x3FB0] =	sst s10  }
0x38: {  	s10 =	sld [smem:$0x3FB1]  }
0x39: {  	_ = 	snop;
	(pc) =	sbr.ind lr, $3  }
0x3a: {  	_ = 	snop  }
0x3b: {  	_ = 	snop  }
0x3c: {  	p2 =	seq.s32 s10, $0x1;
	s10 =	sld [smem:$0x3FB0]  }
0x3d: {  	_ =	shalt  }
0x3e: {  	_ =	shalt  }
0x3f: {  	_ =	shalt  }
0x40: {  	_ =	shalt  }
0x41: {  	_ =	shalt  }
0x42: {  	_ =	shalt  }
0x43: {  	_ =	shalt  }
0x44: {  	_ =	shalt  }
0x45: {  	_ =	shalt  }
0x46: {  	_ =	shalt  }
0x47: {  	_ =	shalt  }
0x48: {  	_ =	shalt  }
0x49: {  	_ =	shalt  }
0x4a: {  	_ =	shalt  }
0x4b: {  	_ =	shalt  }
0x4c: {  	_ =	shalt  }
0x4d: {  	_ =	shalt  }
0x4e: {  	_ =	shalt  }
0x4f: {  	_ =	shalt  }
0x50: {  	_ =	shalt  }
0x51: {  	_ =	shalt  }
0x52: {  	_ =	shalt  }
0x53: {  	_ =	shalt  }
0x54: {  	_ =	shalt  }
0x55: {  	_ =	shalt  }
0x56: {  	_ =	shalt  }
0x57: {  	_ =	shalt  }
0x58: {  	_ =	shalt  }
0x59: {  	_ =	shalt  }
0x5a: {  	_ =	shalt  }
0x5b: {  	_ =	shalt  }
0x5c: {  	_ =	shalt  }
0x5d: {  	_ =	shalt  }
0x5e: {  	_ =	shalt  }
0x5f: {  	_ =	shalt  }
0x60: {  	_ =	shalt  }
0x61: {  	_ =	shalt  }
0x62: {  	_ =	shalt  }
0x63: {  	_ =	shalt  }
0x64: {  	_ =	shalt  }
0x65: {  	_ =	shalt  }
0x66: {  	_ =	shalt  }
0x67: {  	_ =	shalt  }
0x68: {  	_ =	shalt  }
0x69: {  	_ =	shalt  }
0x6a: {  	_ =	shalt  }
0x6b: {  	_ =	shalt  }
0x6c: {  	_ =	shalt  }
0x6d: {  	_ =	shalt  }
0x6e: {  	_ =	shalt  }
0x6f: {  	_ =	shalt  }
0x70: {  	_ =	shalt  }
0x71: {  	_ =	shalt  }
0x72: {  	_ =	shalt  }
0x73: {  	_ =	shalt  }
0x74: {  	_ =	shalt  }
0x75: {  	_ =	shalt  }
0x76: {  	_ =	shalt  }
0x77: {  	_ =	shalt  }
0x78: {  	_ =	shalt  }
0x79: {  	_ =	shalt  }
0x7a: {  	_ =	shalt  }
0x7b: {  	_ =	shalt  }
0x7c: {  	_ =	shalt  }
0x7d: {  	_ =	shalt  }
0x7e: {  	_ =	shalt  }
0x7f: {  	_ =	shalt  }
0x80: {  	_ =	shalt  }
0x81: {  	_ =	shalt  }
0x82: {  	_ =	shalt  }
0x83: {  	_ =	shalt  }
0x84: {  	_ =	shalt  }
0x85: {  	_ =	shalt  }
0x86: {  	_ =	shalt  }
0x87: {  	_ =	shalt  }
.Lfunc_end0:
.L_simem_size_0:
called_computation.3_lowered:
.L_overlay_start_0:
0x88: {  	s2 =	sld [smem:$0x3FD9]  }
0x89: {  	s3 =	sld [smem:$0x3FFE];
	_ =	sdelay $0x1  }
0x8a: {  	s1 =	srdreg.scid  }
0x8b: {  	s0 =	sand.u32 $0x1, s1  }
0x8c: {  	s17 =	sshll.u32 s0, $0xA;
	s2 =	sadd.s32 s3, s2  }
0x8d: {  	s2 =	sadd.s32 s2, s17  }
0x8e: {  	[smem:$0x3FBC] =	sst s2  }
0x8f: {  	_ = 	snop  }
0x90: {  	s2 =	sld [smem:$0x3FD0];
	(tm) =	ssettm $0x1  }
0x91: {  	s18 =	sld [smem:$0x3FFB];
	_ =	sdelay $0x3  }
0x92: {  	_ =	strace s18  }
0x93: {  	s3 =	sld [smem:$0x3FFC];
	_ =	sdelay $0x3  }
0x94: {  	_ =	strace s3  }
0x95: {  	s3 =	sld [smem:$0x3FFD];
	_ =	sdelay $0x3  }
0x96: {  	_ =	strace s3  }
0x97: {  	_ =	strace $0x8FFFFFFF  }
0x98: {  	s19 =	sld [smem:$0x3FDB];
	_ =	sdelay $0x1  }
0x99: {  	s4 =	simm.s32 $_scs_section_size  }
0x9a: {  	s5 =	simm.s32 $_size__tile_overlayer_lowered;
	s6 =	simm.s32 $_tile_overlayer_lowered  }
0x9b: {  	s22 =	simm.s32 $0x1BFF;
	s21 =	sshll.u32 s6, $0x1;
	s3 =	sadd.s32 s4, s19  }
0x9c: {  	s7 =	simm.s32 $0x0;
	s20 =	sshll.u32 s5, $0x1;
	s5 =	sadd.s32 s21, s3  }
0x9d: {  	[timem:s7], [sflag:s22] =	dma.local [hbm:s5], s20  }
0x9e: {  	_ =	swait.ge [sflag:s22], s20  }
0x9f: {  	s4 =	ssub.s32 $0x0, s20;
	[sflag:s22] =	ssyncset.done $0x0  }
0xa0: {  	[sflag:s22] =	ssyncadd.s32 s4;
	_ =	sdelay $0x1  }
0xa1: {  	s23 =	simm.s32 $0x1B8B  }
0xa2: {  	_ =	swait.ge [sflag:s23], $0x1  }
0xa3: {  	[sflag:s23] =	ssyncset.done $0x0  }
0xa4: {  	s25 =	simm.s32 $0x1B8E;
	s24 =	sld [smem:$0x3FFE];
	[sflag:s23] =	ssyncadd.s32 $0xFFFFFFFF  }
0xa5: {  	s26 =	simm.s32 $execute0_lowered;
	[smem:$0x3FD2] =	sst s25  }
0xa6: {  	s5 =	sshll.u32 s26, $0x1;
	_ =	strace $0x8000004F;
	[dreg:$0x1] =	wrdreg $0xFFFFFFFF  }
0xa7: {  	s28 =	simm.s32 $_size_execute0_lowered;
	s3 =	sadd.s32 s3, s5;
	[dreg:$0x0] =	wrdreg $0x0  }
0xa8: {  	s5 =	sshll.u32 s28, $0x1;
	[dreg:$0x2] =	wrdreg s3  }
0xa9: {  	[dreg:$0x3] =	wrdreg s5  }
0xaa: {  	[dreg:$0x4] =	wrdreg $0xC0  }
0xab: {  	_ =	task [dreg:s7], $0x5FFFF  }
0xac: {  	[dreg:$0x1] =	wrdreg $0xFFFFFFFF  }
0xad: {  	[dreg:$0x0] =	wrdreg $0x60  }
0xae: {  	[dreg:$0x2] =	wrdreg s24  }
0xaf: {  	[dreg:$0x3] =	wrdreg s2  }
0xb0: {  	[dreg:$0x4] =	wrdreg $0x67200  }
0xb1: {  	[dreg:$0x5] =	wrdreg $0x8E300  }
0xb2: {  	[dreg:$0x6] =	wrdreg $0x9  }
0xb3: {  	_ =	task.clear_ibuf [dreg:s7], $0x7FFFF;
	_ =	strace $0x9000004F  }
0xb4: {  	s29 =	simm.s32 $0x9;
	_ =	strace $0x80000051  }
0xb5: {  	_ =	swait.ge [sflag:s29], $0x1  }
0xb6: {  	[sflag:s29] =	ssyncadd.s32 $0xFFFFFFFF  }
0xb7: {  	_ =	strace $0x90000051  }
0xb8: {  	_ =	sfence  }
0xb9: {  	s30 =	sld [smem:$0x0];
	_ =	sdelay $0x2  }
0xba: {  	s31 =	sshll.u32 s1, $0xD;
	s1 =	sshrl.u32 s1, $0x2  }
0xbb: {  	s3 =	sand.u32 $0x4000, s31;
	s1 =	sadd.s32 s1, s30  }
0xbc: {  	s0 =	sor.u32 s3, s0;
	s1 =	sshll.u32 s1, $0x11  }
0xbd: {  	s0 =	sor.u32 s1, s0  }
0xbe: {  	s0 =	sadd.s32 $0x8F2B, s0  }
0xbf: {  	[sflag:s0] =	ssyncadd.remote.s32 $0x1  }
0xc0: {  	_ =	sfence.sel $0xFFFF  }
0xc1: {  	[dreg:$0x0] =	wrdreg $0xFFFFFFFF;
	(pc) =	sbr.abs _section_cstart, $3  }
0xc2: {  	[dreg:$0x1] =	wrdreg $0xFFFFFFFF  }
0xc3: {  	_ =	task.clear_ibuf [dreg:s7], $0x2FFFF;
	_ =	strace $0x9FFFFFFF  }
0xc4: {  	(tm) =	ssettm $0x7FFFFFFF  }
0xc5: {  	_ =	shalt  }
tec
execute0_lowered:
.L_overlay_start_1:
0x0: {  	(tag) =	ssettag $0x1  }
0x1: {  	s0 =	rddreg [dreg:$0x0]  }
0x2: {  	s1 =	srdreg.scid;
	s4 =	rddreg [dreg:$0x1]  }
0x3: {  	s18 =	stileid.u32;
	s2 =	rddreg [dreg:$0x2];
	s6 =	simm.s32 $0x0  }
0x4: {  	s29 =	simm.s32 $0x5D20;
	s31 =	simm.s32 $0x6220;
	s28 =	simm.s32 $0x5  }
0x5: {  	s30 =	simm.s32 $0x0;
	s1 =	sand.u32 $0x1, s1;
	s8 =	smul.u32 $0x2800, s18  }
0x6: {  	s3 =	sshll.u32 s18, $0x1;
	[smem:$0x7FF] =	sst s6;
	s9 =	smul.u32 $0xA000, s18  }
0x7: {  	s23 =	smul.u32 $0x2710, s18;
	s26 =	sshll.u32 s18, $0x6;
	s18 =	simm.s32 $0x6  }
0x8: {  	s5 =	sor.u32 s1, s3;
	s3 =	rddreg [dreg:$0x3];
	s22 =	smul.u32 $0x28000, s1  }
0x9: {  	_ =	strace $0x80000050;
	s1 =	ssub.s32 $0x2, s1;
	s20 =	sor.u32 $0x1C06, s26  }
0xa: {  	s26 =	simm.s32 $0x5820;
	s5 =	smul.u32 $0x2710, s5;
	s7 =	sshrl.u32 s1, $0x1  }
0xb: {  	s25 =	sshrl.u32 s9, $0x2;
	s19 =	sadd.s32 s23, s2;
	s6 =	sadd.s32 s8, s22  }
0xc: {  	s1 =	ssub.s32 s1, s7;
	s7 =	sshrl.u32 s23, $0x3;
	s8 =	sadd.s32 s8, s3  }
0xd: {  	s21 =	sshrl.u32 s19, $0x3;
	s22 =	simm.s32 $0x4E20;
	s23 =	simm.s32 $0x50  }
0xe: {  	s19 =	simm.s32 $0x3;
	s5 =	sshrl.u32 s5, $0x3;
	s6 =	sshrl.u32 s6, $0x3  }
0xf: {  	s7 =	sadd.s32 s4, s7;
	s17 =	smax.u32 s1, $0x1;
	s5 =	sadd.s32 s5, s0  }
0x10: {  	s1 =	simm.s32 $0x1;
	s0 =	sadd.s32 s6, s0;
	s24 =	sadd.s32 $0x3A00, s5  }
0x11: {  	s5 =	sadd.s32 $0xD640, s5;
	s16 =	sadd.s32 $0x67400, s0;
	[dreg:$0x5] =	wrdreg s24  }
0x12: {  	s0 =	simm.s32 $0x2;
	[dreg:$0x6] =	wrdreg s5;
	s5 =	sadd.s32 s25, s3  }
0x13: {  	s24 =	simm.s32 $0x5320;
	s25 =	simm.s32 $0x4;
	s9 =	sadd.s32 $0x500, s5  }
0x14: {  	s10 =	sadd.s32 $0xA00, s5;
	s11 =	sadd.s32 $0xF00, s5;
	s12 =	sadd.s32 $0x1400, s5  }
0x15: {  	v0 =	vimm.f32 $0.0e+00;
	s13 =	sadd.s32 $0x1900, s5;
	s14 =	sadd.s32 $0x1E00, s5;
	s15 =	sadd.s32 $0x2300, s5  }
.LBB2_1:
0x16: {  	s4 =	simm.s32 $0x0;
	s5 =	rddreg [dreg:$0x5]  }
0x17: {  	[tilespmem:s4], [sflag:$0x6] =	stream.linear.gather [hbm4b:s5+s4], $0x2710, $0x38;
	[tilespmem:$0xB630] =	vst v63  }
0x18: {  	_ =	swait.ge [sflag:s18], $0x2710  }
0x19: {  	[sflag:s18] =	ssyncset.done $0x0  }
0x1a: {  	s6 =	simm.s32 $0x2710;
	s5 =	rddreg [dreg:$0x6];
	[sflag:s18] =	ssyncadd.s32 $0xFFFFD8F0  }
0x1b: {  	[tilespmem:s6], [sflag:$0x6] =	stream.linear.gather [hbm4b:s5+s4], $0x2710, $0x38;
	[tilespmem:$0xB630] =	vst v63  }
0x1c: {  	_ =	swait.ge [sflag:s18], $0x2710  }
0x1d: {  	[sflag:s18] =	ssyncset.done $0x0  }
0x1e: {  	[sflag:s18] =	ssyncadd.s32 $0xFFFFD8F0  }
0x1f: {  	[spmem:s21], [sflag:s20] =	dma.local [hbm:s7], $0x4E2  }
0x20: {  	_ =	swait.ge [sflag:s18], $0x4E2  }
0x21: {  	[sflag:s18] =	ssyncset.done $0x0  }
0x22: {  	s4 =	simm.s32 $0x40;
	s5 =	simm.s32 $0x0;
	[sflag:s18] =	ssyncadd.s32 $0xFFFFFB1E  }
.LBB2_2:
0x23: {  	p0 =	sne.s32 s4, $0x13C0;
	[tilespmem:s5+$0x4E20] =	vst v0;
	s5 =	smov.u32 s4;
	s4 =	sadd.s32 $0x40, s4  }
.Ltmp0:
0x24: {  	(pc) =	sbr.rel @p0 .LBB2_2-.Ltmp0, $2  }
0x25: {  	_ =	sdelay $0x2  }
0x26: {  	s5 =	sshra.s32 s5, $0x2  }
0x27: {  	[tilespmem:s5+$0x4E20] =	vst v0  }
0x28: {  	[spmem:s8] =	stream.linear.scatter [tilespmem:s22], [sflag:$0x6], $0x500, $0x38;
	[tilespmem:$0xB630] =	vst v63  }
0x29: {  	_ =	swait.ge [sflag:s18], $0x500  }
0x2a: {  	[sflag:s18] =	ssyncset.done $0x0  }
0x2b: {  	[sflag:s18] =	ssyncadd.s32 $0xFFFFFB00  }
0x2c: {  	[spmem:s9] =	stream.linear.scatter [tilespmem:s22], [sflag:$0x6], $0x500, $0x38;
	[tilespmem:$0xB630] =	vst v63  }
0x2d: {  	_ =	swait.ge [sflag:s18], $0x500  }
0x2e: {  	[sflag:s18] =	ssyncset.done $0x0  }
0x2f: {  	[sflag:s18] =	ssyncadd.s32 $0xFFFFFB00  }
0x30: {  	[spmem:s10] =	stream.linear.scatter [tilespmem:s22], [sflag:$0x6], $0x500, $0x38;
	[tilespmem:$0xB630] =	vst v63  }
0x31: {  	_ =	swait.ge [sflag:s18], $0x500  }
0x32: {  	[sflag:s18] =	ssyncset.done $0x0  }
0x33: {  	[sflag:s18] =	ssyncadd.s32 $0xFFFFFB00  }
0x34: {  	[spmem:s11] =	stream.linear.scatter [tilespmem:s22], [sflag:$0x6], $0x500, $0x38;
	[tilespmem:$0xB630] =	vst v63  }
0x35: {  	_ =	swait.ge [sflag:s18], $0x500  }
0x36: {  	[sflag:s18] =	ssyncset.done $0x0  }
0x37: {  	[sflag:s18] =	ssyncadd.s32 $0xFFFFFB00  }
0x38: {  	[spmem:s12] =	stream.linear.scatter [tilespmem:s22], [sflag:$0x6], $0x500, $0x38;
	[tilespmem:$0xB630] =	vst v63  }
0x39: {  	_ =	swait.ge [sflag:s18], $0x500  }
0x3a: {  	[sflag:s18] =	ssyncset.done $0x0  }
0x3b: {  	[sflag:s18] =	ssyncadd.s32 $0xFFFFFB00  }
0x3c: {  	[spmem:s13] =	stream.linear.scatter [tilespmem:s22], [sflag:$0x6], $0x500, $0x38;
	[tilespmem:$0xB630] =	vst v63  }
0x3d: {  	_ =	swait.ge [sflag:s18], $0x500  }
0x3e: {  	[sflag:s18] =	ssyncset.done $0x0  }
0x3f: {  	[sflag:s18] =	ssyncadd.s32 $0xFFFFFB00  }
0x40: {  	[spmem:s14] =	stream.linear.scatter [tilespmem:s22], [sflag:$0x6], $0x500, $0x38;
	[tilespmem:$0xB630] =	vst v63  }
0x41: {  	_ =	swait.ge [sflag:s18], $0x500  }
0x42: {  	[sflag:s18] =	ssyncset.done $0x0  }
0x43: {  	[sflag:s18] =	ssyncadd.s32 $0xFFFFFB00  }
0x44: {  	[spmem:s15] =	stream.linear.scatter [tilespmem:s22], [sflag:$0x6], $0x500, $0x38;
	[tilespmem:$0xB630] =	vst v63  }
0x45: {  	_ =	swait.ge [sflag:s18], $0x500  }
0x46: {  	[sflag:s18] =	ssyncset.done $0x0  }
0x47: {  	[sflag:s18] =	ssyncadd.s32 $0xFFFFFB00  }
0x48: {  	s4 =	simm.s32 $0x0;
	[bflag:$0x0] =	sbarrier.arrive $0xFFFF  }
0x49: {  	[tilespmem:s22], [sflag:$0x1] =	stream.indirect.gather [spmem:s2], $0x10, s4, s23, $0xb8;
	[tilespmem:$0xB630] =	vst v63  }
0x4a: {  	_ = 	snop  }
0x4b: {  	[tilespmem:s24], [sflag:$0x2] =	stream.indirect.gather [spmem:s2], $0x10, s23, s23, $0xb8;
	[tilespmem:$0xB630] =	vst v63  }
0x4c: {  	s5 =	simm.s32 $0xA0  }
0x4d: {  	[tilespmem:s26], [sflag:$0x3] =	stream.indirect.gather [spmem:s2], $0x10, s5, s23, $0xb8;
	[tilespmem:$0xB630] =	vst v63  }
0x4e: {  	s6 =	simm.s32 $0xF0  }
0x4f: {  	[tilespmem:s29], [sflag:$0x4] =	stream.indirect.gather [spmem:s2], $0x10, s6, s23, $0xb8;
	[tilespmem:$0xB630] =	vst v63  }
0x50: {  	s5 =	simm.s32 $0x140  }
0x51: {  	[tilespmem:s31], [sflag:$0x5] =	stream.indirect.gather [spmem:s2], $0x10, s5, s23, $0xb8;
	[tilespmem:$0xB630] =	vst v63  }
0x52: {  	_ =	swait.ge [sflag:s1], $0x500  }
0x53: {  	[sflag:s1] =	ssyncset.done $0x0  }
0x54: {  	s6 =	simm.s32 $0x2710;
	[sflag:s1] =	ssyncadd.s32 $0xFFFFFB00  }
0x55: {  	[spmem:s3] =	stream.indirect.scatter.add.f32 [tilespmem:s22], [sflag:$0x6], $0x10, s6, s23, $0xb8;
	[tilespmem:$0xB630] =	vst v63  }
0x56: {  	_ =	swait.ge [sflag:s18], $0x500  }
0x57: {  	[sflag:s18] =	ssyncset.done $0x0  }
0x58: {  	s5 =	simm.s32 $0x190;
	[sflag:s18] =	ssyncadd.s32 $0xFFFFFB00  }
0x59: {  	[tilespmem:s22], [sflag:$0x1] =	stream.indirect.gather [spmem:s2], $0x10, s5, s23, $0xb8;
	[tilespmem:$0xB630] =	vst v63  }
0x5a: {  	_ =	swait.ge [sflag:s0], $0x500  }
0x5b: {  	[sflag:s0] =	ssyncset.done $0x0  }
0x5c: {  	s6 =	simm.s32 $0x2760;
	[sflag:s0] =	ssyncadd.s32 $0xFFFFFB00  }
0x5d: {  	[spmem:s3] =	stream.indirect.scatter.add.f32 [tilespmem:s24], [sflag:$0x6], $0x10, s6, s23, $0xb8;
	[tilespmem:$0xB630] =	vst v63  }
0x5e: {  	_ =	swait.ge [sflag:s18], $0x500  }
0x5f: {  	[sflag:s18] =	ssyncset.done $0x0  }
0x60: {  	s5 =	simm.s32 $0x1E0;
	[sflag:s18] =	ssyncadd.s32 $0xFFFFFB00  }
0x61: {  	[tilespmem:s24], [sflag:$0x2] =	stream.indirect.gather [spmem:s2], $0x10, s5, s23, $0xb8;
	[tilespmem:$0xB630] =	vst v63  }
0x62: {  	_ =	swait.ge [sflag:s19], $0x500  }
0x63: {  	[sflag:s19] =	ssyncset.done $0x0  }
0x64: {  	s6 =	simm.s32 $0x27B0;
	[sflag:s19] =	ssyncadd.s32 $0xFFFFFB00  }
0x65: {  	[spmem:s3] =	stream.indirect.scatter.add.f32 [tilespmem:s26], [sflag:$0x6], $0x10, s6, s23, $0xb8;
	[tilespmem:$0xB630] =	vst v63  }
0x66: {  	_ =	swait.ge [sflag:s18], $0x500  }
0x67: {  	[sflag:s18] =	ssyncset.done $0x0  }
0x68: {  	s5 =	simm.s32 $0x230;
	[sflag:s18] =	ssyncadd.s32 $0xFFFFFB00  }
0x69: {  	[tilespmem:s26], [sflag:$0x3] =	stream.indirect.gather [spmem:s2], $0x10, s5, s23, $0xb8;
	[tilespmem:$0xB630] =	vst v63  }
0x6a: {  	_ =	swait.ge [sflag:s25], $0x500  }
0x6b: {  	[sflag:s25] =	ssyncset.done $0x0  }
0x6c: {  	s6 =	simm.s32 $0x2800;
	[sflag:s25] =	ssyncadd.s32 $0xFFFFFB00  }
0x6d: {  	[spmem:s3] =	stream.indirect.scatter.add.f32 [tilespmem:s29], [sflag:$0x6], $0x10, s6, s23, $0xb8;
	[tilespmem:$0xB630] =	vst v63  }
0x6e: {  	_ =	swait.ge [sflag:s18], $0x500  }
0x6f: {  	[sflag:s18] =	ssyncset.done $0x0  }
0x70: {  	s5 =	simm.s32 $0x280;
	[sflag:s18] =	ssyncadd.s32 $0xFFFFFB00  }
0x71: {  	[tilespmem:s29], [sflag:$0x4] =	stream.indirect.gather [spmem:s2], $0x10, s5, s23, $0xb8;
	[tilespmem:$0xB630] =	vst v63  }
0x72: {  	_ =	swait.ge [sflag:s28], $0x500  }
0x73: {  	[sflag:s28] =	ssyncset.done $0x0  }
0x74: {  	s6 =	simm.s32 $0x2850;
	[sflag:s28] =	ssyncadd.s32 $0xFFFFFB00  }
0x75: {  	[spmem:s3] =	stream.indirect.scatter.add.f32 [tilespmem:s31], [sflag:$0x6], $0x10, s6, s23, $0xb8;
	[tilespmem:$0xB630] =	vst v63  }
0x76: {  	_ =	swait.ge [sflag:s18], $0x500  }
0x77: {  	[sflag:s18] =	ssyncset.done $0x0  }
0x78: {  	s4 =	simm.s32 $0x640;
	s5 =	simm.s32 $0x2D0;
	[sflag:s18] =	ssyncadd.s32 $0xFFFFFB00  }
.LBB2_4:
0x79: {  	[tilespmem:s31], [sflag:$0x5] =	stream.indirect.gather [spmem:s2], $0x10, s5, s23, $0xb8;
	[tilespmem:$0xB630] =	vst v63  }
0x7a: {  	s5 =	smov.u32 s4  }
0x7b: {  	p0 =	sne.s32 s4, $0x8FC0;
	s4 =	sadd.s32 $0x640, s4;
	_ =	swait.ge [sflag:s1], $0x500  }
0x7c: {  	s5 =	sshra.s32 s5, $0x2;
	[sflag:s1] =	ssyncset.done $0x0  }
0x7d: {  	s6 =	sadd.s32 $0x2710, s5;
	[sflag:s1] =	ssyncadd.s32 $0xFFFFFB00  }
0x7e: {  	[spmem:s3] =	stream.indirect.scatter.add.f32 [tilespmem:s22], [sflag:$0x6], $0x10, s6, s23, $0xb8;
	[tilespmem:$0xB630] =	vst v63  }
0x7f: {  	_ =	swait.ge [sflag:s18], $0x500  }
0x80: {  	[sflag:s18] =	ssyncset.done $0x0  }
0x81: {  	s6 =	sadd.s32 $0x190, s5;
	[sflag:s18] =	ssyncadd.s32 $0xFFFFFB00  }
0x82: {  	[tilespmem:s22], [sflag:$0x1] =	stream.indirect.gather [spmem:s2], $0x10, s6, s23, $0xb8;
	[tilespmem:$0xB630] =	vst v63  }
0x83: {  	_ =	swait.ge [sflag:s0], $0x500  }
0x84: {  	[sflag:s0] =	ssyncset.done $0x0  }
0x85: {  	s6 =	sadd.s32 $0x2760, s5;
	[sflag:s0] =	ssyncadd.s32 $0xFFFFFB00  }
0x86: {  	[spmem:s3] =	stream.indirect.scatter.add.f32 [tilespmem:s24], [sflag:$0x6], $0x10, s6, s23, $0xb8;
	[tilespmem:$0xB630] =	vst v63  }
0x87: {  	_ =	swait.ge [sflag:s18], $0x500  }
0x88: {  	[sflag:s18] =	ssyncset.done $0x0  }
0x89: {  	s6 =	sadd.s32 $0x1E0, s5;
	[sflag:s18] =	ssyncadd.s32 $0xFFFFFB00  }
0x8a: {  	[tilespmem:s24], [sflag:$0x2] =	stream.indirect.gather [spmem:s2], $0x10, s6, s23, $0xb8;
	[tilespmem:$0xB630] =	vst v63  }
0x8b: {  	_ =	swait.ge [sflag:s19], $0x500  }
0x8c: {  	[sflag:s19] =	ssyncset.done $0x0  }
0x8d: {  	s6 =	sadd.s32 $0x27B0, s5;
	[sflag:s19] =	ssyncadd.s32 $0xFFFFFB00  }
0x8e: {  	[spmem:s3] =	stream.indirect.scatter.add.f32 [tilespmem:s26], [sflag:$0x6], $0x10, s6, s23, $0xb8;
	[tilespmem:$0xB630] =	vst v63  }
0x8f: {  	_ =	swait.ge [sflag:s18], $0x500  }
0x90: {  	[sflag:s18] =	ssyncset.done $0x0  }
0x91: {  	s6 =	sadd.s32 $0x230, s5;
	[sflag:s18] =	ssyncadd.s32 $0xFFFFFB00  }
0x92: {  	[tilespmem:s26], [sflag:$0x3] =	stream.indirect.gather [spmem:s2], $0x10, s6, s23, $0xb8;
	[tilespmem:$0xB630] =	vst v63  }
0x93: {  	_ =	swait.ge [sflag:s25], $0x500  }
0x94: {  	[sflag:s25] =	ssyncset.done $0x0  }
0x95: {  	s6 =	sadd.s32 $0x2800, s5;
	[sflag:s25] =	ssyncadd.s32 $0xFFFFFB00  }
0x96: {  	[spmem:s3] =	stream.indirect.scatter.add.f32 [tilespmem:s29], [sflag:$0x6], $0x10, s6, s23, $0xb8;
	[tilespmem:$0xB630] =	vst v63  }
0x97: {  	_ =	swait.ge [sflag:s18], $0x500  }
0x98: {  	[sflag:s18] =	ssyncset.done $0x0  }
0x99: {  	s6 =	sadd.s32 $0x280, s5;
	[sflag:s18] =	ssyncadd.s32 $0xFFFFFB00  }
0x9a: {  	[tilespmem:s29], [sflag:$0x4] =	stream.indirect.gather [spmem:s2], $0x10, s6, s23, $0xb8;
	[tilespmem:$0xB630] =	vst v63  }
0x9b: {  	_ =	swait.ge [sflag:s28], $0x500  }
0x9c: {  	[sflag:s28] =	ssyncset.done $0x0  }
.Ltmp1:
0x9d: {  	s6 =	sadd.s32 $0x2850, s5;
	[sflag:s28] =	ssyncadd.s32 $0xFFFFFB00;
	(pc) =	sbr.rel @p0 .LBB2_4-.Ltmp1, $4  }
0x9e: {  	[spmem:s3] =	stream.indirect.scatter.add.f32 [tilespmem:s31], [sflag:$0x6], $0x10, s6, s23, $0xb8;
	[tilespmem:$0xB630] =	vst v63  }
0x9f: {  	_ =	swait.ge [sflag:s18], $0x500  }
0xa0: {  	[sflag:s18] =	ssyncset.done $0x0  }
0xa1: {  	s5 =	sadd.s32 $0x2D0, s5;
	[sflag:s18] =	ssyncadd.s32 $0xFFFFFB00  }
0xa2: {  	[tilespmem:s31], [sflag:$0x5] =	stream.indirect.gather [spmem:s2], $0x10, s5, s23, $0xb8;
	[tilespmem:$0xB630] =	vst v63  }
0xa3: {  	_ =	swait.ge [sflag:s1], $0x500  }
0xa4: {  	[sflag:s1] =	ssyncset.done $0x0  }
0xa5: {  	s4 =	simm.s32 $0x4C90;
	[sflag:s1] =	ssyncadd.s32 $0xFFFFFB00  }
0xa6: {  	[spmem:s3] =	stream.indirect.scatter.add.f32 [tilespmem:s22], [sflag:$0x6], $0x10, s4, s23, $0xb8;
	[tilespmem:$0xB630] =	vst v63  }
0xa7: {  	_ =	swait.ge [sflag:s18], $0x500  }
0xa8: {  	[sflag:s18] =	ssyncset.done $0x0  }
0xa9: {  	[sflag:s18] =	ssyncadd.s32 $0xFFFFFB00  }
0xaa: {  	_ =	swait.ge [sflag:s0], $0x500  }
0xab: {  	[sflag:s0] =	ssyncset.done $0x0  }
0xac: {  	s6 =	simm.s32 $0x4CE0;
	[sflag:s0] =	ssyncadd.s32 $0xFFFFFB00  }
0xad: {  	[spmem:s3] =	stream.indirect.scatter.add.f32 [tilespmem:s24], [sflag:$0x6], $0x10, s6, s23, $0xb8;
	[tilespmem:$0xB630] =	vst v63  }
0xae: {  	_ =	swait.ge [sflag:s18], $0x500  }
0xaf: {  	[sflag:s18] =	ssyncset.done $0x0  }
0xb0: {  	[sflag:s18] =	ssyncadd.s32 $0xFFFFFB00  }
0xb1: {  	_ =	swait.ge [sflag:s19], $0x500  }
0xb2: {  	[sflag:s19] =	ssyncset.done $0x0  }
0xb3: {  	s5 =	simm.s32 $0x4D30;
	[sflag:s19] =	ssyncadd.s32 $0xFFFFFB00  }
0xb4: {  	[spmem:s3] =	stream.indirect.scatter.add.f32 [tilespmem:s26], [sflag:$0x6], $0x10, s5, s23, $0xb8;
	[tilespmem:$0xB630] =	vst v63  }
0xb5: {  	_ =	swait.ge [sflag:s18], $0x500  }
0xb6: {  	[sflag:s18] =	ssyncset.done $0x0  }
0xb7: {  	[sflag:s18] =	ssyncadd.s32 $0xFFFFFB00  }
0xb8: {  	_ =	swait.ge [sflag:s25], $0x500  }
0xb9: {  	[sflag:s25] =	ssyncset.done $0x0  }
0xba: {  	s6 =	simm.s32 $0x4D80;
	[sflag:s25] =	ssyncadd.s32 $0xFFFFFB00  }
0xbb: {  	[spmem:s3] =	stream.indirect.scatter.add.f32 [tilespmem:s29], [sflag:$0x6], $0x10, s6, s23, $0xb8;
	[tilespmem:$0xB630] =	vst v63  }
0xbc: {  	_ =	swait.ge [sflag:s18], $0x500  }
0xbd: {  	[sflag:s18] =	ssyncset.done $0x0  }
0xbe: {  	[sflag:s18] =	ssyncadd.s32 $0xFFFFFB00  }
0xbf: {  	_ =	swait.ge [sflag:s28], $0x500  }
0xc0: {  	[sflag:s28] =	ssyncset.done $0x0  }
0xc1: {  	s5 =	simm.s32 $0x4DD0;
	[sflag:s28] =	ssyncadd.s32 $0xFFFFFB00  }
0xc2: {  	[spmem:s3] =	stream.indirect.scatter.add.f32 [tilespmem:s31], [sflag:$0x6], $0x10, s5, s23, $0xb8;
	[tilespmem:$0xB630] =	vst v63  }
0xc3: {  	_ =	swait.ge [sflag:s18], $0x500  }
0xc4: {  	s30 =	sadd.s32 $0x1, s30;
	[sflag:s18] =	ssyncset.done $0x0  }
0xc5: {  	p0 =	sne.s32 s30, s17;
	[sflag:s18] =	ssyncadd.s32 $0xFFFFFB00  }
.Ltmp2:
0xc6: {  	s6 =	sshrl.u32 s8, $0x3;
	[bflag:$0x0] =	sbarrier.arrive $0xFFFF;
	(pc) =	sbr.rel @p0 .LBB2_1-.Ltmp2, $4  }
0xc7: {  	[hbm:s16], [sflag:s20] =	dma.local [spmem:s6], $0x500  }
0xc8: {  	_ =	swait.ge [sflag:s18], $0x500  }
0xc9: {  	[sflag:s18] =	ssyncset.done $0x0  }
0xca: {  	[sflag:s18] =	ssyncadd.s32 $0xFFFFFB00  }
0xcb: {  	_ =	sfence.sel $0x180000  }
0xcc: {  	[bflag:$0x0] =	sbarrier.arrive $0xFFFF  }
0xcd: {  	_ =	strace $0x90000050  }
0xce: {  	s0 =	stileid.u32;
	[bflag:$0x2] =	sbarrier.arrive $0xFFFF  }
0xcf: {  	p0 =	sne.s32 s0, $0x0;
	s0 =	rddreg [dreg:$0x4]  }
0xd0: {  	s0 =	sadd.s32 @!p0 $0x100000, s0  }
0xd1: {  	[sflag:s0] =	ssyncadd.tile.s32 @!p0 $0x1;
	_ =	shalt  }
.Lfunc_end2:
_tile_overlayer_lowered:
.L_overlay_start_2:
0xd2: {  	(tag) =	ssettag $0x2  }
0xd3: {  	s0 =	rddreg [dreg:$0x0];
	s2 =	stileid.u32  }
0xd4: {  	s1 =	rddreg [dreg:$0x1];
	p0 =	sne.s32 s2, $0x0  }
0xd5: {  	s3 =	rddreg [dreg:$0x2];
	[bflag:$0x3] =	sbarrier.arrive $0xFFFF;
	s2 =	simm.s32 @!p0 $0x1C06  }
0xd6: {  	[timem:s3], [sflag:s2] =	dma.local @!p0 [hbm:s0], s1  }
0xd7: {  	s0 =	simm.s32 @!p0 $0x6  }
0xd8: {  	_ =	swait.ge @!p0 [sflag:s0], s1  }
0xd9: {  	s1 =	ssub.s32 @!p0 $0x0, s1;
	[sflag:s0] =	ssyncset.done @!p0 $0x0  }
0xda: {  	[sflag:s0] =	ssyncadd.s32 @!p0 s1  }
0xdb: {  	[bflag:$0x3] =	sbarrier.arrive $0xFFFF  }
0xdc: {  	_ =	shalt  }

</sc_bundles>
